<compile_context>
chip_gen: v7x
topology: tpu7x:2x2x1
jax: 0.10.2.dev20260603
libtpu: 0.0.44.dev20260713+nightly
codegen_flags: <defaults>
</compile_context>

<pallas_src>
import functools

import jax
import jax.numpy as jnp
from jax import lax
from jax.experimental import pallas as pl
from jax.experimental.pallas import tpu as pltpu
from jax.experimental.pallas import tpu_sc as plsc

V = 100000
D = 64
CTX = 20
B = 1024

_info = plsc.get_sparse_core_info()
NC, NS, L = _info.num_cores, _info.num_subcores, _info.num_lanes
NW = NC * NS
PER_W = B // NW
ROWS_W = PER_W * CTX
D_PAD = 128
CHUNK = 128
NCHUNK = ROWS_W // CHUNK

_mesh = plsc.VectorSubcoreMesh(core_axis_name="c", subcore_axis_name="s")


@functools.partial(
    pl.kernel,
    out_type=jax.ShapeDtypeStruct((B, D_PAD), jnp.float32),
    mesh=_mesh,
    scratch_types=[
        pltpu.VMEM((NCHUNK, CHUNK), jnp.int32),
        pltpu.VMEM((ROWS_W, D_PAD), jnp.float32),
        pltpu.VMEM((PER_W, D_PAD), jnp.float32),
        pltpu.SemaphoreType.DMA,
    ],
    compiler_params=pltpu.CompilerParams(use_tc_tiling_on_sc=False),
)
def _sc_gather_mean(xt_hbm, table_hbm, ctx_hbm, idx_v, rows_v, acc_v, sem):
    wid = lax.axis_index("s") * NC + lax.axis_index("c")

    pltpu.sync_copy(xt_hbm.at[wid], idx_v)
    copies = []
    for j in range(NCHUNK):
        copies.append(
            pltpu.async_copy(
                table_hbm.at[idx_v.at[j]],
                rows_v.at[pl.ds(j * CHUNK, CHUNK)],
                sem,
            )
        )
    scale = jnp.full((L,), 1.0 / CTX, dtype=jnp.float32)

    def body(i, carry):
        base = i * CTX
        for c in range(D // L):
            v = rows_v[base, pl.ds(c * L, L)]
            for j in range(1, CTX):
                v = v + rows_v[base + j, pl.ds(c * L, L)]
            acc_v[i, pl.ds(c * L, L)] = v * scale
        return carry

    done = 0
    for j in range(NCHUNK):
        copies[j].wait()
        upto = (CHUNK * (j + 1)) // CTX
        lax.fori_loop(done, upto, body, 0)
        done = upto

    pltpu.sync_copy(acc_v, ctx_hbm.at[pl.ds(wid * PER_W, PER_W)])


NT_BLK = 16384
GRID_T = (V + NT_BLK - 1) // NT_BLK


def _tr_body(et_ref, out_ref):
    out_ref[:, :D] = et_ref[...].T


_transpose_pad = pl.pallas_call(
    _tr_body,
    grid=(GRID_T,),
    in_specs=[pl.BlockSpec((D, NT_BLK), lambda i: (0, i))],
    out_specs=pl.BlockSpec((NT_BLK, D_PAD), lambda i: (i, 0)),
    out_shape=jax.ShapeDtypeStruct((V, D_PAD), jnp.float32),
)


NV_BLK = 2048
GRID_V = (V + NV_BLK - 1) // NV_BLK


def _proj_body(ctx_ref, wt_ref, b_ref, out_ref):
    mm = lax.dot_general(
        wt_ref[...],
        ctx_ref[:, :D],
        (((0,), (1,)), ((), ())),
        preferred_element_type=jnp.float32,
    )
    ones = jnp.ones((1, B), dtype=jnp.float32)
    bias = lax.dot_general(
        b_ref[...],
        ones,
        (((0,), (0,)), ((), ())),
        preferred_element_type=jnp.float32,
    )
    out_ref[...] = mm + bias


_proj = pl.pallas_call(
    _proj_body,
    grid=(GRID_V,),
    in_specs=[
        pl.BlockSpec((B, D_PAD), lambda i: (0, 0)),
        pl.BlockSpec((D, NV_BLK), lambda i: (0, i)),
        pl.BlockSpec((1, NV_BLK), lambda i: (0, i)),
    ],
    out_specs=pl.BlockSpec((NV_BLK, B), lambda i: (i, 0)),
    out_shape=jax.ShapeDtypeStruct((V, B), jnp.float32),
)


@jax.jit
def kernel(x, emb_table, W, b):
    xt = x.T.reshape(NW, NCHUNK, CHUNK)
    emb_pad = _transpose_pad(emb_table.T)
    ctx = _sc_gather_mean(xt, emb_pad)
    out_t = _proj(ctx, W.T, b.reshape(1, V))
    return out_t.T

# --- scband reference (transcript-rebuilt; emitter-appended) ---
"""Pipeline reference for scband-cbow-81973745811816 (READ-ONLY COPY).

The authoritative reference and input builder live on the scoring server;
editing this copy changes nothing except your own understanding.
"""

import jax, jax.numpy as jnp
import numpy as np

NUM_EMBEDDINGS = 100000
EMBEDDING_DIM = 64
CTX_LEN = 20
BATCH = 1024


def setup_inputs(seed: int = 0) -> dict:
    key = jax.random.key(seed)
    k1, k2, k3, k4 = jax.random.split(key, 4)
    x = jax.random.randint(k1, (CTX_LEN, BATCH), 0, NUM_EMBEDDINGS, dtype=jnp.int64) if jax.config.jax_enable_x64 else jax.random.randint(k1, (CTX_LEN, BATCH), 0, NUM_EMBEDDINGS, dtype=jnp.int32)
    emb_table = jax.random.normal(k2, (NUM_EMBEDDINGS, EMBEDDING_DIM), dtype=jnp.float32)
    # nn.Linear(embedding_dim, num_embeddings): weight [out, in], bias [out]
    lim = 1.0 / np.sqrt(EMBEDDING_DIM)
    W = jax.random.uniform(k3, (NUM_EMBEDDINGS, EMBEDDING_DIM), minval=-lim, maxval=lim, dtype=jnp.float32)
    b = jax.random.uniform(k4, (NUM_EMBEDDINGS,), minval=-lim, maxval=lim, dtype=jnp.float32)
    return {"x": x, "emb_table": emb_table, "W": W, "b": b}


def reference(x, emb_table, W, b):
    # context_vectors = self.emb(x) -> [CTX_LEN, BATCH, EMBEDDING_DIM]
    context_vectors = jnp.take(emb_table, x, axis=0)
    # context_vector = context_vectors.mean(0) -> [BATCH, EMBEDDING_DIM]
    context_vector = jnp.mean(context_vectors, axis=0)
    # output = self.lin(context_vector) -> [BATCH, NUM_EMBEDDINGS]
    output = context_vector @ W.T + b
    return output

if __name__ == "__main__":
    import jax
    _d = setup_inputs()
    print(jax.jit(kernel)(*tuple(_d.values())))

</pallas_src>

<mosaic_0001>
#map = affine_map<(d0, d1) -> (0, 0, 0)>
#map1 = affine_map<(d0, d1) -> (0, 0)>
module attributes {stable_mosaic.version = 14 : i64} {
  func.func @_sc_gather_mean(%arg0: i32, %arg1: i32, %arg2: memref<32x5x128xi32, #tpu.memory_space<hbm>>, %arg3: memref<100000x128xf32, #tpu.memory_space<hbm>>, %arg4: memref<1024x128xf32, #tpu.memory_space<hbm>>, %arg5: memref<5x128xi32, #tpu.memory_space<vmem>>, %arg6: memref<640x128xf32, #tpu.memory_space<vmem>>, %arg7: memref<32x128xf32, #tpu.memory_space<vmem>>, %arg8: memref<!tpu.dma_semaphore, #tpu.memory_space<semaphore_mem>>) attributes {dimension_semantics = [#tpu.dimension_semantics<core_parallel>, #tpu.dimension_semantics<subcore_parallel>], iteration_bounds = array<i64: 2, 16>, scalar_prefetch = 0 : i64, scratch_operands = 4 : i64, tpu.core_type = #tpu.core_type<sc_vector_subcore>, window_params = [{transform_indices = #map}, {transform_indices = #map1}, {transform_indices = #map1}]} {
    %mul3A = arith.constant 2 : i32
    %mul3A_0 = arith.muli %arg1, %mul3A : i32
    %add3A = arith.addi %mul3A_0, %arg0 : i32
    "tpu.region"() ({
      %run_scoped3A = tpu.sem_alloc : memref<!tpu.dma_semaphore, #tpu.memory_space<semaphore_mem>>
      %dma_start3A_131 = arith.constant 0 : i32
      %dma_start3A_132 = arith.constant 0 : i32
      %dma_start3A_133 = tpu.memref_slice %arg2[%add3A, %dma_start3A_131, %dma_start3A_132] : memref<32x5x128xi32, #tpu.memory_space<hbm>> -> memref<1x5x128xi32, #tpu.memory_space<hbm>>
      %dma_start3A_134 = tpu.memref_squeeze %dma_start3A_133 : memref<1x5x128xi32, #tpu.memory_space<hbm>> -> memref<5x128xi32, #tpu.memory_space<hbm>>
      %dma_start3A_135 = arith.constant 0 : i32
      %dma_start3A_136 = arith.constant 0 : i32
      %dma_start3A_137 = tpu.memref_slice %arg2[%add3A, %dma_start3A_135, %dma_start3A_136] : memref<32x5x128xi32, #tpu.memory_space<hbm>> -> memref<1x5x128xi32, #tpu.memory_space<hbm>>
      %dma_start3A_138 = tpu.memref_squeeze %dma_start3A_137 : memref<1x5x128xi32, #tpu.memory_space<hbm>> -> memref<5x128xi32, #tpu.memory_space<hbm>>
      tpu.enqueue_dma source(%dma_start3A_138 : memref<5x128xi32, #tpu.memory_space<hbm>>) target(%arg5 : memref<5x128xi32, #tpu.memory_space<vmem>>) target_semaphore(%run_scoped3A : memref<!tpu.dma_semaphore, #tpu.memory_space<semaphore_mem>>)
      %dma_wait3A_139 = arith.constant 0 : i32
      %dma_wait3A_140 = arith.constant 0 : i32
      %dma_wait3A_141 = tpu.memref_slice %arg2[%add3A, %dma_wait3A_139, %dma_wait3A_140] : memref<32x5x128xi32, #tpu.memory_space<hbm>> -> memref<1x5x128xi32, #tpu.memory_space<hbm>>
      %dma_wait3A_142 = tpu.memref_squeeze %dma_wait3A_141 : memref<1x5x128xi32, #tpu.memory_space<hbm>> -> memref<5x128xi32, #tpu.memory_space<hbm>>
      %dma_wait3A_143 = arith.constant 0 : i32
      %dma_wait3A_144 = arith.constant 0 : i32
      %dma_wait3A_145 = tpu.memref_slice %arg2[%add3A, %dma_wait3A_143, %dma_wait3A_144] : memref<32x5x128xi32, #tpu.memory_space<hbm>> -> memref<1x5x128xi32, #tpu.memory_space<hbm>>
      %dma_wait3A_146 = tpu.memref_squeeze %dma_wait3A_145 : memref<1x5x128xi32, #tpu.memory_space<hbm>> -> memref<5x128xi32, #tpu.memory_space<hbm>>
      tpu.wait_dma2 semaphore(%run_scoped3A : memref<!tpu.dma_semaphore, #tpu.memory_space<semaphore_mem>>) src(%dma_wait3A_146 : memref<5x128xi32, #tpu.memory_space<hbm>>) dst(%arg5 : memref<5x128xi32, #tpu.memory_space<vmem>>)
      tpu.yield
    }) : () -> ()
    %dma_start3A = arith.constant 0 : i32
    %dma_start3A_1 = arith.constant 0 : i32
    %dma_start3A_2 = arith.constant 0 : i32
    %dma_start3A_3 = tpu.memref_slice %arg6[%dma_start3A_1, %dma_start3A_2] : memref<640x128xf32, #tpu.memory_space<vmem>> -> memref<128x128xf32, #tpu.memory_space<vmem>>
    %dma_start3A_4 = arith.constant 0 : i32
    %dma_start3A_5 = tpu.memref_slice %arg5[%dma_start3A, %dma_start3A_4] : memref<5x128xi32, #tpu.memory_space<vmem>> -> memref<1x128xi32, #tpu.memory_space<vmem>>
    %dma_start3A_6 = tpu.memref_squeeze %dma_start3A_5 : memref<1x128xi32, #tpu.memory_space<vmem>> -> memref<128xi32, #tpu.memory_space<vmem>>
    %dma_start3A_7 = arith.constant 0 : i32
    %dma_start3A_8 = arith.constant 0 : i32
    %dma_start3A_9 = tpu.memref_slice %arg3[%dma_start3A_7, %dma_start3A_8] : memref<100000x128xf32, #tpu.memory_space<hbm>> -> memref<100000x128xf32, #tpu.memory_space<hbm>>
    tpu.enqueue_indirect_dma source(%dma_start3A_9 : memref<100000x128xf32, #tpu.memory_space<hbm>>) target(%dma_start3A_3 : memref<128x128xf32, #tpu.memory_space<vmem>>) offsets(%dma_start3A_6 : memref<128xi32, #tpu.memory_space<vmem>>) semaphore(%arg8 : memref<!tpu.dma_semaphore, #tpu.memory_space<semaphore_mem>>)
    %dma_start3A_10 = arith.constant 1 : i32
    %dma_start3A_11 = arith.constant 128 : i32
    %dma_start3A_12 = arith.constant 0 : i32
    %dma_start3A_13 = tpu.memref_slice %arg6[%dma_start3A_11, %dma_start3A_12] : memref<640x128xf32, #tpu.memory_space<vmem>> -> memref<128x128xf32, #tpu.memory_space<vmem>>
    %dma_start3A_14 = arith.constant 0 : i32
    %dma_start3A_15 = tpu.memref_slice %arg5[%dma_start3A_10, %dma_start3A_14] : memref<5x128xi32, #tpu.memory_space<vmem>> -> memref<1x128xi32, #tpu.memory_space<vmem>>
    %dma_start3A_16 = tpu.memref_squeeze %dma_start3A_15 : memref<1x128xi32, #tpu.memory_space<vmem>> -> memref<128xi32, #tpu.memory_space<vmem>>
    %dma_start3A_17 = arith.constant 0 : i32
    %dma_start3A_18 = arith.constant 0 : i32
    %dma_start3A_19 = tpu.memref_slice %arg3[%dma_start3A_17, %dma_start3A_18] : memref<100000x128xf32, #tpu.memory_space<hbm>> -> memref<100000x128xf32, #tpu.memory_space<hbm>>
    tpu.enqueue_indirect_dma source(%dma_start3A_19 : memref<100000x128xf32, #tpu.memory_space<hbm>>) target(%dma_start3A_13 : memref<128x128xf32, #tpu.memory_space<vmem>>) offsets(%dma_start3A_16 : memref<128xi32, #tpu.memory_space<vmem>>) semaphore(%arg8 : memref<!tpu.dma_semaphore, #tpu.memory_space<semaphore_mem>>)
    %dma_start3A_20 = arith.constant 2 : i32
    %dma_start3A_21 = arith.constant 256 : i32
    %dma_start3A_22 = arith.constant 0 : i32
    %dma_start3A_23 = tpu.memref_slice %arg6[%dma_start3A_21, %dma_start3A_22] : memref<640x128xf32, #tpu.memory_space<vmem>> -> memref<128x128xf32, #tpu.memory_space<vmem>>
    %dma_start3A_24 = arith.constant 0 : i32
    %dma_start3A_25 = tpu.memref_slice %arg5[%dma_start3A_20, %dma_start3A_24] : memref<5x128xi32, #tpu.memory_space<vmem>> -> memref<1x128xi32, #tpu.memory_space<vmem>>
    %dma_start3A_26 = tpu.memref_squeeze %dma_start3A_25 : memref<1x128xi32, #tpu.memory_space<vmem>> -> memref<128xi32, #tpu.memory_space<vmem>>
    %dma_start3A_27 = arith.constant 0 : i32
    %dma_start3A_28 = arith.constant 0 : i32
    %dma_start3A_29 = tpu.memref_slice %arg3[%dma_start3A_27, %dma_start3A_28] : memref<100000x128xf32, #tpu.memory_space<hbm>> -> memref<100000x128xf32, #tpu.memory_space<hbm>>
    tpu.enqueue_indirect_dma source(%dma_start3A_29 : memref<100000x128xf32, #tpu.memory_space<hbm>>) target(%dma_start3A_23 : memref<128x128xf32, #tpu.memory_space<vmem>>) offsets(%dma_start3A_26 : memref<128xi32, #tpu.memory_space<vmem>>) semaphore(%arg8 : memref<!tpu.dma_semaphore, #tpu.memory_space<semaphore_mem>>)
    %dma_start3A_30 = arith.constant 3 : i32
    %dma_start3A_31 = arith.constant 384 : i32
    %dma_start3A_32 = arith.constant 0 : i32
    %dma_start3A_33 = tpu.memref_slice %arg6[%dma_start3A_31, %dma_start3A_32] : memref<640x128xf32, #tpu.memory_space<vmem>> -> memref<128x128xf32, #tpu.memory_space<vmem>>
    %dma_start3A_34 = arith.constant 0 : i32
    %dma_start3A_35 = tpu.memref_slice %arg5[%dma_start3A_30, %dma_start3A_34] : memref<5x128xi32, #tpu.memory_space<vmem>> -> memref<1x128xi32, #tpu.memory_space<vmem>>
    %dma_start3A_36 = tpu.memref_squeeze %dma_start3A_35 : memref<1x128xi32, #tpu.memory_space<vmem>> -> memref<128xi32, #tpu.memory_space<vmem>>
    %dma_start3A_37 = arith.constant 0 : i32
    %dma_start3A_38 = arith.constant 0 : i32
    %dma_start3A_39 = tpu.memref_slice %arg3[%dma_start3A_37, %dma_start3A_38] : memref<100000x128xf32, #tpu.memory_space<hbm>> -> memref<100000x128xf32, #tpu.memory_space<hbm>>
    tpu.enqueue_indirect_dma source(%dma_start3A_39 : memref<100000x128xf32, #tpu.memory_space<hbm>>) target(%dma_start3A_33 : memref<128x128xf32, #tpu.memory_space<vmem>>) offsets(%dma_start3A_36 : memref<128xi32, #tpu.memory_space<vmem>>) semaphore(%arg8 : memref<!tpu.dma_semaphore, #tpu.memory_space<semaphore_mem>>)
    %dma_start3A_40 = arith.constant 4 : i32
    %dma_start3A_41 = arith.constant 512 : i32
    %dma_start3A_42 = arith.constant 0 : i32
    %dma_start3A_43 = tpu.memref_slice %arg6[%dma_start3A_41, %dma_start3A_42] : memref<640x128xf32, #tpu.memory_space<vmem>> -> memref<128x128xf32, #tpu.memory_space<vmem>>
    %dma_start3A_44 = arith.constant 0 : i32
    %dma_start3A_45 = tpu.memref_slice %arg5[%dma_start3A_40, %dma_start3A_44] : memref<5x128xi32, #tpu.memory_space<vmem>> -> memref<1x128xi32, #tpu.memory_space<vmem>>
    %dma_start3A_46 = tpu.memref_squeeze %dma_start3A_45 : memref<1x128xi32, #tpu.memory_space<vmem>> -> memref<128xi32, #tpu.memory_space<vmem>>
    %dma_start3A_47 = arith.constant 0 : i32
    %dma_start3A_48 = arith.constant 0 : i32
    %dma_start3A_49 = tpu.memref_slice %arg3[%dma_start3A_47, %dma_start3A_48] : memref<100000x128xf32, #tpu.memory_space<hbm>> -> memref<100000x128xf32, #tpu.memory_space<hbm>>
    tpu.enqueue_indirect_dma source(%dma_start3A_49 : memref<100000x128xf32, #tpu.memory_space<hbm>>) target(%dma_start3A_43 : memref<128x128xf32, #tpu.memory_space<vmem>>) offsets(%dma_start3A_46 : memref<128xi32, #tpu.memory_space<vmem>>) semaphore(%arg8 : memref<!tpu.dma_semaphore, #tpu.memory_space<semaphore_mem>>)
    %broadcast_in_dim3A = arith.constant 5.000000e-02 : f32
    %broadcast_in_dim3A_50 = vector.broadcast %broadcast_in_dim3A : f32 to vector<16xf32>
    %dma_wait3A = arith.constant 0 : i32
    %dma_wait3A_51 = arith.constant 0 : i32
    %dma_wait3A_52 = arith.constant 0 : i32
    %dma_wait3A_53 = tpu.memref_slice %arg6[%dma_wait3A_51, %dma_wait3A_52] : memref<640x128xf32, #tpu.memory_space<vmem>> -> memref<128x128xf32, #tpu.memory_space<vmem>>
    %dma_wait3A_54 = arith.constant 0 : i32
    %dma_wait3A_55 = tpu.memref_slice %arg5[%dma_wait3A, %dma_wait3A_54] : memref<5x128xi32, #tpu.memory_space<vmem>> -> memref<1x128xi32, #tpu.memory_space<vmem>>
    %dma_wait3A_56 = tpu.memref_squeeze %dma_wait3A_55 : memref<1x128xi32, #tpu.memory_space<vmem>> -> memref<128xi32, #tpu.memory_space<vmem>>
    %dma_wait3A_57 = arith.constant 0 : i32
    %dma_wait3A_58 = arith.constant 0 : i32
    %dma_wait3A_59 = tpu.memref_slice %arg3[%dma_wait3A_57, %dma_wait3A_58] : memref<100000x128xf32, #tpu.memory_space<hbm>> -> memref<100000x128xf32, #tpu.memory_space<hbm>>
    tpu.wait_indirect_dma semaphore(%arg8 : memref<!tpu.dma_semaphore, #tpu.memory_space<semaphore_mem>>) src(%dma_wait3A_59 : memref<100000x128xf32, #tpu.memory_space<hbm>>) dst(%dma_wait3A_53 : memref<128x128xf32, #tpu.memory_space<vmem>>)
    %scan3A = arith.constant 0 : i32
    %scan3A_60 = arith.constant 0 : i32
    %scan3A_61 = arith.constant 6 : i32
    %scan3A_62 = arith.addi %scan3A_60, %scan3A_61 : i32
    %scan3A_63 = arith.constant 1 : i32
    scf.for %scan3A_131 = %scan3A_60 to %scan3A_62 step %scan3A_63  : i32 {
      %mul3A_132 = arith.constant 20 : i32
      %mul3A_133 = arith.muli %scan3A_131, %mul3A_132 : i32
      %get3A = arith.index_cast %mul3A_133 : i32 to index
      %get3A_134 = arith.constant 0 : index
      %get3A_135 = tpu.vector_load %arg6[%get3A, %get3A_134] {strides = array<i32>} : memref<640x128xf32, #tpu.memory_space<vmem>>, vector<1x16xf32>,
      %get3A_136 = vector.shape_cast %get3A_135 : vector<1x16xf32> to vector<16xf32>
      %add3A_137 = arith.constant 1 : i32
      %add3A_138 = arith.addi %mul3A_133, %add3A_137 : i32
      %get3A_139 = arith.index_cast %add3A_138 : i32 to index
      %get3A_140 = arith.constant 0 : index
      %get3A_141 = tpu.vector_load %arg6[%get3A_139, %get3A_140] {strides = array<i32>} : memref<640x128xf32, #tpu.memory_space<vmem>>, vector<1x16xf32>,
      %get3A_142 = vector.shape_cast %get3A_141 : vector<1x16xf32> to vector<16xf32>
      %add3A_143 = arith.addf %get3A_136, %get3A_142 : vector<16xf32>
      %add3A_144 = arith.constant 2 : i32
      %add3A_145 = arith.addi %mul3A_133, %add3A_144 : i32
      %get3A_146 = arith.index_cast %add3A_145 : i32 to index
      %get3A_147 = arith.constant 0 : index
      %get3A_148 = tpu.vector_load %arg6[%get3A_146, %get3A_147] {strides = array<i32>} : memref<640x128xf32, #tpu.memory_space<vmem>>, vector<1x16xf32>,
      %get3A_149 = vector.shape_cast %get3A_148 : vector<1x16xf32> to vector<16xf32>
      %add3A_150 = arith.addf %add3A_143, %get3A_149 : vector<16xf32>
      %add3A_151 = arith.constant 3 : i32
      %add3A_152 = arith.addi %mul3A_133, %add3A_151 : i32
      %get3A_153 = arith.index_cast %add3A_152 : i32 to index
      %get3A_154 = arith.constant 0 : index
      %get3A_155 = tpu.vector_load %arg6[%get3A_153, %get3A_154] {strides = array<i32>} : memref<640x128xf32, #tpu.memory_space<vmem>>, vector<1x16xf32>,
      %get3A_156 = vector.shape_cast %get3A_155 : vector<1x16xf32> to vector<16xf32>
      %add3A_157 = arith.addf %add3A_150, %get3A_156 : vector<16xf32>
      %add3A_158 = arith.constant 4 : i32
      %add3A_159 = arith.addi %mul3A_133, %add3A_158 : i32
      %get3A_160 = arith.index_cast %add3A_159 : i32 to index
      %get3A_161 = arith.constant 0 : index
      %get3A_162 = tpu.vector_load %arg6[%get3A_160, %get3A_161] {strides = array<i32>} : memref<640x128xf32, #tpu.memory_space<vmem>>, vector<1x16xf32>,
      %get3A_163 = vector.shape_cast %get3A_162 : vector<1x16xf32> to vector<16xf32>
      %add3A_164 = arith.addf %add3A_157, %get3A_163 : vector<16xf32>
      %add3A_165 = arith.constant 5 : i32
      %add3A_166 = arith.addi %mul3A_133, %add3A_165 : i32
      %get3A_167 = arith.index_cast %add3A_166 : i32 to index
      %get3A_168 = arith.constant 0 : index
      %get3A_169 = tpu.vector_load %arg6[%get3A_167, %get3A_168] {strides = array<i32>} : memref<640x128xf32, #tpu.memory_space<vmem>>, vector<1x16xf32>,
      %get3A_170 = vector.shape_cast %get3A_169 : vector<1x16xf32> to vector<16xf32>
      %add3A_171 = arith.addf %add3A_164, %get3A_170 : vector<16xf32>
      %add3A_172 = arith.constant 6 : i32
      %add3A_173 = arith.addi %mul3A_133, %add3A_172 : i32
      %get3A_174 = arith.index_cast %add3A_173 : i32 to index
      %get3A_175 = arith.constant 0 : index
      %get3A_176 = tpu.vector_load %arg6[%get3A_174, %get3A_175] {strides = array<i32>} : memref<640x128xf32, #tpu.memory_space<vmem>>, vector<1x16xf32>,
      %get3A_177 = vector.shape_cast %get3A_176 : vector<1x16xf32> to vector<16xf32>
      %add3A_178 = arith.addf %add3A_171, %get3A_177 : vector<16xf32>
      %add3A_179 = arith.constant 7 : i32
      %add3A_180 = arith.addi %mul3A_133, %add3A_179 : i32
      %get3A_181 = arith.index_cast %add3A_180 : i32 to index
      %get3A_182 = arith.constant 0 : index
      %get3A_183 = tpu.vector_load %arg6[%get3A_181, %get3A_182] {strides = array<i32>} : memref<640x128xf32, #tpu.memory_space<vmem>>, vector<1x16xf32>,
      %get3A_184 = vector.shape_cast %get3A_183 : vector<1x16xf32> to vector<16xf32>
      %add3A_185 = arith.addf %add3A_178, %get3A_184 : vector<16xf32>
      %add3A_186 = arith.constant 8 : i32
      %add3A_187 = arith.addi %mul3A_133, %add3A_186 : i32
      %get3A_188 = arith.index_cast %add3A_187 : i32 to index
      %get3A_189 = arith.constant 0 : index
      %get3A_190 = tpu.vector_load %arg6[%get3A_188, %get3A_189] {strides = array<i32>} : memref<640x128xf32, #tpu.memory_space<vmem>>, vector<1x16xf32>,
      %get3A_191 = vector.shape_cast %get3A_190 : vector<1x16xf32> to vector<16xf32>
      %add3A_192 = arith.addf %add3A_185, %get3A_191 : vector<16xf32>
      %add3A_193 = arith.constant 9 : i32
      %add3A_194 = arith.addi %mul3A_133, %add3A_193 : i32
      %get3A_195 = arith.index_cast %add3A_194 : i32 to index
      %get3A_196 = arith.constant 0 : index
      %get3A_197 = tpu.vector_load %arg6[%get3A_195, %get3A_196] {strides = array<i32>} : memref<640x128xf32, #tpu.memory_space<vmem>>, vector<1x16xf32>,
      %get3A_198 = vector.shape_cast %get3A_197 : vector<1x16xf32> to vector<16xf32>
      %add3A_199 = arith.addf %add3A_192, %get3A_198 : vector<16xf32>
      %add3A_200 = arith.constant 10 : i32
      %add3A_201 = arith.addi %mul3A_133, %add3A_200 : i32
      %get3A_202 = arith.index_cast %add3A_201 : i32 to index
      %get3A_203 = arith.constant 0 : index
      %get3A_204 = tpu.vector_load %arg6[%get3A_202, %get3A_203] {strides = array<i32>} : memref<640x128xf32, #tpu.memory_space<vmem>>, vector<1x16xf32>,
      %get3A_205 = vector.shape_cast %get3A_204 : vector<1x16xf32> to vector<16xf32>
      %add3A_206 = arith.addf %add3A_199, %get3A_205 : vector<16xf32>
      %add3A_207 = arith.constant 11 : i32
      %add3A_208 = arith.addi %mul3A_133, %add3A_207 : i32
      %get3A_209 = arith.index_cast %add3A_208 : i32 to index
      %get3A_210 = arith.constant 0 : index
      %get3A_211 = tpu.vector_load %arg6[%get3A_209, %get3A_210] {strides = array<i32>} : memref<640x128xf32, #tpu.memory_space<vmem>>, vector<1x16xf32>,
      %get3A_212 = vector.shape_cast %get3A_211 : vector<1x16xf32> to vector<16xf32>
      %add3A_213 = arith.addf %add3A_206, %get3A_212 : vector<16xf32>
      %add3A_214 = arith.constant 12 : i32
      %add3A_215 = arith.addi %mul3A_133, %add3A_214 : i32
      %get3A_216 = arith.index_cast %add3A_215 : i32 to index
      %get3A_217 = arith.constant 0 : index
      %get3A_218 = tpu.vector_load %arg6[%get3A_216, %get3A_217] {strides = array<i32>} : memref<640x128xf32, #tpu.memory_space<vmem>>, vector<1x16xf32>,
      %get3A_219 = vector.shape_cast %get3A_218 : vector<1x16xf32> to vector<16xf32>
      %add3A_220 = arith.addf %add3A_213, %get3A_219 : vector<16xf32>
      %add3A_221 = arith.constant 13 : i32
      %add3A_222 = arith.addi %mul3A_133, %add3A_221 : i32
      %get3A_223 = arith.index_cast %add3A_222 : i32 to index
      %get3A_224 = arith.constant 0 : index
      %get3A_225 = tpu.vector_load %arg6[%get3A_223, %get3A_224] {strides = array<i32>} : memref<640x128xf32, #tpu.memory_space<vmem>>, vector<1x16xf32>,
      %get3A_226 = vector.shape_cast %get3A_225 : vector<1x16xf32> to vector<16xf32>
      %add3A_227 = arith.addf %add3A_220, %get3A_226 : vector<16xf32>
      %add3A_228 = arith.constant 14 : i32
      %add3A_229 = arith.addi %mul3A_133, %add3A_228 : i32
      %get3A_230 = arith.index_cast %add3A_229 : i32 to index
      %get3A_231 = arith.constant 0 : index
      %get3A_232 = tpu.vector_load %arg6[%get3A_230, %get3A_231] {strides = array<i32>} : memref<640x128xf32, #tpu.memory_space<vmem>>, vector<1x16xf32>,
      %get3A_233 = vector.shape_cast %get3A_232 : vector<1x16xf32> to vector<16xf32>
      %add3A_234 = arith.addf %add3A_227, %get3A_233 : vector<16xf32>
      %add3A_235 = arith.constant 15 : i32
      %add3A_236 = arith.addi %mul3A_133, %add3A_235 : i32
      %get3A_237 = arith.index_cast %add3A_236 : i32 to index
      %get3A_238 = arith.constant 0 : index
      %get3A_239 = tpu.vector_load %arg6[%get3A_237, %get3A_238] {strides = array<i32>} : memref<640x128xf32, #tpu.memory_space<vmem>>, vector<1x16xf32>,
      %get3A_240 = vector.shape_cast %get3A_239 : vector<1x16xf32> to vector<16xf32>
      %add3A_241 = arith.addf %add3A_234, %get3A_240 : vector<16xf32>
      %add3A_242 = arith.constant 16 : i32
      %add3A_243 = arith.addi %mul3A_133, %add3A_242 : i32
      %get3A_244 = arith.index_cast %add3A_243 : i32 to index
      %get3A_245 = arith.constant 0 : index
      %get3A_246 = tpu.vector_load %arg6[%get3A_244, %get3A_245] {strides = array<i32>} : memref<640x128xf32, #tpu.memory_space<vmem>>, vector<1x16xf32>,
      %get3A_247 = vector.shape_cast %get3A_246 : vector<1x16xf32> to vector<16xf32>
      %add3A_248 = arith.addf %add3A_241, %get3A_247 : vector<16xf32>
      %add3A_249 = arith.constant 17 : i32
      %add3A_250 = arith.addi %mul3A_133, %add3A_249 : i32
      %get3A_251 = arith.index_cast %add3A_250 : i32 to index
      %get3A_252 = arith.constant 0 : index
      %get3A_253 = tpu.vector_load %arg6[%get3A_251, %get3A_252] {strides = array<i32>} : memref<640x128xf32, #tpu.memory_space<vmem>>, vector<1x16xf32>,
      %get3A_254 = vector.shape_cast %get3A_253 : vector<1x16xf32> to vector<16xf32>
      %add3A_255 = arith.addf %add3A_248, %get3A_254 : vector<16xf32>
      %add3A_256 = arith.constant 18 : i32
      %add3A_257 = arith.addi %mul3A_133, %add3A_256 : i32
      %get3A_258 = arith.index_cast %add3A_257 : i32 to index
      %get3A_259 = arith.constant 0 : index
      %get3A_260 = tpu.vector_load %arg6[%get3A_258, %get3A_259] {strides = array<i32>} : memref<640x128xf32, #tpu.memory_space<vmem>>, vector<1x16xf32>,
      %get3A_261 = vector.shape_cast %get3A_260 : vector<1x16xf32> to vector<16xf32>
      %add3A_262 = arith.addf %add3A_255, %get3A_261 : vector<16xf32>
      %add3A_263 = arith.constant 19 : i32
      %add3A_264 = arith.addi %mul3A_133, %add3A_263 : i32
      %get3A_265 = arith.index_cast %add3A_264 : i32 to index
      %get3A_266 = arith.constant 0 : index
      %get3A_267 = tpu.vector_load %arg6[%get3A_265, %get3A_266] {strides = array<i32>} : memref<640x128xf32, #tpu.memory_space<vmem>>, vector<1x16xf32>,
      %get3A_268 = vector.shape_cast %get3A_267 : vector<1x16xf32> to vector<16xf32>
      %add3A_269 = arith.addf %add3A_262, %get3A_268 : vector<16xf32>
      %mul3A_270 = arith.mulf %add3A_269, %broadcast_in_dim3A_50 : vector<16xf32>
      %swap3A = arith.index_cast %scan3A_131 : i32 to index
      %swap3A_271 = arith.constant 0 : index
      %swap3A_272 = tpu.vector_load %arg7[%swap3A, %swap3A_271] {strides = array<i32>} : memref<32x128xf32, #tpu.memory_space<vmem>>, vector<1x16xf32>,
      %swap3A_273 = vector.shape_cast %swap3A_272 : vector<1x16xf32> to vector<16xf32>
      %swap3A_274 = vector.shape_cast %mul3A_270 : vector<16xf32> to vector<1x16xf32>
      tpu.vector_store %arg7[%swap3A, %swap3A_271], %swap3A_274 {strides = array<i32>} : memref<32x128xf32, #tpu.memory_space<vmem>>, vector<1x16xf32>,
      %get3A_275 = arith.index_cast %mul3A_133 : i32 to index
      %get3A_276 = arith.constant 16 : index
      %get3A_277 = tpu.vector_load %arg6[%get3A_275, %get3A_276] {strides = array<i32>} : memref<640x128xf32, #tpu.memory_space<vmem>>, vector<1x16xf32>,
      %get3A_278 = vector.shape_cast %get3A_277 : vector<1x16xf32> to vector<16xf32>
      %add3A_279 = arith.constant 1 : i32
      %add3A_280 = arith.addi %mul3A_133, %add3A_279 : i32
      %get3A_281 = arith.index_cast %add3A_280 : i32 to index
      %get3A_282 = arith.constant 16 : index
      %get3A_283 = tpu.vector_load %arg6[%get3A_281, %get3A_282] {strides = array<i32>} : memref<640x128xf32, #tpu.memory_space<vmem>>, vector<1x16xf32>,
      %get3A_284 = vector.shape_cast %get3A_283 : vector<1x16xf32> to vector<16xf32>
      %add3A_285 = arith.addf %get3A_278, %get3A_284 : vector<16xf32>
      %add3A_286 = arith.constant 2 : i32
      %add3A_287 = arith.addi %mul3A_133, %add3A_286 : i32
      %get3A_288 = arith.index_cast %add3A_287 : i32 to index
      %get3A_289 = arith.constant 16 : index
      %get3A_290 = tpu.vector_load %arg6[%get3A_288, %get3A_289] {strides = array<i32>} : memref<640x128xf32, #tpu.memory_space<vmem>>, vector<1x16xf32>,
      %get3A_291 = vector.shape_cast %get3A_290 : vector<1x16xf32> to vector<16xf32>
      %add3A_292 = arith.addf %add3A_285, %get3A_291 : vector<16xf32>
      %add3A_293 = arith.constant 3 : i32
      %add3A_294 = arith.addi %mul3A_133, %add3A_293 : i32
      %get3A_295 = arith.index_cast %add3A_294 : i32 to index
      %get3A_296 = arith.constant 16 : index
      %get3A_297 = tpu.vector_load %arg6[%get3A_295, %get3A_296] {strides = array<i32>} : memref<640x128xf32, #tpu.memory_space<vmem>>, vector<1x16xf32>,
      %get3A_298 = vector.shape_cast %get3A_297 : vector<1x16xf32> to vector<16xf32>
      %add3A_299 = arith.addf %add3A_292, %get3A_298 : vector<16xf32>
      %add3A_300 = arith.constant 4 : i32
      %add3A_301 = arith.addi %mul3A_133, %add3A_300 : i32
      %get3A_302 = arith.index_cast %add3A_301 : i32 to index
      %get3A_303 = arith.constant 16 : index
      %get3A_304 = tpu.vector_load %arg6[%get3A_302, %get3A_303] {strides = array<i32>} : memref<640x128xf32, #tpu.memory_space<vmem>>, vector<1x16xf32>,
      %get3A_305 = vector.shape_cast %get3A_304 : vector<1x16xf32> to vector<16xf32>
      %add3A_306 = arith.addf %add3A_299, %get3A_305 : vector<16xf32>
      %add3A_307 = arith.constant 5 : i32
      %add3A_308 = arith.addi %mul3A_133, %add3A_307 : i32
      %get3A_309 = arith.index_cast %add3A_308 : i32 to index
      %get3A_310 = arith.constant 16 : index
      %get3A_311 = tpu.vector_load %arg6[%get3A_309, %get3A_310] {strides = array<i32>} : memref<640x128xf32, #tpu.memory_space<vmem>>, vector<1x16xf32>,
      %get3A_312 = vector.shape_cast %get3A_311 : vector<1x16xf32> to vector<16xf32>
      %add3A_313 = arith.addf %add3A_306, %get3A_312 : vector<16xf32>
      %add3A_314 = arith.constant 6 : i32
      %add3A_315 = arith.addi %mul3A_133, %add3A_314 : i32
      %get3A_316 = arith.index_cast %add3A_315 : i32 to index
      %get3A_317 = arith.constant 16 : index
      %get3A_318 = tpu.vector_load %arg6[%get3A_316, %get3A_317] {strides = array<i32>} : memref<640x128xf32, #tpu.memory_space<vmem>>, vector<1x16xf32>,
      %get3A_319 = vector.shape_cast %get3A_318 : vector<1x16xf32> to vector<16xf32>
      %add3A_320 = arith.addf %add3A_313, %get3A_319 : vector<16xf32>
      %add3A_321 = arith.constant 7 : i32
      %add3A_322 = arith.addi %mul3A_133, %add3A_321 : i32
      %get3A_323 = arith.index_cast %add3A_322 : i32 to index
      %get3A_324 = arith.constant 16 : index
      %get3A_325 = tpu.vector_load %arg6[%get3A_323, %get3A_324] {strides = array<i32>} : memref<640x128xf32, #tpu.memory_space<vmem>>, vector<1x16xf32>,
      %get3A_326 = vector.shape_cast %get3A_325 : vector<1x16xf32> to vector<16xf32>
      %add3A_327 = arith.addf %add3A_320, %get3A_326 : vector<16xf32>
      %add3A_328 = arith.constant 8 : i32
      %add3A_329 = arith.addi %mul3A_133, %add3A_328 : i32
      %get3A_330 = arith.index_cast %add3A_329 : i32 to index
      %get3A_331 = arith.constant 16 : index
      %get3A_332 = tpu.vector_load %arg6[%get3A_330, %get3A_331] {strides = array<i32>} : memref<640x128xf32, #tpu.memory_space<vmem>>, vector<1x16xf32>,
      %get3A_333 = vector.shape_cast %get3A_332 : vector<1x16xf32> to vector<16xf32>
      %add3A_334 = arith.addf %add3A_327, %get3A_333 : vector<16xf32>
      %add3A_335 = arith.constant 9 : i32
      %add3A_336 = arith.addi %mul3A_133, %add3A_335 : i32
      %get3A_337 = arith.index_cast %add3A_336 : i32 to index
      %get3A_338 = arith.constant 16 : index
      %get3A_339 = tpu.vector_load %arg6[%get3A_337, %get3A_338] {strides = array<i32>} : memref<640x128xf32, #tpu.memory_space<vmem>>, vector<1x16xf32>,
      %get3A_340 = vector.shape_cast %get3A_339 : vector<1x16xf32> to vector<16xf32>
      %add3A_341 = arith.addf %add3A_334, %get3A_340 : vector<16xf32>
      %add3A_342 = arith.constant 10 : i32
      %add3A_343 = arith.addi %mul3A_133, %add3A_342 : i32
      %get3A_344 = arith.index_cast %add3A_343 : i32 to index
      %get3A_345 = arith.constant 16 : index
      %get3A_346 = tpu.vector_load %arg6[%get3A_344, %get3A_345] {strides = array<i32>} : memref<640x128xf32, #tpu.memory_space<vmem>>, vector<1x16xf32>,
      %get3A_347 = vector.shape_cast %get3A_346 : vector<1x16xf32> to vector<16xf32>
      %add3A_348 = arith.addf %add3A_341, %get3A_347 : vector<16xf32>
      %add3A_349 = arith.constant 11 : i32
      %add3A_350 = arith.addi %mul3A_133, %add3A_349 : i32
      %get3A_351 = arith.index_cast %add3A_350 : i32 to index
      %get3A_352 = arith.constant 16 : index
      %get3A_353 = tpu.vector_load %arg6[%get3A_351, %get3A_352] {strides = array<i32>} : memref<640x128xf32, #tpu.memory_space<vmem>>, vector<1x16xf32>,
      %get3A_354 = vector.shape_cast %get3A_353 : vector<1x16xf32> to vector<16xf32>
      %add3A_355 = arith.addf %add3A_348, %get3A_354 : vector<16xf32>
      %add3A_356 = arith.constant 12 : i32
      %add3A_357 = arith.addi %mul3A_133, %add3A_356 : i32
      %get3A_358 = arith.index_cast %add3A_357 : i32 to index
      %get3A_359 = arith.constant 16 : index
      %get3A_360 = tpu.vector_load %arg6[%get3A_358, %get3A_359] {strides = array<i32>} : memref<640x128xf32, #tpu.memory_space<vmem>>, vector<1x16xf32>,
      %get3A_361 = vector.shape_cast %get3A_360 : vector<1x16xf32> to vector<16xf32>
      %add3A_362 = arith.addf %add3A_355, %get3A_361 : vector<16xf32>
      %add3A_363 = arith.constant 13 : i32
      %add3A_364 = arith.addi %mul3A_133, %add3A_363 : i32
      %get3A_365 = arith.index_cast %add3A_364 : i32 to index
      %get3A_366 = arith.constant 16 : index
      %get3A_367 = tpu.vector_load %arg6[%get3A_365, %get3A_366] {strides = array<i32>} : memref<640x128xf32, #tpu.memory_space<vmem>>, vector<1x16xf32>,
      %get3A_368 = vector.shape_cast %get3A_367 : vector<1x16xf32> to vector<16xf32>
      %add3A_369 = arith.addf %add3A_362, %get3A_368 : vector<16xf32>
      %add3A_370 = arith.constant 14 : i32
      %add3A_371 = arith.addi %mul3A_133, %add3A_370 : i32
      %get3A_372 = arith.index_cast %add3A_371 : i32 to index
      %get3A_373 = arith.constant 16 : index
      %get3A_374 = tpu.vector_load %arg6[%get3A_372, %get3A_373] {strides = array<i32>} : memref<640x128xf32, #tpu.memory_space<vmem>>, vector<1x16xf32>,
      %get3A_375 = vector.shape_cast %get3A_374 : vector<1x16xf32> to vector<16xf32>
      %add3A_376 = arith.addf %add3A_369, %get3A_375 : vector<16xf32>
      %add3A_377 = arith.constant 15 : i32
      %add3A_378 = arith.addi %mul3A_133, %add3A_377 : i32
      %get3A_379 = arith.index_cast %add3A_378 : i32 to index
      %get3A_380 = arith.constant 16 : index
      %get3A_381 = tpu.vector_load %arg6[%get3A_379, %get3A_380] {strides = array<i32>} : memref<640x128xf32, #tpu.memory_space<vmem>>, vector<1x16xf32>,
      %get3A_382 = vector.shape_cast %get3A_381 : vector<1x16xf32> to vector<16xf32>
      %add3A_383 = arith.addf %add3A_376, %get3A_382 : vector<16xf32>
      %add3A_384 = arith.constant 16 : i32
      %add3A_385 = arith.addi %mul3A_133, %add3A_384 : i32
      %get3A_386 = arith.index_cast %add3A_385 : i32 to index
      %get3A_387 = arith.constant 16 : index
      %get3A_388 = tpu.vector_load %arg6[%get3A_386, %get3A_387] {strides = array<i32>} : memref<640x128xf32, #tpu.memory_space<vmem>>, vector<1x16xf32>,
      %get3A_389 = vector.shape_cast %get3A_388 : vector<1x16xf32> to vector<16xf32>
      %add3A_390 = arith.addf %add3A_383, %get3A_389 : vector<16xf32>
      %add3A_391 = arith.constant 17 : i32
      %add3A_392 = arith.addi %mul3A_133, %add3A_391 : i32
      %get3A_393 = arith.index_cast %add3A_392 : i32 to index
      %get3A_394 = arith.constant 16 : index
      %get3A_395 = tpu.vector_load %arg6[%get3A_393, %get3A_394] {strides = array<i32>} : memref<640x128xf32, #tpu.memory_space<vmem>>, vector<1x16xf32>,
      %get3A_396 = vector.shape_cast %get3A_395 : vector<1x16xf32> to vector<16xf32>
      %add3A_397 = arith.addf %add3A_390, %get3A_396 : vector<16xf32>
      %add3A_398 = arith.constant 18 : i32
      %add3A_399 = arith.addi %mul3A_133, %add3A_398 : i32
      %get3A_400 = arith.index_cast %add3A_399 : i32 to index
      %get3A_401 = arith.constant 16 : index
      %get3A_402 = tpu.vector_load %arg6[%get3A_400, %get3A_401] {strides = array<i32>} : memref<640x128xf32, #tpu.memory_space<vmem>>, vector<1x16xf32>,
      %get3A_403 = vector.shape_cast %get3A_402 : vector<1x16xf32> to vector<16xf32>
      %add3A_404 = arith.addf %add3A_397, %get3A_403 : vector<16xf32>
      %add3A_405 = arith.constant 19 : i32
      %add3A_406 = arith.addi %mul3A_133, %add3A_405 : i32
      %get3A_407 = arith.index_cast %add3A_406 : i32 to index
      %get3A_408 = arith.constant 16 : index
      %get3A_409 = tpu.vector_load %arg6[%get3A_407, %get3A_408] {strides = array<i32>} : memref<640x128xf32, #tpu.memory_space<vmem>>, vector<1x16xf32>,
      %get3A_410 = vector.shape_cast %get3A_409 : vector<1x16xf32> to vector<16xf32>
      %add3A_411 = arith.addf %add3A_404, %get3A_410 : vector<16xf32>
      %mul3A_412 = arith.mulf %add3A_411, %broadcast_in_dim3A_50 : vector<16xf32>
      %swap3A_413 = arith.index_cast %scan3A_131 : i32 to index
      %swap3A_414 = arith.constant 16 : index
      %swap3A_415 = tpu.vector_load %arg7[%swap3A_413, %swap3A_414] {strides = array<i32>} : memref<32x128xf32, #tpu.memory_space<vmem>>, vector<1x16xf32>,
      %swap3A_416 = vector.shape_cast %swap3A_415 : vector<1x16xf32> to vector<16xf32>
      %swap3A_417 = vector.shape_cast %mul3A_412 : vector<16xf32> to vector<1x16xf32>
      tpu.vector_store %arg7[%swap3A_413, %swap3A_414], %swap3A_417 {strides = array<i32>} : memref<32x128xf32, #tpu.memory_space<vmem>>, vector<1x16xf32>,
      %get3A_418 = arith.index_cast %mul3A_133 : i32 to index
      %get3A_419 = arith.constant 32 : index
      %get3A_420 = tpu.vector_load %arg6[%get3A_418, %get3A_419] {strides = array<i32>} : memref<640x128xf32, #tpu.memory_space<vmem>>, vector<1x16xf32>,
      %get3A_421 = vector.shape_cast %get3A_420 : vector<1x16xf32> to vector<16xf32>
      %add3A_422 = arith.constant 1 : i32
      %add3A_423 = arith.addi %mul3A_133, %add3A_422 : i32
      %get3A_424 = arith.index_cast %add3A_423 : i32 to index
      %get3A_425 = arith.constant 32 : index
      %get3A_426 = tpu.vector_load %arg6[%get3A_424, %get3A_425] {strides = array<i32>} : memref<640x128xf32, #tpu.memory_space<vmem>>, vector<1x16xf32>,
      %get3A_427 = vector.shape_cast %get3A_426 : vector<1x16xf32> to vector<16xf32>
      %add3A_428 = arith.addf %get3A_421, %get3A_427 : vector<16xf32>
      %add3A_429 = arith.constant 2 : i32
      %add3A_430 = arith.addi %mul3A_133, %add3A_429 : i32
      %get3A_431 = arith.index_cast %add3A_430 : i32 to index
      %get3A_432 = arith.constant 32 : index
      %get3A_433 = tpu.vector_load %arg6[%get3A_431, %get3A_432] {strides = array<i32>} : memref<640x128xf32, #tpu.memory_space<vmem>>, vector<1x16xf32>,
      %get3A_434 = vector.shape_cast %get3A_433 : vector<1x16xf32> to vector<16xf32>
      %add3A_435 = arith.addf %add3A_428, %get3A_434 : vector<16xf32>
      %add3A_436 = arith.constant 3 : i32
      %add3A_437 = arith.addi %mul3A_133, %add3A_436 : i32
      %get3A_438 = arith.index_cast %add3A_437 : i32 to index
      %get3A_439 = arith.constant 32 : index
      %get3A_440 = tpu.vector_load %arg6[%get3A_438, %get3A_439] {strides = array<i32>} : memref<640x128xf32, #tpu.memory_space<vmem>>, vector<1x16xf32>,
      %get3A_441 = vector.shape_cast %get3A_440 : vector<1x16xf32> to vector<16xf32>
      %add3A_442 = arith.addf %add3A_435, %get3A_441 : vector<16xf32>
      %add3A_443 = arith.constant 4 : i32
      %add3A_444 = arith.addi %mul3A_133, %add3A_443 : i32
      %get3A_445 = arith.index_cast %add3A_444 : i32 to index
      %get3A_446 = arith.constant 32 : index
      %get3A_447 = tpu.vector_load %arg6[%get3A_445, %get3A_446] {strides = array<i32>} : memref<640x128xf32, #tpu.memory_space<vmem>>, vector<1x16xf32>,
      %get3A_448 = vector.shape_cast %get3A_447 : vector<1x16xf32> to vector<16xf32>
      %add3A_449 = arith.addf %add3A_442, %get3A_448 : vector<16xf32>
      %add3A_450 = arith.constant 5 : i32
      %add3A_451 = arith.addi %mul3A_133, %add3A_450 : i32
      %get3A_452 = arith.index_cast %add3A_451 : i32 to index
      %get3A_453 = arith.constant 32 : index
      %get3A_454 = tpu.vector_load %arg6[%get3A_452, %get3A_453] {strides = array<i32>} : memref<640x128xf32, #tpu.memory_space<vmem>>, vector<1x16xf32>,
      %get3A_455 = vector.shape_cast %get3A_454 : vector<1x16xf32> to vector<16xf32>
      %add3A_456 = arith.addf %add3A_449, %get3A_455 : vector<16xf32>
      %add3A_457 = arith.constant 6 : i32
      %add3A_458 = arith.addi %mul3A_133, %add3A_457 : i32
      %get3A_459 = arith.index_cast %add3A_458 : i32 to index
      %get3A_460 = arith.constant 32 : index
      %get3A_461 = tpu.vector_load %arg6[%get3A_459, %get3A_460] {strides = array<i32>} : memref<640x128xf32, #tpu.memory_space<vmem>>, vector<1x16xf32>,
      %get3A_462 = vector.shape_cast %get3A_461 : vector<1x16xf32> to vector<16xf32>
      %add3A_463 = arith.addf %add3A_456, %get3A_462 : vector<16xf32>
      %add3A_464 = arith.constant 7 : i32
      %add3A_465 = arith.addi %mul3A_133, %add3A_464 : i32
      %get3A_466 = arith.index_cast %add3A_465 : i32 to index
      %get3A_467 = arith.constant 32 : index
      %get3A_468 = tpu.vector_load %arg6[%get3A_466, %get3A_467] {strides = array<i32>} : memref<640x128xf32, #tpu.memory_space<vmem>>, vector<1x16xf32>,
      %get3A_469 = vector.shape_cast %get3A_468 : vector<1x16xf32> to vector<16xf32>
      %add3A_470 = arith.addf %add3A_463, %get3A_469 : vector<16xf32>
      %add3A_471 = arith.constant 8 : i32
      %add3A_472 = arith.addi %mul3A_133, %add3A_471 : i32
      %get3A_473 = arith.index_cast %add3A_472 : i32 to index
      %get3A_474 = arith.constant 32 : index
      %get3A_475 = tpu.vector_load %arg6[%get3A_473, %get3A_474] {strides = array<i32>} : memref<640x128xf32, #tpu.memory_space<vmem>>, vector<1x16xf32>,
      %get3A_476 = vector.shape_cast %get3A_475 : vector<1x16xf32> to vector<16xf32>
      %add3A_477 = arith.addf %add3A_470, %get3A_476 : vector<16xf32>
      %add3A_478 = arith.constant 9 : i32
      %add3A_479 = arith.addi %mul3A_133, %add3A_478 : i32
      %get3A_480 = arith.index_cast %add3A_479 : i32 to index
      %get3A_481 = arith.constant 32 : index
      %get3A_482 = tpu.vector_load %arg6[%get3A_480, %get3A_481] {strides = array<i32>} : memref<640x128xf32, #tpu.memory_space<vmem>>, vector<1x16xf32>,
      %get3A_483 = vector.shape_cast %get3A_482 : vector<1x16xf32> to vector<16xf32>
      %add3A_484 = arith.addf %add3A_477, %get3A_483 : vector<16xf32>
      %add3A_485 = arith.constant 10 : i32
      %add3A_486 = arith.addi %mul3A_133, %add3A_485 : i32
      %get3A_487 = arith.index_cast %add3A_486 : i32 to index
      %get3A_488 = arith.constant 32 : index
      %get3A_489 = tpu.vector_load %arg6[%get3A_487, %get3A_488] {strides = array<i32>} : memref<640x128xf32, #tpu.memory_space<vmem>>, vector<1x16xf32>,
      %get3A_490 = vector.shape_cast %get3A_489 : vector<1x16xf32> to vector<16xf32>
      %add3A_491 = arith.addf %add3A_484, %get3A_490 : vector<16xf32>
      %add3A_492 = arith.constant 11 : i32
      %add3A_493 = arith.addi %mul3A_133, %add3A_492 : i32
      %get3A_494 = arith.index_cast %add3A_493 : i32 to index
      %get3A_495 = arith.constant 32 : index
      %get3A_496 = tpu.vector_load %arg6[%get3A_494, %get3A_495] {strides = array<i32>} : memref<640x128xf32, #tpu.memory_space<vmem>>, vector<1x16xf32>,
      %get3A_497 = vector.shape_cast %get3A_496 : vector<1x16xf32> to vector<16xf32>
      %add3A_498 = arith.addf %add3A_491, %get3A_497 : vector<16xf32>
      %add3A_499 = arith.constant 12 : i32
      %add3A_500 = arith.addi %mul3A_133, %add3A_499 : i32
      %get3A_501 = arith.index_cast %add3A_500 : i32 to index
      %get3A_502 = arith.constant 32 : index
      %get3A_503 = tpu.vector_load %arg6[%get3A_501, %get3A_502] {strides = array<i32>} : memref<640x128xf32, #tpu.memory_space<vmem>>, vector<1x16xf32>,
      %get3A_504 = vector.shape_cast %get3A_503 : vector<1x16xf32> to vector<16xf32>
      %add3A_505 = arith.addf %add3A_498, %get3A_504 : vector<16xf32>
      %add3A_506 = arith.constant 13 : i32
      %add3A_507 = arith.addi %mul3A_133, %add3A_506 : i32
      %get3A_508 = arith.index_cast %add3A_507 : i32 to index
      %get3A_509 = arith.constant 32 : index
      %get3A_510 = tpu.vector_load %arg6[%get3A_508, %get3A_509] {strides = array<i32>} : memref<640x128xf32, #tpu.memory_space<vmem>>, vector<1x16xf32>,
      %get3A_511 = vector.shape_cast %get3A_510 : vector<1x16xf32> to vector<16xf32>
      %add3A_512 = arith.addf %add3A_505, %get3A_511 : vector<16xf32>
      %add3A_513 = arith.constant 14 : i32
      %add3A_514 = arith.addi %mul3A_133, %add3A_513 : i32
      %get3A_515 = arith.index_cast %add3A_514 : i32 to index
      %get3A_516 = arith.constant 32 : index
      %get3A_517 = tpu.vector_load %arg6[%get3A_515, %get3A_516] {strides = array<i32>} : memref<640x128xf32, #tpu.memory_space<vmem>>, vector<1x16xf32>,
      %get3A_518 = vector.shape_cast %get3A_517 : vector<1x16xf32> to vector<16xf32>
      %add3A_519 = arith.addf %add3A_512, %get3A_518 : vector<16xf32>
      %add3A_520 = arith.constant 15 : i32
      %add3A_521 = arith.addi %mul3A_133, %add3A_520 : i32
      %get3A_522 = arith.index_cast %add3A_521 : i32 to index
      %get3A_523 = arith.constant 32 : index
      %get3A_524 = tpu.vector_load %arg6[%get3A_522, %get3A_523] {strides = array<i32>} : memref<640x128xf32, #tpu.memory_space<vmem>>, vector<1x16xf32>,
      %get3A_525 = vector.shape_cast %get3A_524 : vector<1x16xf32> to vector<16xf32>
      %add3A_526 = arith.addf %add3A_519, %get3A_525 : vector<16xf32>
      %add3A_527 = arith.constant 16 : i32
      %add3A_528 = arith.addi %mul3A_133, %add3A_527 : i32
      %get3A_529 = arith.index_cast %add3A_528 : i32 to index
      %get3A_530 = arith.constant 32 : index
      %get3A_531 = tpu.vector_load %arg6[%get3A_529, %get3A_530] {strides = array<i32>} : memref<640x128xf32, #tpu.memory_space<vmem>>, vector<1x16xf32>,
      %get3A_532 = vector.shape_cast %get3A_531 : vector<1x16xf32> to vector<16xf32>
      %add3A_533 = arith.addf %add3A_526, %get3A_532 : vector<16xf32>
      %add3A_534 = arith.constant 17 : i32
      %add3A_535 = arith.addi %mul3A_133, %add3A_534 : i32
      %get3A_536 = arith.index_cast %add3A_535 : i32 to index
      %get3A_537 = arith.constant 32 : index
      %get3A_538 = tpu.vector_load %arg6[%get3A_536, %get3A_537] {strides = array<i32>} : memref<640x128xf32, #tpu.memory_space<vmem>>, vector<1x16xf32>,
      %get3A_539 = vector.shape_cast %get3A_538 : vector<1x16xf32> to vector<16xf32>
      %add3A_540 = arith.addf %add3A_533, %get3A_539 : vector<16xf32>
      %add3A_541 = arith.constant 18 : i32
      %add3A_542 = arith.addi %mul3A_133, %add3A_541 : i32
      %get3A_543 = arith.index_cast %add3A_542 : i32 to index
      %get3A_544 = arith.constant 32 : index
      %get3A_545 = tpu.vector_load %arg6[%get3A_543, %get3A_544] {strides = array<i32>} : memref<640x128xf32, #tpu.memory_space<vmem>>, vector<1x16xf32>,
      %get3A_546 = vector.shape_cast %get3A_545 : vector<1x16xf32> to vector<16xf32>
      %add3A_547 = arith.addf %add3A_540, %get3A_546 : vector<16xf32>
      %add3A_548 = arith.constant 19 : i32
      %add3A_549 = arith.addi %mul3A_133, %add3A_548 : i32
      %get3A_550 = arith.index_cast %add3A_549 : i32 to index
      %get3A_551 = arith.constant 32 : index
      %get3A_552 = tpu.vector_load %arg6[%get3A_550, %get3A_551] {strides = array<i32>} : memref<640x128xf32, #tpu.memory_space<vmem>>, vector<1x16xf32>,
      %get3A_553 = vector.shape_cast %get3A_552 : vector<1x16xf32> to vector<16xf32>
      %add3A_554 = arith.addf %add3A_547, %get3A_553 : vector<16xf32>
      %mul3A_555 = arith.mulf %add3A_554, %broadcast_in_dim3A_50 : vector<16xf32>
      %swap3A_556 = arith.index_cast %scan3A_131 : i32 to index
      %swap3A_557 = arith.constant 32 : index
      %swap3A_558 = tpu.vector_load %arg7[%swap3A_556, %swap3A_557] {strides = array<i32>} : memref<32x128xf32, #tpu.memory_space<vmem>>, vector<1x16xf32>,
      %swap3A_559 = vector.shape_cast %swap3A_558 : vector<1x16xf32> to vector<16xf32>
      %swap3A_560 = vector.shape_cast %mul3A_555 : vector<16xf32> to vector<1x16xf32>
      tpu.vector_store %arg7[%swap3A_556, %swap3A_557], %swap3A_560 {strides = array<i32>} : memref<32x128xf32, #tpu.memory_space<vmem>>, vector<1x16xf32>,
      %get3A_561 = arith.index_cast %mul3A_133 : i32 to index
      %get3A_562 = arith.constant 48 : index
      %get3A_563 = tpu.vector_load %arg6[%get3A_561, %get3A_562] {strides = array<i32>} : memref<640x128xf32, #tpu.memory_space<vmem>>, vector<1x16xf32>,
      %get3A_564 = vector.shape_cast %get3A_563 : vector<1x16xf32> to vector<16xf32>
      %add3A_565 = arith.constant 1 : i32
      %add3A_566 = arith.addi %mul3A_133, %add3A_565 : i32
      %get3A_567 = arith.index_cast %add3A_566 : i32 to index
      %get3A_568 = arith.constant 48 : index
      %get3A_569 = tpu.vector_load %arg6[%get3A_567, %get3A_568] {strides = array<i32>} : memref<640x128xf32, #tpu.memory_space<vmem>>, vector<1x16xf32>,
      %get3A_570 = vector.shape_cast %get3A_569 : vector<1x16xf32> to vector<16xf32>
      %add3A_571 = arith.addf %get3A_564, %get3A_570 : vector<16xf32>
      %add3A_572 = arith.constant 2 : i32
      %add3A_573 = arith.addi %mul3A_133, %add3A_572 : i32
      %get3A_574 = arith.index_cast %add3A_573 : i32 to index
      %get3A_575 = arith.constant 48 : index
      %get3A_576 = tpu.vector_load %arg6[%get3A_574, %get3A_575] {strides = array<i32>} : memref<640x128xf32, #tpu.memory_space<vmem>>, vector<1x16xf32>,
      %get3A_577 = vector.shape_cast %get3A_576 : vector<1x16xf32> to vector<16xf32>
      %add3A_578 = arith.addf %add3A_571, %get3A_577 : vector<16xf32>
      %add3A_579 = arith.constant 3 : i32
      %add3A_580 = arith.addi %mul3A_133, %add3A_579 : i32
      %get3A_581 = arith.index_cast %add3A_580 : i32 to index
      %get3A_582 = arith.constant 48 : index
      %get3A_583 = tpu.vector_load %arg6[%get3A_581, %get3A_582] {strides = array<i32>} : memref<640x128xf32, #tpu.memory_space<vmem>>, vector<1x16xf32>,
      %get3A_584 = vector.shape_cast %get3A_583 : vector<1x16xf32> to vector<16xf32>
      %add3A_585 = arith.addf %add3A_578, %get3A_584 : vector<16xf32>
      %add3A_586 = arith.constant 4 : i32
      %add3A_587 = arith.addi %mul3A_133, %add3A_586 : i32
      %get3A_588 = arith.index_cast %add3A_587 : i32 to index
      %get3A_589 = arith.constant 48 : index
      %get3A_590 = tpu.vector_load %arg6[%get3A_588, %get3A_589] {strides = array<i32>} : memref<640x128xf32, #tpu.memory_space<vmem>>, vector<1x16xf32>,
      %get3A_591 = vector.shape_cast %get3A_590 : vector<1x16xf32> to vector<16xf32>
      %add3A_592 = arith.addf %add3A_585, %get3A_591 : vector<16xf32>
      %add3A_593 = arith.constant 5 : i32
      %add3A_594 = arith.addi %mul3A_133, %add3A_593 : i32
      %get3A_595 = arith.index_cast %add3A_594 : i32 to index
      %get3A_596 = arith.constant 48 : index
      %get3A_597 = tpu.vector_load %arg6[%get3A_595, %get3A_596] {strides = array<i32>} : memref<640x128xf32, #tpu.memory_space<vmem>>, vector<1x16xf32>,
      %get3A_598 = vector.shape_cast %get3A_597 : vector<1x16xf32> to vector<16xf32>
      %add3A_599 = arith.addf %add3A_592, %get3A_598 : vector<16xf32>
      %add3A_600 = arith.constant 6 : i32
      %add3A_601 = arith.addi %mul3A_133, %add3A_600 : i32
      %get3A_602 = arith.index_cast %add3A_601 : i32 to index
      %get3A_603 = arith.constant 48 : index
      %get3A_604 = tpu.vector_load %arg6[%get3A_602, %get3A_603] {strides = array<i32>} : memref<640x128xf32, #tpu.memory_space<vmem>>, vector<1x16xf32>,
      %get3A_605 = vector.shape_cast %get3A_604 : vector<1x16xf32> to vector<16xf32>
      %add3A_606 = arith.addf %add3A_599, %get3A_605 : vector<16xf32>
      %add3A_607 = arith.constant 7 : i32
      %add3A_608 = arith.addi %mul3A_133, %add3A_607 : i32
      %get3A_609 = arith.index_cast %add3A_608 : i32 to index
      %get3A_610 = arith.constant 48 : index
      %get3A_611 = tpu.vector_load %arg6[%get3A_609, %get3A_610] {strides = array<i32>} : memref<640x128xf32, #tpu.memory_space<vmem>>, vector<1x16xf32>,
      %get3A_612 = vector.shape_cast %get3A_611 : vector<1x16xf32> to vector<16xf32>
      %add3A_613 = arith.addf %add3A_606, %get3A_612 : vector<16xf32>
      %add3A_614 = arith.constant 8 : i32
      %add3A_615 = arith.addi %mul3A_133, %add3A_614 : i32
      %get3A_616 = arith.index_cast %add3A_615 : i32 to index
      %get3A_617 = arith.constant 48 : index
      %get3A_618 = tpu.vector_load %arg6[%get3A_616, %get3A_617] {strides = array<i32>} : memref<640x128xf32, #tpu.memory_space<vmem>>, vector<1x16xf32>,
      %get3A_619 = vector.shape_cast %get3A_618 : vector<1x16xf32> to vector<16xf32>
      %add3A_620 = arith.addf %add3A_613, %get3A_619 : vector<16xf32>
      %add3A_621 = arith.constant 9 : i32
      %add3A_622 = arith.addi %mul3A_133, %add3A_621 : i32
      %get3A_623 = arith.index_cast %add3A_622 : i32 to index
      %get3A_624 = arith.constant 48 : index
      %get3A_625 = tpu.vector_load %arg6[%get3A_623, %get3A_624] {strides = array<i32>} : memref<640x128xf32, #tpu.memory_space<vmem>>, vector<1x16xf32>,
      %get3A_626 = vector.shape_cast %get3A_625 : vector<1x16xf32> to vector<16xf32>
      %add3A_627 = arith.addf %add3A_620, %get3A_626 : vector<16xf32>
      %add3A_628 = arith.constant 10 : i32
      %add3A_629 = arith.addi %mul3A_133, %add3A_628 : i32
      %get3A_630 = arith.index_cast %add3A_629 : i32 to index
      %get3A_631 = arith.constant 48 : index
      %get3A_632 = tpu.vector_load %arg6[%get3A_630, %get3A_631] {strides = array<i32>} : memref<640x128xf32, #tpu.memory_space<vmem>>, vector<1x16xf32>,
      %get3A_633 = vector.shape_cast %get3A_632 : vector<1x16xf32> to vector<16xf32>
      %add3A_634 = arith.addf %add3A_627, %get3A_633 : vector<16xf32>
      %add3A_635 = arith.constant 11 : i32
      %add3A_636 = arith.addi %mul3A_133, %add3A_635 : i32
      %get3A_637 = arith.index_cast %add3A_636 : i32 to index
      %get3A_638 = arith.constant 48 : index
      %get3A_639 = tpu.vector_load %arg6[%get3A_637, %get3A_638] {strides = array<i32>} : memref<640x128xf32, #tpu.memory_space<vmem>>, vector<1x16xf32>,
      %get3A_640 = vector.shape_cast %get3A_639 : vector<1x16xf32> to vector<16xf32>
      %add3A_641 = arith.addf %add3A_634, %get3A_640 : vector<16xf32>
      %add3A_642 = arith.constant 12 : i32
      %add3A_643 = arith.addi %mul3A_133, %add3A_642 : i32
      %get3A_644 = arith.index_cast %add3A_643 : i32 to index
      %get3A_645 = arith.constant 48 : index
      %get3A_646 = tpu.vector_load %arg6[%get3A_644, %get3A_645] {strides = array<i32>} : memref<640x128xf32, #tpu.memory_space<vmem>>, vector<1x16xf32>,
      %get3A_647 = vector.shape_cast %get3A_646 : vector<1x16xf32> to vector<16xf32>
      %add3A_648 = arith.addf %add3A_641, %get3A_647 : vector<16xf32>
      %add3A_649 = arith.constant 13 : i32
      %add3A_650 = arith.addi %mul3A_133, %add3A_649 : i32
      %get3A_651 = arith.index_cast %add3A_650 : i32 to index
      %get3A_652 = arith.constant 48 : index
      %get3A_653 = tpu.vector_load %arg6[%get3A_651, %get3A_652] {strides = array<i32>} : memref<640x128xf32, #tpu.memory_space<vmem>>, vector<1x16xf32>,
      %get3A_654 = vector.shape_cast %get3A_653 : vector<1x16xf32> to vector<16xf32>
      %add3A_655 = arith.addf %add3A_648, %get3A_654 : vector<16xf32>
      %add3A_656 = arith.constant 14 : i32
      %add3A_657 = arith.addi %mul3A_133, %add3A_656 : i32
      %get3A_658 = arith.index_cast %add3A_657 : i32 to index
      %get3A_659 = arith.constant 48 : index
      %get3A_660 = tpu.vector_load %arg6[%get3A_658, %get3A_659] {strides = array<i32>} : memref<640x128xf32, #tpu.memory_space<vmem>>, vector<1x16xf32>,
      %get3A_661 = vector.shape_cast %get3A_660 : vector<1x16xf32> to vector<16xf32>
      %add3A_662 = arith.addf %add3A_655, %get3A_661 : vector<16xf32>
      %add3A_663 = arith.constant 15 : i32
      %add3A_664 = arith.addi %mul3A_133, %add3A_663 : i32
      %get3A_665 = arith.index_cast %add3A_664 : i32 to index
      %get3A_666 = arith.constant 48 : index
      %get3A_667 = tpu.vector_load %arg6[%get3A_665, %get3A_666] {strides = array<i32>} : memref<640x128xf32, #tpu.memory_space<vmem>>, vector<1x16xf32>,
      %get3A_668 = vector.shape_cast %get3A_667 : vector<1x16xf32> to vector<16xf32>
      %add3A_669 = arith.addf %add3A_662, %get3A_668 : vector<16xf32>
      %add3A_670 = arith.constant 16 : i32
      %add3A_671 = arith.addi %mul3A_133, %add3A_670 : i32
      %get3A_672 = arith.index_cast %add3A_671 : i32 to index
      %get3A_673 = arith.constant 48 : index
      %get3A_674 = tpu.vector_load %arg6[%get3A_672, %get3A_673] {strides = array<i32>} : memref<640x128xf32, #tpu.memory_space<vmem>>, vector<1x16xf32>,
      %get3A_675 = vector.shape_cast %get3A_674 : vector<1x16xf32> to vector<16xf32>
      %add3A_676 = arith.addf %add3A_669, %get3A_675 : vector<16xf32>
      %add3A_677 = arith.constant 17 : i32
      %add3A_678 = arith.addi %mul3A_133, %add3A_677 : i32
      %get3A_679 = arith.index_cast %add3A_678 : i32 to index
      %get3A_680 = arith.constant 48 : index
      %get3A_681 = tpu.vector_load %arg6[%get3A_679, %get3A_680] {strides = array<i32>} : memref<640x128xf32, #tpu.memory_space<vmem>>, vector<1x16xf32>,
      %get3A_682 = vector.shape_cast %get3A_681 : vector<1x16xf32> to vector<16xf32>
      %add3A_683 = arith.addf %add3A_676, %get3A_682 : vector<16xf32>
      %add3A_684 = arith.constant 18 : i32
      %add3A_685 = arith.addi %mul3A_133, %add3A_684 : i32
      %get3A_686 = arith.index_cast %add3A_685 : i32 to index
      %get3A_687 = arith.constant 48 : index
      %get3A_688 = tpu.vector_load %arg6[%get3A_686, %get3A_687] {strides = array<i32>} : memref<640x128xf32, #tpu.memory_space<vmem>>, vector<1x16xf32>,
      %get3A_689 = vector.shape_cast %get3A_688 : vector<1x16xf32> to vector<16xf32>
      %add3A_690 = arith.addf %add3A_683, %get3A_689 : vector<16xf32>
      %add3A_691 = arith.constant 19 : i32
      %add3A_692 = arith.addi %mul3A_133, %add3A_691 : i32
      %get3A_693 = arith.index_cast %add3A_692 : i32 to index
      %get3A_694 = arith.constant 48 : index
      %get3A_695 = tpu.vector_load %arg6[%get3A_693, %get3A_694] {strides = array<i32>} : memref<640x128xf32, #tpu.memory_space<vmem>>, vector<1x16xf32>,
      %get3A_696 = vector.shape_cast %get3A_695 : vector<1x16xf32> to vector<16xf32>
      %add3A_697 = arith.addf %add3A_690, %get3A_696 : vector<16xf32>
      %mul3A_698 = arith.mulf %add3A_697, %broadcast_in_dim3A_50 : vector<16xf32>
      %swap3A_699 = arith.index_cast %scan3A_131 : i32 to index
      %swap3A_700 = arith.constant 48 : index
      %swap3A_701 = tpu.vector_load %arg7[%swap3A_699, %swap3A_700] {strides = array<i32>} : memref<32x128xf32, #tpu.memory_space<vmem>>, vector<1x16xf32>,
      %swap3A_702 = vector.shape_cast %swap3A_701 : vector<1x16xf32> to vector<16xf32>
      %swap3A_703 = vector.shape_cast %mul3A_698 : vector<16xf32> to vector<1x16xf32>
      tpu.vector_store %arg7[%swap3A_699, %swap3A_700], %swap3A_703 {strides = array<i32>} : memref<32x128xf32, #tpu.memory_space<vmem>>, vector<1x16xf32>,
    }
    %scan3A_64 = arith.constant 6 : i32
    %dma_wait3A_65 = arith.constant 1 : i32
    %dma_wait3A_66 = arith.constant 128 : i32
    %dma_wait3A_67 = arith.constant 0 : i32
    %dma_wait3A_68 = tpu.memref_slice %arg6[%dma_wait3A_66, %dma_wait3A_67] : memref<640x128xf32, #tpu.memory_space<vmem>> -> memref<128x128xf32, #tpu.memory_space<vmem>>
    %dma_wait3A_69 = arith.constant 0 : i32
    %dma_wait3A_70 = tpu.memref_slice %arg5[%dma_wait3A_65, %dma_wait3A_69] : memref<5x128xi32, #tpu.memory_space<vmem>> -> memref<1x128xi32, #tpu.memory_space<vmem>>
    %dma_wait3A_71 = tpu.memref_squeeze %dma_wait3A_70 : memref<1x128xi32, #tpu.memory_space<vmem>> -> memref<128xi32, #tpu.memory_space<vmem>>
    %dma_wait3A_72 = arith.constant 0 : i32
    %dma_wait3A_73 = arith.constant 0 : i32
    %dma_wait3A_74 = tpu.memref_slice %arg3[%dma_wait3A_72, %dma_wait3A_73] : memref<100000x128xf32, #tpu.memory_space<hbm>> -> memref<100000x128xf32, #tpu.memory_space<hbm>>
    tpu.wait_indirect_dma semaphore(%arg8 : memref<!tpu.dma_semaphore, #tpu.memory_space<semaphore_mem>>) src(%dma_wait3A_74 : memref<100000x128xf32, #tpu.memory_space<hbm>>) dst(%dma_wait3A_68 : memref<128x128xf32, #tpu.memory_space<vmem>>)
    %scan3A_75 = arith.constant 0 : i32
    %scan3A_76 = arith.constant 6 : i32
    %scan3A_77 = arith.constant 6 : i32
    %scan3A_78 = arith.addi %scan3A_76, %scan3A_77 : i32
    %scan3A_79 = arith.constant 1 : i32
    scf.for %scan3A_131 = %scan3A_76 to %scan3A_78 step %scan3A_79  : i32 {
      %mul3A_132 = arith.constant 20 : i32
      %mul3A_133 = arith.muli %scan3A_131, %mul3A_132 : i32
      %get3A = arith.index_cast %mul3A_133 : i32 to index
      %get3A_134 = arith.constant 0 : index
      %get3A_135 = tpu.vector_load %arg6[%get3A, %get3A_134] {strides = array<i32>} : memref<640x128xf32, #tpu.memory_space<vmem>>, vector<1x16xf32>,
      %get3A_136 = vector.shape_cast %get3A_135 : vector<1x16xf32> to vector<16xf32>
      %add3A_137 = arith.constant 1 : i32
      %add3A_138 = arith.addi %mul3A_133, %add3A_137 : i32
      %get3A_139 = arith.index_cast %add3A_138 : i32 to index
      %get3A_140 = arith.constant 0 : index
      %get3A_141 = tpu.vector_load %arg6[%get3A_139, %get3A_140] {strides = array<i32>} : memref<640x128xf32, #tpu.memory_space<vmem>>, vector<1x16xf32>,
      %get3A_142 = vector.shape_cast %get3A_141 : vector<1x16xf32> to vector<16xf32>
      %add3A_143 = arith.addf %get3A_136, %get3A_142 : vector<16xf32>
      %add3A_144 = arith.constant 2 : i32
      %add3A_145 = arith.addi %mul3A_133, %add3A_144 : i32
      %get3A_146 = arith.index_cast %add3A_145 : i32 to index
      %get3A_147 = arith.constant 0 : index
      %get3A_148 = tpu.vector_load %arg6[%get3A_146, %get3A_147] {strides = array<i32>} : memref<640x128xf32, #tpu.memory_space<vmem>>, vector<1x16xf32>,
      %get3A_149 = vector.shape_cast %get3A_148 : vector<1x16xf32> to vector<16xf32>
      %add3A_150 = arith.addf %add3A_143, %get3A_149 : vector<16xf32>
      %add3A_151 = arith.constant 3 : i32
      %add3A_152 = arith.addi %mul3A_133, %add3A_151 : i32
      %get3A_153 = arith.index_cast %add3A_152 : i32 to index
      %get3A_154 = arith.constant 0 : index
      %get3A_155 = tpu.vector_load %arg6[%get3A_153, %get3A_154] {strides = array<i32>} : memref<640x128xf32, #tpu.memory_space<vmem>>, vector<1x16xf32>,
      %get3A_156 = vector.shape_cast %get3A_155 : vector<1x16xf32> to vector<16xf32>
      %add3A_157 = arith.addf %add3A_150, %get3A_156 : vector<16xf32>
      %add3A_158 = arith.constant 4 : i32
      %add3A_159 = arith.addi %mul3A_133, %add3A_158 : i32
      %get3A_160 = arith.index_cast %add3A_159 : i32 to index
      %get3A_161 = arith.constant 0 : index
      %get3A_162 = tpu.vector_load %arg6[%get3A_160, %get3A_161] {strides = array<i32>} : memref<640x128xf32, #tpu.memory_space<vmem>>, vector<1x16xf32>,
      %get3A_163 = vector.shape_cast %get3A_162 : vector<1x16xf32> to vector<16xf32>
      %add3A_164 = arith.addf %add3A_157, %get3A_163 : vector<16xf32>
      %add3A_165 = arith.constant 5 : i32
      %add3A_166 = arith.addi %mul3A_133, %add3A_165 : i32
      %get3A_167 = arith.index_cast %add3A_166 : i32 to index
      %get3A_168 = arith.constant 0 : index
      %get3A_169 = tpu.vector_load %arg6[%get3A_167, %get3A_168] {strides = array<i32>} : memref<640x128xf32, #tpu.memory_space<vmem>>, vector<1x16xf32>,
      %get3A_170 = vector.shape_cast %get3A_169 : vector<1x16xf32> to vector<16xf32>
      %add3A_171 = arith.addf %add3A_164, %get3A_170 : vector<16xf32>
      %add3A_172 = arith.constant 6 : i32
      %add3A_173 = arith.addi %mul3A_133, %add3A_172 : i32
      %get3A_174 = arith.index_cast %add3A_173 : i32 to index
      %get3A_175 = arith.constant 0 : index
      %get3A_176 = tpu.vector_load %arg6[%get3A_174, %get3A_175] {strides = array<i32>} : memref<640x128xf32, #tpu.memory_space<vmem>>, vector<1x16xf32>,
      %get3A_177 = vector.shape_cast %get3A_176 : vector<1x16xf32> to vector<16xf32>
      %add3A_178 = arith.addf %add3A_171, %get3A_177 : vector<16xf32>
      %add3A_179 = arith.constant 7 : i32
      %add3A_180 = arith.addi %mul3A_133, %add3A_179 : i32
      %get3A_181 = arith.index_cast %add3A_180 : i32 to index
      %get3A_182 = arith.constant 0 : index
      %get3A_183 = tpu.vector_load %arg6[%get3A_181, %get3A_182] {strides = array<i32>} : memref<640x128xf32, #tpu.memory_space<vmem>>, vector<1x16xf32>,
      %get3A_184 = vector.shape_cast %get3A_183 : vector<1x16xf32> to vector<16xf32>
      %add3A_185 = arith.addf %add3A_178, %get3A_184 : vector<16xf32>
      %add3A_186 = arith.constant 8 : i32
      %add3A_187 = arith.addi %mul3A_133, %add3A_186 : i32
      %get3A_188 = arith.index_cast %add3A_187 : i32 to index
      %get3A_189 = arith.constant 0 : index
      %get3A_190 = tpu.vector_load %arg6[%get3A_188, %get3A_189] {strides = array<i32>} : memref<640x128xf32, #tpu.memory_space<vmem>>, vector<1x16xf32>,
      %get3A_191 = vector.shape_cast %get3A_190 : vector<1x16xf32> to vector<16xf32>
      %add3A_192 = arith.addf %add3A_185, %get3A_191 : vector<16xf32>
      %add3A_193 = arith.constant 9 : i32
      %add3A_194 = arith.addi %mul3A_133, %add3A_193 : i32
      %get3A_195 = arith.index_cast %add3A_194 : i32 to index
      %get3A_196 = arith.constant 0 : index
      %get3A_197 = tpu.vector_load %arg6[%get3A_195, %get3A_196] {strides = array<i32>} : memref<640x128xf32, #tpu.memory_space<vmem>>, vector<1x16xf32>,
      %get3A_198 = vector.shape_cast %get3A_197 : vector<1x16xf32> to vector<16xf32>
      %add3A_199 = arith.addf %add3A_192, %get3A_198 : vector<16xf32>
      %add3A_200 = arith.constant 10 : i32
      %add3A_201 = arith.addi %mul3A_133, %add3A_200 : i32
      %get3A_202 = arith.index_cast %add3A_201 : i32 to index
      %get3A_203 = arith.constant 0 : index
      %get3A_204 = tpu.vector_load %arg6[%get3A_202, %get3A_203] {strides = array<i32>} : memref<640x128xf32, #tpu.memory_space<vmem>>, vector<1x16xf32>,
      %get3A_205 = vector.shape_cast %get3A_204 : vector<1x16xf32> to vector<16xf32>
      %add3A_206 = arith.addf %add3A_199, %get3A_205 : vector<16xf32>
      %add3A_207 = arith.constant 11 : i32
      %add3A_208 = arith.addi %mul3A_133, %add3A_207 : i32
      %get3A_209 = arith.index_cast %add3A_208 : i32 to index
      %get3A_210 = arith.constant 0 : index
      %get3A_211 = tpu.vector_load %arg6[%get3A_209, %get3A_210] {strides = array<i32>} : memref<640x128xf32, #tpu.memory_space<vmem>>, vector<1x16xf32>,
      %get3A_212 = vector.shape_cast %get3A_211 : vector<1x16xf32> to vector<16xf32>
      %add3A_213 = arith.addf %add3A_206, %get3A_212 : vector<16xf32>
      %add3A_214 = arith.constant 12 : i32
      %add3A_215 = arith.addi %mul3A_133, %add3A_214 : i32
      %get3A_216 = arith.index_cast %add3A_215 : i32 to index
      %get3A_217 = arith.constant 0 : index
      %get3A_218 = tpu.vector_load %arg6[%get3A_216, %get3A_217] {strides = array<i32>} : memref<640x128xf32, #tpu.memory_space<vmem>>, vector<1x16xf32>,
      %get3A_219 = vector.shape_cast %get3A_218 : vector<1x16xf32> to vector<16xf32>
      %add3A_220 = arith.addf %add3A_213, %get3A_219 : vector<16xf32>
      %add3A_221 = arith.constant 13 : i32
      %add3A_222 = arith.addi %mul3A_133, %add3A_221 : i32
      %get3A_223 = arith.index_cast %add3A_222 : i32 to index
      %get3A_224 = arith.constant 0 : index
      %get3A_225 = tpu.vector_load %arg6[%get3A_223, %get3A_224] {strides = array<i32>} : memref<640x128xf32, #tpu.memory_space<vmem>>, vector<1x16xf32>,
      %get3A_226 = vector.shape_cast %get3A_225 : vector<1x16xf32> to vector<16xf32>
      %add3A_227 = arith.addf %add3A_220, %get3A_226 : vector<16xf32>
      %add3A_228 = arith.constant 14 : i32
      %add3A_229 = arith.addi %mul3A_133, %add3A_228 : i32
      %get3A_230 = arith.index_cast %add3A_229 : i32 to index
      %get3A_231 = arith.constant 0 : index
      %get3A_232 = tpu.vector_load %arg6[%get3A_230, %get3A_231] {strides = array<i32>} : memref<640x128xf32, #tpu.memory_space<vmem>>, vector<1x16xf32>,
      %get3A_233 = vector.shape_cast %get3A_232 : vector<1x16xf32> to vector<16xf32>
      %add3A_234 = arith.addf %add3A_227, %get3A_233 : vector<16xf32>
      %add3A_235 = arith.constant 15 : i32
      %add3A_236 = arith.addi %mul3A_133, %add3A_235 : i32
      %get3A_237 = arith.index_cast %add3A_236 : i32 to index
      %get3A_238 = arith.constant 0 : index
      %get3A_239 = tpu.vector_load %arg6[%get3A_237, %get3A_238] {strides = array<i32>} : memref<640x128xf32, #tpu.memory_space<vmem>>, vector<1x16xf32>,
      %get3A_240 = vector.shape_cast %get3A_239 : vector<1x16xf32> to vector<16xf32>
      %add3A_241 = arith.addf %add3A_234, %get3A_240 : vector<16xf32>
      %add3A_242 = arith.constant 16 : i32
      %add3A_243 = arith.addi %mul3A_133, %add3A_242 : i32
      %get3A_244 = arith.index_cast %add3A_243 : i32 to index
      %get3A_245 = arith.constant 0 : index
      %get3A_246 = tpu.vector_load %arg6[%get3A_244, %get3A_245] {strides = array<i32>} : memref<640x128xf32, #tpu.memory_space<vmem>>, vector<1x16xf32>,
      %get3A_247 = vector.shape_cast %get3A_246 : vector<1x16xf32> to vector<16xf32>
      %add3A_248 = arith.addf %add3A_241, %get3A_247 : vector<16xf32>
      %add3A_249 = arith.constant 17 : i32
      %add3A_250 = arith.addi %mul3A_133, %add3A_249 : i32
      %get3A_251 = arith.index_cast %add3A_250 : i32 to index
      %get3A_252 = arith.constant 0 : index
      %get3A_253 = tpu.vector_load %arg6[%get3A_251, %get3A_252] {strides = array<i32>} : memref<640x128xf32, #tpu.memory_space<vmem>>, vector<1x16xf32>,
      %get3A_254 = vector.shape_cast %get3A_253 : vector<1x16xf32> to vector<16xf32>
      %add3A_255 = arith.addf %add3A_248, %get3A_254 : vector<16xf32>
      %add3A_256 = arith.constant 18 : i32
      %add3A_257 = arith.addi %mul3A_133, %add3A_256 : i32
      %get3A_258 = arith.index_cast %add3A_257 : i32 to index
      %get3A_259 = arith.constant 0 : index
      %get3A_260 = tpu.vector_load %arg6[%get3A_258, %get3A_259] {strides = array<i32>} : memref<640x128xf32, #tpu.memory_space<vmem>>, vector<1x16xf32>,
      %get3A_261 = vector.shape_cast %get3A_260 : vector<1x16xf32> to vector<16xf32>
      %add3A_262 = arith.addf %add3A_255, %get3A_261 : vector<16xf32>
      %add3A_263 = arith.constant 19 : i32
      %add3A_264 = arith.addi %mul3A_133, %add3A_263 : i32
      %get3A_265 = arith.index_cast %add3A_264 : i32 to index
      %get3A_266 = arith.constant 0 : index
      %get3A_267 = tpu.vector_load %arg6[%get3A_265, %get3A_266] {strides = array<i32>} : memref<640x128xf32, #tpu.memory_space<vmem>>, vector<1x16xf32>,
      %get3A_268 = vector.shape_cast %get3A_267 : vector<1x16xf32> to vector<16xf32>
      %add3A_269 = arith.addf %add3A_262, %get3A_268 : vector<16xf32>
      %mul3A_270 = arith.mulf %add3A_269, %broadcast_in_dim3A_50 : vector<16xf32>
      %swap3A = arith.index_cast %scan3A_131 : i32 to index
      %swap3A_271 = arith.constant 0 : index
      %swap3A_272 = tpu.vector_load %arg7[%swap3A, %swap3A_271] {strides = array<i32>} : memref<32x128xf32, #tpu.memory_space<vmem>>, vector<1x16xf32>,
      %swap3A_273 = vector.shape_cast %swap3A_272 : vector<1x16xf32> to vector<16xf32>
      %swap3A_274 = vector.shape_cast %mul3A_270 : vector<16xf32> to vector<1x16xf32>
      tpu.vector_store %arg7[%swap3A, %swap3A_271], %swap3A_274 {strides = array<i32>} : memref<32x128xf32, #tpu.memory_space<vmem>>, vector<1x16xf32>,
      %get3A_275 = arith.index_cast %mul3A_133 : i32 to index
      %get3A_276 = arith.constant 16 : index
      %get3A_277 = tpu.vector_load %arg6[%get3A_275, %get3A_276] {strides = array<i32>} : memref<640x128xf32, #tpu.memory_space<vmem>>, vector<1x16xf32>,
      %get3A_278 = vector.shape_cast %get3A_277 : vector<1x16xf32> to vector<16xf32>
      %add3A_279 = arith.constant 1 : i32
      %add3A_280 = arith.addi %mul3A_133, %add3A_279 : i32
      %get3A_281 = arith.index_cast %add3A_280 : i32 to index
      %get3A_282 = arith.constant 16 : index
      %get3A_283 = tpu.vector_load %arg6[%get3A_281, %get3A_282] {strides = array<i32>} : memref<640x128xf32, #tpu.memory_space<vmem>>, vector<1x16xf32>,
      %get3A_284 = vector.shape_cast %get3A_283 : vector<1x16xf32> to vector<16xf32>
      %add3A_285 = arith.addf %get3A_278, %get3A_284 : vector<16xf32>
      %add3A_286 = arith.constant 2 : i32
      %add3A_287 = arith.addi %mul3A_133, %add3A_286 : i32
      %get3A_288 = arith.index_cast %add3A_287 : i32 to index
      %get3A_289 = arith.constant 16 : index
      %get3A_290 = tpu.vector_load %arg6[%get3A_288, %get3A_289] {strides = array<i32>} : memref<640x128xf32, #tpu.memory_space<vmem>>, vector<1x16xf32>,
      %get3A_291 = vector.shape_cast %get3A_290 : vector<1x16xf32> to vector<16xf32>
      %add3A_292 = arith.addf %add3A_285, %get3A_291 : vector<16xf32>
      %add3A_293 = arith.constant 3 : i32
      %add3A_294 = arith.addi %mul3A_133, %add3A_293 : i32
      %get3A_295 = arith.index_cast %add3A_294 : i32 to index
      %get3A_296 = arith.constant 16 : index
      %get3A_297 = tpu.vector_load %arg6[%get3A_295, %get3A_296] {strides = array<i32>} : memref<640x128xf32, #tpu.memory_space<vmem>>, vector<1x16xf32>,
      %get3A_298 = vector.shape_cast %get3A_297 : vector<1x16xf32> to vector<16xf32>
      %add3A_299 = arith.addf %add3A_292, %get3A_298 : vector<16xf32>
      %add3A_300 = arith.constant 4 : i32
      %add3A_301 = arith.addi %mul3A_133, %add3A_300 : i32
      %get3A_302 = arith.index_cast %add3A_301 : i32 to index
      %get3A_303 = arith.constant 16 : index
      %get3A_304 = tpu.vector_load %arg6[%get3A_302, %get3A_303] {strides = array<i32>} : memref<640x128xf32, #tpu.memory_space<vmem>>, vector<1x16xf32>,
      %get3A_305 = vector.shape_cast %get3A_304 : vector<1x16xf32> to vector<16xf32>
      %add3A_306 = arith.addf %add3A_299, %get3A_305 : vector<16xf32>
      %add3A_307 = arith.constant 5 : i32
      %add3A_308 = arith.addi %mul3A_133, %add3A_307 : i32
      %get3A_309 = arith.index_cast %add3A_308 : i32 to index
      %get3A_310 = arith.constant 16 : index
      %get3A_311 = tpu.vector_load %arg6[%get3A_309, %get3A_310] {strides = array<i32>} : memref<640x128xf32, #tpu.memory_space<vmem>>, vector<1x16xf32>,
      %get3A_312 = vector.shape_cast %get3A_311 : vector<1x16xf32> to vector<16xf32>
      %add3A_313 = arith.addf %add3A_306, %get3A_312 : vector<16xf32>
      %add3A_314 = arith.constant 6 : i32
      %add3A_315 = arith.addi %mul3A_133, %add3A_314 : i32
      %get3A_316 = arith.index_cast %add3A_315 : i32 to index
      %get3A_317 = arith.constant 16 : index
      %get3A_318 = tpu.vector_load %arg6[%get3A_316, %get3A_317] {strides = array<i32>} : memref<640x128xf32, #tpu.memory_space<vmem>>, vector<1x16xf32>,
      %get3A_319 = vector.shape_cast %get3A_318 : vector<1x16xf32> to vector<16xf32>
      %add3A_320 = arith.addf %add3A_313, %get3A_319 : vector<16xf32>
      %add3A_321 = arith.constant 7 : i32
      %add3A_322 = arith.addi %mul3A_133, %add3A_321 : i32
      %get3A_323 = arith.index_cast %add3A_322 : i32 to index
      %get3A_324 = arith.constant 16 : index
      %get3A_325 = tpu.vector_load %arg6[%get3A_323, %get3A_324] {strides = array<i32>} : memref<640x128xf32, #tpu.memory_space<vmem>>, vector<1x16xf32>,
      %get3A_326 = vector.shape_cast %get3A_325 : vector<1x16xf32> to vector<16xf32>
      %add3A_327 = arith.addf %add3A_320, %get3A_326 : vector<16xf32>
      %add3A_328 = arith.constant 8 : i32
      %add3A_329 = arith.addi %mul3A_133, %add3A_328 : i32
      %get3A_330 = arith.index_cast %add3A_329 : i32 to index
      %get3A_331 = arith.constant 16 : index
      %get3A_332 = tpu.vector_load %arg6[%get3A_330, %get3A_331] {strides = array<i32>} : memref<640x128xf32, #tpu.memory_space<vmem>>, vector<1x16xf32>,
      %get3A_333 = vector.shape_cast %get3A_332 : vector<1x16xf32> to vector<16xf32>
      %add3A_334 = arith.addf %add3A_327, %get3A_333 : vector<16xf32>
      %add3A_335 = arith.constant 9 : i32
      %add3A_336 = arith.addi %mul3A_133, %add3A_335 : i32
      %get3A_337 = arith.index_cast %add3A_336 : i32 to index
      %get3A_338 = arith.constant 16 : index
      %get3A_339 = tpu.vector_load %arg6[%get3A_337, %get3A_338] {strides = array<i32>} : memref<640x128xf32, #tpu.memory_space<vmem>>, vector<1x16xf32>,
      %get3A_340 = vector.shape_cast %get3A_339 : vector<1x16xf32> to vector<16xf32>
      %add3A_341 = arith.addf %add3A_334, %get3A_340 : vector<16xf32>
      %add3A_342 = arith.constant 10 : i32
      %add3A_343 = arith.addi %mul3A_133, %add3A_342 : i32
      %get3A_344 = arith.index_cast %add3A_343 : i32 to index
      %get3A_345 = arith.constant 16 : index
      %get3A_346 = tpu.vector_load %arg6[%get3A_344, %get3A_345] {strides = array<i32>} : memref<640x128xf32, #tpu.memory_space<vmem>>, vector<1x16xf32>,
      %get3A_347 = vector.shape_cast %get3A_346 : vector<1x16xf32> to vector<16xf32>
      %add3A_348 = arith.addf %add3A_341, %get3A_347 : vector<16xf32>
      %add3A_349 = arith.constant 11 : i32
      %add3A_350 = arith.addi %mul3A_133, %add3A_349 : i32
      %get3A_351 = arith.index_cast %add3A_350 : i32 to index
      %get3A_352 = arith.constant 16 : index
      %get3A_353 = tpu.vector_load %arg6[%get3A_351, %get3A_352] {strides = array<i32>} : memref<640x128xf32, #tpu.memory_space<vmem>>, vector<1x16xf32>,
      %get3A_354 = vector.shape_cast %get3A_353 : vector<1x16xf32> to vector<16xf32>
      %add3A_355 = arith.addf %add3A_348, %get3A_354 : vector<16xf32>
      %add3A_356 = arith.constant 12 : i32
      %add3A_357 = arith.addi %mul3A_133, %add3A_356 : i32
      %get3A_358 = arith.index_cast %add3A_357 : i32 to index
      %get3A_359 = arith.constant 16 : index
      %get3A_360 = tpu.vector_load %arg6[%get3A_358, %get3A_359] {strides = array<i32>} : memref<640x128xf32, #tpu.memory_space<vmem>>, vector<1x16xf32>,
      %get3A_361 = vector.shape_cast %get3A_360 : vector<1x16xf32> to vector<16xf32>
      %add3A_362 = arith.addf %add3A_355, %get3A_361 : vector<16xf32>
      %add3A_363 = arith.constant 13 : i32
      %add3A_364 = arith.addi %mul3A_133, %add3A_363 : i32
      %get3A_365 = arith.index_cast %add3A_364 : i32 to index
      %get3A_366 = arith.constant 16 : index
      %get3A_367 = tpu.vector_load %arg6[%get3A_365, %get3A_366] {strides = array<i32>} : memref<640x128xf32, #tpu.memory_space<vmem>>, vector<1x16xf32>,
      %get3A_368 = vector.shape_cast %get3A_367 : vector<1x16xf32> to vector<16xf32>
      %add3A_369 = arith.addf %add3A_362, %get3A_368 : vector<16xf32>
      %add3A_370 = arith.constant 14 : i32
      %add3A_371 = arith.addi %mul3A_133, %add3A_370 : i32
      %get3A_372 = arith.index_cast %add3A_371 : i32 to index
      %get3A_373 = arith.constant 16 : index
      %get3A_374 = tpu.vector_load %arg6[%get3A_372, %get3A_373] {strides = array<i32>} : memref<640x128xf32, #tpu.memory_space<vmem>>, vector<1x16xf32>,
      %get3A_375 = vector.shape_cast %get3A_374 : vector<1x16xf32> to vector<16xf32>
      %add3A_376 = arith.addf %add3A_369, %get3A_375 : vector<16xf32>
      %add3A_377 = arith.constant 15 : i32
      %add3A_378 = arith.addi %mul3A_133, %add3A_377 : i32
      %get3A_379 = arith.index_cast %add3A_378 : i32 to index
      %get3A_380 = arith.constant 16 : index
      %get3A_381 = tpu.vector_load %arg6[%get3A_379, %get3A_380] {strides = array<i32>} : memref<640x128xf32, #tpu.memory_space<vmem>>, vector<1x16xf32>,
      %get3A_382 = vector.shape_cast %get3A_381 : vector<1x16xf32> to vector<16xf32>
      %add3A_383 = arith.addf %add3A_376, %get3A_382 : vector<16xf32>
      %add3A_384 = arith.constant 16 : i32
      %add3A_385 = arith.addi %mul3A_133, %add3A_384 : i32
      %get3A_386 = arith.index_cast %add3A_385 : i32 to index
      %get3A_387 = arith.constant 16 : index
      %get3A_388 = tpu.vector_load %arg6[%get3A_386, %get3A_387] {strides = array<i32>} : memref<640x128xf32, #tpu.memory_space<vmem>>, vector<1x16xf32>,
      %get3A_389 = vector.shape_cast %get3A_388 : vector<1x16xf32> to vector<16xf32>
      %add3A_390 = arith.addf %add3A_383, %get3A_389 : vector<16xf32>
      %add3A_391 = arith.constant 17 : i32
      %add3A_392 = arith.addi %mul3A_133, %add3A_391 : i32
      %get3A_393 = arith.index_cast %add3A_392 : i32 to index
      %get3A_394 = arith.constant 16 : index
      %get3A_395 = tpu.vector_load %arg6[%get3A_393, %get3A_394] {strides = array<i32>} : memref<640x128xf32, #tpu.memory_space<vmem>>, vector<1x16xf32>,
      %get3A_396 = vector.shape_cast %get3A_395 : vector<1x16xf32> to vector<16xf32>
      %add3A_397 = arith.addf %add3A_390, %get3A_396 : vector<16xf32>
      %add3A_398 = arith.constant 18 : i32
      %add3A_399 = arith.addi %mul3A_133, %add3A_398 : i32
      %get3A_400 = arith.index_cast %add3A_399 : i32 to index
      %get3A_401 = arith.constant 16 : index
      %get3A_402 = tpu.vector_load %arg6[%get3A_400, %get3A_401] {strides = array<i32>} : memref<640x128xf32, #tpu.memory_space<vmem>>, vector<1x16xf32>,
      %get3A_403 = vector.shape_cast %get3A_402 : vector<1x16xf32> to vector<16xf32>
      %add3A_404 = arith.addf %add3A_397, %get3A_403 : vector<16xf32>
      %add3A_405 = arith.constant 19 : i32
      %add3A_406 = arith.addi %mul3A_133, %add3A_405 : i32
      %get3A_407 = arith.index_cast %add3A_406 : i32 to index
      %get3A_408 = arith.constant 16 : index
      %get3A_409 = tpu.vector_load %arg6[%get3A_407, %get3A_408] {strides = array<i32>} : memref<640x128xf32, #tpu.memory_space<vmem>>, vector<1x16xf32>,
      %get3A_410 = vector.shape_cast %get3A_409 : vector<1x16xf32> to vector<16xf32>
      %add3A_411 = arith.addf %add3A_404, %get3A_410 : vector<16xf32>
      %mul3A_412 = arith.mulf %add3A_411, %broadcast_in_dim3A_50 : vector<16xf32>
      %swap3A_413 = arith.index_cast %scan3A_131 : i32 to index
      %swap3A_414 = arith.constant 16 : index
      %swap3A_415 = tpu.vector_load %arg7[%swap3A_413, %swap3A_414] {strides = array<i32>} : memref<32x128xf32, #tpu.memory_space<vmem>>, vector<1x16xf32>,
      %swap3A_416 = vector.shape_cast %swap3A_415 : vector<1x16xf32> to vector<16xf32>
      %swap3A_417 = vector.shape_cast %mul3A_412 : vector<16xf32> to vector<1x16xf32>
      tpu.vector_store %arg7[%swap3A_413, %swap3A_414], %swap3A_417 {strides = array<i32>} : memref<32x128xf32, #tpu.memory_space<vmem>>, vector<1x16xf32>,
      %get3A_418 = arith.index_cast %mul3A_133 : i32 to index
      %get3A_419 = arith.constant 32 : index
      %get3A_420 = tpu.vector_load %arg6[%get3A_418, %get3A_419] {strides = array<i32>} : memref<640x128xf32, #tpu.memory_space<vmem>>, vector<1x16xf32>,
      %get3A_421 = vector.shape_cast %get3A_420 : vector<1x16xf32> to vector<16xf32>
      %add3A_422 = arith.constant 1 : i32
      %add3A_423 = arith.addi %mul3A_133, %add3A_422 : i32
      %get3A_424 = arith.index_cast %add3A_423 : i32 to index
      %get3A_425 = arith.constant 32 : index
      %get3A_426 = tpu.vector_load %arg6[%get3A_424, %get3A_425] {strides = array<i32>} : memref<640x128xf32, #tpu.memory_space<vmem>>, vector<1x16xf32>,
      %get3A_427 = vector.shape_cast %get3A_426 : vector<1x16xf32> to vector<16xf32>
      %add3A_428 = arith.addf %get3A_421, %get3A_427 : vector<16xf32>
      %add3A_429 = arith.constant 2 : i32
      %add3A_430 = arith.addi %mul3A_133, %add3A_429 : i32
      %get3A_431 = arith.index_cast %add3A_430 : i32 to index
      %get3A_432 = arith.constant 32 : index
      %get3A_433 = tpu.vector_load %arg6[%get3A_431, %get3A_432] {strides = array<i32>} : memref<640x128xf32, #tpu.memory_space<vmem>>, vector<1x16xf32>,
      %get3A_434 = vector.shape_cast %get3A_433 : vector<1x16xf32> to vector<16xf32>
      %add3A_435 = arith.addf %add3A_428, %get3A_434 : vector<16xf32>
      %add3A_436 = arith.constant 3 : i32
      %add3A_437 = arith.addi %mul3A_133, %add3A_436 : i32
      %get3A_438 = arith.index_cast %add3A_437 : i32 to index
      %get3A_439 = arith.constant 32 : index
      %get3A_440 = tpu.vector_load %arg6[%get3A_438, %get3A_439] {strides = array<i32>} : memref<640x128xf32, #tpu.memory_space<vmem>>, vector<1x16xf32>,
      %get3A_441 = vector.shape_cast %get3A_440 : vector<1x16xf32> to vector<16xf32>
      %add3A_442 = arith.addf %add3A_435, %get3A_441 : vector<16xf32>
      %add3A_443 = arith.constant 4 : i32
      %add3A_444 = arith.addi %mul3A_133, %add3A_443 : i32
      %get3A_445 = arith.index_cast %add3A_444 : i32 to index
      %get3A_446 = arith.constant 32 : index
      %get3A_447 = tpu.vector_load %arg6[%get3A_445, %get3A_446] {strides = array<i32>} : memref<640x128xf32, #tpu.memory_space<vmem>>, vector<1x16xf32>,
      %get3A_448 = vector.shape_cast %get3A_447 : vector<1x16xf32> to vector<16xf32>
      %add3A_449 = arith.addf %add3A_442, %get3A_448 : vector<16xf32>
      %add3A_450 = arith.constant 5 : i32
      %add3A_451 = arith.addi %mul3A_133, %add3A_450 : i32
      %get3A_452 = arith.index_cast %add3A_451 : i32 to index
      %get3A_453 = arith.constant 32 : index
      %get3A_454 = tpu.vector_load %arg6[%get3A_452, %get3A_453] {strides = array<i32>} : memref<640x128xf32, #tpu.memory_space<vmem>>, vector<1x16xf32>,
      %get3A_455 = vector.shape_cast %get3A_454 : vector<1x16xf32> to vector<16xf32>
      %add3A_456 = arith.addf %add3A_449, %get3A_455 : vector<16xf32>
      %add3A_457 = arith.constant 6 : i32
      %add3A_458 = arith.addi %mul3A_133, %add3A_457 : i32
      %get3A_459 = arith.index_cast %add3A_458 : i32 to index
      %get3A_460 = arith.constant 32 : index
      %get3A_461 = tpu.vector_load %arg6[%get3A_459, %get3A_460] {strides = array<i32>} : memref<640x128xf32, #tpu.memory_space<vmem>>, vector<1x16xf32>,
      %get3A_462 = vector.shape_cast %get3A_461 : vector<1x16xf32> to vector<16xf32>
      %add3A_463 = arith.addf %add3A_456, %get3A_462 : vector<16xf32>
      %add3A_464 = arith.constant 7 : i32
      %add3A_465 = arith.addi %mul3A_133, %add3A_464 : i32
      %get3A_466 = arith.index_cast %add3A_465 : i32 to index
      %get3A_467 = arith.constant 32 : index
      %get3A_468 = tpu.vector_load %arg6[%get3A_466, %get3A_467] {strides = array<i32>} : memref<640x128xf32, #tpu.memory_space<vmem>>, vector<1x16xf32>,
      %get3A_469 = vector.shape_cast %get3A_468 : vector<1x16xf32> to vector<16xf32>
      %add3A_470 = arith.addf %add3A_463, %get3A_469 : vector<16xf32>
      %add3A_471 = arith.constant 8 : i32
      %add3A_472 = arith.addi %mul3A_133, %add3A_471 : i32
      %get3A_473 = arith.index_cast %add3A_472 : i32 to index
      %get3A_474 = arith.constant 32 : index
      %get3A_475 = tpu.vector_load %arg6[%get3A_473, %get3A_474] {strides = array<i32>} : memref<640x128xf32, #tpu.memory_space<vmem>>, vector<1x16xf32>,
      %get3A_476 = vector.shape_cast %get3A_475 : vector<1x16xf32> to vector<16xf32>
      %add3A_477 = arith.addf %add3A_470, %get3A_476 : vector<16xf32>
      %add3A_478 = arith.constant 9 : i32
      %add3A_479 = arith.addi %mul3A_133, %add3A_478 : i32
      %get3A_480 = arith.index_cast %add3A_479 : i32 to index
      %get3A_481 = arith.constant 32 : index
      %get3A_482 = tpu.vector_load %arg6[%get3A_480, %get3A_481] {strides = array<i32>} : memref<640x128xf32, #tpu.memory_space<vmem>>, vector<1x16xf32>,
      %get3A_483 = vector.shape_cast %get3A_482 : vector<1x16xf32> to vector<16xf32>
      %add3A_484 = arith.addf %add3A_477, %get3A_483 : vector<16xf32>
      %add3A_485 = arith.constant 10 : i32
      %add3A_486 = arith.addi %mul3A_133, %add3A_485 : i32
      %get3A_487 = arith.index_cast %add3A_486 : i32 to index
      %get3A_488 = arith.constant 32 : index
      %get3A_489 = tpu.vector_load %arg6[%get3A_487, %get3A_488] {strides = array<i32>} : memref<640x128xf32, #tpu.memory_space<vmem>>, vector<1x16xf32>,
      %get3A_490 = vector.shape_cast %get3A_489 : vector<1x16xf32> to vector<16xf32>
      %add3A_491 = arith.addf %add3A_484, %get3A_490 : vector<16xf32>
      %add3A_492 = arith.constant 11 : i32
      %add3A_493 = arith.addi %mul3A_133, %add3A_492 : i32
      %get3A_494 = arith.index_cast %add3A_493 : i32 to index
      %get3A_495 = arith.constant 32 : index
      %get3A_496 = tpu.vector_load %arg6[%get3A_494, %get3A_495] {strides = array<i32>} : memref<640x128xf32, #tpu.memory_space<vmem>>, vector<1x16xf32>,
      %get3A_497 = vector.shape_cast %get3A_496 : vector<1x16xf32> to vector<16xf32>
      %add3A_498 = arith.addf %add3A_491, %get3A_497 : vector<16xf32>
      %add3A_499 = arith.constant 12 : i32
      %add3A_500 = arith.addi %mul3A_133, %add3A_499 : i32
      %get3A_501 = arith.index_cast %add3A_500 : i32 to index
      %get3A_502 = arith.constant 32 : index
      %get3A_503 = tpu.vector_load %arg6[%get3A_501, %get3A_502] {strides = array<i32>} : memref<640x128xf32, #tpu.memory_space<vmem>>, vector<1x16xf32>,
      %get3A_504 = vector.shape_cast %get3A_503 : vector<1x16xf32> to vector<16xf32>
      %add3A_505 = arith.addf %add3A_498, %get3A_504 : vector<16xf32>
      %add3A_506 = arith.constant 13 : i32
      %add3A_507 = arith.addi %mul3A_133, %add3A_506 : i32
      %get3A_508 = arith.index_cast %add3A_507 : i32 to index
      %get3A_509 = arith.constant 32 : index
      %get3A_510 = tpu.vector_load %arg6[%get3A_508, %get3A_509] {strides = array<i32>} : memref<640x128xf32, #tpu.memory_space<vmem>>, vector<1x16xf32>,
      %get3A_511 = vector.shape_cast %get3A_510 : vector<1x16xf32> to vector<16xf32>
      %add3A_512 = arith.addf %add3A_505, %get3A_511 : vector<16xf32>
      %add3A_513 = arith.constant 14 : i32
      %add3A_514 = arith.addi %mul3A_133, %add3A_513 : i32
      %get3A_515 = arith.index_cast %add3A_514 : i32 to index
      %get3A_516 = arith.constant 32 : index
      %get3A_517 = tpu.vector_load %arg6[%get3A_515, %get3A_516] {strides = array<i32>} : memref<640x128xf32, #tpu.memory_space<vmem>>, vector<1x16xf32>,
      %get3A_518 = vector.shape_cast %get3A_517 : vector<1x16xf32> to vector<16xf32>
      %add3A_519 = arith.addf %add3A_512, %get3A_518 : vector<16xf32>
      %add3A_520 = arith.constant 15 : i32
      %add3A_521 = arith.addi %mul3A_133, %add3A_520 : i32
      %get3A_522 = arith.index_cast %add3A_521 : i32 to index
      %get3A_523 = arith.constant 32 : index
      %get3A_524 = tpu.vector_load %arg6[%get3A_522, %get3A_523] {strides = array<i32>} : memref<640x128xf32, #tpu.memory_space<vmem>>, vector<1x16xf32>,
      %get3A_525 = vector.shape_cast %get3A_524 : vector<1x16xf32> to vector<16xf32>
      %add3A_526 = arith.addf %add3A_519, %get3A_525 : vector<16xf32>
      %add3A_527 = arith.constant 16 : i32
      %add3A_528 = arith.addi %mul3A_133, %add3A_527 : i32
      %get3A_529 = arith.index_cast %add3A_528 : i32 to index
      %get3A_530 = arith.constant 32 : index
      %get3A_531 = tpu.vector_load %arg6[%get3A_529, %get3A_530] {strides = array<i32>} : memref<640x128xf32, #tpu.memory_space<vmem>>, vector<1x16xf32>,
      %get3A_532 = vector.shape_cast %get3A_531 : vector<1x16xf32> to vector<16xf32>
      %add3A_533 = arith.addf %add3A_526, %get3A_532 : vector<16xf32>
      %add3A_534 = arith.constant 17 : i32
      %add3A_535 = arith.addi %mul3A_133, %add3A_534 : i32
      %get3A_536 = arith.index_cast %add3A_535 : i32 to index
      %get3A_537 = arith.constant 32 : index
      %get3A_538 = tpu.vector_load %arg6[%get3A_536, %get3A_537] {strides = array<i32>} : memref<640x128xf32, #tpu.memory_space<vmem>>, vector<1x16xf32>,
      %get3A_539 = vector.shape_cast %get3A_538 : vector<1x16xf32> to vector<16xf32>
      %add3A_540 = arith.addf %add3A_533, %get3A_539 : vector<16xf32>
      %add3A_541 = arith.constant 18 : i32
      %add3A_542 = arith.addi %mul3A_133, %add3A_541 : i32
      %get3A_543 = arith.index_cast %add3A_542 : i32 to index
      %get3A_544 = arith.constant 32 : index
      %get3A_545 = tpu.vector_load %arg6[%get3A_543, %get3A_544] {strides = array<i32>} : memref<640x128xf32, #tpu.memory_space<vmem>>, vector<1x16xf32>,
      %get3A_546 = vector.shape_cast %get3A_545 : vector<1x16xf32> to vector<16xf32>
      %add3A_547 = arith.addf %add3A_540, %get3A_546 : vector<16xf32>
      %add3A_548 = arith.constant 19 : i32
      %add3A_549 = arith.addi %mul3A_133, %add3A_548 : i32
      %get3A_550 = arith.index_cast %add3A_549 : i32 to index
      %get3A_551 = arith.constant 32 : index
      %get3A_552 = tpu.vector_load %arg6[%get3A_550, %get3A_551] {strides = array<i32>} : memref<640x128xf32, #tpu.memory_space<vmem>>, vector<1x16xf32>,
      %get3A_553 = vector.shape_cast %get3A_552 : vector<1x16xf32> to vector<16xf32>
      %add3A_554 = arith.addf %add3A_547, %get3A_553 : vector<16xf32>
      %mul3A_555 = arith.mulf %add3A_554, %broadcast_in_dim3A_50 : vector<16xf32>
      %swap3A_556 = arith.index_cast %scan3A_131 : i32 to index
      %swap3A_557 = arith.constant 32 : index
      %swap3A_558 = tpu.vector_load %arg7[%swap3A_556, %swap3A_557] {strides = array<i32>} : memref<32x128xf32, #tpu.memory_space<vmem>>, vector<1x16xf32>,
      %swap3A_559 = vector.shape_cast %swap3A_558 : vector<1x16xf32> to vector<16xf32>
      %swap3A_560 = vector.shape_cast %mul3A_555 : vector<16xf32> to vector<1x16xf32>
      tpu.vector_store %arg7[%swap3A_556, %swap3A_557], %swap3A_560 {strides = array<i32>} : memref<32x128xf32, #tpu.memory_space<vmem>>, vector<1x16xf32>,
      %get3A_561 = arith.index_cast %mul3A_133 : i32 to index
      %get3A_562 = arith.constant 48 : index
      %get3A_563 = tpu.vector_load %arg6[%get3A_561, %get3A_562] {strides = array<i32>} : memref<640x128xf32, #tpu.memory_space<vmem>>, vector<1x16xf32>,
      %get3A_564 = vector.shape_cast %get3A_563 : vector<1x16xf32> to vector<16xf32>
      %add3A_565 = arith.constant 1 : i32
      %add3A_566 = arith.addi %mul3A_133, %add3A_565 : i32
      %get3A_567 = arith.index_cast %add3A_566 : i32 to index
      %get3A_568 = arith.constant 48 : index
      %get3A_569 = tpu.vector_load %arg6[%get3A_567, %get3A_568] {strides = array<i32>} : memref<640x128xf32, #tpu.memory_space<vmem>>, vector<1x16xf32>,
      %get3A_570 = vector.shape_cast %get3A_569 : vector<1x16xf32> to vector<16xf32>
      %add3A_571 = arith.addf %get3A_564, %get3A_570 : vector<16xf32>
      %add3A_572 = arith.constant 2 : i32
      %add3A_573 = arith.addi %mul3A_133, %add3A_572 : i32
      %get3A_574 = arith.index_cast %add3A_573 : i32 to index
      %get3A_575 = arith.constant 48 : index
      %get3A_576 = tpu.vector_load %arg6[%get3A_574, %get3A_575] {strides = array<i32>} : memref<640x128xf32, #tpu.memory_space<vmem>>, vector<1x16xf32>,
      %get3A_577 = vector.shape_cast %get3A_576 : vector<1x16xf32> to vector<16xf32>
      %add3A_578 = arith.addf %add3A_571, %get3A_577 : vector<16xf32>
      %add3A_579 = arith.constant 3 : i32
      %add3A_580 = arith.addi %mul3A_133, %add3A_579 : i32
      %get3A_581 = arith.index_cast %add3A_580 : i32 to index
      %get3A_582 = arith.constant 48 : index
      %get3A_583 = tpu.vector_load %arg6[%get3A_581, %get3A_582] {strides = array<i32>} : memref<640x128xf32, #tpu.memory_space<vmem>>, vector<1x16xf32>,
      %get3A_584 = vector.shape_cast %get3A_583 : vector<1x16xf32> to vector<16xf32>
      %add3A_585 = arith.addf %add3A_578, %get3A_584 : vector<16xf32>
      %add3A_586 = arith.constant 4 : i32
      %add3A_587 = arith.addi %mul3A_133, %add3A_586 : i32
      %get3A_588 = arith.index_cast %add3A_587 : i32 to index
      %get3A_589 = arith.constant 48 : index
      %get3A_590 = tpu.vector_load %arg6[%get3A_588, %get3A_589] {strides = array<i32>} : memref<640x128xf32, #tpu.memory_space<vmem>>, vector<1x16xf32>,
      %get3A_591 = vector.shape_cast %get3A_590 : vector<1x16xf32> to vector<16xf32>
      %add3A_592 = arith.addf %add3A_585, %get3A_591 : vector<16xf32>
      %add3A_593 = arith.constant 5 : i32
      %add3A_594 = arith.addi %mul3A_133, %add3A_593 : i32
      %get3A_595 = arith.index_cast %add3A_594 : i32 to index
      %get3A_596 = arith.constant 48 : index
      %get3A_597 = tpu.vector_load %arg6[%get3A_595, %get3A_596] {strides = array<i32>} : memref<640x128xf32, #tpu.memory_space<vmem>>, vector<1x16xf32>,
      %get3A_598 = vector.shape_cast %get3A_597 : vector<1x16xf32> to vector<16xf32>
      %add3A_599 = arith.addf %add3A_592, %get3A_598 : vector<16xf32>
      %add3A_600 = arith.constant 6 : i32
      %add3A_601 = arith.addi %mul3A_133, %add3A_600 : i32
      %get3A_602 = arith.index_cast %add3A_601 : i32 to index
      %get3A_603 = arith.constant 48 : index
      %get3A_604 = tpu.vector_load %arg6[%get3A_602, %get3A_603] {strides = array<i32>} : memref<640x128xf32, #tpu.memory_space<vmem>>, vector<1x16xf32>,
      %get3A_605 = vector.shape_cast %get3A_604 : vector<1x16xf32> to vector<16xf32>
      %add3A_606 = arith.addf %add3A_599, %get3A_605 : vector<16xf32>
      %add3A_607 = arith.constant 7 : i32
      %add3A_608 = arith.addi %mul3A_133, %add3A_607 : i32
      %get3A_609 = arith.index_cast %add3A_608 : i32 to index
      %get3A_610 = arith.constant 48 : index
      %get3A_611 = tpu.vector_load %arg6[%get3A_609, %get3A_610] {strides = array<i32>} : memref<640x128xf32, #tpu.memory_space<vmem>>, vector<1x16xf32>,
      %get3A_612 = vector.shape_cast %get3A_611 : vector<1x16xf32> to vector<16xf32>
      %add3A_613 = arith.addf %add3A_606, %get3A_612 : vector<16xf32>
      %add3A_614 = arith.constant 8 : i32
      %add3A_615 = arith.addi %mul3A_133, %add3A_614 : i32
      %get3A_616 = arith.index_cast %add3A_615 : i32 to index
      %get3A_617 = arith.constant 48 : index
      %get3A_618 = tpu.vector_load %arg6[%get3A_616, %get3A_617] {strides = array<i32>} : memref<640x128xf32, #tpu.memory_space<vmem>>, vector<1x16xf32>,
      %get3A_619 = vector.shape_cast %get3A_618 : vector<1x16xf32> to vector<16xf32>
      %add3A_620 = arith.addf %add3A_613, %get3A_619 : vector<16xf32>
      %add3A_621 = arith.constant 9 : i32
      %add3A_622 = arith.addi %mul3A_133, %add3A_621 : i32
      %get3A_623 = arith.index_cast %add3A_622 : i32 to index
      %get3A_624 = arith.constant 48 : index
      %get3A_625 = tpu.vector_load %arg6[%get3A_623, %get3A_624] {strides = array<i32>} : memref<640x128xf32, #tpu.memory_space<vmem>>, vector<1x16xf32>,
      %get3A_626 = vector.shape_cast %get3A_625 : vector<1x16xf32> to vector<16xf32>
      %add3A_627 = arith.addf %add3A_620, %get3A_626 : vector<16xf32>
      %add3A_628 = arith.constant 10 : i32
      %add3A_629 = arith.addi %mul3A_133, %add3A_628 : i32
      %get3A_630 = arith.index_cast %add3A_629 : i32 to index
      %get3A_631 = arith.constant 48 : index
      %get3A_632 = tpu.vector_load %arg6[%get3A_630, %get3A_631] {strides = array<i32>} : memref<640x128xf32, #tpu.memory_space<vmem>>, vector<1x16xf32>,
      %get3A_633 = vector.shape_cast %get3A_632 : vector<1x16xf32> to vector<16xf32>
      %add3A_634 = arith.addf %add3A_627, %get3A_633 : vector<16xf32>
      %add3A_635 = arith.constant 11 : i32
      %add3A_636 = arith.addi %mul3A_133, %add3A_635 : i32
      %get3A_637 = arith.index_cast %add3A_636 : i32 to index
      %get3A_638 = arith.constant 48 : index
      %get3A_639 = tpu.vector_load %arg6[%get3A_637, %get3A_638] {strides = array<i32>} : memref<640x128xf32, #tpu.memory_space<vmem>>, vector<1x16xf32>,
      %get3A_640 = vector.shape_cast %get3A_639 : vector<1x16xf32> to vector<16xf32>
      %add3A_641 = arith.addf %add3A_634, %get3A_640 : vector<16xf32>
      %add3A_642 = arith.constant 12 : i32
      %add3A_643 = arith.addi %mul3A_133, %add3A_642 : i32
      %get3A_644 = arith.index_cast %add3A_643 : i32 to index
      %get3A_645 = arith.constant 48 : index
      %get3A_646 = tpu.vector_load %arg6[%get3A_644, %get3A_645] {strides = array<i32>} : memref<640x128xf32, #tpu.memory_space<vmem>>, vector<1x16xf32>,
      %get3A_647 = vector.shape_cast %get3A_646 : vector<1x16xf32> to vector<16xf32>
      %add3A_648 = arith.addf %add3A_641, %get3A_647 : vector<16xf32>
      %add3A_649 = arith.constant 13 : i32
      %add3A_650 = arith.addi %mul3A_133, %add3A_649 : i32
      %get3A_651 = arith.index_cast %add3A_650 : i32 to index
      %get3A_652 = arith.constant 48 : index
      %get3A_653 = tpu.vector_load %arg6[%get3A_651, %get3A_652] {strides = array<i32>} : memref<640x128xf32, #tpu.memory_space<vmem>>, vector<1x16xf32>,
      %get3A_654 = vector.shape_cast %get3A_653 : vector<1x16xf32> to vector<16xf32>
      %add3A_655 = arith.addf %add3A_648, %get3A_654 : vector<16xf32>
      %add3A_656 = arith.constant 14 : i32
      %add3A_657 = arith.addi %mul3A_133, %add3A_656 : i32
      %get3A_658 = arith.index_cast %add3A_657 : i32 to index
      %get3A_659 = arith.constant 48 : index
      %get3A_660 = tpu.vector_load %arg6[%get3A_658, %get3A_659] {strides = array<i32>} : memref<640x128xf32, #tpu.memory_space<vmem>>, vector<1x16xf32>,
      %get3A_661 = vector.shape_cast %get3A_660 : vector<1x16xf32> to vector<16xf32>
      %add3A_662 = arith.addf %add3A_655, %get3A_661 : vector<16xf32>
      %add3A_663 = arith.constant 15 : i32
      %add3A_664 = arith.addi %mul3A_133, %add3A_663 : i32
      %get3A_665 = arith.index_cast %add3A_664 : i32 to index
      %get3A_666 = arith.constant 48 : index
      %get3A_667 = tpu.vector_load %arg6[%get3A_665, %get3A_666] {strides = array<i32>} : memref<640x128xf32, #tpu.memory_space<vmem>>, vector<1x16xf32>,
      %get3A_668 = vector.shape_cast %get3A_667 : vector<1x16xf32> to vector<16xf32>
      %add3A_669 = arith.addf %add3A_662, %get3A_668 : vector<16xf32>
      %add3A_670 = arith.constant 16 : i32
      %add3A_671 = arith.addi %mul3A_133, %add3A_670 : i32
      %get3A_672 = arith.index_cast %add3A_671 : i32 to index
      %get3A_673 = arith.constant 48 : index
      %get3A_674 = tpu.vector_load %arg6[%get3A_672, %get3A_673] {strides = array<i32>} : memref<640x128xf32, #tpu.memory_space<vmem>>, vector<1x16xf32>,
      %get3A_675 = vector.shape_cast %get3A_674 : vector<1x16xf32> to vector<16xf32>
      %add3A_676 = arith.addf %add3A_669, %get3A_675 : vector<16xf32>
      %add3A_677 = arith.constant 17 : i32
      %add3A_678 = arith.addi %mul3A_133, %add3A_677 : i32
      %get3A_679 = arith.index_cast %add3A_678 : i32 to index
      %get3A_680 = arith.constant 48 : index
      %get3A_681 = tpu.vector_load %arg6[%get3A_679, %get3A_680] {strides = array<i32>} : memref<640x128xf32, #tpu.memory_space<vmem>>, vector<1x16xf32>,
      %get3A_682 = vector.shape_cast %get3A_681 : vector<1x16xf32> to vector<16xf32>
      %add3A_683 = arith.addf %add3A_676, %get3A_682 : vector<16xf32>
      %add3A_684 = arith.constant 18 : i32
      %add3A_685 = arith.addi %mul3A_133, %add3A_684 : i32
      %get3A_686 = arith.index_cast %add3A_685 : i32 to index
      %get3A_687 = arith.constant 48 : index
      %get3A_688 = tpu.vector_load %arg6[%get3A_686, %get3A_687] {strides = array<i32>} : memref<640x128xf32, #tpu.memory_space<vmem>>, vector<1x16xf32>,
      %get3A_689 = vector.shape_cast %get3A_688 : vector<1x16xf32> to vector<16xf32>
      %add3A_690 = arith.addf %add3A_683, %get3A_689 : vector<16xf32>
      %add3A_691 = arith.constant 19 : i32
      %add3A_692 = arith.addi %mul3A_133, %add3A_691 : i32
      %get3A_693 = arith.index_cast %add3A_692 : i32 to index
      %get3A_694 = arith.constant 48 : index
      %get3A_695 = tpu.vector_load %arg6[%get3A_693, %get3A_694] {strides = array<i32>} : memref<640x128xf32, #tpu.memory_space<vmem>>, vector<1x16xf32>,
      %get3A_696 = vector.shape_cast %get3A_695 : vector<1x16xf32> to vector<16xf32>
      %add3A_697 = arith.addf %add3A_690, %get3A_696 : vector<16xf32>
      %mul3A_698 = arith.mulf %add3A_697, %broadcast_in_dim3A_50 : vector<16xf32>
      %swap3A_699 = arith.index_cast %scan3A_131 : i32 to index
      %swap3A_700 = arith.constant 48 : index
      %swap3A_701 = tpu.vector_load %arg7[%swap3A_699, %swap3A_700] {strides = array<i32>} : memref<32x128xf32, #tpu.memory_space<vmem>>, vector<1x16xf32>,
      %swap3A_702 = vector.shape_cast %swap3A_701 : vector<1x16xf32> to vector<16xf32>
      %swap3A_703 = vector.shape_cast %mul3A_698 : vector<16xf32> to vector<1x16xf32>
      tpu.vector_store %arg7[%swap3A_699, %swap3A_700], %swap3A_703 {strides = array<i32>} : memref<32x128xf32, #tpu.memory_space<vmem>>, vector<1x16xf32>,
    }
    %scan3A_80 = arith.constant 6 : i32
    %dma_wait3A_81 = arith.constant 2 : i32
    %dma_wait3A_82 = arith.constant 256 : i32
    %dma_wait3A_83 = arith.constant 0 : i32
    %dma_wait3A_84 = tpu.memref_slice %arg6[%dma_wait3A_82, %dma_wait3A_83] : memref<640x128xf32, #tpu.memory_space<vmem>> -> memref<128x128xf32, #tpu.memory_space<vmem>>
    %dma_wait3A_85 = arith.constant 0 : i32
    %dma_wait3A_86 = tpu.memref_slice %arg5[%dma_wait3A_81, %dma_wait3A_85] : memref<5x128xi32, #tpu.memory_space<vmem>> -> memref<1x128xi32, #tpu.memory_space<vmem>>
    %dma_wait3A_87 = tpu.memref_squeeze %dma_wait3A_86 : memref<1x128xi32, #tpu.memory_space<vmem>> -> memref<128xi32, #tpu.memory_space<vmem>>
    %dma_wait3A_88 = arith.constant 0 : i32
    %dma_wait3A_89 = arith.constant 0 : i32
    %dma_wait3A_90 = tpu.memref_slice %arg3[%dma_wait3A_88, %dma_wait3A_89] : memref<100000x128xf32, #tpu.memory_space<hbm>> -> memref<100000x128xf32, #tpu.memory_space<hbm>>
    tpu.wait_indirect_dma semaphore(%arg8 : memref<!tpu.dma_semaphore, #tpu.memory_space<semaphore_mem>>) src(%dma_wait3A_90 : memref<100000x128xf32, #tpu.memory_space<hbm>>) dst(%dma_wait3A_84 : memref<128x128xf32, #tpu.memory_space<vmem>>)
    %scan3A_91 = arith.constant 0 : i32
    %scan3A_92 = arith.constant 12 : i32
    %scan3A_93 = arith.constant 7 : i32
    %scan3A_94 = arith.addi %scan3A_92, %scan3A_93 : i32
    %scan3A_95 = arith.constant 1 : i32
    scf.for %scan3A_131 = %scan3A_92 to %scan3A_94 step %scan3A_95  : i32 {
      %mul3A_132 = arith.constant 20 : i32
      %mul3A_133 = arith.muli %scan3A_131, %mul3A_132 : i32
      %get3A = arith.index_cast %mul3A_133 : i32 to index
      %get3A_134 = arith.constant 0 : index
      %get3A_135 = tpu.vector_load %arg6[%get3A, %get3A_134] {strides = array<i32>} : memref<640x128xf32, #tpu.memory_space<vmem>>, vector<1x16xf32>,
      %get3A_136 = vector.shape_cast %get3A_135 : vector<1x16xf32> to vector<16xf32>
      %add3A_137 = arith.constant 1 : i32
      %add3A_138 = arith.addi %mul3A_133, %add3A_137 : i32
      %get3A_139 = arith.index_cast %add3A_138 : i32 to index
      %get3A_140 = arith.constant 0 : index
      %get3A_141 = tpu.vector_load %arg6[%get3A_139, %get3A_140] {strides = array<i32>} : memref<640x128xf32, #tpu.memory_space<vmem>>, vector<1x16xf32>,
      %get3A_142 = vector.shape_cast %get3A_141 : vector<1x16xf32> to vector<16xf32>
      %add3A_143 = arith.addf %get3A_136, %get3A_142 : vector<16xf32>
      %add3A_144 = arith.constant 2 : i32
      %add3A_145 = arith.addi %mul3A_133, %add3A_144 : i32
      %get3A_146 = arith.index_cast %add3A_145 : i32 to index
      %get3A_147 = arith.constant 0 : index
      %get3A_148 = tpu.vector_load %arg6[%get3A_146, %get3A_147] {strides = array<i32>} : memref<640x128xf32, #tpu.memory_space<vmem>>, vector<1x16xf32>,
      %get3A_149 = vector.shape_cast %get3A_148 : vector<1x16xf32> to vector<16xf32>
      %add3A_150 = arith.addf %add3A_143, %get3A_149 : vector<16xf32>
      %add3A_151 = arith.constant 3 : i32
      %add3A_152 = arith.addi %mul3A_133, %add3A_151 : i32
      %get3A_153 = arith.index_cast %add3A_152 : i32 to index
      %get3A_154 = arith.constant 0 : index
      %get3A_155 = tpu.vector_load %arg6[%get3A_153, %get3A_154] {strides = array<i32>} : memref<640x128xf32, #tpu.memory_space<vmem>>, vector<1x16xf32>,
      %get3A_156 = vector.shape_cast %get3A_155 : vector<1x16xf32> to vector<16xf32>
      %add3A_157 = arith.addf %add3A_150, %get3A_156 : vector<16xf32>
      %add3A_158 = arith.constant 4 : i32
      %add3A_159 = arith.addi %mul3A_133, %add3A_158 : i32
      %get3A_160 = arith.index_cast %add3A_159 : i32 to index
      %get3A_161 = arith.constant 0 : index
      %get3A_162 = tpu.vector_load %arg6[%get3A_160, %get3A_161] {strides = array<i32>} : memref<640x128xf32, #tpu.memory_space<vmem>>, vector<1x16xf32>,
      %get3A_163 = vector.shape_cast %get3A_162 : vector<1x16xf32> to vector<16xf32>
      %add3A_164 = arith.addf %add3A_157, %get3A_163 : vector<16xf32>
      %add3A_165 = arith.constant 5 : i32
      %add3A_166 = arith.addi %mul3A_133, %add3A_165 : i32
      %get3A_167 = arith.index_cast %add3A_166 : i32 to index
      %get3A_168 = arith.constant 0 : index
      %get3A_169 = tpu.vector_load %arg6[%get3A_167, %get3A_168] {strides = array<i32>} : memref<640x128xf32, #tpu.memory_space<vmem>>, vector<1x16xf32>,
      %get3A_170 = vector.shape_cast %get3A_169 : vector<1x16xf32> to vector<16xf32>
      %add3A_171 = arith.addf %add3A_164, %get3A_170 : vector<16xf32>
      %add3A_172 = arith.constant 6 : i32
      %add3A_173 = arith.addi %mul3A_133, %add3A_172 : i32
      %get3A_174 = arith.index_cast %add3A_173 : i32 to index
      %get3A_175 = arith.constant 0 : index
      %get3A_176 = tpu.vector_load %arg6[%get3A_174, %get3A_175] {strides = array<i32>} : memref<640x128xf32, #tpu.memory_space<vmem>>, vector<1x16xf32>,
      %get3A_177 = vector.shape_cast %get3A_176 : vector<1x16xf32> to vector<16xf32>
      %add3A_178 = arith.addf %add3A_171, %get3A_177 : vector<16xf32>
      %add3A_179 = arith.constant 7 : i32
      %add3A_180 = arith.addi %mul3A_133, %add3A_179 : i32
      %get3A_181 = arith.index_cast %add3A_180 : i32 to index
      %get3A_182 = arith.constant 0 : index
      %get3A_183 = tpu.vector_load %arg6[%get3A_181, %get3A_182] {strides = array<i32>} : memref<640x128xf32, #tpu.memory_space<vmem>>, vector<1x16xf32>,
      %get3A_184 = vector.shape_cast %get3A_183 : vector<1x16xf32> to vector<16xf32>
      %add3A_185 = arith.addf %add3A_178, %get3A_184 : vector<16xf32>
      %add3A_186 = arith.constant 8 : i32
      %add3A_187 = arith.addi %mul3A_133, %add3A_186 : i32
      %get3A_188 = arith.index_cast %add3A_187 : i32 to index
      %get3A_189 = arith.constant 0 : index
      %get3A_190 = tpu.vector_load %arg6[%get3A_188, %get3A_189] {strides = array<i32>} : memref<640x128xf32, #tpu.memory_space<vmem>>, vector<1x16xf32>,
      %get3A_191 = vector.shape_cast %get3A_190 : vector<1x16xf32> to vector<16xf32>
      %add3A_192 = arith.addf %add3A_185, %get3A_191 : vector<16xf32>
      %add3A_193 = arith.constant 9 : i32
      %add3A_194 = arith.addi %mul3A_133, %add3A_193 : i32
      %get3A_195 = arith.index_cast %add3A_194 : i32 to index
      %get3A_196 = arith.constant 0 : index
      %get3A_197 = tpu.vector_load %arg6[%get3A_195, %get3A_196] {strides = array<i32>} : memref<640x128xf32, #tpu.memory_space<vmem>>, vector<1x16xf32>,
      %get3A_198 = vector.shape_cast %get3A_197 : vector<1x16xf32> to vector<16xf32>
      %add3A_199 = arith.addf %add3A_192, %get3A_198 : vector<16xf32>
      %add3A_200 = arith.constant 10 : i32
      %add3A_201 = arith.addi %mul3A_133, %add3A_200 : i32
      %get3A_202 = arith.index_cast %add3A_201 : i32 to index
      %get3A_203 = arith.constant 0 : index
      %get3A_204 = tpu.vector_load %arg6[%get3A_202, %get3A_203] {strides = array<i32>} : memref<640x128xf32, #tpu.memory_space<vmem>>, vector<1x16xf32>,
      %get3A_205 = vector.shape_cast %get3A_204 : vector<1x16xf32> to vector<16xf32>
      %add3A_206 = arith.addf %add3A_199, %get3A_205 : vector<16xf32>
      %add3A_207 = arith.constant 11 : i32
      %add3A_208 = arith.addi %mul3A_133, %add3A_207 : i32
      %get3A_209 = arith.index_cast %add3A_208 : i32 to index
      %get3A_210 = arith.constant 0 : index
      %get3A_211 = tpu.vector_load %arg6[%get3A_209, %get3A_210] {strides = array<i32>} : memref<640x128xf32, #tpu.memory_space<vmem>>, vector<1x16xf32>,
      %get3A_212 = vector.shape_cast %get3A_211 : vector<1x16xf32> to vector<16xf32>
      %add3A_213 = arith.addf %add3A_206, %get3A_212 : vector<16xf32>
      %add3A_214 = arith.constant 12 : i32
      %add3A_215 = arith.addi %mul3A_133, %add3A_214 : i32
      %get3A_216 = arith.index_cast %add3A_215 : i32 to index
      %get3A_217 = arith.constant 0 : index
      %get3A_218 = tpu.vector_load %arg6[%get3A_216, %get3A_217] {strides = array<i32>} : memref<640x128xf32, #tpu.memory_space<vmem>>, vector<1x16xf32>,
      %get3A_219 = vector.shape_cast %get3A_218 : vector<1x16xf32> to vector<16xf32>
      %add3A_220 = arith.addf %add3A_213, %get3A_219 : vector<16xf32>
      %add3A_221 = arith.constant 13 : i32
      %add3A_222 = arith.addi %mul3A_133, %add3A_221 : i32
      %get3A_223 = arith.index_cast %add3A_222 : i32 to index
      %get3A_224 = arith.constant 0 : index
      %get3A_225 = tpu.vector_load %arg6[%get3A_223, %get3A_224] {strides = array<i32>} : memref<640x128xf32, #tpu.memory_space<vmem>>, vector<1x16xf32>,
      %get3A_226 = vector.shape_cast %get3A_225 : vector<1x16xf32> to vector<16xf32>
      %add3A_227 = arith.addf %add3A_220, %get3A_226 : vector<16xf32>
      %add3A_228 = arith.constant 14 : i32
      %add3A_229 = arith.addi %mul3A_133, %add3A_228 : i32
      %get3A_230 = arith.index_cast %add3A_229 : i32 to index
      %get3A_231 = arith.constant 0 : index
      %get3A_232 = tpu.vector_load %arg6[%get3A_230, %get3A_231] {strides = array<i32>} : memref<640x128xf32, #tpu.memory_space<vmem>>, vector<1x16xf32>,
      %get3A_233 = vector.shape_cast %get3A_232 : vector<1x16xf32> to vector<16xf32>
      %add3A_234 = arith.addf %add3A_227, %get3A_233 : vector<16xf32>
      %add3A_235 = arith.constant 15 : i32
      %add3A_236 = arith.addi %mul3A_133, %add3A_235 : i32
      %get3A_237 = arith.index_cast %add3A_236 : i32 to index
      %get3A_238 = arith.constant 0 : index
      %get3A_239 = tpu.vector_load %arg6[%get3A_237, %get3A_238] {strides = array<i32>} : memref<640x128xf32, #tpu.memory_space<vmem>>, vector<1x16xf32>,
      %get3A_240 = vector.shape_cast %get3A_239 : vector<1x16xf32> to vector<16xf32>
      %add3A_241 = arith.addf %add3A_234, %get3A_240 : vector<16xf32>
      %add3A_242 = arith.constant 16 : i32
      %add3A_243 = arith.addi %mul3A_133, %add3A_242 : i32
      %get3A_244 = arith.index_cast %add3A_243 : i32 to index
      %get3A_245 = arith.constant 0 : index
      %get3A_246 = tpu.vector_load %arg6[%get3A_244, %get3A_245] {strides = array<i32>} : memref<640x128xf32, #tpu.memory_space<vmem>>, vector<1x16xf32>,
      %get3A_247 = vector.shape_cast %get3A_246 : vector<1x16xf32> to vector<16xf32>
      %add3A_248 = arith.addf %add3A_241, %get3A_247 : vector<16xf32>
      %add3A_249 = arith.constant 17 : i32
      %add3A_250 = arith.addi %mul3A_133, %add3A_249 : i32
      %get3A_251 = arith.index_cast %add3A_250 : i32 to index
      %get3A_252 = arith.constant 0 : index
      %get3A_253 = tpu.vector_load %arg6[%get3A_251, %get3A_252] {strides = array<i32>} : memref<640x128xf32, #tpu.memory_space<vmem>>, vector<1x16xf32>,
      %get3A_254 = vector.shape_cast %get3A_253 : vector<1x16xf32> to vector<16xf32>
      %add3A_255 = arith.addf %add3A_248, %get3A_254 : vector<16xf32>
      %add3A_256 = arith.constant 18 : i32
      %add3A_257 = arith.addi %mul3A_133, %add3A_256 : i32
      %get3A_258 = arith.index_cast %add3A_257 : i32 to index
      %get3A_259 = arith.constant 0 : index
      %get3A_260 = tpu.vector_load %arg6[%get3A_258, %get3A_259] {strides = array<i32>} : memref<640x128xf32, #tpu.memory_space<vmem>>, vector<1x16xf32>,
      %get3A_261 = vector.shape_cast %get3A_260 : vector<1x16xf32> to vector<16xf32>
      %add3A_262 = arith.addf %add3A_255, %get3A_261 : vector<16xf32>
      %add3A_263 = arith.constant 19 : i32
      %add3A_264 = arith.addi %mul3A_133, %add3A_263 : i32
      %get3A_265 = arith.index_cast %add3A_264 : i32 to index
      %get3A_266 = arith.constant 0 : index
      %get3A_267 = tpu.vector_load %arg6[%get3A_265, %get3A_266] {strides = array<i32>} : memref<640x128xf32, #tpu.memory_space<vmem>>, vector<1x16xf32>,
      %get3A_268 = vector.shape_cast %get3A_267 : vector<1x16xf32> to vector<16xf32>
      %add3A_269 = arith.addf %add3A_262, %get3A_268 : vector<16xf32>
      %mul3A_270 = arith.mulf %add3A_269, %broadcast_in_dim3A_50 : vector<16xf32>
      %swap3A = arith.index_cast %scan3A_131 : i32 to index
      %swap3A_271 = arith.constant 0 : index
      %swap3A_272 = tpu.vector_load %arg7[%swap3A, %swap3A_271] {strides = array<i32>} : memref<32x128xf32, #tpu.memory_space<vmem>>, vector<1x16xf32>,
      %swap3A_273 = vector.shape_cast %swap3A_272 : vector<1x16xf32> to vector<16xf32>
      %swap3A_274 = vector.shape_cast %mul3A_270 : vector<16xf32> to vector<1x16xf32>
      tpu.vector_store %arg7[%swap3A, %swap3A_271], %swap3A_274 {strides = array<i32>} : memref<32x128xf32, #tpu.memory_space<vmem>>, vector<1x16xf32>,
      %get3A_275 = arith.index_cast %mul3A_133 : i32 to index
      %get3A_276 = arith.constant 16 : index
      %get3A_277 = tpu.vector_load %arg6[%get3A_275, %get3A_276] {strides = array<i32>} : memref<640x128xf32, #tpu.memory_space<vmem>>, vector<1x16xf32>,
      %get3A_278 = vector.shape_cast %get3A_277 : vector<1x16xf32> to vector<16xf32>
      %add3A_279 = arith.constant 1 : i32
      %add3A_280 = arith.addi %mul3A_133, %add3A_279 : i32
      %get3A_281 = arith.index_cast %add3A_280 : i32 to index
      %get3A_282 = arith.constant 16 : index
      %get3A_283 = tpu.vector_load %arg6[%get3A_281, %get3A_282] {strides = array<i32>} : memref<640x128xf32, #tpu.memory_space<vmem>>, vector<1x16xf32>,
      %get3A_284 = vector.shape_cast %get3A_283 : vector<1x16xf32> to vector<16xf32>
      %add3A_285 = arith.addf %get3A_278, %get3A_284 : vector<16xf32>
      %add3A_286 = arith.constant 2 : i32
      %add3A_287 = arith.addi %mul3A_133, %add3A_286 : i32
      %get3A_288 = arith.index_cast %add3A_287 : i32 to index
      %get3A_289 = arith.constant 16 : index
      %get3A_290 = tpu.vector_load %arg6[%get3A_288, %get3A_289] {strides = array<i32>} : memref<640x128xf32, #tpu.memory_space<vmem>>, vector<1x16xf32>,
      %get3A_291 = vector.shape_cast %get3A_290 : vector<1x16xf32> to vector<16xf32>
      %add3A_292 = arith.addf %add3A_285, %get3A_291 : vector<16xf32>
      %add3A_293 = arith.constant 3 : i32
      %add3A_294 = arith.addi %mul3A_133, %add3A_293 : i32
      %get3A_295 = arith.index_cast %add3A_294 : i32 to index
      %get3A_296 = arith.constant 16 : index
      %get3A_297 = tpu.vector_load %arg6[%get3A_295, %get3A_296] {strides = array<i32>} : memref<640x128xf32, #tpu.memory_space<vmem>>, vector<1x16xf32>,
      %get3A_298 = vector.shape_cast %get3A_297 : vector<1x16xf32> to vector<16xf32>
      %add3A_299 = arith.addf %add3A_292, %get3A_298 : vector<16xf32>
      %add3A_300 = arith.constant 4 : i32
      %add3A_301 = arith.addi %mul3A_133, %add3A_300 : i32
      %get3A_302 = arith.index_cast %add3A_301 : i32 to index
      %get3A_303 = arith.constant 16 : index
      %get3A_304 = tpu.vector_load %arg6[%get3A_302, %get3A_303] {strides = array<i32>} : memref<640x128xf32, #tpu.memory_space<vmem>>, vector<1x16xf32>,
      %get3A_305 = vector.shape_cast %get3A_304 : vector<1x16xf32> to vector<16xf32>
      %add3A_306 = arith.addf %add3A_299, %get3A_305 : vector<16xf32>
      %add3A_307 = arith.constant 5 : i32
      %add3A_308 = arith.addi %mul3A_133, %add3A_307 : i32
      %get3A_309 = arith.index_cast %add3A_308 : i32 to index
      %get3A_310 = arith.constant 16 : index
      %get3A_311 = tpu.vector_load %arg6[%get3A_309, %get3A_310] {strides = array<i32>} : memref<640x128xf32, #tpu.memory_space<vmem>>, vector<1x16xf32>,
      %get3A_312 = vector.shape_cast %get3A_311 : vector<1x16xf32> to vector<16xf32>
      %add3A_313 = arith.addf %add3A_306, %get3A_312 : vector<16xf32>
      %add3A_314 = arith.constant 6 : i32
      %add3A_315 = arith.addi %mul3A_133, %add3A_314 : i32
      %get3A_316 = arith.index_cast %add3A_315 : i32 to index
      %get3A_317 = arith.constant 16 : index
      %get3A_318 = tpu.vector_load %arg6[%get3A_316, %get3A_317] {strides = array<i32>} : memref<640x128xf32, #tpu.memory_space<vmem>>, vector<1x16xf32>,
      %get3A_319 = vector.shape_cast %get3A_318 : vector<1x16xf32> to vector<16xf32>
      %add3A_320 = arith.addf %add3A_313, %get3A_319 : vector<16xf32>
      %add3A_321 = arith.constant 7 : i32
      %add3A_322 = arith.addi %mul3A_133, %add3A_321 : i32
      %get3A_323 = arith.index_cast %add3A_322 : i32 to index
      %get3A_324 = arith.constant 16 : index
      %get3A_325 = tpu.vector_load %arg6[%get3A_323, %get3A_324] {strides = array<i32>} : memref<640x128xf32, #tpu.memory_space<vmem>>, vector<1x16xf32>,
      %get3A_326 = vector.shape_cast %get3A_325 : vector<1x16xf32> to vector<16xf32>
      %add3A_327 = arith.addf %add3A_320, %get3A_326 : vector<16xf32>
      %add3A_328 = arith.constant 8 : i32
      %add3A_329 = arith.addi %mul3A_133, %add3A_328 : i32
      %get3A_330 = arith.index_cast %add3A_329 : i32 to index
      %get3A_331 = arith.constant 16 : index
      %get3A_332 = tpu.vector_load %arg6[%get3A_330, %get3A_331] {strides = array<i32>} : memref<640x128xf32, #tpu.memory_space<vmem>>, vector<1x16xf32>,
      %get3A_333 = vector.shape_cast %get3A_332 : vector<1x16xf32> to vector<16xf32>
      %add3A_334 = arith.addf %add3A_327, %get3A_333 : vector<16xf32>
      %add3A_335 = arith.constant 9 : i32
      %add3A_336 = arith.addi %mul3A_133, %add3A_335 : i32
      %get3A_337 = arith.index_cast %add3A_336 : i32 to index
      %get3A_338 = arith.constant 16 : index
      %get3A_339 = tpu.vector_load %arg6[%get3A_337, %get3A_338] {strides = array<i32>} : memref<640x128xf32, #tpu.memory_space<vmem>>, vector<1x16xf32>,
      %get3A_340 = vector.shape_cast %get3A_339 : vector<1x16xf32> to vector<16xf32>
      %add3A_341 = arith.addf %add3A_334, %get3A_340 : vector<16xf32>
      %add3A_342 = arith.constant 10 : i32
      %add3A_343 = arith.addi %mul3A_133, %add3A_342 : i32
      %get3A_344 = arith.index_cast %add3A_343 : i32 to index
      %get3A_345 = arith.constant 16 : index
      %get3A_346 = tpu.vector_load %arg6[%get3A_344, %get3A_345] {strides = array<i32>} : memref<640x128xf32, #tpu.memory_space<vmem>>, vector<1x16xf32>,
      %get3A_347 = vector.shape_cast %get3A_346 : vector<1x16xf32> to vector<16xf32>
      %add3A_348 = arith.addf %add3A_341, %get3A_347 : vector<16xf32>
      %add3A_349 = arith.constant 11 : i32
      %add3A_350 = arith.addi %mul3A_133, %add3A_349 : i32
      %get3A_351 = arith.index_cast %add3A_350 : i32 to index
      %get3A_352 = arith.constant 16 : index
      %get3A_353 = tpu.vector_load %arg6[%get3A_351, %get3A_352] {strides = array<i32>} : memref<640x128xf32, #tpu.memory_space<vmem>>, vector<1x16xf32>,
      %get3A_354 = vector.shape_cast %get3A_353 : vector<1x16xf32> to vector<16xf32>
      %add3A_355 = arith.addf %add3A_348, %get3A_354 : vector<16xf32>
      %add3A_356 = arith.constant 12 : i32
      %add3A_357 = arith.addi %mul3A_133, %add3A_356 : i32
      %get3A_358 = arith.index_cast %add3A_357 : i32 to index
      %get3A_359 = arith.constant 16 : index
      %get3A_360 = tpu.vector_load %arg6[%get3A_358, %get3A_359] {strides = array<i32>} : memref<640x128xf32, #tpu.memory_space<vmem>>, vector<1x16xf32>,
      %get3A_361 = vector.shape_cast %get3A_360 : vector<1x16xf32> to vector<16xf32>
      %add3A_362 = arith.addf %add3A_355, %get3A_361 : vector<16xf32>
      %add3A_363 = arith.constant 13 : i32
      %add3A_364 = arith.addi %mul3A_133, %add3A_363 : i32
      %get3A_365 = arith.index_cast %add3A_364 : i32 to index
      %get3A_366 = arith.constant 16 : index
      %get3A_367 = tpu.vector_load %arg6[%get3A_365, %get3A_366] {strides = array<i32>} : memref<640x128xf32, #tpu.memory_space<vmem>>, vector<1x16xf32>,
      %get3A_368 = vector.shape_cast %get3A_367 : vector<1x16xf32> to vector<16xf32>
      %add3A_369 = arith.addf %add3A_362, %get3A_368 : vector<16xf32>
      %add3A_370 = arith.constant 14 : i32
      %add3A_371 = arith.addi %mul3A_133, %add3A_370 : i32
      %get3A_372 = arith.index_cast %add3A_371 : i32 to index
      %get3A_373 = arith.constant 16 : index
      %get3A_374 = tpu.vector_load %arg6[%get3A_372, %get3A_373] {strides = array<i32>} : memref<640x128xf32, #tpu.memory_space<vmem>>, vector<1x16xf32>,
      %get3A_375 = vector.shape_cast %get3A_374 : vector<1x16xf32> to vector<16xf32>
      %add3A_376 = arith.addf %add3A_369, %get3A_375 : vector<16xf32>
      %add3A_377 = arith.constant 15 : i32
      %add3A_378 = arith.addi %mul3A_133, %add3A_377 : i32
      %get3A_379 = arith.index_cast %add3A_378 : i32 to index
      %get3A_380 = arith.constant 16 : index
      %get3A_381 = tpu.vector_load %arg6[%get3A_379, %get3A_380] {strides = array<i32>} : memref<640x128xf32, #tpu.memory_space<vmem>>, vector<1x16xf32>,
      %get3A_382 = vector.shape_cast %get3A_381 : vector<1x16xf32> to vector<16xf32>
      %add3A_383 = arith.addf %add3A_376, %get3A_382 : vector<16xf32>
      %add3A_384 = arith.constant 16 : i32
      %add3A_385 = arith.addi %mul3A_133, %add3A_384 : i32
      %get3A_386 = arith.index_cast %add3A_385 : i32 to index
      %get3A_387 = arith.constant 16 : index
      %get3A_388 = tpu.vector_load %arg6[%get3A_386, %get3A_387] {strides = array<i32>} : memref<640x128xf32, #tpu.memory_space<vmem>>, vector<1x16xf32>,
      %get3A_389 = vector.shape_cast %get3A_388 : vector<1x16xf32> to vector<16xf32>
      %add3A_390 = arith.addf %add3A_383, %get3A_389 : vector<16xf32>
      %add3A_391 = arith.constant 17 : i32
      %add3A_392 = arith.addi %mul3A_133, %add3A_391 : i32
      %get3A_393 = arith.index_cast %add3A_392 : i32 to index
      %get3A_394 = arith.constant 16 : index
      %get3A_395 = tpu.vector_load %arg6[%get3A_393, %get3A_394] {strides = array<i32>} : memref<640x128xf32, #tpu.memory_space<vmem>>, vector<1x16xf32>,
      %get3A_396 = vector.shape_cast %get3A_395 : vector<1x16xf32> to vector<16xf32>
      %add3A_397 = arith.addf %add3A_390, %get3A_396 : vector<16xf32>
      %add3A_398 = arith.constant 18 : i32
      %add3A_399 = arith.addi %mul3A_133, %add3A_398 : i32
      %get3A_400 = arith.index_cast %add3A_399 : i32 to index
      %get3A_401 = arith.constant 16 : index
      %get3A_402 = tpu.vector_load %arg6[%get3A_400, %get3A_401] {strides = array<i32>} : memref<640x128xf32, #tpu.memory_space<vmem>>, vector<1x16xf32>,
      %get3A_403 = vector.shape_cast %get3A_402 : vector<1x16xf32> to vector<16xf32>
      %add3A_404 = arith.addf %add3A_397, %get3A_403 : vector<16xf32>
      %add3A_405 = arith.constant 19 : i32
      %add3A_406 = arith.addi %mul3A_133, %add3A_405 : i32
      %get3A_407 = arith.index_cast %add3A_406 : i32 to index
      %get3A_408 = arith.constant 16 : index
      %get3A_409 = tpu.vector_load %arg6[%get3A_407, %get3A_408] {strides = array<i32>} : memref<640x128xf32, #tpu.memory_space<vmem>>, vector<1x16xf32>,
      %get3A_410 = vector.shape_cast %get3A_409 : vector<1x16xf32> to vector<16xf32>
      %add3A_411 = arith.addf %add3A_404, %get3A_410 : vector<16xf32>
      %mul3A_412 = arith.mulf %add3A_411, %broadcast_in_dim3A_50 : vector<16xf32>
      %swap3A_413 = arith.index_cast %scan3A_131 : i32 to index
      %swap3A_414 = arith.constant 16 : index
      %swap3A_415 = tpu.vector_load %arg7[%swap3A_413, %swap3A_414] {strides = array<i32>} : memref<32x128xf32, #tpu.memory_space<vmem>>, vector<1x16xf32>,
      %swap3A_416 = vector.shape_cast %swap3A_415 : vector<1x16xf32> to vector<16xf32>
      %swap3A_417 = vector.shape_cast %mul3A_412 : vector<16xf32> to vector<1x16xf32>
      tpu.vector_store %arg7[%swap3A_413, %swap3A_414], %swap3A_417 {strides = array<i32>} : memref<32x128xf32, #tpu.memory_space<vmem>>, vector<1x16xf32>,
      %get3A_418 = arith.index_cast %mul3A_133 : i32 to index
      %get3A_419 = arith.constant 32 : index
      %get3A_420 = tpu.vector_load %arg6[%get3A_418, %get3A_419] {strides = array<i32>} : memref<640x128xf32, #tpu.memory_space<vmem>>, vector<1x16xf32>,
      %get3A_421 = vector.shape_cast %get3A_420 : vector<1x16xf32> to vector<16xf32>
      %add3A_422 = arith.constant 1 : i32
      %add3A_423 = arith.addi %mul3A_133, %add3A_422 : i32
      %get3A_424 = arith.index_cast %add3A_423 : i32 to index
      %get3A_425 = arith.constant 32 : index
      %get3A_426 = tpu.vector_load %arg6[%get3A_424, %get3A_425] {strides = array<i32>} : memref<640x128xf32, #tpu.memory_space<vmem>>, vector<1x16xf32>,
      %get3A_427 = vector.shape_cast %get3A_426 : vector<1x16xf32> to vector<16xf32>
      %add3A_428 = arith.addf %get3A_421, %get3A_427 : vector<16xf32>
      %add3A_429 = arith.constant 2 : i32
      %add3A_430 = arith.addi %mul3A_133, %add3A_429 : i32
      %get3A_431 = arith.index_cast %add3A_430 : i32 to index
      %get3A_432 = arith.constant 32 : index
      %get3A_433 = tpu.vector_load %arg6[%get3A_431, %get3A_432] {strides = array<i32>} : memref<640x128xf32, #tpu.memory_space<vmem>>, vector<1x16xf32>,
      %get3A_434 = vector.shape_cast %get3A_433 : vector<1x16xf32> to vector<16xf32>
      %add3A_435 = arith.addf %add3A_428, %get3A_434 : vector<16xf32>
      %add3A_436 = arith.constant 3 : i32
      %add3A_437 = arith.addi %mul3A_133, %add3A_436 : i32
      %get3A_438 = arith.index_cast %add3A_437 : i32 to index
      %get3A_439 = arith.constant 32 : index
      %get3A_440 = tpu.vector_load %arg6[%get3A_438, %get3A_439] {strides = array<i32>} : memref<640x128xf32, #tpu.memory_space<vmem>>, vector<1x16xf32>,
      %get3A_441 = vector.shape_cast %get3A_440 : vector<1x16xf32> to vector<16xf32>
      %add3A_442 = arith.addf %add3A_435, %get3A_441 : vector<16xf32>
      %add3A_443 = arith.constant 4 : i32
      %add3A_444 = arith.addi %mul3A_133, %add3A_443 : i32
      %get3A_445 = arith.index_cast %add3A_444 : i32 to index
      %get3A_446 = arith.constant 32 : index
      %get3A_447 = tpu.vector_load %arg6[%get3A_445, %get3A_446] {strides = array<i32>} : memref<640x128xf32, #tpu.memory_space<vmem>>, vector<1x16xf32>,
      %get3A_448 = vector.shape_cast %get3A_447 : vector<1x16xf32> to vector<16xf32>
      %add3A_449 = arith.addf %add3A_442, %get3A_448 : vector<16xf32>
      %add3A_450 = arith.constant 5 : i32
      %add3A_451 = arith.addi %mul3A_133, %add3A_450 : i32
      %get3A_452 = arith.index_cast %add3A_451 : i32 to index
      %get3A_453 = arith.constant 32 : index
      %get3A_454 = tpu.vector_load %arg6[%get3A_452, %get3A_453] {strides = array<i32>} : memref<640x128xf32, #tpu.memory_space<vmem>>, vector<1x16xf32>,
      %get3A_455 = vector.shape_cast %get3A_454 : vector<1x16xf32> to vector<16xf32>
      %add3A_456 = arith.addf %add3A_449, %get3A_455 : vector<16xf32>
      %add3A_457 = arith.constant 6 : i32
      %add3A_458 = arith.addi %mul3A_133, %add3A_457 : i32
      %get3A_459 = arith.index_cast %add3A_458 : i32 to index
      %get3A_460 = arith.constant 32 : index
      %get3A_461 = tpu.vector_load %arg6[%get3A_459, %get3A_460] {strides = array<i32>} : memref<640x128xf32, #tpu.memory_space<vmem>>, vector<1x16xf32>,
      %get3A_462 = vector.shape_cast %get3A_461 : vector<1x16xf32> to vector<16xf32>
      %add3A_463 = arith.addf %add3A_456, %get3A_462 : vector<16xf32>
      %add3A_464 = arith.constant 7 : i32
      %add3A_465 = arith.addi %mul3A_133, %add3A_464 : i32
      %get3A_466 = arith.index_cast %add3A_465 : i32 to index
      %get3A_467 = arith.constant 32 : index
      %get3A_468 = tpu.vector_load %arg6[%get3A_466, %get3A_467] {strides = array<i32>} : memref<640x128xf32, #tpu.memory_space<vmem>>, vector<1x16xf32>,
      %get3A_469 = vector.shape_cast %get3A_468 : vector<1x16xf32> to vector<16xf32>
      %add3A_470 = arith.addf %add3A_463, %get3A_469 : vector<16xf32>
      %add3A_471 = arith.constant 8 : i32
      %add3A_472 = arith.addi %mul3A_133, %add3A_471 : i32
      %get3A_473 = arith.index_cast %add3A_472 : i32 to index
      %get3A_474 = arith.constant 32 : index
      %get3A_475 = tpu.vector_load %arg6[%get3A_473, %get3A_474] {strides = array<i32>} : memref<640x128xf32, #tpu.memory_space<vmem>>, vector<1x16xf32>,
      %get3A_476 = vector.shape_cast %get3A_475 : vector<1x16xf32> to vector<16xf32>
      %add3A_477 = arith.addf %add3A_470, %get3A_476 : vector<16xf32>
      %add3A_478 = arith.constant 9 : i32
      %add3A_479 = arith.addi %mul3A_133, %add3A_478 : i32
      %get3A_480 = arith.index_cast %add3A_479 : i32 to index
      %get3A_481 = arith.constant 32 : index
      %get3A_482 = tpu.vector_load %arg6[%get3A_480, %get3A_481] {strides = array<i32>} : memref<640x128xf32, #tpu.memory_space<vmem>>, vector<1x16xf32>,
      %get3A_483 = vector.shape_cast %get3A_482 : vector<1x16xf32> to vector<16xf32>
      %add3A_484 = arith.addf %add3A_477, %get3A_483 : vector<16xf32>
      %add3A_485 = arith.constant 10 : i32
      %add3A_486 = arith.addi %mul3A_133, %add3A_485 : i32
      %get3A_487 = arith.index_cast %add3A_486 : i32 to index
      %get3A_488 = arith.constant 32 : index
      %get3A_489 = tpu.vector_load %arg6[%get3A_487, %get3A_488] {strides = array<i32>} : memref<640x128xf32, #tpu.memory_space<vmem>>, vector<1x16xf32>,
      %get3A_490 = vector.shape_cast %get3A_489 : vector<1x16xf32> to vector<16xf32>
      %add3A_491 = arith.addf %add3A_484, %get3A_490 : vector<16xf32>
      %add3A_492 = arith.constant 11 : i32
      %add3A_493 = arith.addi %mul3A_133, %add3A_492 : i32
      %get3A_494 = arith.index_cast %add3A_493 : i32 to index
      %get3A_495 = arith.constant 32 : index
      %get3A_496 = tpu.vector_load %arg6[%get3A_494, %get3A_495] {strides = array<i32>} : memref<640x128xf32, #tpu.memory_space<vmem>>, vector<1x16xf32>,
      %get3A_497 = vector.shape_cast %get3A_496 : vector<1x16xf32> to vector<16xf32>
      %add3A_498 = arith.addf %add3A_491, %get3A_497 : vector<16xf32>
      %add3A_499 = arith.constant 12 : i32
      %add3A_500 = arith.addi %mul3A_133, %add3A_499 : i32
      %get3A_501 = arith.index_cast %add3A_500 : i32 to index
      %get3A_502 = arith.constant 32 : index
      %get3A_503 = tpu.vector_load %arg6[%get3A_501, %get3A_502] {strides = array<i32>} : memref<640x128xf32, #tpu.memory_space<vmem>>, vector<1x16xf32>,
      %get3A_504 = vector.shape_cast %get3A_503 : vector<1x16xf32> to vector<16xf32>
      %add3A_505 = arith.addf %add3A_498, %get3A_504 : vector<16xf32>
      %add3A_506 = arith.constant 13 : i32
      %add3A_507 = arith.addi %mul3A_133, %add3A_506 : i32
      %get3A_508 = arith.index_cast %add3A_507 : i32 to index
      %get3A_509 = arith.constant 32 : index
      %get3A_510 = tpu.vector_load %arg6[%get3A_508, %get3A_509] {strides = array<i32>} : memref<640x128xf32, #tpu.memory_space<vmem>>, vector<1x16xf32>,
      %get3A_511 = vector.shape_cast %get3A_510 : vector<1x16xf32> to vector<16xf32>
      %add3A_512 = arith.addf %add3A_505, %get3A_511 : vector<16xf32>
      %add3A_513 = arith.constant 14 : i32
      %add3A_514 = arith.addi %mul3A_133, %add3A_513 : i32
      %get3A_515 = arith.index_cast %add3A_514 : i32 to index
      %get3A_516 = arith.constant 32 : index
      %get3A_517 = tpu.vector_load %arg6[%get3A_515, %get3A_516] {strides = array<i32>} : memref<640x128xf32, #tpu.memory_space<vmem>>, vector<1x16xf32>,
      %get3A_518 = vector.shape_cast %get3A_517 : vector<1x16xf32> to vector<16xf32>
      %add3A_519 = arith.addf %add3A_512, %get3A_518 : vector<16xf32>
      %add3A_520 = arith.constant 15 : i32
      %add3A_521 = arith.addi %mul3A_133, %add3A_520 : i32
      %get3A_522 = arith.index_cast %add3A_521 : i32 to index
      %get3A_523 = arith.constant 32 : index
      %get3A_524 = tpu.vector_load %arg6[%get3A_522, %get3A_523] {strides = array<i32>} : memref<640x128xf32, #tpu.memory_space<vmem>>, vector<1x16xf32>,
      %get3A_525 = vector.shape_cast %get3A_524 : vector<1x16xf32> to vector<16xf32>
      %add3A_526 = arith.addf %add3A_519, %get3A_525 : vector<16xf32>
      %add3A_527 = arith.constant 16 : i32
      %add3A_528 = arith.addi %mul3A_133, %add3A_527 : i32
      %get3A_529 = arith.index_cast %add3A_528 : i32 to index
      %get3A_530 = arith.constant 32 : index
      %get3A_531 = tpu.vector_load %arg6[%get3A_529, %get3A_530] {strides = array<i32>} : memref<640x128xf32, #tpu.memory_space<vmem>>, vector<1x16xf32>,
      %get3A_532 = vector.shape_cast %get3A_531 : vector<1x16xf32> to vector<16xf32>
      %add3A_533 = arith.addf %add3A_526, %get3A_532 : vector<16xf32>
      %add3A_534 = arith.constant 17 : i32
      %add3A_535 = arith.addi %mul3A_133, %add3A_534 : i32
      %get3A_536 = arith.index_cast %add3A_535 : i32 to index
      %get3A_537 = arith.constant 32 : index
      %get3A_538 = tpu.vector_load %arg6[%get3A_536, %get3A_537] {strides = array<i32>} : memref<640x128xf32, #tpu.memory_space<vmem>>, vector<1x16xf32>,
      %get3A_539 = vector.shape_cast %get3A_538 : vector<1x16xf32> to vector<16xf32>
      %add3A_540 = arith.addf %add3A_533, %get3A_539 : vector<16xf32>
      %add3A_541 = arith.constant 18 : i32
      %add3A_542 = arith.addi %mul3A_133, %add3A_541 : i32
      %get3A_543 = arith.index_cast %add3A_542 : i32 to index
      %get3A_544 = arith.constant 32 : index
      %get3A_545 = tpu.vector_load %arg6[%get3A_543, %get3A_544] {strides = array<i32>} : memref<640x128xf32, #tpu.memory_space<vmem>>, vector<1x16xf32>,
      %get3A_546 = vector.shape_cast %get3A_545 : vector<1x16xf32> to vector<16xf32>
      %add3A_547 = arith.addf %add3A_540, %get3A_546 : vector<16xf32>
      %add3A_548 = arith.constant 19 : i32
      %add3A_549 = arith.addi %mul3A_133, %add3A_548 : i32
      %get3A_550 = arith.index_cast %add3A_549 : i32 to index
      %get3A_551 = arith.constant 32 : index
      %get3A_552 = tpu.vector_load %arg6[%get3A_550, %get3A_551] {strides = array<i32>} : memref<640x128xf32, #tpu.memory_space<vmem>>, vector<1x16xf32>,
      %get3A_553 = vector.shape_cast %get3A_552 : vector<1x16xf32> to vector<16xf32>
      %add3A_554 = arith.addf %add3A_547, %get3A_553 : vector<16xf32>
      %mul3A_555 = arith.mulf %add3A_554, %broadcast_in_dim3A_50 : vector<16xf32>
      %swap3A_556 = arith.index_cast %scan3A_131 : i32 to index
      %swap3A_557 = arith.constant 32 : index
      %swap3A_558 = tpu.vector_load %arg7[%swap3A_556, %swap3A_557] {strides = array<i32>} : memref<32x128xf32, #tpu.memory_space<vmem>>, vector<1x16xf32>,
      %swap3A_559 = vector.shape_cast %swap3A_558 : vector<1x16xf32> to vector<16xf32>
      %swap3A_560 = vector.shape_cast %mul3A_555 : vector<16xf32> to vector<1x16xf32>
      tpu.vector_store %arg7[%swap3A_556, %swap3A_557], %swap3A_560 {strides = array<i32>} : memref<32x128xf32, #tpu.memory_space<vmem>>, vector<1x16xf32>,
      %get3A_561 = arith.index_cast %mul3A_133 : i32 to index
      %get3A_562 = arith.constant 48 : index
      %get3A_563 = tpu.vector_load %arg6[%get3A_561, %get3A_562] {strides = array<i32>} : memref<640x128xf32, #tpu.memory_space<vmem>>, vector<1x16xf32>,
      %get3A_564 = vector.shape_cast %get3A_563 : vector<1x16xf32> to vector<16xf32>
      %add3A_565 = arith.constant 1 : i32
      %add3A_566 = arith.addi %mul3A_133, %add3A_565 : i32
      %get3A_567 = arith.index_cast %add3A_566 : i32 to index
      %get3A_568 = arith.constant 48 : index
      %get3A_569 = tpu.vector_load %arg6[%get3A_567, %get3A_568] {strides = array<i32>} : memref<640x128xf32, #tpu.memory_space<vmem>>, vector<1x16xf32>,
      %get3A_570 = vector.shape_cast %get3A_569 : vector<1x16xf32> to vector<16xf32>
      %add3A_571 = arith.addf %get3A_564, %get3A_570 : vector<16xf32>
      %add3A_572 = arith.constant 2 : i32
      %add3A_573 = arith.addi %mul3A_133, %add3A_572 : i32
      %get3A_574 = arith.index_cast %add3A_573 : i32 to index
      %get3A_575 = arith.constant 48 : index
      %get3A_576 = tpu.vector_load %arg6[%get3A_574, %get3A_575] {strides = array<i32>} : memref<640x128xf32, #tpu.memory_space<vmem>>, vector<1x16xf32>,
      %get3A_577 = vector.shape_cast %get3A_576 : vector<1x16xf32> to vector<16xf32>
      %add3A_578 = arith.addf %add3A_571, %get3A_577 : vector<16xf32>
      %add3A_579 = arith.constant 3 : i32
      %add3A_580 = arith.addi %mul3A_133, %add3A_579 : i32
      %get3A_581 = arith.index_cast %add3A_580 : i32 to index
      %get3A_582 = arith.constant 48 : index
      %get3A_583 = tpu.vector_load %arg6[%get3A_581, %get3A_582] {strides = array<i32>} : memref<640x128xf32, #tpu.memory_space<vmem>>, vector<1x16xf32>,
      %get3A_584 = vector.shape_cast %get3A_583 : vector<1x16xf32> to vector<16xf32>
      %add3A_585 = arith.addf %add3A_578, %get3A_584 : vector<16xf32>
      %add3A_586 = arith.constant 4 : i32
      %add3A_587 = arith.addi %mul3A_133, %add3A_586 : i32
      %get3A_588 = arith.index_cast %add3A_587 : i32 to index
      %get3A_589 = arith.constant 48 : index
      %get3A_590 = tpu.vector_load %arg6[%get3A_588, %get3A_589] {strides = array<i32>} : memref<640x128xf32, #tpu.memory_space<vmem>>, vector<1x16xf32>,
      %get3A_591 = vector.shape_cast %get3A_590 : vector<1x16xf32> to vector<16xf32>
      %add3A_592 = arith.addf %add3A_585, %get3A_591 : vector<16xf32>
      %add3A_593 = arith.constant 5 : i32
      %add3A_594 = arith.addi %mul3A_133, %add3A_593 : i32
      %get3A_595 = arith.index_cast %add3A_594 : i32 to index
      %get3A_596 = arith.constant 48 : index
      %get3A_597 = tpu.vector_load %arg6[%get3A_595, %get3A_596] {strides = array<i32>} : memref<640x128xf32, #tpu.memory_space<vmem>>, vector<1x16xf32>,
      %get3A_598 = vector.shape_cast %get3A_597 : vector<1x16xf32> to vector<16xf32>
      %add3A_599 = arith.addf %add3A_592, %get3A_598 : vector<16xf32>
      %add3A_600 = arith.constant 6 : i32
      %add3A_601 = arith.addi %mul3A_133, %add3A_600 : i32
      %get3A_602 = arith.index_cast %add3A_601 : i32 to index
      %get3A_603 = arith.constant 48 : index
      %get3A_604 = tpu.vector_load %arg6[%get3A_602, %get3A_603] {strides = array<i32>} : memref<640x128xf32, #tpu.memory_space<vmem>>, vector<1x16xf32>,
      %get3A_605 = vector.shape_cast %get3A_604 : vector<1x16xf32> to vector<16xf32>
      %add3A_606 = arith.addf %add3A_599, %get3A_605 : vector<16xf32>
      %add3A_607 = arith.constant 7 : i32
      %add3A_608 = arith.addi %mul3A_133, %add3A_607 : i32
      %get3A_609 = arith.index_cast %add3A_608 : i32 to index
      %get3A_610 = arith.constant 48 : index
      %get3A_611 = tpu.vector_load %arg6[%get3A_609, %get3A_610] {strides = array<i32>} : memref<640x128xf32, #tpu.memory_space<vmem>>, vector<1x16xf32>,
      %get3A_612 = vector.shape_cast %get3A_611 : vector<1x16xf32> to vector<16xf32>
      %add3A_613 = arith.addf %add3A_606, %get3A_612 : vector<16xf32>
      %add3A_614 = arith.constant 8 : i32
      %add3A_615 = arith.addi %mul3A_133, %add3A_614 : i32
      %get3A_616 = arith.index_cast %add3A_615 : i32 to index
      %get3A_617 = arith.constant 48 : index
      %get3A_618 = tpu.vector_load %arg6[%get3A_616, %get3A_617] {strides = array<i32>} : memref<640x128xf32, #tpu.memory_space<vmem>>, vector<1x16xf32>,
      %get3A_619 = vector.shape_cast %get3A_618 : vector<1x16xf32> to vector<16xf32>
      %add3A_620 = arith.addf %add3A_613, %get3A_619 : vector<16xf32>
      %add3A_621 = arith.constant 9 : i32
      %add3A_622 = arith.addi %mul3A_133, %add3A_621 : i32
      %get3A_623 = arith.index_cast %add3A_622 : i32 to index
      %get3A_624 = arith.constant 48 : index
      %get3A_625 = tpu.vector_load %arg6[%get3A_623, %get3A_624] {strides = array<i32>} : memref<640x128xf32, #tpu.memory_space<vmem>>, vector<1x16xf32>,
      %get3A_626 = vector.shape_cast %get3A_625 : vector<1x16xf32> to vector<16xf32>
      %add3A_627 = arith.addf %add3A_620, %get3A_626 : vector<16xf32>
      %add3A_628 = arith.constant 10 : i32
      %add3A_629 = arith.addi %mul3A_133, %add3A_628 : i32
      %get3A_630 = arith.index_cast %add3A_629 : i32 to index
      %get3A_631 = arith.constant 48 : index
      %get3A_632 = tpu.vector_load %arg6[%get3A_630, %get3A_631] {strides = array<i32>} : memref<640x128xf32, #tpu.memory_space<vmem>>, vector<1x16xf32>,
      %get3A_633 = vector.shape_cast %get3A_632 : vector<1x16xf32> to vector<16xf32>
      %add3A_634 = arith.addf %add3A_627, %get3A_633 : vector<16xf32>
      %add3A_635 = arith.constant 11 : i32
      %add3A_636 = arith.addi %mul3A_133, %add3A_635 : i32
      %get3A_637 = arith.index_cast %add3A_636 : i32 to index
      %get3A_638 = arith.constant 48 : index
      %get3A_639 = tpu.vector_load %arg6[%get3A_637, %get3A_638] {strides = array<i32>} : memref<640x128xf32, #tpu.memory_space<vmem>>, vector<1x16xf32>,
      %get3A_640 = vector.shape_cast %get3A_639 : vector<1x16xf32> to vector<16xf32>
      %add3A_641 = arith.addf %add3A_634, %get3A_640 : vector<16xf32>
      %add3A_642 = arith.constant 12 : i32
      %add3A_643 = arith.addi %mul3A_133, %add3A_642 : i32
      %get3A_644 = arith.index_cast %add3A_643 : i32 to index
      %get3A_645 = arith.constant 48 : index
      %get3A_646 = tpu.vector_load %arg6[%get3A_644, %get3A_645] {strides = array<i32>} : memref<640x128xf32, #tpu.memory_space<vmem>>, vector<1x16xf32>,
      %get3A_647 = vector.shape_cast %get3A_646 : vector<1x16xf32> to vector<16xf32>
      %add3A_648 = arith.addf %add3A_641, %get3A_647 : vector<16xf32>
      %add3A_649 = arith.constant 13 : i32
      %add3A_650 = arith.addi %mul3A_133, %add3A_649 : i32
      %get3A_651 = arith.index_cast %add3A_650 : i32 to index
      %get3A_652 = arith.constant 48 : index
      %get3A_653 = tpu.vector_load %arg6[%get3A_651, %get3A_652] {strides = array<i32>} : memref<640x128xf32, #tpu.memory_space<vmem>>, vector<1x16xf32>,
      %get3A_654 = vector.shape_cast %get3A_653 : vector<1x16xf32> to vector<16xf32>
      %add3A_655 = arith.addf %add3A_648, %get3A_654 : vector<16xf32>
      %add3A_656 = arith.constant 14 : i32
      %add3A_657 = arith.addi %mul3A_133, %add3A_656 : i32
      %get3A_658 = arith.index_cast %add3A_657 : i32 to index
      %get3A_659 = arith.constant 48 : index
      %get3A_660 = tpu.vector_load %arg6[%get3A_658, %get3A_659] {strides = array<i32>} : memref<640x128xf32, #tpu.memory_space<vmem>>, vector<1x16xf32>,
      %get3A_661 = vector.shape_cast %get3A_660 : vector<1x16xf32> to vector<16xf32>
      %add3A_662 = arith.addf %add3A_655, %get3A_661 : vector<16xf32>
      %add3A_663 = arith.constant 15 : i32
      %add3A_664 = arith.addi %mul3A_133, %add3A_663 : i32
      %get3A_665 = arith.index_cast %add3A_664 : i32 to index
      %get3A_666 = arith.constant 48 : index
      %get3A_667 = tpu.vector_load %arg6[%get3A_665, %get3A_666] {strides = array<i32>} : memref<640x128xf32, #tpu.memory_space<vmem>>, vector<1x16xf32>,
      %get3A_668 = vector.shape_cast %get3A_667 : vector<1x16xf32> to vector<16xf32>
      %add3A_669 = arith.addf %add3A_662, %get3A_668 : vector<16xf32>
      %add3A_670 = arith.constant 16 : i32
      %add3A_671 = arith.addi %mul3A_133, %add3A_670 : i32
      %get3A_672 = arith.index_cast %add3A_671 : i32 to index
      %get3A_673 = arith.constant 48 : index
      %get3A_674 = tpu.vector_load %arg6[%get3A_672, %get3A_673] {strides = array<i32>} : memref<640x128xf32, #tpu.memory_space<vmem>>, vector<1x16xf32>,
      %get3A_675 = vector.shape_cast %get3A_674 : vector<1x16xf32> to vector<16xf32>
      %add3A_676 = arith.addf %add3A_669, %get3A_675 : vector<16xf32>
      %add3A_677 = arith.constant 17 : i32
      %add3A_678 = arith.addi %mul3A_133, %add3A_677 : i32
      %get3A_679 = arith.index_cast %add3A_678 : i32 to index
      %get3A_680 = arith.constant 48 : index
      %get3A_681 = tpu.vector_load %arg6[%get3A_679, %get3A_680] {strides = array<i32>} : memref<640x128xf32, #tpu.memory_space<vmem>>, vector<1x16xf32>,
      %get3A_682 = vector.shape_cast %get3A_681 : vector<1x16xf32> to vector<16xf32>
      %add3A_683 = arith.addf %add3A_676, %get3A_682 : vector<16xf32>
      %add3A_684 = arith.constant 18 : i32
      %add3A_685 = arith.addi %mul3A_133, %add3A_684 : i32
      %get3A_686 = arith.index_cast %add3A_685 : i32 to index
      %get3A_687 = arith.constant 48 : index
      %get3A_688 = tpu.vector_load %arg6[%get3A_686, %get3A_687] {strides = array<i32>} : memref<640x128xf32, #tpu.memory_space<vmem>>, vector<1x16xf32>,
      %get3A_689 = vector.shape_cast %get3A_688 : vector<1x16xf32> to vector<16xf32>
      %add3A_690 = arith.addf %add3A_683, %get3A_689 : vector<16xf32>
      %add3A_691 = arith.constant 19 : i32
      %add3A_692 = arith.addi %mul3A_133, %add3A_691 : i32
      %get3A_693 = arith.index_cast %add3A_692 : i32 to index
      %get3A_694 = arith.constant 48 : index
      %get3A_695 = tpu.vector_load %arg6[%get3A_693, %get3A_694] {strides = array<i32>} : memref<640x128xf32, #tpu.memory_space<vmem>>, vector<1x16xf32>,
      %get3A_696 = vector.shape_cast %get3A_695 : vector<1x16xf32> to vector<16xf32>
      %add3A_697 = arith.addf %add3A_690, %get3A_696 : vector<16xf32>
      %mul3A_698 = arith.mulf %add3A_697, %broadcast_in_dim3A_50 : vector<16xf32>
      %swap3A_699 = arith.index_cast %scan3A_131 : i32 to index
      %swap3A_700 = arith.constant 48 : index
      %swap3A_701 = tpu.vector_load %arg7[%swap3A_699, %swap3A_700] {strides = array<i32>} : memref<32x128xf32, #tpu.memory_space<vmem>>, vector<1x16xf32>,
      %swap3A_702 = vector.shape_cast %swap3A_701 : vector<1x16xf32> to vector<16xf32>
      %swap3A_703 = vector.shape_cast %mul3A_698 : vector<16xf32> to vector<1x16xf32>
      tpu.vector_store %arg7[%swap3A_699, %swap3A_700], %swap3A_703 {strides = array<i32>} : memref<32x128xf32, #tpu.memory_space<vmem>>, vector<1x16xf32>,
    }
    %scan3A_96 = arith.constant 7 : i32
    %dma_wait3A_97 = arith.constant 3 : i32
    %dma_wait3A_98 = arith.constant 384 : i32
    %dma_wait3A_99 = arith.constant 0 : i32
    %dma_wait3A_100 = tpu.memref_slice %arg6[%dma_wait3A_98, %dma_wait3A_99] : memref<640x128xf32, #tpu.memory_space<vmem>> -> memref<128x128xf32, #tpu.memory_space<vmem>>
    %dma_wait3A_101 = arith.constant 0 : i32
    %dma_wait3A_102 = tpu.memref_slice %arg5[%dma_wait3A_97, %dma_wait3A_101] : memref<5x128xi32, #tpu.memory_space<vmem>> -> memref<1x128xi32, #tpu.memory_space<vmem>>
    %dma_wait3A_103 = tpu.memref_squeeze %dma_wait3A_102 : memref<1x128xi32, #tpu.memory_space<vmem>> -> memref<128xi32, #tpu.memory_space<vmem>>
    %dma_wait3A_104 = arith.constant 0 : i32
    %dma_wait3A_105 = arith.constant 0 : i32
    %dma_wait3A_106 = tpu.memref_slice %arg3[%dma_wait3A_104, %dma_wait3A_105] : memref<100000x128xf32, #tpu.memory_space<hbm>> -> memref<100000x128xf32, #tpu.memory_space<hbm>>
    tpu.wait_indirect_dma semaphore(%arg8 : memref<!tpu.dma_semaphore, #tpu.memory_space<semaphore_mem>>) src(%dma_wait3A_106 : memref<100000x128xf32, #tpu.memory_space<hbm>>) dst(%dma_wait3A_100 : memref<128x128xf32, #tpu.memory_space<vmem>>)
    %scan3A_107 = arith.constant 0 : i32
    %scan3A_108 = arith.constant 19 : i32
    %scan3A_109 = arith.constant 6 : i32
    %scan3A_110 = arith.addi %scan3A_108, %scan3A_109 : i32
    %scan3A_111 = arith.constant 1 : i32
    scf.for %scan3A_131 = %scan3A_108 to %scan3A_110 step %scan3A_111  : i32 {
      %mul3A_132 = arith.constant 20 : i32
      %mul3A_133 = arith.muli %scan3A_131, %mul3A_132 : i32
      %get3A = arith.index_cast %mul3A_133 : i32 to index
      %get3A_134 = arith.constant 0 : index
      %get3A_135 = tpu.vector_load %arg6[%get3A, %get3A_134] {strides = array<i32>} : memref<640x128xf32, #tpu.memory_space<vmem>>, vector<1x16xf32>,
      %get3A_136 = vector.shape_cast %get3A_135 : vector<1x16xf32> to vector<16xf32>
      %add3A_137 = arith.constant 1 : i32
      %add3A_138 = arith.addi %mul3A_133, %add3A_137 : i32
      %get3A_139 = arith.index_cast %add3A_138 : i32 to index
      %get3A_140 = arith.constant 0 : index
      %get3A_141 = tpu.vector_load %arg6[%get3A_139, %get3A_140] {strides = array<i32>} : memref<640x128xf32, #tpu.memory_space<vmem>>, vector<1x16xf32>,
      %get3A_142 = vector.shape_cast %get3A_141 : vector<1x16xf32> to vector<16xf32>
      %add3A_143 = arith.addf %get3A_136, %get3A_142 : vector<16xf32>
      %add3A_144 = arith.constant 2 : i32
      %add3A_145 = arith.addi %mul3A_133, %add3A_144 : i32
      %get3A_146 = arith.index_cast %add3A_145 : i32 to index
      %get3A_147 = arith.constant 0 : index
      %get3A_148 = tpu.vector_load %arg6[%get3A_146, %get3A_147] {strides = array<i32>} : memref<640x128xf32, #tpu.memory_space<vmem>>, vector<1x16xf32>,
      %get3A_149 = vector.shape_cast %get3A_148 : vector<1x16xf32> to vector<16xf32>
      %add3A_150 = arith.addf %add3A_143, %get3A_149 : vector<16xf32>
      %add3A_151 = arith.constant 3 : i32
      %add3A_152 = arith.addi %mul3A_133, %add3A_151 : i32
      %get3A_153 = arith.index_cast %add3A_152 : i32 to index
      %get3A_154 = arith.constant 0 : index
      %get3A_155 = tpu.vector_load %arg6[%get3A_153, %get3A_154] {strides = array<i32>} : memref<640x128xf32, #tpu.memory_space<vmem>>, vector<1x16xf32>,
      %get3A_156 = vector.shape_cast %get3A_155 : vector<1x16xf32> to vector<16xf32>
      %add3A_157 = arith.addf %add3A_150, %get3A_156 : vector<16xf32>
      %add3A_158 = arith.constant 4 : i32
      %add3A_159 = arith.addi %mul3A_133, %add3A_158 : i32
      %get3A_160 = arith.index_cast %add3A_159 : i32 to index
      %get3A_161 = arith.constant 0 : index
      %get3A_162 = tpu.vector_load %arg6[%get3A_160, %get3A_161] {strides = array<i32>} : memref<640x128xf32, #tpu.memory_space<vmem>>, vector<1x16xf32>,
      %get3A_163 = vector.shape_cast %get3A_162 : vector<1x16xf32> to vector<16xf32>
      %add3A_164 = arith.addf %add3A_157, %get3A_163 : vector<16xf32>
      %add3A_165 = arith.constant 5 : i32
      %add3A_166 = arith.addi %mul3A_133, %add3A_165 : i32
      %get3A_167 = arith.index_cast %add3A_166 : i32 to index
      %get3A_168 = arith.constant 0 : index
      %get3A_169 = tpu.vector_load %arg6[%get3A_167, %get3A_168] {strides = array<i32>} : memref<640x128xf32, #tpu.memory_space<vmem>>, vector<1x16xf32>,
      %get3A_170 = vector.shape_cast %get3A_169 : vector<1x16xf32> to vector<16xf32>
      %add3A_171 = arith.addf %add3A_164, %get3A_170 : vector<16xf32>
      %add3A_172 = arith.constant 6 : i32
      %add3A_173 = arith.addi %mul3A_133, %add3A_172 : i32
      %get3A_174 = arith.index_cast %add3A_173 : i32 to index
      %get3A_175 = arith.constant 0 : index
      %get3A_176 = tpu.vector_load %arg6[%get3A_174, %get3A_175] {strides = array<i32>} : memref<640x128xf32, #tpu.memory_space<vmem>>, vector<1x16xf32>,
      %get3A_177 = vector.shape_cast %get3A_176 : vector<1x16xf32> to vector<16xf32>
      %add3A_178 = arith.addf %add3A_171, %get3A_177 : vector<16xf32>
      %add3A_179 = arith.constant 7 : i32
      %add3A_180 = arith.addi %mul3A_133, %add3A_179 : i32
      %get3A_181 = arith.index_cast %add3A_180 : i32 to index
      %get3A_182 = arith.constant 0 : index
      %get3A_183 = tpu.vector_load %arg6[%get3A_181, %get3A_182] {strides = array<i32>} : memref<640x128xf32, #tpu.memory_space<vmem>>, vector<1x16xf32>,
      %get3A_184 = vector.shape_cast %get3A_183 : vector<1x16xf32> to vector<16xf32>
      %add3A_185 = arith.addf %add3A_178, %get3A_184 : vector<16xf32>
      %add3A_186 = arith.constant 8 : i32
      %add3A_187 = arith.addi %mul3A_133, %add3A_186 : i32
      %get3A_188 = arith.index_cast %add3A_187 : i32 to index
      %get3A_189 = arith.constant 0 : index
      %get3A_190 = tpu.vector_load %arg6[%get3A_188, %get3A_189] {strides = array<i32>} : memref<640x128xf32, #tpu.memory_space<vmem>>, vector<1x16xf32>,
      %get3A_191 = vector.shape_cast %get3A_190 : vector<1x16xf32> to vector<16xf32>
      %add3A_192 = arith.addf %add3A_185, %get3A_191 : vector<16xf32>
      %add3A_193 = arith.constant 9 : i32
      %add3A_194 = arith.addi %mul3A_133, %add3A_193 : i32
      %get3A_195 = arith.index_cast %add3A_194 : i32 to index
      %get3A_196 = arith.constant 0 : index
      %get3A_197 = tpu.vector_load %arg6[%get3A_195, %get3A_196] {strides = array<i32>} : memref<640x128xf32, #tpu.memory_space<vmem>>, vector<1x16xf32>,
      %get3A_198 = vector.shape_cast %get3A_197 : vector<1x16xf32> to vector<16xf32>
      %add3A_199 = arith.addf %add3A_192, %get3A_198 : vector<16xf32>
      %add3A_200 = arith.constant 10 : i32
      %add3A_201 = arith.addi %mul3A_133, %add3A_200 : i32
      %get3A_202 = arith.index_cast %add3A_201 : i32 to index
      %get3A_203 = arith.constant 0 : index
      %get3A_204 = tpu.vector_load %arg6[%get3A_202, %get3A_203] {strides = array<i32>} : memref<640x128xf32, #tpu.memory_space<vmem>>, vector<1x16xf32>,
      %get3A_205 = vector.shape_cast %get3A_204 : vector<1x16xf32> to vector<16xf32>
      %add3A_206 = arith.addf %add3A_199, %get3A_205 : vector<16xf32>
      %add3A_207 = arith.constant 11 : i32
      %add3A_208 = arith.addi %mul3A_133, %add3A_207 : i32
      %get3A_209 = arith.index_cast %add3A_208 : i32 to index
      %get3A_210 = arith.constant 0 : index
      %get3A_211 = tpu.vector_load %arg6[%get3A_209, %get3A_210] {strides = array<i32>} : memref<640x128xf32, #tpu.memory_space<vmem>>, vector<1x16xf32>,
      %get3A_212 = vector.shape_cast %get3A_211 : vector<1x16xf32> to vector<16xf32>
      %add3A_213 = arith.addf %add3A_206, %get3A_212 : vector<16xf32>
      %add3A_214 = arith.constant 12 : i32
      %add3A_215 = arith.addi %mul3A_133, %add3A_214 : i32
      %get3A_216 = arith.index_cast %add3A_215 : i32 to index
      %get3A_217 = arith.constant 0 : index
      %get3A_218 = tpu.vector_load %arg6[%get3A_216, %get3A_217] {strides = array<i32>} : memref<640x128xf32, #tpu.memory_space<vmem>>, vector<1x16xf32>,
      %get3A_219 = vector.shape_cast %get3A_218 : vector<1x16xf32> to vector<16xf32>
      %add3A_220 = arith.addf %add3A_213, %get3A_219 : vector<16xf32>
      %add3A_221 = arith.constant 13 : i32
      %add3A_222 = arith.addi %mul3A_133, %add3A_221 : i32
      %get3A_223 = arith.index_cast %add3A_222 : i32 to index
      %get3A_224 = arith.constant 0 : index
      %get3A_225 = tpu.vector_load %arg6[%get3A_223, %get3A_224] {strides = array<i32>} : memref<640x128xf32, #tpu.memory_space<vmem>>, vector<1x16xf32>,
      %get3A_226 = vector.shape_cast %get3A_225 : vector<1x16xf32> to vector<16xf32>
      %add3A_227 = arith.addf %add3A_220, %get3A_226 : vector<16xf32>
      %add3A_228 = arith.constant 14 : i32
      %add3A_229 = arith.addi %mul3A_133, %add3A_228 : i32
      %get3A_230 = arith.index_cast %add3A_229 : i32 to index
      %get3A_231 = arith.constant 0 : index
      %get3A_232 = tpu.vector_load %arg6[%get3A_230, %get3A_231] {strides = array<i32>} : memref<640x128xf32, #tpu.memory_space<vmem>>, vector<1x16xf32>,
      %get3A_233 = vector.shape_cast %get3A_232 : vector<1x16xf32> to vector<16xf32>
      %add3A_234 = arith.addf %add3A_227, %get3A_233 : vector<16xf32>
      %add3A_235 = arith.constant 15 : i32
      %add3A_236 = arith.addi %mul3A_133, %add3A_235 : i32
      %get3A_237 = arith.index_cast %add3A_236 : i32 to index
      %get3A_238 = arith.constant 0 : index
      %get3A_239 = tpu.vector_load %arg6[%get3A_237, %get3A_238] {strides = array<i32>} : memref<640x128xf32, #tpu.memory_space<vmem>>, vector<1x16xf32>,
      %get3A_240 = vector.shape_cast %get3A_239 : vector<1x16xf32> to vector<16xf32>
      %add3A_241 = arith.addf %add3A_234, %get3A_240 : vector<16xf32>
      %add3A_242 = arith.constant 16 : i32
      %add3A_243 = arith.addi %mul3A_133, %add3A_242 : i32
      %get3A_244 = arith.index_cast %add3A_243 : i32 to index
      %get3A_245 = arith.constant 0 : index
      %get3A_246 = tpu.vector_load %arg6[%get3A_244, %get3A_245] {strides = array<i32>} : memref<640x128xf32, #tpu.memory_space<vmem>>, vector<1x16xf32>,
      %get3A_247 = vector.shape_cast %get3A_246 : vector<1x16xf32> to vector<16xf32>
      %add3A_248 = arith.addf %add3A_241, %get3A_247 : vector<16xf32>
      %add3A_249 = arith.constant 17 : i32
      %add3A_250 = arith.addi %mul3A_133, %add3A_249 : i32
      %get3A_251 = arith.index_cast %add3A_250 : i32 to index
      %get3A_252 = arith.constant 0 : index
      %get3A_253 = tpu.vector_load %arg6[%get3A_251, %get3A_252] {strides = array<i32>} : memref<640x128xf32, #tpu.memory_space<vmem>>, vector<1x16xf32>,
      %get3A_254 = vector.shape_cast %get3A_253 : vector<1x16xf32> to vector<16xf32>
      %add3A_255 = arith.addf %add3A_248, %get3A_254 : vector<16xf32>
      %add3A_256 = arith.constant 18 : i32
      %add3A_257 = arith.addi %mul3A_133, %add3A_256 : i32
      %get3A_258 = arith.index_cast %add3A_257 : i32 to index
      %get3A_259 = arith.constant 0 : index
      %get3A_260 = tpu.vector_load %arg6[%get3A_258, %get3A_259] {strides = array<i32>} : memref<640x128xf32, #tpu.memory_space<vmem>>, vector<1x16xf32>,
      %get3A_261 = vector.shape_cast %get3A_260 : vector<1x16xf32> to vector<16xf32>
      %add3A_262 = arith.addf %add3A_255, %get3A_261 : vector<16xf32>
      %add3A_263 = arith.constant 19 : i32
      %add3A_264 = arith.addi %mul3A_133, %add3A_263 : i32
      %get3A_265 = arith.index_cast %add3A_264 : i32 to index
      %get3A_266 = arith.constant 0 : index
      %get3A_267 = tpu.vector_load %arg6[%get3A_265, %get3A_266] {strides = array<i32>} : memref<640x128xf32, #tpu.memory_space<vmem>>, vector<1x16xf32>,
      %get3A_268 = vector.shape_cast %get3A_267 : vector<1x16xf32> to vector<16xf32>
      %add3A_269 = arith.addf %add3A_262, %get3A_268 : vector<16xf32>
      %mul3A_270 = arith.mulf %add3A_269, %broadcast_in_dim3A_50 : vector<16xf32>
      %swap3A = arith.index_cast %scan3A_131 : i32 to index
      %swap3A_271 = arith.constant 0 : index
      %swap3A_272 = tpu.vector_load %arg7[%swap3A, %swap3A_271] {strides = array<i32>} : memref<32x128xf32, #tpu.memory_space<vmem>>, vector<1x16xf32>,
      %swap3A_273 = vector.shape_cast %swap3A_272 : vector<1x16xf32> to vector<16xf32>
      %swap3A_274 = vector.shape_cast %mul3A_270 : vector<16xf32> to vector<1x16xf32>
      tpu.vector_store %arg7[%swap3A, %swap3A_271], %swap3A_274 {strides = array<i32>} : memref<32x128xf32, #tpu.memory_space<vmem>>, vector<1x16xf32>,
      %get3A_275 = arith.index_cast %mul3A_133 : i32 to index
      %get3A_276 = arith.constant 16 : index
      %get3A_277 = tpu.vector_load %arg6[%get3A_275, %get3A_276] {strides = array<i32>} : memref<640x128xf32, #tpu.memory_space<vmem>>, vector<1x16xf32>,
      %get3A_278 = vector.shape_cast %get3A_277 : vector<1x16xf32> to vector<16xf32>
      %add3A_279 = arith.constant 1 : i32
      %add3A_280 = arith.addi %mul3A_133, %add3A_279 : i32
      %get3A_281 = arith.index_cast %add3A_280 : i32 to index
      %get3A_282 = arith.constant 16 : index
      %get3A_283 = tpu.vector_load %arg6[%get3A_281, %get3A_282] {strides = array<i32>} : memref<640x128xf32, #tpu.memory_space<vmem>>, vector<1x16xf32>,
      %get3A_284 = vector.shape_cast %get3A_283 : vector<1x16xf32> to vector<16xf32>
      %add3A_285 = arith.addf %get3A_278, %get3A_284 : vector<16xf32>
      %add3A_286 = arith.constant 2 : i32
      %add3A_287 = arith.addi %mul3A_133, %add3A_286 : i32
      %get3A_288 = arith.index_cast %add3A_287 : i32 to index
      %get3A_289 = arith.constant 16 : index
      %get3A_290 = tpu.vector_load %arg6[%get3A_288, %get3A_289] {strides = array<i32>} : memref<640x128xf32, #tpu.memory_space<vmem>>, vector<1x16xf32>,
      %get3A_291 = vector.shape_cast %get3A_290 : vector<1x16xf32> to vector<16xf32>
      %add3A_292 = arith.addf %add3A_285, %get3A_291 : vector<16xf32>
      %add3A_293 = arith.constant 3 : i32
      %add3A_294 = arith.addi %mul3A_133, %add3A_293 : i32
      %get3A_295 = arith.index_cast %add3A_294 : i32 to index
      %get3A_296 = arith.constant 16 : index
      %get3A_297 = tpu.vector_load %arg6[%get3A_295, %get3A_296] {strides = array<i32>} : memref<640x128xf32, #tpu.memory_space<vmem>>, vector<1x16xf32>,
      %get3A_298 = vector.shape_cast %get3A_297 : vector<1x16xf32> to vector<16xf32>
      %add3A_299 = arith.addf %add3A_292, %get3A_298 : vector<16xf32>
      %add3A_300 = arith.constant 4 : i32
      %add3A_301 = arith.addi %mul3A_133, %add3A_300 : i32
      %get3A_302 = arith.index_cast %add3A_301 : i32 to index
      %get3A_303 = arith.constant 16 : index
      %get3A_304 = tpu.vector_load %arg6[%get3A_302, %get3A_303] {strides = array<i32>} : memref<640x128xf32, #tpu.memory_space<vmem>>, vector<1x16xf32>,
      %get3A_305 = vector.shape_cast %get3A_304 : vector<1x16xf32> to vector<16xf32>
      %add3A_306 = arith.addf %add3A_299, %get3A_305 : vector<16xf32>
      %add3A_307 = arith.constant 5 : i32
      %add3A_308 = arith.addi %mul3A_133, %add3A_307 : i32
      %get3A_309 = arith.index_cast %add3A_308 : i32 to index
      %get3A_310 = arith.constant 16 : index
      %get3A_311 = tpu.vector_load %arg6[%get3A_309, %get3A_310] {strides = array<i32>} : memref<640x128xf32, #tpu.memory_space<vmem>>, vector<1x16xf32>,
      %get3A_312 = vector.shape_cast %get3A_311 : vector<1x16xf32> to vector<16xf32>
      %add3A_313 = arith.addf %add3A_306, %get3A_312 : vector<16xf32>
      %add3A_314 = arith.constant 6 : i32
      %add3A_315 = arith.addi %mul3A_133, %add3A_314 : i32
      %get3A_316 = arith.index_cast %add3A_315 : i32 to index
      %get3A_317 = arith.constant 16 : index
      %get3A_318 = tpu.vector_load %arg6[%get3A_316, %get3A_317] {strides = array<i32>} : memref<640x128xf32, #tpu.memory_space<vmem>>, vector<1x16xf32>,
      %get3A_319 = vector.shape_cast %get3A_318 : vector<1x16xf32> to vector<16xf32>
      %add3A_320 = arith.addf %add3A_313, %get3A_319 : vector<16xf32>
      %add3A_321 = arith.constant 7 : i32
      %add3A_322 = arith.addi %mul3A_133, %add3A_321 : i32
      %get3A_323 = arith.index_cast %add3A_322 : i32 to index
      %get3A_324 = arith.constant 16 : index
      %get3A_325 = tpu.vector_load %arg6[%get3A_323, %get3A_324] {strides = array<i32>} : memref<640x128xf32, #tpu.memory_space<vmem>>, vector<1x16xf32>,
      %get3A_326 = vector.shape_cast %get3A_325 : vector<1x16xf32> to vector<16xf32>
      %add3A_327 = arith.addf %add3A_320, %get3A_326 : vector<16xf32>
      %add3A_328 = arith.constant 8 : i32
      %add3A_329 = arith.addi %mul3A_133, %add3A_328 : i32
      %get3A_330 = arith.index_cast %add3A_329 : i32 to index
      %get3A_331 = arith.constant 16 : index
      %get3A_332 = tpu.vector_load %arg6[%get3A_330, %get3A_331] {strides = array<i32>} : memref<640x128xf32, #tpu.memory_space<vmem>>, vector<1x16xf32>,
      %get3A_333 = vector.shape_cast %get3A_332 : vector<1x16xf32> to vector<16xf32>
      %add3A_334 = arith.addf %add3A_327, %get3A_333 : vector<16xf32>
      %add3A_335 = arith.constant 9 : i32
      %add3A_336 = arith.addi %mul3A_133, %add3A_335 : i32
      %get3A_337 = arith.index_cast %add3A_336 : i32 to index
      %get3A_338 = arith.constant 16 : index
      %get3A_339 = tpu.vector_load %arg6[%get3A_337, %get3A_338] {strides = array<i32>} : memref<640x128xf32, #tpu.memory_space<vmem>>, vector<1x16xf32>,
      %get3A_340 = vector.shape_cast %get3A_339 : vector<1x16xf32> to vector<16xf32>
      %add3A_341 = arith.addf %add3A_334, %get3A_340 : vector<16xf32>
      %add3A_342 = arith.constant 10 : i32
      %add3A_343 = arith.addi %mul3A_133, %add3A_342 : i32
      %get3A_344 = arith.index_cast %add3A_343 : i32 to index
      %get3A_345 = arith.constant 16 : index
      %get3A_346 = tpu.vector_load %arg6[%get3A_344, %get3A_345] {strides = array<i32>} : memref<640x128xf32, #tpu.memory_space<vmem>>, vector<1x16xf32>,
      %get3A_347 = vector.shape_cast %get3A_346 : vector<1x16xf32> to vector<16xf32>
      %add3A_348 = arith.addf %add3A_341, %get3A_347 : vector<16xf32>
      %add3A_349 = arith.constant 11 : i32
      %add3A_350 = arith.addi %mul3A_133, %add3A_349 : i32
      %get3A_351 = arith.index_cast %add3A_350 : i32 to index
      %get3A_352 = arith.constant 16 : index
      %get3A_353 = tpu.vector_load %arg6[%get3A_351, %get3A_352] {strides = array<i32>} : memref<640x128xf32, #tpu.memory_space<vmem>>, vector<1x16xf32>,
      %get3A_354 = vector.shape_cast %get3A_353 : vector<1x16xf32> to vector<16xf32>
      %add3A_355 = arith.addf %add3A_348, %get3A_354 : vector<16xf32>
      %add3A_356 = arith.constant 12 : i32
      %add3A_357 = arith.addi %mul3A_133, %add3A_356 : i32
      %get3A_358 = arith.index_cast %add3A_357 : i32 to index
      %get3A_359 = arith.constant 16 : index
      %get3A_360 = tpu.vector_load %arg6[%get3A_358, %get3A_359] {strides = array<i32>} : memref<640x128xf32, #tpu.memory_space<vmem>>, vector<1x16xf32>,
      %get3A_361 = vector.shape_cast %get3A_360 : vector<1x16xf32> to vector<16xf32>
      %add3A_362 = arith.addf %add3A_355, %get3A_361 : vector<16xf32>
      %add3A_363 = arith.constant 13 : i32
      %add3A_364 = arith.addi %mul3A_133, %add3A_363 : i32
      %get3A_365 = arith.index_cast %add3A_364 : i32 to index
      %get3A_366 = arith.constant 16 : index
      %get3A_367 = tpu.vector_load %arg6[%get3A_365, %get3A_366] {strides = array<i32>} : memref<640x128xf32, #tpu.memory_space<vmem>>, vector<1x16xf32>,
      %get3A_368 = vector.shape_cast %get3A_367 : vector<1x16xf32> to vector<16xf32>
      %add3A_369 = arith.addf %add3A_362, %get3A_368 : vector<16xf32>
      %add3A_370 = arith.constant 14 : i32
      %add3A_371 = arith.addi %mul3A_133, %add3A_370 : i32
      %get3A_372 = arith.index_cast %add3A_371 : i32 to index
      %get3A_373 = arith.constant 16 : index
      %get3A_374 = tpu.vector_load %arg6[%get3A_372, %get3A_373] {strides = array<i32>} : memref<640x128xf32, #tpu.memory_space<vmem>>, vector<1x16xf32>,
      %get3A_375 = vector.shape_cast %get3A_374 : vector<1x16xf32> to vector<16xf32>
      %add3A_376 = arith.addf %add3A_369, %get3A_375 : vector<16xf32>
      %add3A_377 = arith.constant 15 : i32
      %add3A_378 = arith.addi %mul3A_133, %add3A_377 : i32
      %get3A_379 = arith.index_cast %add3A_378 : i32 to index
      %get3A_380 = arith.constant 16 : index
      %get3A_381 = tpu.vector_load %arg6[%get3A_379, %get3A_380] {strides = array<i32>} : memref<640x128xf32, #tpu.memory_space<vmem>>, vector<1x16xf32>,
      %get3A_382 = vector.shape_cast %get3A_381 : vector<1x16xf32> to vector<16xf32>
      %add3A_383 = arith.addf %add3A_376, %get3A_382 : vector<16xf32>
      %add3A_384 = arith.constant 16 : i32
      %add3A_385 = arith.addi %mul3A_133, %add3A_384 : i32
      %get3A_386 = arith.index_cast %add3A_385 : i32 to index
      %get3A_387 = arith.constant 16 : index
      %get3A_388 = tpu.vector_load %arg6[%get3A_386, %get3A_387] {strides = array<i32>} : memref<640x128xf32, #tpu.memory_space<vmem>>, vector<1x16xf32>,
      %get3A_389 = vector.shape_cast %get3A_388 : vector<1x16xf32> to vector<16xf32>
      %add3A_390 = arith.addf %add3A_383, %get3A_389 : vector<16xf32>
      %add3A_391 = arith.constant 17 : i32
      %add3A_392 = arith.addi %mul3A_133, %add3A_391 : i32
      %get3A_393 = arith.index_cast %add3A_392 : i32 to index
      %get3A_394 = arith.constant 16 : index
      %get3A_395 = tpu.vector_load %arg6[%get3A_393, %get3A_394] {strides = array<i32>} : memref<640x128xf32, #tpu.memory_space<vmem>>, vector<1x16xf32>,
      %get3A_396 = vector.shape_cast %get3A_395 : vector<1x16xf32> to vector<16xf32>
      %add3A_397 = arith.addf %add3A_390, %get3A_396 : vector<16xf32>
      %add3A_398 = arith.constant 18 : i32
      %add3A_399 = arith.addi %mul3A_133, %add3A_398 : i32
      %get3A_400 = arith.index_cast %add3A_399 : i32 to index
      %get3A_401 = arith.constant 16 : index
      %get3A_402 = tpu.vector_load %arg6[%get3A_400, %get3A_401] {strides = array<i32>} : memref<640x128xf32, #tpu.memory_space<vmem>>, vector<1x16xf32>,
      %get3A_403 = vector.shape_cast %get3A_402 : vector<1x16xf32> to vector<16xf32>
      %add3A_404 = arith.addf %add3A_397, %get3A_403 : vector<16xf32>
      %add3A_405 = arith.constant 19 : i32
      %add3A_406 = arith.addi %mul3A_133, %add3A_405 : i32
      %get3A_407 = arith.index_cast %add3A_406 : i32 to index
      %get3A_408 = arith.constant 16 : index
      %get3A_409 = tpu.vector_load %arg6[%get3A_407, %get3A_408] {strides = array<i32>} : memref<640x128xf32, #tpu.memory_space<vmem>>, vector<1x16xf32>,
      %get3A_410 = vector.shape_cast %get3A_409 : vector<1x16xf32> to vector<16xf32>
      %add3A_411 = arith.addf %add3A_404, %get3A_410 : vector<16xf32>
      %mul3A_412 = arith.mulf %add3A_411, %broadcast_in_dim3A_50 : vector<16xf32>
      %swap3A_413 = arith.index_cast %scan3A_131 : i32 to index
      %swap3A_414 = arith.constant 16 : index
      %swap3A_415 = tpu.vector_load %arg7[%swap3A_413, %swap3A_414] {strides = array<i32>} : memref<32x128xf32, #tpu.memory_space<vmem>>, vector<1x16xf32>,
      %swap3A_416 = vector.shape_cast %swap3A_415 : vector<1x16xf32> to vector<16xf32>
      %swap3A_417 = vector.shape_cast %mul3A_412 : vector<16xf32> to vector<1x16xf32>
      tpu.vector_store %arg7[%swap3A_413, %swap3A_414], %swap3A_417 {strides = array<i32>} : memref<32x128xf32, #tpu.memory_space<vmem>>, vector<1x16xf32>,
      %get3A_418 = arith.index_cast %mul3A_133 : i32 to index
      %get3A_419 = arith.constant 32 : index
      %get3A_420 = tpu.vector_load %arg6[%get3A_418, %get3A_419] {strides = array<i32>} : memref<640x128xf32, #tpu.memory_space<vmem>>, vector<1x16xf32>,
      %get3A_421 = vector.shape_cast %get3A_420 : vector<1x16xf32> to vector<16xf32>
      %add3A_422 = arith.constant 1 : i32
      %add3A_423 = arith.addi %mul3A_133, %add3A_422 : i32
      %get3A_424 = arith.index_cast %add3A_423 : i32 to index
      %get3A_425 = arith.constant 32 : index
      %get3A_426 = tpu.vector_load %arg6[%get3A_424, %get3A_425] {strides = array<i32>} : memref<640x128xf32, #tpu.memory_space<vmem>>, vector<1x16xf32>,
      %get3A_427 = vector.shape_cast %get3A_426 : vector<1x16xf32> to vector<16xf32>
      %add3A_428 = arith.addf %get3A_421, %get3A_427 : vector<16xf32>
      %add3A_429 = arith.constant 2 : i32
      %add3A_430 = arith.addi %mul3A_133, %add3A_429 : i32
      %get3A_431 = arith.index_cast %add3A_430 : i32 to index
      %get3A_432 = arith.constant 32 : index
      %get3A_433 = tpu.vector_load %arg6[%get3A_431, %get3A_432] {strides = array<i32>} : memref<640x128xf32, #tpu.memory_space<vmem>>, vector<1x16xf32>,
      %get3A_434 = vector.shape_cast %get3A_433 : vector<1x16xf32> to vector<16xf32>
      %add3A_435 = arith.addf %add3A_428, %get3A_434 : vector<16xf32>
      %add3A_436 = arith.constant 3 : i32
      %add3A_437 = arith.addi %mul3A_133, %add3A_436 : i32
      %get3A_438 = arith.index_cast %add3A_437 : i32 to index
      %get3A_439 = arith.constant 32 : index
      %get3A_440 = tpu.vector_load %arg6[%get3A_438, %get3A_439] {strides = array<i32>} : memref<640x128xf32, #tpu.memory_space<vmem>>, vector<1x16xf32>,
      %get3A_441 = vector.shape_cast %get3A_440 : vector<1x16xf32> to vector<16xf32>
      %add3A_442 = arith.addf %add3A_435, %get3A_441 : vector<16xf32>
      %add3A_443 = arith.constant 4 : i32
      %add3A_444 = arith.addi %mul3A_133, %add3A_443 : i32
      %get3A_445 = arith.index_cast %add3A_444 : i32 to index
      %get3A_446 = arith.constant 32 : index
      %get3A_447 = tpu.vector_load %arg6[%get3A_445, %get3A_446] {strides = array<i32>} : memref<640x128xf32, #tpu.memory_space<vmem>>, vector<1x16xf32>,
      %get3A_448 = vector.shape_cast %get3A_447 : vector<1x16xf32> to vector<16xf32>
      %add3A_449 = arith.addf %add3A_442, %get3A_448 : vector<16xf32>
      %add3A_450 = arith.constant 5 : i32
      %add3A_451 = arith.addi %mul3A_133, %add3A_450 : i32
      %get3A_452 = arith.index_cast %add3A_451 : i32 to index
      %get3A_453 = arith.constant 32 : index
      %get3A_454 = tpu.vector_load %arg6[%get3A_452, %get3A_453] {strides = array<i32>} : memref<640x128xf32, #tpu.memory_space<vmem>>, vector<1x16xf32>,
      %get3A_455 = vector.shape_cast %get3A_454 : vector<1x16xf32> to vector<16xf32>
      %add3A_456 = arith.addf %add3A_449, %get3A_455 : vector<16xf32>
      %add3A_457 = arith.constant 6 : i32
      %add3A_458 = arith.addi %mul3A_133, %add3A_457 : i32
      %get3A_459 = arith.index_cast %add3A_458 : i32 to index
      %get3A_460 = arith.constant 32 : index
      %get3A_461 = tpu.vector_load %arg6[%get3A_459, %get3A_460] {strides = array<i32>} : memref<640x128xf32, #tpu.memory_space<vmem>>, vector<1x16xf32>,
      %get3A_462 = vector.shape_cast %get3A_461 : vector<1x16xf32> to vector<16xf32>
      %add3A_463 = arith.addf %add3A_456, %get3A_462 : vector<16xf32>
      %add3A_464 = arith.constant 7 : i32
      %add3A_465 = arith.addi %mul3A_133, %add3A_464 : i32
      %get3A_466 = arith.index_cast %add3A_465 : i32 to index
      %get3A_467 = arith.constant 32 : index
      %get3A_468 = tpu.vector_load %arg6[%get3A_466, %get3A_467] {strides = array<i32>} : memref<640x128xf32, #tpu.memory_space<vmem>>, vector<1x16xf32>,
      %get3A_469 = vector.shape_cast %get3A_468 : vector<1x16xf32> to vector<16xf32>
      %add3A_470 = arith.addf %add3A_463, %get3A_469 : vector<16xf32>
      %add3A_471 = arith.constant 8 : i32
      %add3A_472 = arith.addi %mul3A_133, %add3A_471 : i32
      %get3A_473 = arith.index_cast %add3A_472 : i32 to index
      %get3A_474 = arith.constant 32 : index
      %get3A_475 = tpu.vector_load %arg6[%get3A_473, %get3A_474] {strides = array<i32>} : memref<640x128xf32, #tpu.memory_space<vmem>>, vector<1x16xf32>,
      %get3A_476 = vector.shape_cast %get3A_475 : vector<1x16xf32> to vector<16xf32>
      %add3A_477 = arith.addf %add3A_470, %get3A_476 : vector<16xf32>
      %add3A_478 = arith.constant 9 : i32
      %add3A_479 = arith.addi %mul3A_133, %add3A_478 : i32
      %get3A_480 = arith.index_cast %add3A_479 : i32 to index
      %get3A_481 = arith.constant 32 : index
      %get3A_482 = tpu.vector_load %arg6[%get3A_480, %get3A_481] {strides = array<i32>} : memref<640x128xf32, #tpu.memory_space<vmem>>, vector<1x16xf32>,
      %get3A_483 = vector.shape_cast %get3A_482 : vector<1x16xf32> to vector<16xf32>
      %add3A_484 = arith.addf %add3A_477, %get3A_483 : vector<16xf32>
      %add3A_485 = arith.constant 10 : i32
      %add3A_486 = arith.addi %mul3A_133, %add3A_485 : i32
      %get3A_487 = arith.index_cast %add3A_486 : i32 to index
      %get3A_488 = arith.constant 32 : index
      %get3A_489 = tpu.vector_load %arg6[%get3A_487, %get3A_488] {strides = array<i32>} : memref<640x128xf32, #tpu.memory_space<vmem>>, vector<1x16xf32>,
      %get3A_490 = vector.shape_cast %get3A_489 : vector<1x16xf32> to vector<16xf32>
      %add3A_491 = arith.addf %add3A_484, %get3A_490 : vector<16xf32>
      %add3A_492 = arith.constant 11 : i32
      %add3A_493 = arith.addi %mul3A_133, %add3A_492 : i32
      %get3A_494 = arith.index_cast %add3A_493 : i32 to index
      %get3A_495 = arith.constant 32 : index
      %get3A_496 = tpu.vector_load %arg6[%get3A_494, %get3A_495] {strides = array<i32>} : memref<640x128xf32, #tpu.memory_space<vmem>>, vector<1x16xf32>,
      %get3A_497 = vector.shape_cast %get3A_496 : vector<1x16xf32> to vector<16xf32>
      %add3A_498 = arith.addf %add3A_491, %get3A_497 : vector<16xf32>
      %add3A_499 = arith.constant 12 : i32
      %add3A_500 = arith.addi %mul3A_133, %add3A_499 : i32
      %get3A_501 = arith.index_cast %add3A_500 : i32 to index
      %get3A_502 = arith.constant 32 : index
      %get3A_503 = tpu.vector_load %arg6[%get3A_501, %get3A_502] {strides = array<i32>} : memref<640x128xf32, #tpu.memory_space<vmem>>, vector<1x16xf32>,
      %get3A_504 = vector.shape_cast %get3A_503 : vector<1x16xf32> to vector<16xf32>
      %add3A_505 = arith.addf %add3A_498, %get3A_504 : vector<16xf32>
      %add3A_506 = arith.constant 13 : i32
      %add3A_507 = arith.addi %mul3A_133, %add3A_506 : i32
      %get3A_508 = arith.index_cast %add3A_507 : i32 to index
      %get3A_509 = arith.constant 32 : index
      %get3A_510 = tpu.vector_load %arg6[%get3A_508, %get3A_509] {strides = array<i32>} : memref<640x128xf32, #tpu.memory_space<vmem>>, vector<1x16xf32>,
      %get3A_511 = vector.shape_cast %get3A_510 : vector<1x16xf32> to vector<16xf32>
      %add3A_512 = arith.addf %add3A_505, %get3A_511 : vector<16xf32>
      %add3A_513 = arith.constant 14 : i32
      %add3A_514 = arith.addi %mul3A_133, %add3A_513 : i32
      %get3A_515 = arith.index_cast %add3A_514 : i32 to index
      %get3A_516 = arith.constant 32 : index
      %get3A_517 = tpu.vector_load %arg6[%get3A_515, %get3A_516] {strides = array<i32>} : memref<640x128xf32, #tpu.memory_space<vmem>>, vector<1x16xf32>,
      %get3A_518 = vector.shape_cast %get3A_517 : vector<1x16xf32> to vector<16xf32>
      %add3A_519 = arith.addf %add3A_512, %get3A_518 : vector<16xf32>
      %add3A_520 = arith.constant 15 : i32
      %add3A_521 = arith.addi %mul3A_133, %add3A_520 : i32
      %get3A_522 = arith.index_cast %add3A_521 : i32 to index
      %get3A_523 = arith.constant 32 : index
      %get3A_524 = tpu.vector_load %arg6[%get3A_522, %get3A_523] {strides = array<i32>} : memref<640x128xf32, #tpu.memory_space<vmem>>, vector<1x16xf32>,
      %get3A_525 = vector.shape_cast %get3A_524 : vector<1x16xf32> to vector<16xf32>
      %add3A_526 = arith.addf %add3A_519, %get3A_525 : vector<16xf32>
      %add3A_527 = arith.constant 16 : i32
      %add3A_528 = arith.addi %mul3A_133, %add3A_527 : i32
      %get3A_529 = arith.index_cast %add3A_528 : i32 to index
      %get3A_530 = arith.constant 32 : index
      %get3A_531 = tpu.vector_load %arg6[%get3A_529, %get3A_530] {strides = array<i32>} : memref<640x128xf32, #tpu.memory_space<vmem>>, vector<1x16xf32>,
      %get3A_532 = vector.shape_cast %get3A_531 : vector<1x16xf32> to vector<16xf32>
      %add3A_533 = arith.addf %add3A_526, %get3A_532 : vector<16xf32>
      %add3A_534 = arith.constant 17 : i32
      %add3A_535 = arith.addi %mul3A_133, %add3A_534 : i32
      %get3A_536 = arith.index_cast %add3A_535 : i32 to index
      %get3A_537 = arith.constant 32 : index
      %get3A_538 = tpu.vector_load %arg6[%get3A_536, %get3A_537] {strides = array<i32>} : memref<640x128xf32, #tpu.memory_space<vmem>>, vector<1x16xf32>,
      %get3A_539 = vector.shape_cast %get3A_538 : vector<1x16xf32> to vector<16xf32>
      %add3A_540 = arith.addf %add3A_533, %get3A_539 : vector<16xf32>
      %add3A_541 = arith.constant 18 : i32
      %add3A_542 = arith.addi %mul3A_133, %add3A_541 : i32
      %get3A_543 = arith.index_cast %add3A_542 : i32 to index
      %get3A_544 = arith.constant 32 : index
      %get3A_545 = tpu.vector_load %arg6[%get3A_543, %get3A_544] {strides = array<i32>} : memref<640x128xf32, #tpu.memory_space<vmem>>, vector<1x16xf32>,
      %get3A_546 = vector.shape_cast %get3A_545 : vector<1x16xf32> to vector<16xf32>
      %add3A_547 = arith.addf %add3A_540, %get3A_546 : vector<16xf32>
      %add3A_548 = arith.constant 19 : i32
      %add3A_549 = arith.addi %mul3A_133, %add3A_548 : i32
      %get3A_550 = arith.index_cast %add3A_549 : i32 to index
      %get3A_551 = arith.constant 32 : index
      %get3A_552 = tpu.vector_load %arg6[%get3A_550, %get3A_551] {strides = array<i32>} : memref<640x128xf32, #tpu.memory_space<vmem>>, vector<1x16xf32>,
      %get3A_553 = vector.shape_cast %get3A_552 : vector<1x16xf32> to vector<16xf32>
      %add3A_554 = arith.addf %add3A_547, %get3A_553 : vector<16xf32>
      %mul3A_555 = arith.mulf %add3A_554, %broadcast_in_dim3A_50 : vector<16xf32>
      %swap3A_556 = arith.index_cast %scan3A_131 : i32 to index
      %swap3A_557 = arith.constant 32 : index
      %swap3A_558 = tpu.vector_load %arg7[%swap3A_556, %swap3A_557] {strides = array<i32>} : memref<32x128xf32, #tpu.memory_space<vmem>>, vector<1x16xf32>,
      %swap3A_559 = vector.shape_cast %swap3A_558 : vector<1x16xf32> to vector<16xf32>
      %swap3A_560 = vector.shape_cast %mul3A_555 : vector<16xf32> to vector<1x16xf32>
      tpu.vector_store %arg7[%swap3A_556, %swap3A_557], %swap3A_560 {strides = array<i32>} : memref<32x128xf32, #tpu.memory_space<vmem>>, vector<1x16xf32>,
      %get3A_561 = arith.index_cast %mul3A_133 : i32 to index
      %get3A_562 = arith.constant 48 : index
      %get3A_563 = tpu.vector_load %arg6[%get3A_561, %get3A_562] {strides = array<i32>} : memref<640x128xf32, #tpu.memory_space<vmem>>, vector<1x16xf32>,
      %get3A_564 = vector.shape_cast %get3A_563 : vector<1x16xf32> to vector<16xf32>
      %add3A_565 = arith.constant 1 : i32
      %add3A_566 = arith.addi %mul3A_133, %add3A_565 : i32
      %get3A_567 = arith.index_cast %add3A_566 : i32 to index
      %get3A_568 = arith.constant 48 : index
      %get3A_569 = tpu.vector_load %arg6[%get3A_567, %get3A_568] {strides = array<i32>} : memref<640x128xf32, #tpu.memory_space<vmem>>, vector<1x16xf32>,
      %get3A_570 = vector.shape_cast %get3A_569 : vector<1x16xf32> to vector<16xf32>
      %add3A_571 = arith.addf %get3A_564, %get3A_570 : vector<16xf32>
      %add3A_572 = arith.constant 2 : i32
      %add3A_573 = arith.addi %mul3A_133, %add3A_572 : i32
      %get3A_574 = arith.index_cast %add3A_573 : i32 to index
      %get3A_575 = arith.constant 48 : index
      %get3A_576 = tpu.vector_load %arg6[%get3A_574, %get3A_575] {strides = array<i32>} : memref<640x128xf32, #tpu.memory_space<vmem>>, vector<1x16xf32>,
      %get3A_577 = vector.shape_cast %get3A_576 : vector<1x16xf32> to vector<16xf32>
      %add3A_578 = arith.addf %add3A_571, %get3A_577 : vector<16xf32>
      %add3A_579 = arith.constant 3 : i32
      %add3A_580 = arith.addi %mul3A_133, %add3A_579 : i32
      %get3A_581 = arith.index_cast %add3A_580 : i32 to index
      %get3A_582 = arith.constant 48 : index
      %get3A_583 = tpu.vector_load %arg6[%get3A_581, %get3A_582] {strides = array<i32>} : memref<640x128xf32, #tpu.memory_space<vmem>>, vector<1x16xf32>,
      %get3A_584 = vector.shape_cast %get3A_583 : vector<1x16xf32> to vector<16xf32>
      %add3A_585 = arith.addf %add3A_578, %get3A_584 : vector<16xf32>
      %add3A_586 = arith.constant 4 : i32
      %add3A_587 = arith.addi %mul3A_133, %add3A_586 : i32
      %get3A_588 = arith.index_cast %add3A_587 : i32 to index
      %get3A_589 = arith.constant 48 : index
      %get3A_590 = tpu.vector_load %arg6[%get3A_588, %get3A_589] {strides = array<i32>} : memref<640x128xf32, #tpu.memory_space<vmem>>, vector<1x16xf32>,
      %get3A_591 = vector.shape_cast %get3A_590 : vector<1x16xf32> to vector<16xf32>
      %add3A_592 = arith.addf %add3A_585, %get3A_591 : vector<16xf32>
      %add3A_593 = arith.constant 5 : i32
      %add3A_594 = arith.addi %mul3A_133, %add3A_593 : i32
      %get3A_595 = arith.index_cast %add3A_594 : i32 to index
      %get3A_596 = arith.constant 48 : index
      %get3A_597 = tpu.vector_load %arg6[%get3A_595, %get3A_596] {strides = array<i32>} : memref<640x128xf32, #tpu.memory_space<vmem>>, vector<1x16xf32>,
      %get3A_598 = vector.shape_cast %get3A_597 : vector<1x16xf32> to vector<16xf32>
      %add3A_599 = arith.addf %add3A_592, %get3A_598 : vector<16xf32>
      %add3A_600 = arith.constant 6 : i32
      %add3A_601 = arith.addi %mul3A_133, %add3A_600 : i32
      %get3A_602 = arith.index_cast %add3A_601 : i32 to index
      %get3A_603 = arith.constant 48 : index
      %get3A_604 = tpu.vector_load %arg6[%get3A_602, %get3A_603] {strides = array<i32>} : memref<640x128xf32, #tpu.memory_space<vmem>>, vector<1x16xf32>,
      %get3A_605 = vector.shape_cast %get3A_604 : vector<1x16xf32> to vector<16xf32>
      %add3A_606 = arith.addf %add3A_599, %get3A_605 : vector<16xf32>
      %add3A_607 = arith.constant 7 : i32
      %add3A_608 = arith.addi %mul3A_133, %add3A_607 : i32
      %get3A_609 = arith.index_cast %add3A_608 : i32 to index
      %get3A_610 = arith.constant 48 : index
      %get3A_611 = tpu.vector_load %arg6[%get3A_609, %get3A_610] {strides = array<i32>} : memref<640x128xf32, #tpu.memory_space<vmem>>, vector<1x16xf32>,
      %get3A_612 = vector.shape_cast %get3A_611 : vector<1x16xf32> to vector<16xf32>
      %add3A_613 = arith.addf %add3A_606, %get3A_612 : vector<16xf32>
      %add3A_614 = arith.constant 8 : i32
      %add3A_615 = arith.addi %mul3A_133, %add3A_614 : i32
      %get3A_616 = arith.index_cast %add3A_615 : i32 to index
      %get3A_617 = arith.constant 48 : index
      %get3A_618 = tpu.vector_load %arg6[%get3A_616, %get3A_617] {strides = array<i32>} : memref<640x128xf32, #tpu.memory_space<vmem>>, vector<1x16xf32>,
      %get3A_619 = vector.shape_cast %get3A_618 : vector<1x16xf32> to vector<16xf32>
      %add3A_620 = arith.addf %add3A_613, %get3A_619 : vector<16xf32>
      %add3A_621 = arith.constant 9 : i32
      %add3A_622 = arith.addi %mul3A_133, %add3A_621 : i32
      %get3A_623 = arith.index_cast %add3A_622 : i32 to index
      %get3A_624 = arith.constant 48 : index
      %get3A_625 = tpu.vector_load %arg6[%get3A_623, %get3A_624] {strides = array<i32>} : memref<640x128xf32, #tpu.memory_space<vmem>>, vector<1x16xf32>,
      %get3A_626 = vector.shape_cast %get3A_625 : vector<1x16xf32> to vector<16xf32>
      %add3A_627 = arith.addf %add3A_620, %get3A_626 : vector<16xf32>
      %add3A_628 = arith.constant 10 : i32
      %add3A_629 = arith.addi %mul3A_133, %add3A_628 : i32
      %get3A_630 = arith.index_cast %add3A_629 : i32 to index
      %get3A_631 = arith.constant 48 : index
      %get3A_632 = tpu.vector_load %arg6[%get3A_630, %get3A_631] {strides = array<i32>} : memref<640x128xf32, #tpu.memory_space<vmem>>, vector<1x16xf32>,
      %get3A_633 = vector.shape_cast %get3A_632 : vector<1x16xf32> to vector<16xf32>
      %add3A_634 = arith.addf %add3A_627, %get3A_633 : vector<16xf32>
      %add3A_635 = arith.constant 11 : i32
      %add3A_636 = arith.addi %mul3A_133, %add3A_635 : i32
      %get3A_637 = arith.index_cast %add3A_636 : i32 to index
      %get3A_638 = arith.constant 48 : index
      %get3A_639 = tpu.vector_load %arg6[%get3A_637, %get3A_638] {strides = array<i32>} : memref<640x128xf32, #tpu.memory_space<vmem>>, vector<1x16xf32>,
      %get3A_640 = vector.shape_cast %get3A_639 : vector<1x16xf32> to vector<16xf32>
      %add3A_641 = arith.addf %add3A_634, %get3A_640 : vector<16xf32>
      %add3A_642 = arith.constant 12 : i32
      %add3A_643 = arith.addi %mul3A_133, %add3A_642 : i32
      %get3A_644 = arith.index_cast %add3A_643 : i32 to index
      %get3A_645 = arith.constant 48 : index
      %get3A_646 = tpu.vector_load %arg6[%get3A_644, %get3A_645] {strides = array<i32>} : memref<640x128xf32, #tpu.memory_space<vmem>>, vector<1x16xf32>,
      %get3A_647 = vector.shape_cast %get3A_646 : vector<1x16xf32> to vector<16xf32>
      %add3A_648 = arith.addf %add3A_641, %get3A_647 : vector<16xf32>
      %add3A_649 = arith.constant 13 : i32
      %add3A_650 = arith.addi %mul3A_133, %add3A_649 : i32
      %get3A_651 = arith.index_cast %add3A_650 : i32 to index
      %get3A_652 = arith.constant 48 : index
      %get3A_653 = tpu.vector_load %arg6[%get3A_651, %get3A_652] {strides = array<i32>} : memref<640x128xf32, #tpu.memory_space<vmem>>, vector<1x16xf32>,
      %get3A_654 = vector.shape_cast %get3A_653 : vector<1x16xf32> to vector<16xf32>
      %add3A_655 = arith.addf %add3A_648, %get3A_654 : vector<16xf32>
      %add3A_656 = arith.constant 14 : i32
      %add3A_657 = arith.addi %mul3A_133, %add3A_656 : i32
      %get3A_658 = arith.index_cast %add3A_657 : i32 to index
      %get3A_659 = arith.constant 48 : index
      %get3A_660 = tpu.vector_load %arg6[%get3A_658, %get3A_659] {strides = array<i32>} : memref<640x128xf32, #tpu.memory_space<vmem>>, vector<1x16xf32>,
      %get3A_661 = vector.shape_cast %get3A_660 : vector<1x16xf32> to vector<16xf32>
      %add3A_662 = arith.addf %add3A_655, %get3A_661 : vector<16xf32>
      %add3A_663 = arith.constant 15 : i32
      %add3A_664 = arith.addi %mul3A_133, %add3A_663 : i32
      %get3A_665 = arith.index_cast %add3A_664 : i32 to index
      %get3A_666 = arith.constant 48 : index
      %get3A_667 = tpu.vector_load %arg6[%get3A_665, %get3A_666] {strides = array<i32>} : memref<640x128xf32, #tpu.memory_space<vmem>>, vector<1x16xf32>,
      %get3A_668 = vector.shape_cast %get3A_667 : vector<1x16xf32> to vector<16xf32>
      %add3A_669 = arith.addf %add3A_662, %get3A_668 : vector<16xf32>
      %add3A_670 = arith.constant 16 : i32
      %add3A_671 = arith.addi %mul3A_133, %add3A_670 : i32
      %get3A_672 = arith.index_cast %add3A_671 : i32 to index
      %get3A_673 = arith.constant 48 : index
      %get3A_674 = tpu.vector_load %arg6[%get3A_672, %get3A_673] {strides = array<i32>} : memref<640x128xf32, #tpu.memory_space<vmem>>, vector<1x16xf32>,
      %get3A_675 = vector.shape_cast %get3A_674 : vector<1x16xf32> to vector<16xf32>
      %add3A_676 = arith.addf %add3A_669, %get3A_675 : vector<16xf32>
      %add3A_677 = arith.constant 17 : i32
      %add3A_678 = arith.addi %mul3A_133, %add3A_677 : i32
      %get3A_679 = arith.index_cast %add3A_678 : i32 to index
      %get3A_680 = arith.constant 48 : index
      %get3A_681 = tpu.vector_load %arg6[%get3A_679, %get3A_680] {strides = array<i32>} : memref<640x128xf32, #tpu.memory_space<vmem>>, vector<1x16xf32>,
      %get3A_682 = vector.shape_cast %get3A_681 : vector<1x16xf32> to vector<16xf32>
      %add3A_683 = arith.addf %add3A_676, %get3A_682 : vector<16xf32>
      %add3A_684 = arith.constant 18 : i32
      %add3A_685 = arith.addi %mul3A_133, %add3A_684 : i32
      %get3A_686 = arith.index_cast %add3A_685 : i32 to index
      %get3A_687 = arith.constant 48 : index
      %get3A_688 = tpu.vector_load %arg6[%get3A_686, %get3A_687] {strides = array<i32>} : memref<640x128xf32, #tpu.memory_space<vmem>>, vector<1x16xf32>,
      %get3A_689 = vector.shape_cast %get3A_688 : vector<1x16xf32> to vector<16xf32>
      %add3A_690 = arith.addf %add3A_683, %get3A_689 : vector<16xf32>
      %add3A_691 = arith.constant 19 : i32
      %add3A_692 = arith.addi %mul3A_133, %add3A_691 : i32
      %get3A_693 = arith.index_cast %add3A_692 : i32 to index
      %get3A_694 = arith.constant 48 : index
      %get3A_695 = tpu.vector_load %arg6[%get3A_693, %get3A_694] {strides = array<i32>} : memref<640x128xf32, #tpu.memory_space<vmem>>, vector<1x16xf32>,
      %get3A_696 = vector.shape_cast %get3A_695 : vector<1x16xf32> to vector<16xf32>
      %add3A_697 = arith.addf %add3A_690, %get3A_696 : vector<16xf32>
      %mul3A_698 = arith.mulf %add3A_697, %broadcast_in_dim3A_50 : vector<16xf32>
      %swap3A_699 = arith.index_cast %scan3A_131 : i32 to index
      %swap3A_700 = arith.constant 48 : index
      %swap3A_701 = tpu.vector_load %arg7[%swap3A_699, %swap3A_700] {strides = array<i32>} : memref<32x128xf32, #tpu.memory_space<vmem>>, vector<1x16xf32>,
      %swap3A_702 = vector.shape_cast %swap3A_701 : vector<1x16xf32> to vector<16xf32>
      %swap3A_703 = vector.shape_cast %mul3A_698 : vector<16xf32> to vector<1x16xf32>
      tpu.vector_store %arg7[%swap3A_699, %swap3A_700], %swap3A_703 {strides = array<i32>} : memref<32x128xf32, #tpu.memory_space<vmem>>, vector<1x16xf32>,
    }
    %scan3A_112 = arith.constant 6 : i32
    %dma_wait3A_113 = arith.constant 4 : i32
    %dma_wait3A_114 = arith.constant 512 : i32
    %dma_wait3A_115 = arith.constant 0 : i32
    %dma_wait3A_116 = tpu.memref_slice %arg6[%dma_wait3A_114, %dma_wait3A_115] : memref<640x128xf32, #tpu.memory_space<vmem>> -> memref<128x128xf32, #tpu.memory_space<vmem>>
    %dma_wait3A_117 = arith.constant 0 : i32
    %dma_wait3A_118 = tpu.memref_slice %arg5[%dma_wait3A_113, %dma_wait3A_117] : memref<5x128xi32, #tpu.memory_space<vmem>> -> memref<1x128xi32, #tpu.memory_space<vmem>>
    %dma_wait3A_119 = tpu.memref_squeeze %dma_wait3A_118 : memref<1x128xi32, #tpu.memory_space<vmem>> -> memref<128xi32, #tpu.memory_space<vmem>>
    %dma_wait3A_120 = arith.constant 0 : i32
    %dma_wait3A_121 = arith.constant 0 : i32
    %dma_wait3A_122 = tpu.memref_slice %arg3[%dma_wait3A_120, %dma_wait3A_121] : memref<100000x128xf32, #tpu.memory_space<hbm>> -> memref<100000x128xf32, #tpu.memory_space<hbm>>
    tpu.wait_indirect_dma semaphore(%arg8 : memref<!tpu.dma_semaphore, #tpu.memory_space<semaphore_mem>>) src(%dma_wait3A_122 : memref<100000x128xf32, #tpu.memory_space<hbm>>) dst(%dma_wait3A_116 : memref<128x128xf32, #tpu.memory_space<vmem>>)
    %scan3A_123 = arith.constant 0 : i32
    %scan3A_124 = arith.constant 25 : i32
    %scan3A_125 = arith.constant 7 : i32
    %scan3A_126 = arith.addi %scan3A_124, %scan3A_125 : i32
    %scan3A_127 = arith.constant 1 : i32
    scf.for %scan3A_131 = %scan3A_124 to %scan3A_126 step %scan3A_127  : i32 {
      %mul3A_132 = arith.constant 20 : i32
      %mul3A_133 = arith.muli %scan3A_131, %mul3A_132 : i32
      %get3A = arith.index_cast %mul3A_133 : i32 to index
      %get3A_134 = arith.constant 0 : index
      %get3A_135 = tpu.vector_load %arg6[%get3A, %get3A_134] {strides = array<i32>} : memref<640x128xf32, #tpu.memory_space<vmem>>, vector<1x16xf32>,
      %get3A_136 = vector.shape_cast %get3A_135 : vector<1x16xf32> to vector<16xf32>
      %add3A_137 = arith.constant 1 : i32
      %add3A_138 = arith.addi %mul3A_133, %add3A_137 : i32
      %get3A_139 = arith.index_cast %add3A_138 : i32 to index
      %get3A_140 = arith.constant 0 : index
      %get3A_141 = tpu.vector_load %arg6[%get3A_139, %get3A_140] {strides = array<i32>} : memref<640x128xf32, #tpu.memory_space<vmem>>, vector<1x16xf32>,
      %get3A_142 = vector.shape_cast %get3A_141 : vector<1x16xf32> to vector<16xf32>
      %add3A_143 = arith.addf %get3A_136, %get3A_142 : vector<16xf32>
      %add3A_144 = arith.constant 2 : i32
      %add3A_145 = arith.addi %mul3A_133, %add3A_144 : i32
      %get3A_146 = arith.index_cast %add3A_145 : i32 to index
      %get3A_147 = arith.constant 0 : index
      %get3A_148 = tpu.vector_load %arg6[%get3A_146, %get3A_147] {strides = array<i32>} : memref<640x128xf32, #tpu.memory_space<vmem>>, vector<1x16xf32>,
      %get3A_149 = vector.shape_cast %get3A_148 : vector<1x16xf32> to vector<16xf32>
      %add3A_150 = arith.addf %add3A_143, %get3A_149 : vector<16xf32>
      %add3A_151 = arith.constant 3 : i32
      %add3A_152 = arith.addi %mul3A_133, %add3A_151 : i32
      %get3A_153 = arith.index_cast %add3A_152 : i32 to index
      %get3A_154 = arith.constant 0 : index
      %get3A_155 = tpu.vector_load %arg6[%get3A_153, %get3A_154] {strides = array<i32>} : memref<640x128xf32, #tpu.memory_space<vmem>>, vector<1x16xf32>,
      %get3A_156 = vector.shape_cast %get3A_155 : vector<1x16xf32> to vector<16xf32>
      %add3A_157 = arith.addf %add3A_150, %get3A_156 : vector<16xf32>
      %add3A_158 = arith.constant 4 : i32
      %add3A_159 = arith.addi %mul3A_133, %add3A_158 : i32
      %get3A_160 = arith.index_cast %add3A_159 : i32 to index
      %get3A_161 = arith.constant 0 : index
      %get3A_162 = tpu.vector_load %arg6[%get3A_160, %get3A_161] {strides = array<i32>} : memref<640x128xf32, #tpu.memory_space<vmem>>, vector<1x16xf32>,
      %get3A_163 = vector.shape_cast %get3A_162 : vector<1x16xf32> to vector<16xf32>
      %add3A_164 = arith.addf %add3A_157, %get3A_163 : vector<16xf32>
      %add3A_165 = arith.constant 5 : i32
      %add3A_166 = arith.addi %mul3A_133, %add3A_165 : i32
      %get3A_167 = arith.index_cast %add3A_166 : i32 to index
      %get3A_168 = arith.constant 0 : index
      %get3A_169 = tpu.vector_load %arg6[%get3A_167, %get3A_168] {strides = array<i32>} : memref<640x128xf32, #tpu.memory_space<vmem>>, vector<1x16xf32>,
      %get3A_170 = vector.shape_cast %get3A_169 : vector<1x16xf32> to vector<16xf32>
      %add3A_171 = arith.addf %add3A_164, %get3A_170 : vector<16xf32>
      %add3A_172 = arith.constant 6 : i32
      %add3A_173 = arith.addi %mul3A_133, %add3A_172 : i32
      %get3A_174 = arith.index_cast %add3A_173 : i32 to index
      %get3A_175 = arith.constant 0 : index
      %get3A_176 = tpu.vector_load %arg6[%get3A_174, %get3A_175] {strides = array<i32>} : memref<640x128xf32, #tpu.memory_space<vmem>>, vector<1x16xf32>,
      %get3A_177 = vector.shape_cast %get3A_176 : vector<1x16xf32> to vector<16xf32>
      %add3A_178 = arith.addf %add3A_171, %get3A_177 : vector<16xf32>
      %add3A_179 = arith.constant 7 : i32
      %add3A_180 = arith.addi %mul3A_133, %add3A_179 : i32
      %get3A_181 = arith.index_cast %add3A_180 : i32 to index
      %get3A_182 = arith.constant 0 : index
      %get3A_183 = tpu.vector_load %arg6[%get3A_181, %get3A_182] {strides = array<i32>} : memref<640x128xf32, #tpu.memory_space<vmem>>, vector<1x16xf32>,
      %get3A_184 = vector.shape_cast %get3A_183 : vector<1x16xf32> to vector<16xf32>
      %add3A_185 = arith.addf %add3A_178, %get3A_184 : vector<16xf32>
      %add3A_186 = arith.constant 8 : i32
      %add3A_187 = arith.addi %mul3A_133, %add3A_186 : i32
      %get3A_188 = arith.index_cast %add3A_187 : i32 to index
      %get3A_189 = arith.constant 0 : index
      %get3A_190 = tpu.vector_load %arg6[%get3A_188, %get3A_189] {strides = array<i32>} : memref<640x128xf32, #tpu.memory_space<vmem>>, vector<1x16xf32>,
      %get3A_191 = vector.shape_cast %get3A_190 : vector<1x16xf32> to vector<16xf32>
      %add3A_192 = arith.addf %add3A_185, %get3A_191 : vector<16xf32>
      %add3A_193 = arith.constant 9 : i32
      %add3A_194 = arith.addi %mul3A_133, %add3A_193 : i32
      %get3A_195 = arith.index_cast %add3A_194 : i32 to index
      %get3A_196 = arith.constant 0 : index
      %get3A_197 = tpu.vector_load %arg6[%get3A_195, %get3A_196] {strides = array<i32>} : memref<640x128xf32, #tpu.memory_space<vmem>>, vector<1x16xf32>,
      %get3A_198 = vector.shape_cast %get3A_197 : vector<1x16xf32> to vector<16xf32>
      %add3A_199 = arith.addf %add3A_192, %get3A_198 : vector<16xf32>
      %add3A_200 = arith.constant 10 : i32
      %add3A_201 = arith.addi %mul3A_133, %add3A_200 : i32
      %get3A_202 = arith.index_cast %add3A_201 : i32 to index
      %get3A_203 = arith.constant 0 : index
      %get3A_204 = tpu.vector_load %arg6[%get3A_202, %get3A_203] {strides = array<i32>} : memref<640x128xf32, #tpu.memory_space<vmem>>, vector<1x16xf32>,
      %get3A_205 = vector.shape_cast %get3A_204 : vector<1x16xf32> to vector<16xf32>
      %add3A_206 = arith.addf %add3A_199, %get3A_205 : vector<16xf32>
      %add3A_207 = arith.constant 11 : i32
      %add3A_208 = arith.addi %mul3A_133, %add3A_207 : i32
      %get3A_209 = arith.index_cast %add3A_208 : i32 to index
      %get3A_210 = arith.constant 0 : index
      %get3A_211 = tpu.vector_load %arg6[%get3A_209, %get3A_210] {strides = array<i32>} : memref<640x128xf32, #tpu.memory_space<vmem>>, vector<1x16xf32>,
      %get3A_212 = vector.shape_cast %get3A_211 : vector<1x16xf32> to vector<16xf32>
      %add3A_213 = arith.addf %add3A_206, %get3A_212 : vector<16xf32>
      %add3A_214 = arith.constant 12 : i32
      %add3A_215 = arith.addi %mul3A_133, %add3A_214 : i32
      %get3A_216 = arith.index_cast %add3A_215 : i32 to index
      %get3A_217 = arith.constant 0 : index
      %get3A_218 = tpu.vector_load %arg6[%get3A_216, %get3A_217] {strides = array<i32>} : memref<640x128xf32, #tpu.memory_space<vmem>>, vector<1x16xf32>,
      %get3A_219 = vector.shape_cast %get3A_218 : vector<1x16xf32> to vector<16xf32>
      %add3A_220 = arith.addf %add3A_213, %get3A_219 : vector<16xf32>
      %add3A_221 = arith.constant 13 : i32
      %add3A_222 = arith.addi %mul3A_133, %add3A_221 : i32
      %get3A_223 = arith.index_cast %add3A_222 : i32 to index
      %get3A_224 = arith.constant 0 : index
      %get3A_225 = tpu.vector_load %arg6[%get3A_223, %get3A_224] {strides = array<i32>} : memref<640x128xf32, #tpu.memory_space<vmem>>, vector<1x16xf32>,
      %get3A_226 = vector.shape_cast %get3A_225 : vector<1x16xf32> to vector<16xf32>
      %add3A_227 = arith.addf %add3A_220, %get3A_226 : vector<16xf32>
      %add3A_228 = arith.constant 14 : i32
      %add3A_229 = arith.addi %mul3A_133, %add3A_228 : i32
      %get3A_230 = arith.index_cast %add3A_229 : i32 to index
      %get3A_231 = arith.constant 0 : index
      %get3A_232 = tpu.vector_load %arg6[%get3A_230, %get3A_231] {strides = array<i32>} : memref<640x128xf32, #tpu.memory_space<vmem>>, vector<1x16xf32>,
      %get3A_233 = vector.shape_cast %get3A_232 : vector<1x16xf32> to vector<16xf32>
      %add3A_234 = arith.addf %add3A_227, %get3A_233 : vector<16xf32>
      %add3A_235 = arith.constant 15 : i32
      %add3A_236 = arith.addi %mul3A_133, %add3A_235 : i32
      %get3A_237 = arith.index_cast %add3A_236 : i32 to index
      %get3A_238 = arith.constant 0 : index
      %get3A_239 = tpu.vector_load %arg6[%get3A_237, %get3A_238] {strides = array<i32>} : memref<640x128xf32, #tpu.memory_space<vmem>>, vector<1x16xf32>,
      %get3A_240 = vector.shape_cast %get3A_239 : vector<1x16xf32> to vector<16xf32>
      %add3A_241 = arith.addf %add3A_234, %get3A_240 : vector<16xf32>
      %add3A_242 = arith.constant 16 : i32
      %add3A_243 = arith.addi %mul3A_133, %add3A_242 : i32
      %get3A_244 = arith.index_cast %add3A_243 : i32 to index
      %get3A_245 = arith.constant 0 : index
      %get3A_246 = tpu.vector_load %arg6[%get3A_244, %get3A_245] {strides = array<i32>} : memref<640x128xf32, #tpu.memory_space<vmem>>, vector<1x16xf32>,
      %get3A_247 = vector.shape_cast %get3A_246 : vector<1x16xf32> to vector<16xf32>
      %add3A_248 = arith.addf %add3A_241, %get3A_247 : vector<16xf32>
      %add3A_249 = arith.constant 17 : i32
      %add3A_250 = arith.addi %mul3A_133, %add3A_249 : i32
      %get3A_251 = arith.index_cast %add3A_250 : i32 to index
      %get3A_252 = arith.constant 0 : index
      %get3A_253 = tpu.vector_load %arg6[%get3A_251, %get3A_252] {strides = array<i32>} : memref<640x128xf32, #tpu.memory_space<vmem>>, vector<1x16xf32>,
      %get3A_254 = vector.shape_cast %get3A_253 : vector<1x16xf32> to vector<16xf32>
      %add3A_255 = arith.addf %add3A_248, %get3A_254 : vector<16xf32>
      %add3A_256 = arith.constant 18 : i32
      %add3A_257 = arith.addi %mul3A_133, %add3A_256 : i32
      %get3A_258 = arith.index_cast %add3A_257 : i32 to index
      %get3A_259 = arith.constant 0 : index
      %get3A_260 = tpu.vector_load %arg6[%get3A_258, %get3A_259] {strides = array<i32>} : memref<640x128xf32, #tpu.memory_space<vmem>>, vector<1x16xf32>,
      %get3A_261 = vector.shape_cast %get3A_260 : vector<1x16xf32> to vector<16xf32>
      %add3A_262 = arith.addf %add3A_255, %get3A_261 : vector<16xf32>
      %add3A_263 = arith.constant 19 : i32
      %add3A_264 = arith.addi %mul3A_133, %add3A_263 : i32
      %get3A_265 = arith.index_cast %add3A_264 : i32 to index
      %get3A_266 = arith.constant 0 : index
      %get3A_267 = tpu.vector_load %arg6[%get3A_265, %get3A_266] {strides = array<i32>} : memref<640x128xf32, #tpu.memory_space<vmem>>, vector<1x16xf32>,
      %get3A_268 = vector.shape_cast %get3A_267 : vector<1x16xf32> to vector<16xf32>
      %add3A_269 = arith.addf %add3A_262, %get3A_268 : vector<16xf32>
      %mul3A_270 = arith.mulf %add3A_269, %broadcast_in_dim3A_50 : vector<16xf32>
      %swap3A = arith.index_cast %scan3A_131 : i32 to index
      %swap3A_271 = arith.constant 0 : index
      %swap3A_272 = tpu.vector_load %arg7[%swap3A, %swap3A_271] {strides = array<i32>} : memref<32x128xf32, #tpu.memory_space<vmem>>, vector<1x16xf32>,
      %swap3A_273 = vector.shape_cast %swap3A_272 : vector<1x16xf32> to vector<16xf32>
      %swap3A_274 = vector.shape_cast %mul3A_270 : vector<16xf32> to vector<1x16xf32>
      tpu.vector_store %arg7[%swap3A, %swap3A_271], %swap3A_274 {strides = array<i32>} : memref<32x128xf32, #tpu.memory_space<vmem>>, vector<1x16xf32>,
      %get3A_275 = arith.index_cast %mul3A_133 : i32 to index
      %get3A_276 = arith.constant 16 : index
      %get3A_277 = tpu.vector_load %arg6[%get3A_275, %get3A_276] {strides = array<i32>} : memref<640x128xf32, #tpu.memory_space<vmem>>, vector<1x16xf32>,
      %get3A_278 = vector.shape_cast %get3A_277 : vector<1x16xf32> to vector<16xf32>
      %add3A_279 = arith.constant 1 : i32
      %add3A_280 = arith.addi %mul3A_133, %add3A_279 : i32
      %get3A_281 = arith.index_cast %add3A_280 : i32 to index
      %get3A_282 = arith.constant 16 : index
      %get3A_283 = tpu.vector_load %arg6[%get3A_281, %get3A_282] {strides = array<i32>} : memref<640x128xf32, #tpu.memory_space<vmem>>, vector<1x16xf32>,
      %get3A_284 = vector.shape_cast %get3A_283 : vector<1x16xf32> to vector<16xf32>
      %add3A_285 = arith.addf %get3A_278, %get3A_284 : vector<16xf32>
      %add3A_286 = arith.constant 2 : i32
      %add3A_287 = arith.addi %mul3A_133, %add3A_286 : i32
      %get3A_288 = arith.index_cast %add3A_287 : i32 to index
      %get3A_289 = arith.constant 16 : index
      %get3A_290 = tpu.vector_load %arg6[%get3A_288, %get3A_289] {strides = array<i32>} : memref<640x128xf32, #tpu.memory_space<vmem>>, vector<1x16xf32>,
      %get3A_291 = vector.shape_cast %get3A_290 : vector<1x16xf32> to vector<16xf32>
      %add3A_292 = arith.addf %add3A_285, %get3A_291 : vector<16xf32>
      %add3A_293 = arith.constant 3 : i32
      %add3A_294 = arith.addi %mul3A_133, %add3A_293 : i32
      %get3A_295 = arith.index_cast %add3A_294 : i32 to index
      %get3A_296 = arith.constant 16 : index
      %get3A_297 = tpu.vector_load %arg6[%get3A_295, %get3A_296] {strides = array<i32>} : memref<640x128xf32, #tpu.memory_space<vmem>>, vector<1x16xf32>,
      %get3A_298 = vector.shape_cast %get3A_297 : vector<1x16xf32> to vector<16xf32>
      %add3A_299 = arith.addf %add3A_292, %get3A_298 : vector<16xf32>
      %add3A_300 = arith.constant 4 : i32
      %add3A_301 = arith.addi %mul3A_133, %add3A_300 : i32
      %get3A_302 = arith.index_cast %add3A_301 : i32 to index
      %get3A_303 = arith.constant 16 : index
      %get3A_304 = tpu.vector_load %arg6[%get3A_302, %get3A_303] {strides = array<i32>} : memref<640x128xf32, #tpu.memory_space<vmem>>, vector<1x16xf32>,
      %get3A_305 = vector.shape_cast %get3A_304 : vector<1x16xf32> to vector<16xf32>
      %add3A_306 = arith.addf %add3A_299, %get3A_305 : vector<16xf32>
      %add3A_307 = arith.constant 5 : i32
      %add3A_308 = arith.addi %mul3A_133, %add3A_307 : i32
      %get3A_309 = arith.index_cast %add3A_308 : i32 to index
      %get3A_310 = arith.constant 16 : index
      %get3A_311 = tpu.vector_load %arg6[%get3A_309, %get3A_310] {strides = array<i32>} : memref<640x128xf32, #tpu.memory_space<vmem>>, vector<1x16xf32>,
      %get3A_312 = vector.shape_cast %get3A_311 : vector<1x16xf32> to vector<16xf32>
      %add3A_313 = arith.addf %add3A_306, %get3A_312 : vector<16xf32>
      %add3A_314 = arith.constant 6 : i32
      %add3A_315 = arith.addi %mul3A_133, %add3A_314 : i32
      %get3A_316 = arith.index_cast %add3A_315 : i32 to index
      %get3A_317 = arith.constant 16 : index
      %get3A_318 = tpu.vector_load %arg6[%get3A_316, %get3A_317] {strides = array<i32>} : memref<640x128xf32, #tpu.memory_space<vmem>>, vector<1x16xf32>,
      %get3A_319 = vector.shape_cast %get3A_318 : vector<1x16xf32> to vector<16xf32>
      %add3A_320 = arith.addf %add3A_313, %get3A_319 : vector<16xf32>
      %add3A_321 = arith.constant 7 : i32
      %add3A_322 = arith.addi %mul3A_133, %add3A_321 : i32
      %get3A_323 = arith.index_cast %add3A_322 : i32 to index
      %get3A_324 = arith.constant 16 : index
      %get3A_325 = tpu.vector_load %arg6[%get3A_323, %get3A_324] {strides = array<i32>} : memref<640x128xf32, #tpu.memory_space<vmem>>, vector<1x16xf32>,
      %get3A_326 = vector.shape_cast %get3A_325 : vector<1x16xf32> to vector<16xf32>
      %add3A_327 = arith.addf %add3A_320, %get3A_326 : vector<16xf32>
      %add3A_328 = arith.constant 8 : i32
      %add3A_329 = arith.addi %mul3A_133, %add3A_328 : i32
      %get3A_330 = arith.index_cast %add3A_329 : i32 to index
      %get3A_331 = arith.constant 16 : index
      %get3A_332 = tpu.vector_load %arg6[%get3A_330, %get3A_331] {strides = array<i32>} : memref<640x128xf32, #tpu.memory_space<vmem>>, vector<1x16xf32>,
      %get3A_333 = vector.shape_cast %get3A_332 : vector<1x16xf32> to vector<16xf32>
      %add3A_334 = arith.addf %add3A_327, %get3A_333 : vector<16xf32>
      %add3A_335 = arith.constant 9 : i32
      %add3A_336 = arith.addi %mul3A_133, %add3A_335 : i32
      %get3A_337 = arith.index_cast %add3A_336 : i32 to index
      %get3A_338 = arith.constant 16 : index
      %get3A_339 = tpu.vector_load %arg6[%get3A_337, %get3A_338] {strides = array<i32>} : memref<640x128xf32, #tpu.memory_space<vmem>>, vector<1x16xf32>,
      %get3A_340 = vector.shape_cast %get3A_339 : vector<1x16xf32> to vector<16xf32>
      %add3A_341 = arith.addf %add3A_334, %get3A_340 : vector<16xf32>
      %add3A_342 = arith.constant 10 : i32
      %add3A_343 = arith.addi %mul3A_133, %add3A_342 : i32
      %get3A_344 = arith.index_cast %add3A_343 : i32 to index
      %get3A_345 = arith.constant 16 : index
      %get3A_346 = tpu.vector_load %arg6[%get3A_344, %get3A_345] {strides = array<i32>} : memref<640x128xf32, #tpu.memory_space<vmem>>, vector<1x16xf32>,
      %get3A_347 = vector.shape_cast %get3A_346 : vector<1x16xf32> to vector<16xf32>
      %add3A_348 = arith.addf %add3A_341, %get3A_347 : vector<16xf32>
      %add3A_349 = arith.constant 11 : i32
      %add3A_350 = arith.addi %mul3A_133, %add3A_349 : i32
      %get3A_351 = arith.index_cast %add3A_350 : i32 to index
      %get3A_352 = arith.constant 16 : index
      %get3A_353 = tpu.vector_load %arg6[%get3A_351, %get3A_352] {strides = array<i32>} : memref<640x128xf32, #tpu.memory_space<vmem>>, vector<1x16xf32>,
      %get3A_354 = vector.shape_cast %get3A_353 : vector<1x16xf32> to vector<16xf32>
      %add3A_355 = arith.addf %add3A_348, %get3A_354 : vector<16xf32>
      %add3A_356 = arith.constant 12 : i32
      %add3A_357 = arith.addi %mul3A_133, %add3A_356 : i32
      %get3A_358 = arith.index_cast %add3A_357 : i32 to index
      %get3A_359 = arith.constant 16 : index
      %get3A_360 = tpu.vector_load %arg6[%get3A_358, %get3A_359] {strides = array<i32>} : memref<640x128xf32, #tpu.memory_space<vmem>>, vector<1x16xf32>,
      %get3A_361 = vector.shape_cast %get3A_360 : vector<1x16xf32> to vector<16xf32>
      %add3A_362 = arith.addf %add3A_355, %get3A_361 : vector<16xf32>
      %add3A_363 = arith.constant 13 : i32
      %add3A_364 = arith.addi %mul3A_133, %add3A_363 : i32
      %get3A_365 = arith.index_cast %add3A_364 : i32 to index
      %get3A_366 = arith.constant 16 : index
      %get3A_367 = tpu.vector_load %arg6[%get3A_365, %get3A_366] {strides = array<i32>} : memref<640x128xf32, #tpu.memory_space<vmem>>, vector<1x16xf32>,
      %get3A_368 = vector.shape_cast %get3A_367 : vector<1x16xf32> to vector<16xf32>
      %add3A_369 = arith.addf %add3A_362, %get3A_368 : vector<16xf32>
      %add3A_370 = arith.constant 14 : i32
      %add3A_371 = arith.addi %mul3A_133, %add3A_370 : i32
      %get3A_372 = arith.index_cast %add3A_371 : i32 to index
      %get3A_373 = arith.constant 16 : index
      %get3A_374 = tpu.vector_load %arg6[%get3A_372, %get3A_373] {strides = array<i32>} : memref<640x128xf32, #tpu.memory_space<vmem>>, vector<1x16xf32>,
      %get3A_375 = vector.shape_cast %get3A_374 : vector<1x16xf32> to vector<16xf32>
      %add3A_376 = arith.addf %add3A_369, %get3A_375 : vector<16xf32>
      %add3A_377 = arith.constant 15 : i32
      %add3A_378 = arith.addi %mul3A_133, %add3A_377 : i32
      %get3A_379 = arith.index_cast %add3A_378 : i32 to index
      %get3A_380 = arith.constant 16 : index
      %get3A_381 = tpu.vector_load %arg6[%get3A_379, %get3A_380] {strides = array<i32>} : memref<640x128xf32, #tpu.memory_space<vmem>>, vector<1x16xf32>,
      %get3A_382 = vector.shape_cast %get3A_381 : vector<1x16xf32> to vector<16xf32>
      %add3A_383 = arith.addf %add3A_376, %get3A_382 : vector<16xf32>
      %add3A_384 = arith.constant 16 : i32
      %add3A_385 = arith.addi %mul3A_133, %add3A_384 : i32
      %get3A_386 = arith.index_cast %add3A_385 : i32 to index
      %get3A_387 = arith.constant 16 : index
      %get3A_388 = tpu.vector_load %arg6[%get3A_386, %get3A_387] {strides = array<i32>} : memref<640x128xf32, #tpu.memory_space<vmem>>, vector<1x16xf32>,
      %get3A_389 = vector.shape_cast %get3A_388 : vector<1x16xf32> to vector<16xf32>
      %add3A_390 = arith.addf %add3A_383, %get3A_389 : vector<16xf32>
      %add3A_391 = arith.constant 17 : i32
      %add3A_392 = arith.addi %mul3A_133, %add3A_391 : i32
      %get3A_393 = arith.index_cast %add3A_392 : i32 to index
      %get3A_394 = arith.constant 16 : index
      %get3A_395 = tpu.vector_load %arg6[%get3A_393, %get3A_394] {strides = array<i32>} : memref<640x128xf32, #tpu.memory_space<vmem>>, vector<1x16xf32>,
      %get3A_396 = vector.shape_cast %get3A_395 : vector<1x16xf32> to vector<16xf32>
      %add3A_397 = arith.addf %add3A_390, %get3A_396 : vector<16xf32>
      %add3A_398 = arith.constant 18 : i32
      %add3A_399 = arith.addi %mul3A_133, %add3A_398 : i32
      %get3A_400 = arith.index_cast %add3A_399 : i32 to index
      %get3A_401 = arith.constant 16 : index
      %get3A_402 = tpu.vector_load %arg6[%get3A_400, %get3A_401] {strides = array<i32>} : memref<640x128xf32, #tpu.memory_space<vmem>>, vector<1x16xf32>,
      %get3A_403 = vector.shape_cast %get3A_402 : vector<1x16xf32> to vector<16xf32>
      %add3A_404 = arith.addf %add3A_397, %get3A_403 : vector<16xf32>
      %add3A_405 = arith.constant 19 : i32
      %add3A_406 = arith.addi %mul3A_133, %add3A_405 : i32
      %get3A_407 = arith.index_cast %add3A_406 : i32 to index
      %get3A_408 = arith.constant 16 : index
      %get3A_409 = tpu.vector_load %arg6[%get3A_407, %get3A_408] {strides = array<i32>} : memref<640x128xf32, #tpu.memory_space<vmem>>, vector<1x16xf32>,
      %get3A_410 = vector.shape_cast %get3A_409 : vector<1x16xf32> to vector<16xf32>
      %add3A_411 = arith.addf %add3A_404, %get3A_410 : vector<16xf32>
      %mul3A_412 = arith.mulf %add3A_411, %broadcast_in_dim3A_50 : vector<16xf32>
      %swap3A_413 = arith.index_cast %scan3A_131 : i32 to index
      %swap3A_414 = arith.constant 16 : index
      %swap3A_415 = tpu.vector_load %arg7[%swap3A_413, %swap3A_414] {strides = array<i32>} : memref<32x128xf32, #tpu.memory_space<vmem>>, vector<1x16xf32>,
      %swap3A_416 = vector.shape_cast %swap3A_415 : vector<1x16xf32> to vector<16xf32>
      %swap3A_417 = vector.shape_cast %mul3A_412 : vector<16xf32> to vector<1x16xf32>
      tpu.vector_store %arg7[%swap3A_413, %swap3A_414], %swap3A_417 {strides = array<i32>} : memref<32x128xf32, #tpu.memory_space<vmem>>, vector<1x16xf32>,
      %get3A_418 = arith.index_cast %mul3A_133 : i32 to index
      %get3A_419 = arith.constant 32 : index
      %get3A_420 = tpu.vector_load %arg6[%get3A_418, %get3A_419] {strides = array<i32>} : memref<640x128xf32, #tpu.memory_space<vmem>>, vector<1x16xf32>,
      %get3A_421 = vector.shape_cast %get3A_420 : vector<1x16xf32> to vector<16xf32>
      %add3A_422 = arith.constant 1 : i32
      %add3A_423 = arith.addi %mul3A_133, %add3A_422 : i32
      %get3A_424 = arith.index_cast %add3A_423 : i32 to index
      %get3A_425 = arith.constant 32 : index
      %get3A_426 = tpu.vector_load %arg6[%get3A_424, %get3A_425] {strides = array<i32>} : memref<640x128xf32, #tpu.memory_space<vmem>>, vector<1x16xf32>,
      %get3A_427 = vector.shape_cast %get3A_426 : vector<1x16xf32> to vector<16xf32>
      %add3A_428 = arith.addf %get3A_421, %get3A_427 : vector<16xf32>
      %add3A_429 = arith.constant 2 : i32
      %add3A_430 = arith.addi %mul3A_133, %add3A_429 : i32
      %get3A_431 = arith.index_cast %add3A_430 : i32 to index
      %get3A_432 = arith.constant 32 : index
      %get3A_433 = tpu.vector_load %arg6[%get3A_431, %get3A_432] {strides = array<i32>} : memref<640x128xf32, #tpu.memory_space<vmem>>, vector<1x16xf32>,
      %get3A_434 = vector.shape_cast %get3A_433 : vector<1x16xf32> to vector<16xf32>
      %add3A_435 = arith.addf %add3A_428, %get3A_434 : vector<16xf32>
      %add3A_436 = arith.constant 3 : i32
      %add3A_437 = arith.addi %mul3A_133, %add3A_436 : i32
      %get3A_438 = arith.index_cast %add3A_437 : i32 to index
      %get3A_439 = arith.constant 32 : index
      %get3A_440 = tpu.vector_load %arg6[%get3A_438, %get3A_439] {strides = array<i32>} : memref<640x128xf32, #tpu.memory_space<vmem>>, vector<1x16xf32>,
      %get3A_441 = vector.shape_cast %get3A_440 : vector<1x16xf32> to vector<16xf32>
      %add3A_442 = arith.addf %add3A_435, %get3A_441 : vector<16xf32>
      %add3A_443 = arith.constant 4 : i32
      %add3A_444 = arith.addi %mul3A_133, %add3A_443 : i32
      %get3A_445 = arith.index_cast %add3A_444 : i32 to index
      %get3A_446 = arith.constant 32 : index
      %get3A_447 = tpu.vector_load %arg6[%get3A_445, %get3A_446] {strides = array<i32>} : memref<640x128xf32, #tpu.memory_space<vmem>>, vector<1x16xf32>,
      %get3A_448 = vector.shape_cast %get3A_447 : vector<1x16xf32> to vector<16xf32>
      %add3A_449 = arith.addf %add3A_442, %get3A_448 : vector<16xf32>
      %add3A_450 = arith.constant 5 : i32
      %add3A_451 = arith.addi %mul3A_133, %add3A_450 : i32
      %get3A_452 = arith.index_cast %add3A_451 : i32 to index
      %get3A_453 = arith.constant 32 : index
      %get3A_454 = tpu.vector_load %arg6[%get3A_452, %get3A_453] {strides = array<i32>} : memref<640x128xf32, #tpu.memory_space<vmem>>, vector<1x16xf32>,
      %get3A_455 = vector.shape_cast %get3A_454 : vector<1x16xf32> to vector<16xf32>
      %add3A_456 = arith.addf %add3A_449, %get3A_455 : vector<16xf32>
      %add3A_457 = arith.constant 6 : i32
      %add3A_458 = arith.addi %mul3A_133, %add3A_457 : i32
      %get3A_459 = arith.index_cast %add3A_458 : i32 to index
      %get3A_460 = arith.constant 32 : index
      %get3A_461 = tpu.vector_load %arg6[%get3A_459, %get3A_460] {strides = array<i32>} : memref<640x128xf32, #tpu.memory_space<vmem>>, vector<1x16xf32>,
      %get3A_462 = vector.shape_cast %get3A_461 : vector<1x16xf32> to vector<16xf32>
      %add3A_463 = arith.addf %add3A_456, %get3A_462 : vector<16xf32>
      %add3A_464 = arith.constant 7 : i32
      %add3A_465 = arith.addi %mul3A_133, %add3A_464 : i32
      %get3A_466 = arith.index_cast %add3A_465 : i32 to index
      %get3A_467 = arith.constant 32 : index
      %get3A_468 = tpu.vector_load %arg6[%get3A_466, %get3A_467] {strides = array<i32>} : memref<640x128xf32, #tpu.memory_space<vmem>>, vector<1x16xf32>,
      %get3A_469 = vector.shape_cast %get3A_468 : vector<1x16xf32> to vector<16xf32>
      %add3A_470 = arith.addf %add3A_463, %get3A_469 : vector<16xf32>
      %add3A_471 = arith.constant 8 : i32
      %add3A_472 = arith.addi %mul3A_133, %add3A_471 : i32
      %get3A_473 = arith.index_cast %add3A_472 : i32 to index
      %get3A_474 = arith.constant 32 : index
      %get3A_475 = tpu.vector_load %arg6[%get3A_473, %get3A_474] {strides = array<i32>} : memref<640x128xf32, #tpu.memory_space<vmem>>, vector<1x16xf32>,
      %get3A_476 = vector.shape_cast %get3A_475 : vector<1x16xf32> to vector<16xf32>
      %add3A_477 = arith.addf %add3A_470, %get3A_476 : vector<16xf32>
      %add3A_478 = arith.constant 9 : i32
      %add3A_479 = arith.addi %mul3A_133, %add3A_478 : i32
      %get3A_480 = arith.index_cast %add3A_479 : i32 to index
      %get3A_481 = arith.constant 32 : index
      %get3A_482 = tpu.vector_load %arg6[%get3A_480, %get3A_481] {strides = array<i32>} : memref<640x128xf32, #tpu.memory_space<vmem>>, vector<1x16xf32>,
      %get3A_483 = vector.shape_cast %get3A_482 : vector<1x16xf32> to vector<16xf32>
      %add3A_484 = arith.addf %add3A_477, %get3A_483 : vector<16xf32>
      %add3A_485 = arith.constant 10 : i32
      %add3A_486 = arith.addi %mul3A_133, %add3A_485 : i32
      %get3A_487 = arith.index_cast %add3A_486 : i32 to index
      %get3A_488 = arith.constant 32 : index
      %get3A_489 = tpu.vector_load %arg6[%get3A_487, %get3A_488] {strides = array<i32>} : memref<640x128xf32, #tpu.memory_space<vmem>>, vector<1x16xf32>,
      %get3A_490 = vector.shape_cast %get3A_489 : vector<1x16xf32> to vector<16xf32>
      %add3A_491 = arith.addf %add3A_484, %get3A_490 : vector<16xf32>
      %add3A_492 = arith.constant 11 : i32
      %add3A_493 = arith.addi %mul3A_133, %add3A_492 : i32
      %get3A_494 = arith.index_cast %add3A_493 : i32 to index
      %get3A_495 = arith.constant 32 : index
      %get3A_496 = tpu.vector_load %arg6[%get3A_494, %get3A_495] {strides = array<i32>} : memref<640x128xf32, #tpu.memory_space<vmem>>, vector<1x16xf32>,
      %get3A_497 = vector.shape_cast %get3A_496 : vector<1x16xf32> to vector<16xf32>
      %add3A_498 = arith.addf %add3A_491, %get3A_497 : vector<16xf32>
      %add3A_499 = arith.constant 12 : i32
      %add3A_500 = arith.addi %mul3A_133, %add3A_499 : i32
      %get3A_501 = arith.index_cast %add3A_500 : i32 to index
      %get3A_502 = arith.constant 32 : index
      %get3A_503 = tpu.vector_load %arg6[%get3A_501, %get3A_502] {strides = array<i32>} : memref<640x128xf32, #tpu.memory_space<vmem>>, vector<1x16xf32>,
      %get3A_504 = vector.shape_cast %get3A_503 : vector<1x16xf32> to vector<16xf32>
      %add3A_505 = arith.addf %add3A_498, %get3A_504 : vector<16xf32>
      %add3A_506 = arith.constant 13 : i32
      %add3A_507 = arith.addi %mul3A_133, %add3A_506 : i32
      %get3A_508 = arith.index_cast %add3A_507 : i32 to index
      %get3A_509 = arith.constant 32 : index
      %get3A_510 = tpu.vector_load %arg6[%get3A_508, %get3A_509] {strides = array<i32>} : memref<640x128xf32, #tpu.memory_space<vmem>>, vector<1x16xf32>,
      %get3A_511 = vector.shape_cast %get3A_510 : vector<1x16xf32> to vector<16xf32>
      %add3A_512 = arith.addf %add3A_505, %get3A_511 : vector<16xf32>
      %add3A_513 = arith.constant 14 : i32
      %add3A_514 = arith.addi %mul3A_133, %add3A_513 : i32
      %get3A_515 = arith.index_cast %add3A_514 : i32 to index
      %get3A_516 = arith.constant 32 : index
      %get3A_517 = tpu.vector_load %arg6[%get3A_515, %get3A_516] {strides = array<i32>} : memref<640x128xf32, #tpu.memory_space<vmem>>, vector<1x16xf32>,
      %get3A_518 = vector.shape_cast %get3A_517 : vector<1x16xf32> to vector<16xf32>
      %add3A_519 = arith.addf %add3A_512, %get3A_518 : vector<16xf32>
      %add3A_520 = arith.constant 15 : i32
      %add3A_521 = arith.addi %mul3A_133, %add3A_520 : i32
      %get3A_522 = arith.index_cast %add3A_521 : i32 to index
      %get3A_523 = arith.constant 32 : index
      %get3A_524 = tpu.vector_load %arg6[%get3A_522, %get3A_523] {strides = array<i32>} : memref<640x128xf32, #tpu.memory_space<vmem>>, vector<1x16xf32>,
      %get3A_525 = vector.shape_cast %get3A_524 : vector<1x16xf32> to vector<16xf32>
      %add3A_526 = arith.addf %add3A_519, %get3A_525 : vector<16xf32>
      %add3A_527 = arith.constant 16 : i32
      %add3A_528 = arith.addi %mul3A_133, %add3A_527 : i32
      %get3A_529 = arith.index_cast %add3A_528 : i32 to index
      %get3A_530 = arith.constant 32 : index
      %get3A_531 = tpu.vector_load %arg6[%get3A_529, %get3A_530] {strides = array<i32>} : memref<640x128xf32, #tpu.memory_space<vmem>>, vector<1x16xf32>,
      %get3A_532 = vector.shape_cast %get3A_531 : vector<1x16xf32> to vector<16xf32>
      %add3A_533 = arith.addf %add3A_526, %get3A_532 : vector<16xf32>
      %add3A_534 = arith.constant 17 : i32
      %add3A_535 = arith.addi %mul3A_133, %add3A_534 : i32
      %get3A_536 = arith.index_cast %add3A_535 : i32 to index
      %get3A_537 = arith.constant 32 : index
      %get3A_538 = tpu.vector_load %arg6[%get3A_536, %get3A_537] {strides = array<i32>} : memref<640x128xf32, #tpu.memory_space<vmem>>, vector<1x16xf32>,
      %get3A_539 = vector.shape_cast %get3A_538 : vector<1x16xf32> to vector<16xf32>
      %add3A_540 = arith.addf %add3A_533, %get3A_539 : vector<16xf32>
      %add3A_541 = arith.constant 18 : i32
      %add3A_542 = arith.addi %mul3A_133, %add3A_541 : i32
      %get3A_543 = arith.index_cast %add3A_542 : i32 to index
      %get3A_544 = arith.constant 32 : index
      %get3A_545 = tpu.vector_load %arg6[%get3A_543, %get3A_544] {strides = array<i32>} : memref<640x128xf32, #tpu.memory_space<vmem>>, vector<1x16xf32>,
      %get3A_546 = vector.shape_cast %get3A_545 : vector<1x16xf32> to vector<16xf32>
      %add3A_547 = arith.addf %add3A_540, %get3A_546 : vector<16xf32>
      %add3A_548 = arith.constant 19 : i32
      %add3A_549 = arith.addi %mul3A_133, %add3A_548 : i32
      %get3A_550 = arith.index_cast %add3A_549 : i32 to index
      %get3A_551 = arith.constant 32 : index
      %get3A_552 = tpu.vector_load %arg6[%get3A_550, %get3A_551] {strides = array<i32>} : memref<640x128xf32, #tpu.memory_space<vmem>>, vector<1x16xf32>,
      %get3A_553 = vector.shape_cast %get3A_552 : vector<1x16xf32> to vector<16xf32>
      %add3A_554 = arith.addf %add3A_547, %get3A_553 : vector<16xf32>
      %mul3A_555 = arith.mulf %add3A_554, %broadcast_in_dim3A_50 : vector<16xf32>
      %swap3A_556 = arith.index_cast %scan3A_131 : i32 to index
      %swap3A_557 = arith.constant 32 : index
      %swap3A_558 = tpu.vector_load %arg7[%swap3A_556, %swap3A_557] {strides = array<i32>} : memref<32x128xf32, #tpu.memory_space<vmem>>, vector<1x16xf32>,
      %swap3A_559 = vector.shape_cast %swap3A_558 : vector<1x16xf32> to vector<16xf32>
      %swap3A_560 = vector.shape_cast %mul3A_555 : vector<16xf32> to vector<1x16xf32>
      tpu.vector_store %arg7[%swap3A_556, %swap3A_557], %swap3A_560 {strides = array<i32>} : memref<32x128xf32, #tpu.memory_space<vmem>>, vector<1x16xf32>,
      %get3A_561 = arith.index_cast %mul3A_133 : i32 to index
      %get3A_562 = arith.constant 48 : index
      %get3A_563 = tpu.vector_load %arg6[%get3A_561, %get3A_562] {strides = array<i32>} : memref<640x128xf32, #tpu.memory_space<vmem>>, vector<1x16xf32>,
      %get3A_564 = vector.shape_cast %get3A_563 : vector<1x16xf32> to vector<16xf32>
      %add3A_565 = arith.constant 1 : i32
      %add3A_566 = arith.addi %mul3A_133, %add3A_565 : i32
      %get3A_567 = arith.index_cast %add3A_566 : i32 to index
      %get3A_568 = arith.constant 48 : index
      %get3A_569 = tpu.vector_load %arg6[%get3A_567, %get3A_568] {strides = array<i32>} : memref<640x128xf32, #tpu.memory_space<vmem>>, vector<1x16xf32>,
      %get3A_570 = vector.shape_cast %get3A_569 : vector<1x16xf32> to vector<16xf32>
      %add3A_571 = arith.addf %get3A_564, %get3A_570 : vector<16xf32>
      %add3A_572 = arith.constant 2 : i32
      %add3A_573 = arith.addi %mul3A_133, %add3A_572 : i32
      %get3A_574 = arith.index_cast %add3A_573 : i32 to index
      %get3A_575 = arith.constant 48 : index
      %get3A_576 = tpu.vector_load %arg6[%get3A_574, %get3A_575] {strides = array<i32>} : memref<640x128xf32, #tpu.memory_space<vmem>>, vector<1x16xf32>,
      %get3A_577 = vector.shape_cast %get3A_576 : vector<1x16xf32> to vector<16xf32>
      %add3A_578 = arith.addf %add3A_571, %get3A_577 : vector<16xf32>
      %add3A_579 = arith.constant 3 : i32
      %add3A_580 = arith.addi %mul3A_133, %add3A_579 : i32
      %get3A_581 = arith.index_cast %add3A_580 : i32 to index
      %get3A_582 = arith.constant 48 : index
      %get3A_583 = tpu.vector_load %arg6[%get3A_581, %get3A_582] {strides = array<i32>} : memref<640x128xf32, #tpu.memory_space<vmem>>, vector<1x16xf32>,
      %get3A_584 = vector.shape_cast %get3A_583 : vector<1x16xf32> to vector<16xf32>
      %add3A_585 = arith.addf %add3A_578, %get3A_584 : vector<16xf32>
      %add3A_586 = arith.constant 4 : i32
      %add3A_587 = arith.addi %mul3A_133, %add3A_586 : i32
      %get3A_588 = arith.index_cast %add3A_587 : i32 to index
      %get3A_589 = arith.constant 48 : index
      %get3A_590 = tpu.vector_load %arg6[%get3A_588, %get3A_589] {strides = array<i32>} : memref<640x128xf32, #tpu.memory_space<vmem>>, vector<1x16xf32>,
      %get3A_591 = vector.shape_cast %get3A_590 : vector<1x16xf32> to vector<16xf32>
      %add3A_592 = arith.addf %add3A_585, %get3A_591 : vector<16xf32>
      %add3A_593 = arith.constant 5 : i32
      %add3A_594 = arith.addi %mul3A_133, %add3A_593 : i32
      %get3A_595 = arith.index_cast %add3A_594 : i32 to index
      %get3A_596 = arith.constant 48 : index
      %get3A_597 = tpu.vector_load %arg6[%get3A_595, %get3A_596] {strides = array<i32>} : memref<640x128xf32, #tpu.memory_space<vmem>>, vector<1x16xf32>,
      %get3A_598 = vector.shape_cast %get3A_597 : vector<1x16xf32> to vector<16xf32>
      %add3A_599 = arith.addf %add3A_592, %get3A_598 : vector<16xf32>
      %add3A_600 = arith.constant 6 : i32
      %add3A_601 = arith.addi %mul3A_133, %add3A_600 : i32
      %get3A_602 = arith.index_cast %add3A_601 : i32 to index
      %get3A_603 = arith.constant 48 : index
      %get3A_604 = tpu.vector_load %arg6[%get3A_602, %get3A_603] {strides = array<i32>} : memref<640x128xf32, #tpu.memory_space<vmem>>, vector<1x16xf32>,
      %get3A_605 = vector.shape_cast %get3A_604 : vector<1x16xf32> to vector<16xf32>
      %add3A_606 = arith.addf %add3A_599, %get3A_605 : vector<16xf32>
      %add3A_607 = arith.constant 7 : i32
      %add3A_608 = arith.addi %mul3A_133, %add3A_607 : i32
      %get3A_609 = arith.index_cast %add3A_608 : i32 to index
      %get3A_610 = arith.constant 48 : index
      %get3A_611 = tpu.vector_load %arg6[%get3A_609, %get3A_610] {strides = array<i32>} : memref<640x128xf32, #tpu.memory_space<vmem>>, vector<1x16xf32>,
      %get3A_612 = vector.shape_cast %get3A_611 : vector<1x16xf32> to vector<16xf32>
      %add3A_613 = arith.addf %add3A_606, %get3A_612 : vector<16xf32>
      %add3A_614 = arith.constant 8 : i32
      %add3A_615 = arith.addi %mul3A_133, %add3A_614 : i32
      %get3A_616 = arith.index_cast %add3A_615 : i32 to index
      %get3A_617 = arith.constant 48 : index
      %get3A_618 = tpu.vector_load %arg6[%get3A_616, %get3A_617] {strides = array<i32>} : memref<640x128xf32, #tpu.memory_space<vmem>>, vector<1x16xf32>,
      %get3A_619 = vector.shape_cast %get3A_618 : vector<1x16xf32> to vector<16xf32>
      %add3A_620 = arith.addf %add3A_613, %get3A_619 : vector<16xf32>
      %add3A_621 = arith.constant 9 : i32
      %add3A_622 = arith.addi %mul3A_133, %add3A_621 : i32
      %get3A_623 = arith.index_cast %add3A_622 : i32 to index
      %get3A_624 = arith.constant 48 : index
      %get3A_625 = tpu.vector_load %arg6[%get3A_623, %get3A_624] {strides = array<i32>} : memref<640x128xf32, #tpu.memory_space<vmem>>, vector<1x16xf32>,
      %get3A_626 = vector.shape_cast %get3A_625 : vector<1x16xf32> to vector<16xf32>
      %add3A_627 = arith.addf %add3A_620, %get3A_626 : vector<16xf32>
      %add3A_628 = arith.constant 10 : i32
      %add3A_629 = arith.addi %mul3A_133, %add3A_628 : i32
      %get3A_630 = arith.index_cast %add3A_629 : i32 to index
      %get3A_631 = arith.constant 48 : index
      %get3A_632 = tpu.vector_load %arg6[%get3A_630, %get3A_631] {strides = array<i32>} : memref<640x128xf32, #tpu.memory_space<vmem>>, vector<1x16xf32>,
      %get3A_633 = vector.shape_cast %get3A_632 : vector<1x16xf32> to vector<16xf32>
      %add3A_634 = arith.addf %add3A_627, %get3A_633 : vector<16xf32>
      %add3A_635 = arith.constant 11 : i32
      %add3A_636 = arith.addi %mul3A_133, %add3A_635 : i32
      %get3A_637 = arith.index_cast %add3A_636 : i32 to index
      %get3A_638 = arith.constant 48 : index
      %get3A_639 = tpu.vector_load %arg6[%get3A_637, %get3A_638] {strides = array<i32>} : memref<640x128xf32, #tpu.memory_space<vmem>>, vector<1x16xf32>,
      %get3A_640 = vector.shape_cast %get3A_639 : vector<1x16xf32> to vector<16xf32>
      %add3A_641 = arith.addf %add3A_634, %get3A_640 : vector<16xf32>
      %add3A_642 = arith.constant 12 : i32
      %add3A_643 = arith.addi %mul3A_133, %add3A_642 : i32
      %get3A_644 = arith.index_cast %add3A_643 : i32 to index
      %get3A_645 = arith.constant 48 : index
      %get3A_646 = tpu.vector_load %arg6[%get3A_644, %get3A_645] {strides = array<i32>} : memref<640x128xf32, #tpu.memory_space<vmem>>, vector<1x16xf32>,
      %get3A_647 = vector.shape_cast %get3A_646 : vector<1x16xf32> to vector<16xf32>
      %add3A_648 = arith.addf %add3A_641, %get3A_647 : vector<16xf32>
      %add3A_649 = arith.constant 13 : i32
      %add3A_650 = arith.addi %mul3A_133, %add3A_649 : i32
      %get3A_651 = arith.index_cast %add3A_650 : i32 to index
      %get3A_652 = arith.constant 48 : index
      %get3A_653 = tpu.vector_load %arg6[%get3A_651, %get3A_652] {strides = array<i32>} : memref<640x128xf32, #tpu.memory_space<vmem>>, vector<1x16xf32>,
      %get3A_654 = vector.shape_cast %get3A_653 : vector<1x16xf32> to vector<16xf32>
      %add3A_655 = arith.addf %add3A_648, %get3A_654 : vector<16xf32>
      %add3A_656 = arith.constant 14 : i32
      %add3A_657 = arith.addi %mul3A_133, %add3A_656 : i32
      %get3A_658 = arith.index_cast %add3A_657 : i32 to index
      %get3A_659 = arith.constant 48 : index
      %get3A_660 = tpu.vector_load %arg6[%get3A_658, %get3A_659] {strides = array<i32>} : memref<640x128xf32, #tpu.memory_space<vmem>>, vector<1x16xf32>,
      %get3A_661 = vector.shape_cast %get3A_660 : vector<1x16xf32> to vector<16xf32>
      %add3A_662 = arith.addf %add3A_655, %get3A_661 : vector<16xf32>
      %add3A_663 = arith.constant 15 : i32
      %add3A_664 = arith.addi %mul3A_133, %add3A_663 : i32
      %get3A_665 = arith.index_cast %add3A_664 : i32 to index
      %get3A_666 = arith.constant 48 : index
      %get3A_667 = tpu.vector_load %arg6[%get3A_665, %get3A_666] {strides = array<i32>} : memref<640x128xf32, #tpu.memory_space<vmem>>, vector<1x16xf32>,
      %get3A_668 = vector.shape_cast %get3A_667 : vector<1x16xf32> to vector<16xf32>
      %add3A_669 = arith.addf %add3A_662, %get3A_668 : vector<16xf32>
      %add3A_670 = arith.constant 16 : i32
      %add3A_671 = arith.addi %mul3A_133, %add3A_670 : i32
      %get3A_672 = arith.index_cast %add3A_671 : i32 to index
      %get3A_673 = arith.constant 48 : index
      %get3A_674 = tpu.vector_load %arg6[%get3A_672, %get3A_673] {strides = array<i32>} : memref<640x128xf32, #tpu.memory_space<vmem>>, vector<1x16xf32>,
      %get3A_675 = vector.shape_cast %get3A_674 : vector<1x16xf32> to vector<16xf32>
      %add3A_676 = arith.addf %add3A_669, %get3A_675 : vector<16xf32>
      %add3A_677 = arith.constant 17 : i32
      %add3A_678 = arith.addi %mul3A_133, %add3A_677 : i32
      %get3A_679 = arith.index_cast %add3A_678 : i32 to index
      %get3A_680 = arith.constant 48 : index
      %get3A_681 = tpu.vector_load %arg6[%get3A_679, %get3A_680] {strides = array<i32>} : memref<640x128xf32, #tpu.memory_space<vmem>>, vector<1x16xf32>,
      %get3A_682 = vector.shape_cast %get3A_681 : vector<1x16xf32> to vector<16xf32>
      %add3A_683 = arith.addf %add3A_676, %get3A_682 : vector<16xf32>
      %add3A_684 = arith.constant 18 : i32
      %add3A_685 = arith.addi %mul3A_133, %add3A_684 : i32
      %get3A_686 = arith.index_cast %add3A_685 : i32 to index
      %get3A_687 = arith.constant 48 : index
      %get3A_688 = tpu.vector_load %arg6[%get3A_686, %get3A_687] {strides = array<i32>} : memref<640x128xf32, #tpu.memory_space<vmem>>, vector<1x16xf32>,
      %get3A_689 = vector.shape_cast %get3A_688 : vector<1x16xf32> to vector<16xf32>
      %add3A_690 = arith.addf %add3A_683, %get3A_689 : vector<16xf32>
      %add3A_691 = arith.constant 19 : i32
      %add3A_692 = arith.addi %mul3A_133, %add3A_691 : i32
      %get3A_693 = arith.index_cast %add3A_692 : i32 to index
      %get3A_694 = arith.constant 48 : index
      %get3A_695 = tpu.vector_load %arg6[%get3A_693, %get3A_694] {strides = array<i32>} : memref<640x128xf32, #tpu.memory_space<vmem>>, vector<1x16xf32>,
      %get3A_696 = vector.shape_cast %get3A_695 : vector<1x16xf32> to vector<16xf32>
      %add3A_697 = arith.addf %add3A_690, %get3A_696 : vector<16xf32>
      %mul3A_698 = arith.mulf %add3A_697, %broadcast_in_dim3A_50 : vector<16xf32>
      %swap3A_699 = arith.index_cast %scan3A_131 : i32 to index
      %swap3A_700 = arith.constant 48 : index
      %swap3A_701 = tpu.vector_load %arg7[%swap3A_699, %swap3A_700] {strides = array<i32>} : memref<32x128xf32, #tpu.memory_space<vmem>>, vector<1x16xf32>,
      %swap3A_702 = vector.shape_cast %swap3A_701 : vector<1x16xf32> to vector<16xf32>
      %swap3A_703 = vector.shape_cast %mul3A_698 : vector<16xf32> to vector<1x16xf32>
      tpu.vector_store %arg7[%swap3A_699, %swap3A_700], %swap3A_703 {strides = array<i32>} : memref<32x128xf32, #tpu.memory_space<vmem>>, vector<1x16xf32>,
    }
    %scan3A_128 = arith.constant 7 : i32
    %mul3A_129 = arith.constant 32 : i32
    %mul3A_130 = arith.muli %add3A, %mul3A_129 : i32
    "tpu.region"() ({
      %run_scoped3A = tpu.sem_alloc : memref<!tpu.dma_semaphore, #tpu.memory_space<semaphore_mem>>
      %dma_start3A_131 = arith.constant 0 : i32
      %dma_start3A_132 = tpu.memref_slice %arg4[%mul3A_130, %dma_start3A_131] : memref<1024x128xf32, #tpu.memory_space<hbm>> -> memref<32x128xf32, #tpu.memory_space<hbm>>
      %dma_start3A_133 = arith.constant 0 : i32
      %dma_start3A_134 = tpu.memref_slice %arg4[%mul3A_130, %dma_start3A_133] : memref<1024x128xf32, #tpu.memory_space<hbm>> -> memref<32x128xf32, #tpu.memory_space<hbm>>
      tpu.enqueue_dma source(%arg7 : memref<32x128xf32, #tpu.memory_space<vmem>>) target(%dma_start3A_134 : memref<32x128xf32, #tpu.memory_space<hbm>>) target_semaphore(%run_scoped3A : memref<!tpu.dma_semaphore, #tpu.memory_space<semaphore_mem>>)
      %dma_wait3A_135 = arith.constant 0 : i32
      %dma_wait3A_136 = tpu.memref_slice %arg4[%mul3A_130, %dma_wait3A_135] : memref<1024x128xf32, #tpu.memory_space<hbm>> -> memref<32x128xf32, #tpu.memory_space<hbm>>
      %dma_wait3A_137 = arith.constant 0 : i32
      %dma_wait3A_138 = tpu.memref_slice %arg4[%mul3A_130, %dma_wait3A_137] : memref<1024x128xf32, #tpu.memory_space<hbm>> -> memref<32x128xf32, #tpu.memory_space<hbm>>
      tpu.wait_dma2 semaphore(%run_scoped3A : memref<!tpu.dma_semaphore, #tpu.memory_space<semaphore_mem>>) src(%arg7 : memref<32x128xf32, #tpu.memory_space<vmem>>) dst(%dma_wait3A_138 : memref<32x128xf32, #tpu.memory_space<hbm>>)
      tpu.yield
    }) : () -> ()
    return
  }
}

module attributes {stable_mosaic.version = 14 : i64} {
  func.func @_tr_body(%arg0: i32, %arg1: memref<64x16384xf32, #tpu.memory_space<vmem>>, %arg2: memref<16384x128xf32, #tpu.memory_space<vmem>>) attributes {dimension_semantics = [#tpu.dimension_semantics<arbitrary>], iteration_bounds = array<i64: 7>, scalar_prefetch = 0 : i64, scratch_operands = 0 : i64, tpu.core_type = #tpu.core_type<tc>, window_params = [{transform_indices = @transform_0, window_bounds = array<i64: 64, 16384>}, {transform_indices = @transform_1, window_bounds = array<i64: 16384, 128>}]} {
    %get3A = arith.constant 0 : index
    %get3A_0 = arith.constant 0 : index
    %get3A_1 = vector.load %arg1[%get3A, %get3A_0] : memref<64x16384xf32, #tpu.memory_space<vmem>>, vector<64x16384xf32>
    %transpose3A = tpu.transpose %get3A_1, [1, 0] : vector<64x16384xf32> -> vector<16384x64xf32>
    %swap3A = arith.constant 0 : index
    %swap3A_2 = arith.constant 0 : index
    %swap3A_3 = vector.load %arg2[%swap3A, %swap3A_2] : memref<16384x128xf32, #tpu.memory_space<vmem>>, vector<16384x64xf32>
    tpu.vector_store %arg2[%swap3A, %swap3A_2], %transpose3A {strides = array<i32>} : memref<16384x128xf32, #tpu.memory_space<vmem>>, vector<16384x64xf32>,
    return
  }
  func.func @transform_0(%arg0: i32) -> (i32, i32) {
    %c0_i32 = arith.constant 0 : i32
    %c0_i32_0 = arith.constant 0 : i32
    return %c0_i32, %arg0 : i32, i32
  }
  func.func @transform_1(%arg0: i32) -> (i32, i32) {
    %c0_i32 = arith.constant 0 : i32
    %c0_i32_0 = arith.constant 0 : i32
    return %arg0, %c0_i32 : i32, i32
  }
}

module attributes {stable_mosaic.version = 14 : i64} {
  func.func @_proj_body(%arg0: i32, %arg1: memref<1024x128xf32, #tpu.memory_space<vmem>>, %arg2: memref<64x2048xf32, #tpu.memory_space<vmem>>, %arg3: memref<1x2048xf32, #tpu.memory_space<vmem>>, %arg4: memref<2048x1024xf32, #tpu.memory_space<vmem>>) attributes {dimension_semantics = [#tpu.dimension_semantics<arbitrary>], iteration_bounds = array<i64: 49>, scalar_prefetch = 0 : i64, scratch_operands = 0 : i64, tpu.core_type = #tpu.core_type<tc>, window_params = [{pipeline_mode = #tpu.pipeline_mode<synchronous>, transform_indices = @transform_0, window_bounds = array<i64: 1024, 128>}, {transform_indices = @transform_1, window_bounds = array<i64: 64, 2048>}, {transform_indices = @transform_2, window_bounds = array<i64: 1, 2048>}, {transform_indices = @transform_3, window_bounds = array<i64: 2048, 1024>}]} {
    %get3A = arith.constant 0 : index
    %get3A_0 = arith.constant 0 : index
    %get3A_1 = vector.load %arg2[%get3A, %get3A_0] : memref<64x2048xf32, #tpu.memory_space<vmem>>, vector<64x2048xf32>
    %get3A_2 = arith.constant 0 : index
    %get3A_3 = arith.constant 0 : index
    %get3A_4 = vector.load %arg1[%get3A_2, %get3A_3] : memref<1024x128xf32, #tpu.memory_space<vmem>>, vector<1024x64xf32>
    %dot_general3A = arith.constant dense<0.000000e+00> : vector<2048x1024xf32>
    %dot_general3A_5 = tpu.matmul %get3A_1, %get3A_4, %dot_general3A {dimension_numbers = #tpu.dot_dimension_numbers<[0], [1], [1], [0], [0, 1, 1, 0], [], []>, transpose_lhs_hint = false} : vector<64x2048xf32>, vector<1024x64xf32>, vector<2048x1024xf32> -> vector<2048x1024xf32>
    %broadcast_in_dim3A = arith.constant 1.000000e+00 : f32
    %broadcast_in_dim3A_6 = vector.broadcast %broadcast_in_dim3A : f32 to vector<1x1024xf32>
    %get3A_7 = arith.constant 0 : index
    %get3A_8 = arith.constant 0 : index
    %get3A_9 = vector.load %arg3[%get3A_7, %get3A_8] : memref<1x2048xf32, #tpu.memory_space<vmem>>, vector<1x2048xf32>
    %dot_general3A_10 = arith.constant dense<0.000000e+00> : vector<2048x1024xf32>
    %dot_general3A_11 = tpu.matmul %get3A_9, %broadcast_in_dim3A_6, %dot_general3A_10 {dimension_numbers = #tpu.dot_dimension_numbers<[0], [0], [1], [1], [0, 1, 1, 1], [], []>, transpose_lhs_hint = false} : vector<1x2048xf32>, vector<1x1024xf32>, vector<2048x1024xf32> -> vector<2048x1024xf32>
    %add3A = arith.addf %dot_general3A_5, %dot_general3A_11 : vector<2048x1024xf32>
    %swap3A = arith.constant 0 : index
    %swap3A_12 = arith.constant 0 : index
    %swap3A_13 = vector.load %arg4[%swap3A, %swap3A_12] : memref<2048x1024xf32, #tpu.memory_space<vmem>>, vector<2048x1024xf32>
    tpu.vector_store %arg4[%swap3A, %swap3A_12], %add3A {strides = array<i32>} : memref<2048x1024xf32, #tpu.memory_space<vmem>>, vector<2048x1024xf32>,
    return
  }
  func.func @transform_0(%arg0: i32) -> (i32, i32) {
    %c0_i32 = arith.constant 0 : i32
    %c0_i32_0 = arith.constant 0 : i32
    %c0_i32_1 = arith.constant 0 : i32
    return %c0_i32, %c0_i32_0 : i32, i32
  }
  func.func @transform_1(%arg0: i32) -> (i32, i32) {
    %c0_i32 = arith.constant 0 : i32
    %c0_i32_0 = arith.constant 0 : i32
    return %c0_i32, %arg0 : i32, i32
  }
  func.func @transform_2(%arg0: i32) -> (i32, i32) {
    %c0_i32 = arith.constant 0 : i32
    %c0_i32_0 = arith.constant 0 : i32
    return %c0_i32, %arg0 : i32, i32
  }
  func.func @transform_3(%arg0: i32) -> (i32, i32) {
    %c0_i32 = arith.constant 0 : i32
    %c0_i32_0 = arith.constant 0 : i32
    return %arg0, %c0_i32 : i32, i32
  }
}

</mosaic_0001>

<sc_bundles>
// kernel: kernel.5.cloned.1.call-start
scs
__scs_entry_jumppad:
0x0: {  	(pc) =	sbr.rel $0x88, $3  }
0x1: {  	(tag) =	ssettag $0x0;
	lr =	simm.s32 $0x1  }
0x2: {  	[smem:$0x3F9D] =	sst lr;
	_ =	strace $0xD0000000  }
0x3: {  	_ = 	snop  }
0x4: {  	_ = 	snop  }
0x5: {  	_ = 	snop  }
0x6: {  	_ = 	snop  }
0x7: {  	_ = 	snop  }
__scs_overlays_trampoline_lowered:
0x8: {  	[smem:$0x3FAC] =	sst s0  }
0x9: {  	[smem:$0x3FAD] =	sst s1  }
0xa: {  	[smem:$0x3FAE] =	sst s2  }
0xb: {  	[smem:$0x3FAF] =	sst s3  }
0xc: {  	[smem:$0x3FB0] =	sst s4  }
0xd: {  	[smem:$0x3FB1] =	sst s5  }
0xe: {  	[smem:$0x3FB2] =	sst s6  }
0xf: {  	[smem:$0x3FB3] =	sst s7  }
0x10: {  	[smem:$0x3FB4] =	sst s8  }
0x11: {  	[smem:$0x3FB5] =	sst s9;
	s0 =	simm.s32 @!p0 $0x0  }
0x12: {  	s1 =	sld [smem:$0x3F9B];
	s0 =	simm.s32 @p0 $0x1  }
0x13: {  	[smem:$0x3FB6] =	sst s0;
	s0 =	simm.s32 @!p1 $0x0  }
0x14: {  	s2 =	sld [smem:$0x3F9A];
	s0 =	simm.s32 @p1 $0x1  }
0x15: {  	[smem:$0x3FB7] =	sst s0;
	s0 =	simm.s32 @!p2 $0x0  }
0x16: {  	s3 =	sld [smem:$0x3FDB];
	s0 =	simm.s32 @p2 $0x1  }
0x17: {  	s4 =	simm.s32 $0x1BF5;
	[smem:$0x3FB9] =	sst s0  }
0x18: {  	s0 =	sld [smem:$0x3F9C];
	_ =	swait.ge [sflag:s4], $0x0  }
0x19: {  	s7 =	sld [smem:$0x3F9D]  }
0x1a: {  	s8 =	sadd.s32 $0xFFFFE003, lr  }
0x1b: {  	s9 =	sadd.s32 $0xFFFFFEF7, lr;
	s5 =	simm.s32 $0xFFFFFFFF;
	p2 =	slt.u32 s8, $0xFFFFF086  }
0x1c: {  	p1 =	slt.u32 s9, $0xF7A;
	s5 =	simm.s32 @!p2 $0x0  }
0x1d: {  	s5 =	simm.s32 @p1 $0x1;
	p0 =	seq.s32 s7, s2  }
0x1e: {  	s7 =	smul.u32 @!p0 $0xF7A, s2;
	p2 =	seq.s32 @!p0 s5, $0x0  }
0x1f: {  	s9 =	smul.u32 $0xF7A, s1;
	s8 =	simm.s32 @!p0 $0x1BF5;
	p2 =	por !p2, p0  }
0x20: {  	[sflag:s8] =	ssyncset.s32 @!p0 $0xFFFFF086;
	s6 =	sadd.s32 @!p0 s3, s7;
	s7 =	simm.s32 @!p0 $0x108  }
0x21: {  	s3 =	sadd.s32 s3, s9;
	s6 =	sadd.s32 @!p0 $0x88, s6;
	s7 =	simm.s32 @p2 $0x1082  }
0x22: {  	[simem:s7], [sflag:s8] =	dma.local @!p0 [hbm:s6], $0xF7A  }
0x23: {  	s9 =	sor.u32 $0xD0000000, s2;
	s6 =	simm.s32 $0x108;
	_ =	swait.ge @!p0 [sflag:s8], $0x0  }
0x24: {  	s3 =	sadd.s32 $0x88, s3;
	s6 =	simm.s32 @!p1 $0x1082;
	[sflag:s4] =	ssyncset.s32 $0xFFFFF086  }
0x25: {  	[simem:s6], [sflag:s4] =	dma.local [hbm:s3], $0xF7A  }
0x26: {  	[smem:$0x3F9D] =	sst s1;
	(tag) =	ssettag s2;
	_ =	strace s9  }
0x27: {  	s1 =	sld [smem:$0x3FAD]  }
0x28: {  	s2 =	sld [smem:$0x3FAE]  }
0x29: {  	s4 =	sld [smem:$0x3FB0]  }
0x2a: {  	p0 =	seq.s32 s5, $0x0;
	s5 =	sld [smem:$0x3FB1]  }
0x2b: {  	s6 =	sld [smem:$0x3FB2]  }
0x2c: {  	s7 =	sld [smem:$0x3FB3]  }
0x2d: {  	s3 =	simm.s32 $0x108;
	s8 =	sld [smem:$0x3FB4]  }
0x2e: {  	s3 =	simm.s32 @!p0 $0x1082;
	s9 =	sld [smem:$0x3FB5]  }
0x2f: {  	lr =	sadd.s32 s0, s3;
	s0 =	sld [smem:$0x3FAC]  }
0x30: {  	s3 =	sld [smem:$0x3FAF]  }
0x31: {  	[smem:$0x3FB8] =	sst s10  }
0x32: {  	s10 =	sld [smem:$0x3FB6];
	_ =	sdelay $0x3  }
0x33: {  	p0 =	seq.s32 s10, $0x1;
	s10 =	sld [smem:$0x3FB8];
	_ =	sdelay $0x3  }
0x34: {  	[smem:$0x3FB8] =	sst s10  }
0x35: {  	s10 =	sld [smem:$0x3FB7];
	_ =	sdelay $0x3  }
0x36: {  	p1 =	seq.s32 s10, $0x1;
	s10 =	sld [smem:$0x3FB8];
	_ =	sdelay $0x3  }
0x37: {  	[smem:$0x3FB8] =	sst s10  }
0x38: {  	s10 =	sld [smem:$0x3FB9]  }
0x39: {  	_ = 	snop;
	(pc) =	sbr.ind lr, $3  }
0x3a: {  	_ = 	snop  }
0x3b: {  	_ = 	snop  }
0x3c: {  	p2 =	seq.s32 s10, $0x1;
	s10 =	sld [smem:$0x3FB8]  }
0x3d: {  	_ =	shalt  }
0x3e: {  	_ =	shalt  }
0x3f: {  	_ =	shalt  }
0x40: {  	_ =	shalt  }
0x41: {  	_ =	shalt  }
0x42: {  	_ =	shalt  }
0x43: {  	_ =	shalt  }
0x44: {  	_ =	shalt  }
0x45: {  	_ =	shalt  }
0x46: {  	_ =	shalt  }
0x47: {  	_ =	shalt  }
0x48: {  	_ =	shalt  }
0x49: {  	_ =	shalt  }
0x4a: {  	_ =	shalt  }
0x4b: {  	_ =	shalt  }
0x4c: {  	_ =	shalt  }
0x4d: {  	_ =	shalt  }
0x4e: {  	_ =	shalt  }
0x4f: {  	_ =	shalt  }
0x50: {  	_ =	shalt  }
0x51: {  	_ =	shalt  }
0x52: {  	_ =	shalt  }
0x53: {  	_ =	shalt  }
0x54: {  	_ =	shalt  }
0x55: {  	_ =	shalt  }
0x56: {  	_ =	shalt  }
0x57: {  	_ =	shalt  }
0x58: {  	_ =	shalt  }
0x59: {  	_ =	shalt  }
0x5a: {  	_ =	shalt  }
0x5b: {  	_ =	shalt  }
0x5c: {  	_ =	shalt  }
0x5d: {  	_ =	shalt  }
0x5e: {  	_ =	shalt  }
0x5f: {  	_ =	shalt  }
0x60: {  	_ =	shalt  }
0x61: {  	_ =	shalt  }
0x62: {  	_ =	shalt  }
0x63: {  	_ =	shalt  }
0x64: {  	_ =	shalt  }
0x65: {  	_ =	shalt  }
0x66: {  	_ =	shalt  }
0x67: {  	_ =	shalt  }
0x68: {  	_ =	shalt  }
0x69: {  	_ =	shalt  }
0x6a: {  	_ =	shalt  }
0x6b: {  	_ =	shalt  }
0x6c: {  	_ =	shalt  }
0x6d: {  	_ =	shalt  }
0x6e: {  	_ =	shalt  }
0x6f: {  	_ =	shalt  }
0x70: {  	_ =	shalt  }
0x71: {  	_ =	shalt  }
0x72: {  	_ =	shalt  }
0x73: {  	_ =	shalt  }
0x74: {  	_ =	shalt  }
0x75: {  	_ =	shalt  }
0x76: {  	_ =	shalt  }
0x77: {  	_ =	shalt  }
0x78: {  	_ =	shalt  }
0x79: {  	_ =	shalt  }
0x7a: {  	_ =	shalt  }
0x7b: {  	_ =	shalt  }
0x7c: {  	_ =	shalt  }
0x7d: {  	_ =	shalt  }
0x7e: {  	_ =	shalt  }
0x7f: {  	_ =	shalt  }
0x80: {  	_ =	shalt  }
0x81: {  	_ =	shalt  }
0x82: {  	_ =	shalt  }
0x83: {  	_ =	shalt  }
0x84: {  	_ =	shalt  }
0x85: {  	_ =	shalt  }
0x86: {  	_ =	shalt  }
0x87: {  	_ =	shalt  }
.Lfunc_end0:
.L_simem_size_0:
called_computation_lowered:
.L_overlay_start_0:
0x88: {  	s2 =	sld [smem:$0x3FD9]  }
0x89: {  	s3 =	sld [smem:$0x3FFE];
	_ =	sdelay $0x1  }
0x8a: {  	s1 =	srdreg.scid  }
0x8b: {  	s0 =	sand.u32 $0x1, s1  }
0x8c: {  	s17 =	sshll.u32 s0, $0xA;
	s2 =	sadd.s32 s3, s2  }
0x8d: {  	s2 =	sadd.s32 s2, s17  }
0x8e: {  	[smem:$0x3FC4] =	sst s2  }
0x8f: {  	_ = 	snop  }
0x90: {  	s2 =	sld [smem:$0x3FD0];
	(tm) =	ssettm $0x1  }
0x91: {  	s18 =	sld [smem:$0x3FFB];
	_ =	sdelay $0x3  }
0x92: {  	_ =	strace s18  }
0x93: {  	s3 =	sld [smem:$0x3FFC];
	_ =	sdelay $0x3  }
0x94: {  	_ =	strace s3  }
0x95: {  	s3 =	sld [smem:$0x3FFD];
	_ =	sdelay $0x3  }
0x96: {  	_ =	strace s3  }
0x97: {  	_ =	strace $0x8FFFFFFF  }
0x98: {  	s19 =	sld [smem:$0x3FDB];
	_ =	sdelay $0x1  }
0x99: {  	s4 =	simm.s32 $_scs_section_size  }
0x9a: {  	s5 =	simm.s32 $_size__tile_overlayer_lowered;
	s6 =	simm.s32 $_tile_overlayer_lowered  }
0x9b: {  	s22 =	simm.s32 $0x1BFF;
	s21 =	sshll.u32 s6, $0x1;
	s3 =	sadd.s32 s4, s19  }
0x9c: {  	s7 =	simm.s32 $0x0;
	s20 =	sshll.u32 s5, $0x1;
	s5 =	sadd.s32 s21, s3  }
0x9d: {  	[timem:s7], [sflag:s22] =	dma.local [hbm:s5], s20  }
0x9e: {  	_ =	swait.ge [sflag:s22], s20  }
0x9f: {  	s4 =	ssub.s32 $0x0, s20;
	[sflag:s22] =	ssyncset.done $0x0  }
0xa0: {  	[sflag:s22] =	ssyncadd.s32 s4;
	_ =	sdelay $0x1  }
0xa1: {  	s23 =	simm.s32 $0x1B8B  }
0xa2: {  	_ =	swait.ge [sflag:s23], $0x1  }
0xa3: {  	[sflag:s23] =	ssyncset.done $0x0  }
0xa4: {  	s25 =	simm.s32 $0x1B8E;
	s24 =	sld [smem:$0x3FFE];
	[sflag:s23] =	ssyncadd.s32 $0xFFFFFFFF  }
0xa5: {  	s26 =	simm.s32 $execute0_lowered;
	[smem:$0x3FD2] =	sst s25  }
0xa6: {  	s5 =	sshll.u32 s26, $0x1;
	_ =	strace $0x80000046;
	[dreg:$0x1] =	wrdreg $0xFFFFFFFF  }
0xa7: {  	s28 =	simm.s32 $_size_execute0_lowered;
	s3 =	sadd.s32 s3, s5;
	[dreg:$0x0] =	wrdreg $0x0  }
0xa8: {  	s5 =	sshll.u32 s28, $0x1;
	[dreg:$0x2] =	wrdreg s3  }
0xa9: {  	[dreg:$0x3] =	wrdreg s5  }
0xaa: {  	[dreg:$0x4] =	wrdreg $0xC0  }
0xab: {  	_ =	task [dreg:s7], $0x5FFFF  }
0xac: {  	[dreg:$0x1] =	wrdreg $0xFFFFFFFF  }
0xad: {  	[dreg:$0x0] =	wrdreg $0x60  }
0xae: {  	[dreg:$0x2] =	wrdreg s24  }
0xaf: {  	[dreg:$0x3] =	wrdreg s2  }
0xb0: {  	[dreg:$0x4] =	wrdreg $0x9  }
0xb1: {  	_ =	task.clear_ibuf [dreg:s7], $0x5FFFF;
	_ =	strace $0x90000046  }
0xb2: {  	s29 =	simm.s32 $0x9;
	_ =	strace $0x80000048  }
0xb3: {  	_ =	swait.ge [sflag:s29], $0x1  }
0xb4: {  	[sflag:s29] =	ssyncadd.s32 $0xFFFFFFFF  }
0xb5: {  	_ =	strace $0x90000048  }
0xb6: {  	_ =	sfence  }
0xb7: {  	s30 =	sld [smem:$0x0];
	_ =	sdelay $0x2  }
0xb8: {  	s31 =	sshll.u32 s1, $0xD;
	s1 =	sshrl.u32 s1, $0x2  }
0xb9: {  	s3 =	sand.u32 $0x4000, s31;
	s1 =	sadd.s32 s1, s30  }
0xba: {  	s0 =	sor.u32 s3, s0;
	s1 =	sshll.u32 s1, $0x11  }
0xbb: {  	s0 =	sor.u32 s1, s0  }
0xbc: {  	s0 =	sadd.s32 $0x8F2B, s0  }
0xbd: {  	[sflag:s0] =	ssyncadd.remote.s32 $0x1  }
0xbe: {  	_ =	sfence.sel $0xFFFF  }
0xbf: {  	[dreg:$0x0] =	wrdreg $0xFFFFFFFF;
	(pc) =	sbr.abs _section_cstart, $3  }
0xc0: {  	[dreg:$0x1] =	wrdreg $0xFFFFFFFF  }
0xc1: {  	_ =	task.clear_ibuf [dreg:s7], $0x2FFFF;
	_ =	strace $0x9FFFFFFF  }
0xc2: {  	(tm) =	ssettm $0x7FFFFFFF  }
0xc3: {  	_ =	shalt  }
tec
execute0_lowered:
.L_overlay_start_1:
0x0: {  	(tag) =	ssettag $0x1  }
0x1: {  	s4 =	rddreg [dreg:$0x0];
	s1 =	srdreg.scid  }
0x2: {  	s0 =	stileid.u32;
	s2 =	rddreg [dreg:$0x1]  }
0x3: {  	s3 =	simm.s32 $0x0;
	s9 =	simm.s32 $0x280;
	s10 =	simm.s32 $0x4280  }
0x4: {  	s11 =	simm.s32 $0x100;
	s12 =	simm.s32 $0x8280;
	s13 =	simm.s32 $0x180  }
0x5: {  	s14 =	simm.s32 $0xC280;
	s15 =	simm.s32 $0x200;
	s16 =	simm.s32 $0x10280  }
0x6: {  	s17 =	simm.s32 $0x1;
	s18 =	simm.s32 $0x14280;
	s19 =	simm.s32 $0x0  }
0x7: {  	s5 =	sand.u32 $0x1, s1;
	s6 =	sshll.u32 s0, $0x1;
	s1 =	rddreg [dreg:$0x2]  }
0x8: {  	[smem:$0x7FF] =	sst s3;
	s6 =	sor.u32 s5, s6;
	s5 =	ssub.s32 $0x2, s5  }
0x9: {  	s7 =	smul.u32 $0x50, s6;
	s6 =	sshll.u32 s6, $0x9;
	s8 =	sshrl.u32 s5, $0x1  }
0xa: {  	_ =	strace $0x80000047;
	s6 =	sadd.s32 s6, s4;
	s8 =	ssub.s32 s5, s8  }
0xb: {  	s7 =	sadd.s32 s7, s4;
	s5 =	sadd.s32 $0x1200, s6;
	s6 =	smax.u32 s8, $0x1  }
0xc: {  	s8 =	simm.s32 $0x80;
	s4 =	sadd.s32 $0x800, s7;
	s7 =	simm.s32 $0x2  }
.LBB2_1:
0xd: {  	[tilespmem:s3], [sflag:$0x2] =	stream.linear.gather [hbm4b:s4+s3], $0x280, $0x38;
	[tilespmem:$0x15280] =	vst v63  }
0xe: {  	_ =	swait.ge [sflag:s7], $0x280  }
0xf: {  	[sflag:s7] =	ssyncset.done $0x0  }
0x10: {  	[sflag:s7] =	ssyncadd.s32 $0xFFFFFD80  }
0x11: {  	[tilespmem:s9], [sflag:$0x1] =	stream.indirect.gather [hbm4b:s2+s8], $0x80, s3, s8, $0xb8;
	[tilespmem:$0x15280] =	vst v63  }
0x12: {  	_ = 	snop  }
0x13: {  	[tilespmem:s10], [sflag:$0x1] =	stream.indirect.gather [hbm4b:s2+s8], $0x80, s8, s8, $0xb8;
	[tilespmem:$0x15280] =	vst v63  }
0x14: {  	_ = 	snop  }
0x15: {  	[tilespmem:s12], [sflag:$0x1] =	stream.indirect.gather [hbm4b:s2+s8], $0x80, s11, s8, $0xb8;
	[tilespmem:$0x15280] =	vst v63  }
0x16: {  	_ = 	snop  }
0x17: {  	[tilespmem:s14], [sflag:$0x1] =	stream.indirect.gather [hbm4b:s2+s8], $0x80, s13, s8, $0xb8;
	[tilespmem:$0x15280] =	vst v63  }
0x18: {  	_ = 	snop  }
0x19: {  	[tilespmem:s16], [sflag:$0x1] =	stream.indirect.gather [hbm4b:s2+s8], $0x80, s15, s8, $0xb8;
	[tilespmem:$0x15280] =	vst v63  }
0x1a: {  	_ =	swait.ge [sflag:s17], $0x4000  }
0x1b: {  	[sflag:s17] =	ssyncset.done $0x0  }
0x1c: {  	s20 =	simm.s32 $0x780;
	[sflag:s17] =	ssyncadd.s32 $0xFFFFC000  }
0x1d: {  	v0 =	vld [tilespmem:s20+$0xFFFFFB80]  }
0x1e: {  	v1 =	vld [tilespmem:s20+$0xFFFFFB00];
	_ =	sdelay $0x1  }
0x1f: {  	v2 =	vld [tilespmem:s20+$0xFFFFFC00];
	_ =	sdelay $0x1  }
0x20: {  	v3 =	vld [tilespmem:s20+$0xFFFFFC80]  }
0x21: {  	v0 =	vadd.f32 v0, v1  }
0x22: {  	v1 =	vld [tilespmem:s20+$0xFFFFFD00]  }
0x23: {  	v0 =	vadd.f32 v2, v0  }
0x24: {  	v2 =	vld [tilespmem:s20+$0xFFFFFD80]  }
0x25: {  	v0 =	vadd.f32 v3, v0  }
0x26: {  	v3 =	vld [tilespmem:s20+$0xFFFFFE00]  }
0x27: {  	v0 =	vadd.f32 v1, v0  }
0x28: {  	v1 =	vld [tilespmem:s20+$0xFFFFFE80]  }
0x29: {  	v0 =	vadd.f32 v2, v0  }
0x2a: {  	v2 =	vld [tilespmem:s20+$0xFFFFFF00]  }
0x2b: {  	v0 =	vadd.f32 v3, v0  }
0x2c: {  	v3 =	vld [tilespmem:s20+$0xFFFFFF80]  }
0x2d: {  	v0 =	vadd.f32 v1, v0  }
0x2e: {  	v1 =	vld [tilespmem:s20+$0x0]  }
0x2f: {  	v0 =	vadd.f32 v2, v0  }
0x30: {  	v2 =	vld [tilespmem:s20+$0x80]  }
0x31: {  	v0 =	vadd.f32 v3, v0  }
0x32: {  	v3 =	vld [tilespmem:s20+$0x100]  }
0x33: {  	v0 =	vadd.f32 v1, v0  }
0x34: {  	v1 =	vld [tilespmem:s20+$0x180]  }
0x35: {  	v0 =	vadd.f32 v2, v0  }
0x36: {  	v2 =	vld [tilespmem:s20+$0x200]  }
0x37: {  	v0 =	vadd.f32 v3, v0  }
0x38: {  	v3 =	vld [tilespmem:s20+$0x280]  }
0x39: {  	v0 =	vadd.f32 v1, v0  }
0x3a: {  	v1 =	vld [tilespmem:s20+$0x300]  }
0x3b: {  	v0 =	vadd.f32 v2, v0  }
0x3c: {  	v2 =	vld [tilespmem:s20+$0x380]  }
0x3d: {  	v0 =	vadd.f32 v3, v0  }
0x3e: {  	v3 =	vld [tilespmem:s20+$0x400]  }
0x3f: {  	v0 =	vadd.f32 v1, v0  }
0x40: {  	v1 =	vld [tilespmem:s20+$0x480]  }
0x41: {  	v0 =	vadd.f32 v2, v0;
	_ =	sdelay $0x1  }
0x42: {  	v0 =	vadd.f32 v3, v0;
	_ =	sdelay $0x1  }
0x43: {  	v0 =	vadd.f32 v1, v0;
	_ =	sdelay $0x1  }
0x44: {  	v0 =	vmul.f32 $5.000000070e-02, v0  }
0x45: {  	s21 =	simm.s32 $0x0  }
0x46: {  	[tilespmem:s21+$0x14280] =	vst v0  }
0x47: {  	v0 =	vld [tilespmem:s20+$0xFFFFFB10]  }
0x48: {  	v1 =	vld [tilespmem:s20+$0xFFFFFB90];
	_ =	sdelay $0x1  }
0x49: {  	v2 =	vld [tilespmem:s20+$0xFFFFFC10];
	_ =	sdelay $0x1  }
0x4a: {  	v3 =	vld [tilespmem:s20+$0xFFFFFC90]  }
0x4b: {  	v0 =	vadd.f32 v1, v0  }
0x4c: {  	v1 =	vld [tilespmem:s20+$0xFFFFFD10]  }
0x4d: {  	v0 =	vadd.f32 v2, v0  }
0x4e: {  	v2 =	vld [tilespmem:s20+$0xFFFFFD90]  }
0x4f: {  	v0 =	vadd.f32 v3, v0  }
0x50: {  	v3 =	vld [tilespmem:s20+$0xFFFFFE10]  }
0x51: {  	v0 =	vadd.f32 v1, v0  }
0x52: {  	v1 =	vld [tilespmem:s20+$0xFFFFFE90]  }
0x53: {  	v0 =	vadd.f32 v2, v0  }
0x54: {  	v2 =	vld [tilespmem:s20+$0xFFFFFF10]  }
0x55: {  	v0 =	vadd.f32 v3, v0  }
0x56: {  	v3 =	vld [tilespmem:s20+$0xFFFFFF90]  }
0x57: {  	v0 =	vadd.f32 v1, v0  }
0x58: {  	v1 =	vld [tilespmem:s20+$0x10]  }
0x59: {  	v0 =	vadd.f32 v2, v0  }
0x5a: {  	v2 =	vld [tilespmem:s20+$0x90]  }
0x5b: {  	v0 =	vadd.f32 v3, v0  }
0x5c: {  	v3 =	vld [tilespmem:s20+$0x110]  }
0x5d: {  	v0 =	vadd.f32 v1, v0  }
0x5e: {  	v1 =	vld [tilespmem:s20+$0x190]  }
0x5f: {  	v0 =	vadd.f32 v2, v0  }
0x60: {  	v2 =	vld [tilespmem:s20+$0x210]  }
0x61: {  	v0 =	vadd.f32 v3, v0  }
0x62: {  	v3 =	vld [tilespmem:s20+$0x290]  }
0x63: {  	v0 =	vadd.f32 v1, v0  }
0x64: {  	v1 =	vld [tilespmem:s20+$0x310]  }
0x65: {  	v0 =	vadd.f32 v2, v0  }
0x66: {  	v2 =	vld [tilespmem:s20+$0x390]  }
0x67: {  	v0 =	vadd.f32 v3, v0  }
0x68: {  	v3 =	vld [tilespmem:s20+$0x410]  }
0x69: {  	v0 =	vadd.f32 v1, v0  }
0x6a: {  	v1 =	vld [tilespmem:s20+$0x490]  }
0x6b: {  	v0 =	vadd.f32 v2, v0;
	_ =	sdelay $0x1  }
0x6c: {  	v0 =	vadd.f32 v3, v0;
	_ =	sdelay $0x1  }
0x6d: {  	v0 =	vadd.f32 v1, v0;
	_ =	sdelay $0x1  }
0x6e: {  	v0 =	vmul.f32 $5.000000070e-02, v0;
	_ =	sdelay $0x1  }
0x6f: {  	[tilespmem:s21+$0x14290] =	vst v0  }
0x70: {  	v0 =	vld [tilespmem:s20+$0xFFFFFB20]  }
0x71: {  	v1 =	vld [tilespmem:s20+$0xFFFFFBA0];
	_ =	sdelay $0x1  }
0x72: {  	v2 =	vld [tilespmem:s20+$0xFFFFFC20];
	_ =	sdelay $0x1  }
0x73: {  	v3 =	vld [tilespmem:s20+$0xFFFFFCA0]  }
0x74: {  	v0 =	vadd.f32 v1, v0  }
0x75: {  	v1 =	vld [tilespmem:s20+$0xFFFFFD20]  }
0x76: {  	v0 =	vadd.f32 v2, v0  }
0x77: {  	v2 =	vld [tilespmem:s20+$0xFFFFFDA0]  }
0x78: {  	v0 =	vadd.f32 v3, v0  }
0x79: {  	v3 =	vld [tilespmem:s20+$0xFFFFFE20]  }
0x7a: {  	v0 =	vadd.f32 v1, v0  }
0x7b: {  	v1 =	vld [tilespmem:s20+$0xFFFFFEA0]  }
0x7c: {  	v0 =	vadd.f32 v2, v0  }
0x7d: {  	v2 =	vld [tilespmem:s20+$0xFFFFFF20]  }
0x7e: {  	v0 =	vadd.f32 v3, v0  }
0x7f: {  	v3 =	vld [tilespmem:s20+$0xFFFFFFA0]  }
0x80: {  	v0 =	vadd.f32 v1, v0  }
0x81: {  	v1 =	vld [tilespmem:s20+$0x20]  }
0x82: {  	v0 =	vadd.f32 v2, v0  }
0x83: {  	v2 =	vld [tilespmem:s20+$0xA0]  }
0x84: {  	v0 =	vadd.f32 v3, v0  }
0x85: {  	v3 =	vld [tilespmem:s20+$0x120]  }
0x86: {  	v0 =	vadd.f32 v1, v0  }
0x87: {  	v1 =	vld [tilespmem:s20+$0x1A0]  }
0x88: {  	v0 =	vadd.f32 v2, v0  }
0x89: {  	v2 =	vld [tilespmem:s20+$0x220]  }
0x8a: {  	v0 =	vadd.f32 v3, v0  }
0x8b: {  	v3 =	vld [tilespmem:s20+$0x2A0]  }
0x8c: {  	v0 =	vadd.f32 v1, v0  }
0x8d: {  	v1 =	vld [tilespmem:s20+$0x320]  }
0x8e: {  	v0 =	vadd.f32 v2, v0  }
0x8f: {  	v2 =	vld [tilespmem:s20+$0x3A0]  }
0x90: {  	v0 =	vadd.f32 v3, v0  }
0x91: {  	v3 =	vld [tilespmem:s20+$0x420]  }
0x92: {  	v0 =	vadd.f32 v1, v0  }
0x93: {  	v1 =	vld [tilespmem:s20+$0x4A0]  }
0x94: {  	v0 =	vadd.f32 v2, v0;
	_ =	sdelay $0x1  }
0x95: {  	v0 =	vadd.f32 v3, v0;
	_ =	sdelay $0x1  }
0x96: {  	v0 =	vadd.f32 v1, v0;
	_ =	sdelay $0x1  }
0x97: {  	v0 =	vmul.f32 $5.000000070e-02, v0;
	_ =	sdelay $0x1  }
0x98: {  	[tilespmem:s21+$0x142A0] =	vst v0  }
0x99: {  	v0 =	vld [tilespmem:s20+$0xFFFFFB30]  }
0x9a: {  	v1 =	vld [tilespmem:s20+$0xFFFFFBB0];
	_ =	sdelay $0x1  }
0x9b: {  	v2 =	vld [tilespmem:s20+$0xFFFFFC30];
	_ =	sdelay $0x1  }
0x9c: {  	v3 =	vld [tilespmem:s20+$0xFFFFFCB0]  }
0x9d: {  	v0 =	vadd.f32 v1, v0  }
0x9e: {  	v1 =	vld [tilespmem:s20+$0xFFFFFD30]  }
0x9f: {  	v0 =	vadd.f32 v2, v0  }
0xa0: {  	v2 =	vld [tilespmem:s20+$0xFFFFFDB0]  }
0xa1: {  	v0 =	vadd.f32 v3, v0  }
0xa2: {  	v3 =	vld [tilespmem:s20+$0xFFFFFE30]  }
0xa3: {  	v0 =	vadd.f32 v1, v0  }
0xa4: {  	v1 =	vld [tilespmem:s20+$0xFFFFFEB0]  }
0xa5: {  	v0 =	vadd.f32 v2, v0  }
0xa6: {  	v2 =	vld [tilespmem:s20+$0xFFFFFF30]  }
0xa7: {  	v0 =	vadd.f32 v3, v0  }
0xa8: {  	v3 =	vld [tilespmem:s20+$0xFFFFFFB0]  }
0xa9: {  	v0 =	vadd.f32 v1, v0  }
0xaa: {  	v1 =	vld [tilespmem:s20+$0x30]  }
0xab: {  	v0 =	vadd.f32 v2, v0  }
0xac: {  	v2 =	vld [tilespmem:s20+$0xB0]  }
0xad: {  	v0 =	vadd.f32 v3, v0  }
0xae: {  	v3 =	vld [tilespmem:s20+$0x130]  }
0xaf: {  	v0 =	vadd.f32 v1, v0  }
0xb0: {  	v1 =	vld [tilespmem:s20+$0x1B0]  }
0xb1: {  	v0 =	vadd.f32 v2, v0  }
0xb2: {  	v2 =	vld [tilespmem:s20+$0x230]  }
0xb3: {  	v0 =	vadd.f32 v3, v0  }
0xb4: {  	v3 =	vld [tilespmem:s20+$0x2B0]  }
0xb5: {  	v0 =	vadd.f32 v1, v0  }
0xb6: {  	v1 =	vld [tilespmem:s20+$0x330]  }
0xb7: {  	v0 =	vadd.f32 v2, v0  }
0xb8: {  	v2 =	vld [tilespmem:s20+$0x3B0]  }
0xb9: {  	v0 =	vadd.f32 v3, v0;
	_ =	sdelay $0x1  }
0xba: {  	v3 =	vld [tilespmem:s20+$0x430];
	v0 =	vadd.f32 v1, v0;
	_ =	sdelay $0x1  }
0xbb: {  	v1 =	vadd.f32 v2, v0;
	v0 =	vld [tilespmem:s20+$0x4B0];
	_ =	sdelay $0x2  }
0xbc: {  	s22 =	simm.s32 $0x200;
	v1 =	vadd.f32 v3, v1  }
.LBB2_2:
0xbd: {  	p0 =	sne.s32 s22, $0xA00  }
0xbe: {  	s20 =	sadd.s32 $0xA00, s20;
	s23 =	smov.u32 s22;
	s22 =	sadd.s32 $0x200, s22;
	v0 =	vadd.f32 v0, v1  }
0xbf: {  	_ = 	snop  }
0xc0: {  	v0 =	vmul.f32 $5.000000070e-02, v0;
	_ =	sdelay $0x1  }
0xc1: {  	[tilespmem:s21+$0x142B0] =	vst v0  }
0xc2: {  	v0 =	vld [tilespmem:s20+$0xFFFFFB80]  }
0xc3: {  	v1 =	vld [tilespmem:s20+$0xFFFFFB00];
	_ =	sdelay $0x1  }
0xc4: {  	v2 =	vld [tilespmem:s20+$0xFFFFFC00];
	_ =	sdelay $0x1  }
0xc5: {  	v3 =	vld [tilespmem:s20+$0xFFFFFC80]  }
0xc6: {  	v0 =	vadd.f32 v0, v1  }
0xc7: {  	v1 =	vld [tilespmem:s20+$0xFFFFFD00]  }
0xc8: {  	v0 =	vadd.f32 v2, v0  }
0xc9: {  	v2 =	vld [tilespmem:s20+$0xFFFFFD80]  }
0xca: {  	v0 =	vadd.f32 v3, v0  }
0xcb: {  	v3 =	vld [tilespmem:s20+$0xFFFFFE00]  }
0xcc: {  	v0 =	vadd.f32 v1, v0  }
0xcd: {  	v1 =	vld [tilespmem:s20+$0xFFFFFE80]  }
0xce: {  	v0 =	vadd.f32 v2, v0  }
0xcf: {  	v2 =	vld [tilespmem:s20+$0xFFFFFF00]  }
0xd0: {  	v0 =	vadd.f32 v3, v0  }
0xd1: {  	v3 =	vld [tilespmem:s20+$0xFFFFFF80]  }
0xd2: {  	v0 =	vadd.f32 v1, v0  }
0xd3: {  	v1 =	vld [tilespmem:s20+$0x0]  }
0xd4: {  	v0 =	vadd.f32 v2, v0  }
0xd5: {  	v2 =	vld [tilespmem:s20+$0x80]  }
0xd6: {  	v0 =	vadd.f32 v3, v0  }
0xd7: {  	v3 =	vld [tilespmem:s20+$0x100]  }
0xd8: {  	v0 =	vadd.f32 v1, v0  }
0xd9: {  	v1 =	vld [tilespmem:s20+$0x180]  }
0xda: {  	v0 =	vadd.f32 v2, v0  }
0xdb: {  	v2 =	vld [tilespmem:s20+$0x200]  }
0xdc: {  	v0 =	vadd.f32 v3, v0  }
0xdd: {  	v3 =	vld [tilespmem:s20+$0x280]  }
0xde: {  	v0 =	vadd.f32 v1, v0  }
0xdf: {  	v1 =	vld [tilespmem:s20+$0x300]  }
0xe0: {  	v0 =	vadd.f32 v2, v0  }
0xe1: {  	v2 =	vld [tilespmem:s20+$0x380]  }
0xe2: {  	v0 =	vadd.f32 v3, v0  }
0xe3: {  	v3 =	vld [tilespmem:s20+$0x400]  }
0xe4: {  	v0 =	vadd.f32 v1, v0  }
0xe5: {  	v1 =	vld [tilespmem:s20+$0x480]  }
0xe6: {  	v0 =	vadd.f32 v2, v0;
	_ =	sdelay $0x1  }
0xe7: {  	v0 =	vadd.f32 v3, v0;
	_ =	sdelay $0x1  }
0xe8: {  	v0 =	vadd.f32 v1, v0;
	_ =	sdelay $0x1  }
0xe9: {  	v0 =	vmul.f32 $5.000000070e-02, v0  }
0xea: {  	s21 =	sshra.s32 s23, $0x2  }
0xeb: {  	[tilespmem:s21+$0x14280] =	vst v0  }
0xec: {  	v0 =	vld [tilespmem:s20+$0xFFFFFB10]  }
0xed: {  	v1 =	vld [tilespmem:s20+$0xFFFFFB90];
	_ =	sdelay $0x1  }
0xee: {  	v2 =	vld [tilespmem:s20+$0xFFFFFC10];
	_ =	sdelay $0x1  }
0xef: {  	v3 =	vld [tilespmem:s20+$0xFFFFFC90]  }
0xf0: {  	v0 =	vadd.f32 v1, v0  }
0xf1: {  	v1 =	vld [tilespmem:s20+$0xFFFFFD10]  }
0xf2: {  	v0 =	vadd.f32 v2, v0  }
0xf3: {  	v2 =	vld [tilespmem:s20+$0xFFFFFD90]  }
0xf4: {  	v0 =	vadd.f32 v3, v0  }
0xf5: {  	v3 =	vld [tilespmem:s20+$0xFFFFFE10]  }
0xf6: {  	v0 =	vadd.f32 v1, v0  }
0xf7: {  	v1 =	vld [tilespmem:s20+$0xFFFFFE90]  }
0xf8: {  	v0 =	vadd.f32 v2, v0  }
0xf9: {  	v2 =	vld [tilespmem:s20+$0xFFFFFF10]  }
0xfa: {  	v0 =	vadd.f32 v3, v0  }
0xfb: {  	v3 =	vld [tilespmem:s20+$0xFFFFFF90]  }
0xfc: {  	v0 =	vadd.f32 v1, v0  }
0xfd: {  	v1 =	vld [tilespmem:s20+$0x10]  }
0xfe: {  	v0 =	vadd.f32 v2, v0  }
0xff: {  	v2 =	vld [tilespmem:s20+$0x90]  }
0x100: {  	v0 =	vadd.f32 v3, v0  }
0x101: {  	v3 =	vld [tilespmem:s20+$0x110]  }
0x102: {  	v0 =	vadd.f32 v1, v0  }
0x103: {  	v1 =	vld [tilespmem:s20+$0x190]  }
0x104: {  	v0 =	vadd.f32 v2, v0  }
0x105: {  	v2 =	vld [tilespmem:s20+$0x210]  }
0x106: {  	v0 =	vadd.f32 v3, v0  }
0x107: {  	v3 =	vld [tilespmem:s20+$0x290]  }
0x108: {  	v0 =	vadd.f32 v1, v0  }
0x109: {  	v1 =	vld [tilespmem:s20+$0x310]  }
0x10a: {  	v0 =	vadd.f32 v2, v0  }
0x10b: {  	v2 =	vld [tilespmem:s20+$0x390]  }
0x10c: {  	v0 =	vadd.f32 v3, v0  }
0x10d: {  	v3 =	vld [tilespmem:s20+$0x410]  }
0x10e: {  	v0 =	vadd.f32 v1, v0  }
0x10f: {  	v1 =	vld [tilespmem:s20+$0x490]  }
0x110: {  	v0 =	vadd.f32 v2, v0;
	_ =	sdelay $0x1  }
0x111: {  	v0 =	vadd.f32 v3, v0;
	_ =	sdelay $0x1  }
0x112: {  	v0 =	vadd.f32 v1, v0;
	_ =	sdelay $0x1  }
0x113: {  	v0 =	vmul.f32 $5.000000070e-02, v0;
	_ =	sdelay $0x1  }
0x114: {  	[tilespmem:s21+$0x14290] =	vst v0  }
0x115: {  	v0 =	vld [tilespmem:s20+$0xFFFFFB20]  }
0x116: {  	v1 =	vld [tilespmem:s20+$0xFFFFFBA0];
	_ =	sdelay $0x1  }
0x117: {  	v2 =	vld [tilespmem:s20+$0xFFFFFC20];
	_ =	sdelay $0x1  }
0x118: {  	v3 =	vld [tilespmem:s20+$0xFFFFFCA0]  }
0x119: {  	v0 =	vadd.f32 v1, v0  }
0x11a: {  	v1 =	vld [tilespmem:s20+$0xFFFFFD20]  }
0x11b: {  	v0 =	vadd.f32 v2, v0  }
0x11c: {  	v2 =	vld [tilespmem:s20+$0xFFFFFDA0]  }
0x11d: {  	v0 =	vadd.f32 v3, v0  }
0x11e: {  	v3 =	vld [tilespmem:s20+$0xFFFFFE20]  }
0x11f: {  	v0 =	vadd.f32 v1, v0  }
0x120: {  	v1 =	vld [tilespmem:s20+$0xFFFFFEA0]  }
0x121: {  	v0 =	vadd.f32 v2, v0  }
0x122: {  	v2 =	vld [tilespmem:s20+$0xFFFFFF20]  }
0x123: {  	v0 =	vadd.f32 v3, v0  }
0x124: {  	v3 =	vld [tilespmem:s20+$0xFFFFFFA0]  }
0x125: {  	v0 =	vadd.f32 v1, v0  }
0x126: {  	v1 =	vld [tilespmem:s20+$0x20]  }
0x127: {  	v0 =	vadd.f32 v2, v0  }
0x128: {  	v2 =	vld [tilespmem:s20+$0xA0]  }
0x129: {  	v0 =	vadd.f32 v3, v0  }
0x12a: {  	v3 =	vld [tilespmem:s20+$0x120]  }
0x12b: {  	v0 =	vadd.f32 v1, v0  }
0x12c: {  	v1 =	vld [tilespmem:s20+$0x1A0]  }
0x12d: {  	v0 =	vadd.f32 v2, v0  }
0x12e: {  	v2 =	vld [tilespmem:s20+$0x220]  }
0x12f: {  	v0 =	vadd.f32 v3, v0  }
0x130: {  	v3 =	vld [tilespmem:s20+$0x2A0]  }
0x131: {  	v0 =	vadd.f32 v1, v0  }
0x132: {  	v1 =	vld [tilespmem:s20+$0x320]  }
0x133: {  	v0 =	vadd.f32 v2, v0  }
0x134: {  	v2 =	vld [tilespmem:s20+$0x3A0]  }
0x135: {  	v0 =	vadd.f32 v3, v0  }
0x136: {  	v3 =	vld [tilespmem:s20+$0x420]  }
0x137: {  	v0 =	vadd.f32 v1, v0  }
0x138: {  	v1 =	vld [tilespmem:s20+$0x4A0]  }
0x139: {  	v0 =	vadd.f32 v2, v0;
	_ =	sdelay $0x1  }
0x13a: {  	v0 =	vadd.f32 v3, v0;
	_ =	sdelay $0x1  }
0x13b: {  	v0 =	vadd.f32 v1, v0;
	_ =	sdelay $0x1  }
0x13c: {  	v0 =	vmul.f32 $5.000000070e-02, v0;
	_ =	sdelay $0x1  }
0x13d: {  	[tilespmem:s21+$0x142A0] =	vst v0  }
0x13e: {  	v0 =	vld [tilespmem:s20+$0xFFFFFB30]  }
0x13f: {  	v1 =	vld [tilespmem:s20+$0xFFFFFBB0]  }
0x140: {  	v2 =	vld [tilespmem:s20+$0xFFFFFC30]  }
0x141: {  	v3 =	vld [tilespmem:s20+$0xFFFFFCB0]  }
0x142: {  	v4 =	vld [tilespmem:s20+$0xFFFFFD30]  }
0x143: {  	v5 =	vld [tilespmem:s20+$0xFFFFFDB0]  }
0x144: {  	v0 =	vadd.f32 v1, v0;
	v1 =	vld [tilespmem:s20+$0xFFFFFE30]  }
0x145: {  	v6 =	vld [tilespmem:s20+$0xFFFFFEB0]  }
0x146: {  	v0 =	vadd.f32 v2, v0;
	v2 =	vld [tilespmem:s20+$0xFFFFFF30]  }
0x147: {  	v7 =	vld [tilespmem:s20+$0xFFFFFFB0]  }
0x148: {  	v0 =	vadd.f32 v3, v0;
	v3 =	vld [tilespmem:s20+$0x30]  }
0x149: {  	v8 =	vld [tilespmem:s20+$0xB0]  }
0x14a: {  	v0 =	vadd.f32 v4, v0;
	v4 =	vld [tilespmem:s20+$0x130]  }
0x14b: {  	v9 =	vld [tilespmem:s20+$0x1B0]  }
0x14c: {  	v0 =	vadd.f32 v5, v0;
	v5 =	vld [tilespmem:s20+$0x230]  }
0x14d: {  	v10 =	vld [tilespmem:s20+$0x2B0]  }
0x14e: {  	v0 =	vadd.f32 v1, v0;
	v1 =	vld [tilespmem:s20+$0x330]  }
0x14f: {  	v11 =	vld [tilespmem:s20+$0x3B0]  }
0x150: {  	v6 =	vadd.f32 v6, v0;
	v12 =	vld [tilespmem:s20+$0x430]  }
0x151: {  	v0 =	vld [tilespmem:s20+$0x4B0]  }
0x152: {  	v2 =	vadd.f32 v2, v6;
	_ =	sdelay $0x1  }
0x153: {  	v2 =	vadd.f32 v7, v2;
	_ =	sdelay $0x1  }
0x154: {  	v2 =	vadd.f32 v3, v2;
	_ =	sdelay $0x1  }
0x155: {  	v2 =	vadd.f32 v8, v2;
	_ =	sdelay $0x1  }
0x156: {  	v2 =	vadd.f32 v4, v2;
	_ =	sdelay $0x1  }
0x157: {  	v2 =	vadd.f32 v9, v2;
	_ =	sdelay $0x1  }
0x158: {  	v2 =	vadd.f32 v5, v2;
	_ =	sdelay $0x1  }
0x159: {  	v2 =	vadd.f32 v10, v2;
	_ =	sdelay $0x1  }
.Ltmp0:
0x15a: {  	v1 =	vadd.f32 v1, v2;
	(pc) =	sbr.rel @p0 .LBB2_2-.Ltmp0, $3  }
0x15b: {  	_ = 	snop  }
0x15c: {  	v1 =	vadd.f32 v11, v1;
	_ =	sdelay $0x1  }
0x15d: {  	v1 =	vadd.f32 v12, v1  }
0x15e: {  	_ = 	snop  }
0x15f: {  	v0 =	vadd.f32 v0, v1;
	_ =	sdelay $0x1  }
0x160: {  	v0 =	vmul.f32 $5.000000070e-02, v0;
	_ =	sdelay $0x1  }
0x161: {  	[tilespmem:s21+$0x142B0] =	vst v0  }
0x162: {  	_ =	swait.ge [sflag:s17], $0x4000  }
0x163: {  	[sflag:s17] =	ssyncset.done $0x0  }
0x164: {  	s22 =	simm.s32 $0x0;
	[sflag:s17] =	ssyncadd.s32 $0xFFFFC000  }
0x165: {  	v0 =	vld [tilespmem:s22+$0x3E80]  }
0x166: {  	v1 =	vld [tilespmem:s22+$0x3F00];
	_ =	sdelay $0x1  }
0x167: {  	v2 =	vld [tilespmem:s22+$0x3F80];
	_ =	sdelay $0x1  }
0x168: {  	v3 =	vld [tilespmem:s22+$0x4000]  }
0x169: {  	v0 =	vadd.f32 v1, v0  }
0x16a: {  	v1 =	vld [tilespmem:s22+$0x4080]  }
0x16b: {  	v0 =	vadd.f32 v2, v0  }
0x16c: {  	v2 =	vld [tilespmem:s22+$0x4100]  }
0x16d: {  	v0 =	vadd.f32 v3, v0  }
0x16e: {  	v3 =	vld [tilespmem:s22+$0x4180]  }
0x16f: {  	v0 =	vadd.f32 v1, v0  }
0x170: {  	v1 =	vld [tilespmem:s22+$0x4200]  }
0x171: {  	v0 =	vadd.f32 v2, v0  }
0x172: {  	v2 =	vld [tilespmem:s22+$0x4280]  }
0x173: {  	v0 =	vadd.f32 v3, v0  }
0x174: {  	v3 =	vld [tilespmem:s22+$0x4300]  }
0x175: {  	v0 =	vadd.f32 v1, v0  }
0x176: {  	v1 =	vld [tilespmem:s22+$0x4380]  }
0x177: {  	v0 =	vadd.f32 v2, v0  }
0x178: {  	v2 =	vld [tilespmem:s22+$0x4400]  }
0x179: {  	v0 =	vadd.f32 v3, v0  }
0x17a: {  	v3 =	vld [tilespmem:s22+$0x4480]  }
0x17b: {  	v0 =	vadd.f32 v1, v0  }
0x17c: {  	v1 =	vld [tilespmem:s22+$0x4500]  }
0x17d: {  	v0 =	vadd.f32 v2, v0  }
0x17e: {  	v2 =	vld [tilespmem:s22+$0x4580]  }
0x17f: {  	v0 =	vadd.f32 v3, v0  }
0x180: {  	v3 =	vld [tilespmem:s22+$0x4600]  }
0x181: {  	v0 =	vadd.f32 v1, v0  }
0x182: {  	v1 =	vld [tilespmem:s22+$0x4680]  }
0x183: {  	v0 =	vadd.f32 v2, v0  }
0x184: {  	v2 =	vld [tilespmem:s22+$0x4700]  }
0x185: {  	v0 =	vadd.f32 v3, v0  }
0x186: {  	v3 =	vld [tilespmem:s22+$0x4780]  }
0x187: {  	v0 =	vadd.f32 v1, v0  }
0x188: {  	v1 =	vld [tilespmem:s22+$0x4800]  }
0x189: {  	v0 =	vadd.f32 v2, v0;
	_ =	sdelay $0x1  }
0x18a: {  	v0 =	vadd.f32 v3, v0;
	_ =	sdelay $0x1  }
0x18b: {  	v0 =	vadd.f32 v1, v0;
	_ =	sdelay $0x1  }
0x18c: {  	v0 =	vmul.f32 $5.000000070e-02, v0  }
0x18d: {  	s20 =	simm.s32 $0x145B0  }
0x18e: {  	[tilespmem:s20+$0xFFFFFFD0] =	vst v0  }
0x18f: {  	v0 =	vld [tilespmem:s22+$0x3E90]  }
0x190: {  	v1 =	vld [tilespmem:s22+$0x3F10];
	_ =	sdelay $0x1  }
0x191: {  	v2 =	vld [tilespmem:s22+$0x3F90];
	_ =	sdelay $0x1  }
0x192: {  	v3 =	vld [tilespmem:s22+$0x4010]  }
0x193: {  	v0 =	vadd.f32 v1, v0  }
0x194: {  	v1 =	vld [tilespmem:s22+$0x4090]  }
0x195: {  	v0 =	vadd.f32 v2, v0  }
0x196: {  	v2 =	vld [tilespmem:s22+$0x4110]  }
0x197: {  	v0 =	vadd.f32 v3, v0  }
0x198: {  	v3 =	vld [tilespmem:s22+$0x4190]  }
0x199: {  	v0 =	vadd.f32 v1, v0  }
0x19a: {  	v1 =	vld [tilespmem:s22+$0x4210]  }
0x19b: {  	v0 =	vadd.f32 v2, v0  }
0x19c: {  	v2 =	vld [tilespmem:s22+$0x4290]  }
0x19d: {  	v0 =	vadd.f32 v3, v0  }
0x19e: {  	v3 =	vld [tilespmem:s22+$0x4310]  }
0x19f: {  	v0 =	vadd.f32 v1, v0  }
0x1a0: {  	v1 =	vld [tilespmem:s22+$0x4390]  }
0x1a1: {  	v0 =	vadd.f32 v2, v0  }
0x1a2: {  	v2 =	vld [tilespmem:s22+$0x4410]  }
0x1a3: {  	v0 =	vadd.f32 v3, v0  }
0x1a4: {  	v3 =	vld [tilespmem:s22+$0x4490]  }
0x1a5: {  	v0 =	vadd.f32 v1, v0  }
0x1a6: {  	v1 =	vld [tilespmem:s22+$0x4510]  }
0x1a7: {  	v0 =	vadd.f32 v2, v0  }
0x1a8: {  	v2 =	vld [tilespmem:s22+$0x4590]  }
0x1a9: {  	v0 =	vadd.f32 v3, v0  }
0x1aa: {  	v3 =	vld [tilespmem:s22+$0x4610]  }
0x1ab: {  	v0 =	vadd.f32 v1, v0  }
0x1ac: {  	v1 =	vld [tilespmem:s22+$0x4690]  }
0x1ad: {  	v0 =	vadd.f32 v2, v0  }
0x1ae: {  	v2 =	vld [tilespmem:s22+$0x4710]  }
0x1af: {  	v0 =	vadd.f32 v3, v0  }
0x1b0: {  	v3 =	vld [tilespmem:s22+$0x4790]  }
0x1b1: {  	v0 =	vadd.f32 v1, v0  }
0x1b2: {  	v1 =	vld [tilespmem:s22+$0x4810]  }
0x1b3: {  	v0 =	vadd.f32 v2, v0;
	_ =	sdelay $0x1  }
0x1b4: {  	v0 =	vadd.f32 v3, v0;
	_ =	sdelay $0x1  }
0x1b5: {  	v0 =	vadd.f32 v1, v0;
	_ =	sdelay $0x1  }
0x1b6: {  	v0 =	vmul.f32 $5.000000070e-02, v0;
	_ =	sdelay $0x1  }
0x1b7: {  	[tilespmem:s20+$0xFFFFFFE0] =	vst v0  }
0x1b8: {  	v0 =	vld [tilespmem:s22+$0x3EA0]  }
0x1b9: {  	v1 =	vld [tilespmem:s22+$0x3F20];
	_ =	sdelay $0x1  }
0x1ba: {  	v2 =	vld [tilespmem:s22+$0x3FA0];
	_ =	sdelay $0x1  }
0x1bb: {  	v3 =	vld [tilespmem:s22+$0x4020]  }
0x1bc: {  	v0 =	vadd.f32 v1, v0  }
0x1bd: {  	v1 =	vld [tilespmem:s22+$0x40A0]  }
0x1be: {  	v0 =	vadd.f32 v2, v0  }
0x1bf: {  	v2 =	vld [tilespmem:s22+$0x4120]  }
0x1c0: {  	v0 =	vadd.f32 v3, v0  }
0x1c1: {  	v3 =	vld [tilespmem:s22+$0x41A0]  }
0x1c2: {  	v0 =	vadd.f32 v1, v0  }
0x1c3: {  	v1 =	vld [tilespmem:s22+$0x4220]  }
0x1c4: {  	v0 =	vadd.f32 v2, v0  }
0x1c5: {  	v2 =	vld [tilespmem:s22+$0x42A0]  }
0x1c6: {  	v0 =	vadd.f32 v3, v0  }
0x1c7: {  	v3 =	vld [tilespmem:s22+$0x4320]  }
0x1c8: {  	v0 =	vadd.f32 v1, v0  }
0x1c9: {  	v1 =	vld [tilespmem:s22+$0x43A0]  }
0x1ca: {  	v0 =	vadd.f32 v2, v0  }
0x1cb: {  	v2 =	vld [tilespmem:s22+$0x4420]  }
0x1cc: {  	v0 =	vadd.f32 v3, v0  }
0x1cd: {  	v3 =	vld [tilespmem:s22+$0x44A0]  }
0x1ce: {  	v0 =	vadd.f32 v1, v0  }
0x1cf: {  	v1 =	vld [tilespmem:s22+$0x4520]  }
0x1d0: {  	v0 =	vadd.f32 v2, v0  }
0x1d1: {  	v2 =	vld [tilespmem:s22+$0x45A0]  }
0x1d2: {  	v0 =	vadd.f32 v3, v0  }
0x1d3: {  	v3 =	vld [tilespmem:s22+$0x4620]  }
0x1d4: {  	v0 =	vadd.f32 v1, v0  }
0x1d5: {  	v1 =	vld [tilespmem:s22+$0x46A0]  }
0x1d6: {  	v0 =	vadd.f32 v2, v0  }
0x1d7: {  	v2 =	vld [tilespmem:s22+$0x4720]  }
0x1d8: {  	v0 =	vadd.f32 v3, v0  }
0x1d9: {  	v3 =	vld [tilespmem:s22+$0x47A0]  }
0x1da: {  	v0 =	vadd.f32 v1, v0  }
0x1db: {  	v1 =	vld [tilespmem:s22+$0x4820]  }
0x1dc: {  	v0 =	vadd.f32 v2, v0;
	_ =	sdelay $0x1  }
0x1dd: {  	v0 =	vadd.f32 v3, v0;
	_ =	sdelay $0x1  }
0x1de: {  	v0 =	vadd.f32 v1, v0;
	_ =	sdelay $0x1  }
0x1df: {  	v0 =	vmul.f32 $5.000000070e-02, v0;
	_ =	sdelay $0x1  }
0x1e0: {  	[tilespmem:s20+$0xFFFFFFF0] =	vst v0  }
0x1e1: {  	v0 =	vld [tilespmem:s22+$0x3EB0]  }
0x1e2: {  	v1 =	vld [tilespmem:s22+$0x3F30];
	_ =	sdelay $0x1  }
0x1e3: {  	v2 =	vld [tilespmem:s22+$0x3FB0];
	_ =	sdelay $0x1  }
0x1e4: {  	v3 =	vld [tilespmem:s22+$0x4030]  }
0x1e5: {  	v0 =	vadd.f32 v1, v0  }
0x1e6: {  	v1 =	vld [tilespmem:s22+$0x40B0]  }
0x1e7: {  	v0 =	vadd.f32 v2, v0  }
0x1e8: {  	v2 =	vld [tilespmem:s22+$0x4130]  }
0x1e9: {  	v0 =	vadd.f32 v3, v0  }
0x1ea: {  	v3 =	vld [tilespmem:s22+$0x41B0]  }
0x1eb: {  	v0 =	vadd.f32 v1, v0  }
0x1ec: {  	v1 =	vld [tilespmem:s22+$0x4230]  }
0x1ed: {  	v0 =	vadd.f32 v2, v0  }
0x1ee: {  	v2 =	vld [tilespmem:s22+$0x42B0]  }
0x1ef: {  	v0 =	vadd.f32 v3, v0  }
0x1f0: {  	v3 =	vld [tilespmem:s22+$0x4330]  }
0x1f1: {  	v0 =	vadd.f32 v1, v0  }
0x1f2: {  	v1 =	vld [tilespmem:s22+$0x43B0]  }
0x1f3: {  	v0 =	vadd.f32 v2, v0  }
0x1f4: {  	v2 =	vld [tilespmem:s22+$0x4430]  }
0x1f5: {  	v0 =	vadd.f32 v3, v0  }
0x1f6: {  	v3 =	vld [tilespmem:s22+$0x44B0]  }
0x1f7: {  	v0 =	vadd.f32 v1, v0  }
0x1f8: {  	v1 =	vld [tilespmem:s22+$0x4530]  }
0x1f9: {  	v0 =	vadd.f32 v2, v0  }
0x1fa: {  	v2 =	vld [tilespmem:s22+$0x45B0]  }
0x1fb: {  	v0 =	vadd.f32 v3, v0  }
0x1fc: {  	v3 =	vld [tilespmem:s22+$0x4630]  }
0x1fd: {  	v0 =	vadd.f32 v1, v0  }
0x1fe: {  	v1 =	vld [tilespmem:s22+$0x46B0]  }
0x1ff: {  	v0 =	vadd.f32 v2, v0  }
0x200: {  	v2 =	vld [tilespmem:s22+$0x4730]  }
0x201: {  	v0 =	vadd.f32 v3, v0  }
0x202: {  	v3 =	vld [tilespmem:s22+$0x47B0]  }
0x203: {  	v0 =	vadd.f32 v1, v0;
	_ =	sdelay $0x1  }
0x204: {  	v1 =	vadd.f32 v2, v0;
	v0 =	vld [tilespmem:s22+$0x4830];
	_ =	sdelay $0x1  }
0x205: {  	s21 =	simm.s32 $0x2800;
	s22 =	simm.s32 $0x145B0;
	v1 =	vadd.f32 v3, v1  }
.LBB2_4:
0x206: {  	p0 =	sne.s32 s21, $0xC800  }
0x207: {  	s20 =	sadd.s32 $0x80, s20;
	s23 =	smov.u32 s21;
	s21 =	sadd.s32 $0x2800, s21  }
0x208: {  	v0 =	vadd.f32 v0, v1;
	_ =	sdelay $0x1  }
0x209: {  	v0 =	vmul.f32 $5.000000070e-02, v0  }
0x20a: {  	s23 =	sshra.s32 s23, $0x2  }
0x20b: {  	[tilespmem:s22+$0x0] =	vst v0;
	s22 =	smov.u32 s20  }
0x20c: {  	v0 =	vld [tilespmem:s23+$0x3E80]  }
0x20d: {  	v1 =	vld [tilespmem:s23+$0x3F00];
	_ =	sdelay $0x1  }
0x20e: {  	v2 =	vld [tilespmem:s23+$0x3F80];
	_ =	sdelay $0x1  }
0x20f: {  	v3 =	vld [tilespmem:s23+$0x4000]  }
0x210: {  	v0 =	vadd.f32 v1, v0  }
0x211: {  	v1 =	vld [tilespmem:s23+$0x4080]  }
0x212: {  	v0 =	vadd.f32 v2, v0  }
0x213: {  	v2 =	vld [tilespmem:s23+$0x4100]  }
0x214: {  	v0 =	vadd.f32 v3, v0  }
0x215: {  	v3 =	vld [tilespmem:s23+$0x4180]  }
0x216: {  	v0 =	vadd.f32 v1, v0  }
0x217: {  	v1 =	vld [tilespmem:s23+$0x4200]  }
0x218: {  	v0 =	vadd.f32 v2, v0  }
0x219: {  	v2 =	vld [tilespmem:s23+$0x4280]  }
0x21a: {  	v0 =	vadd.f32 v3, v0  }
0x21b: {  	v3 =	vld [tilespmem:s23+$0x4300]  }
0x21c: {  	v0 =	vadd.f32 v1, v0  }
0x21d: {  	v1 =	vld [tilespmem:s23+$0x4380]  }
0x21e: {  	v0 =	vadd.f32 v2, v0  }
0x21f: {  	v2 =	vld [tilespmem:s23+$0x4400]  }
0x220: {  	v0 =	vadd.f32 v3, v0  }
0x221: {  	v3 =	vld [tilespmem:s23+$0x4480]  }
0x222: {  	v0 =	vadd.f32 v1, v0  }
0x223: {  	v1 =	vld [tilespmem:s23+$0x4500]  }
0x224: {  	v0 =	vadd.f32 v2, v0  }
0x225: {  	v2 =	vld [tilespmem:s23+$0x4580]  }
0x226: {  	v0 =	vadd.f32 v3, v0  }
0x227: {  	v3 =	vld [tilespmem:s23+$0x4600]  }
0x228: {  	v0 =	vadd.f32 v1, v0  }
0x229: {  	v1 =	vld [tilespmem:s23+$0x4680]  }
0x22a: {  	v0 =	vadd.f32 v2, v0  }
0x22b: {  	v2 =	vld [tilespmem:s23+$0x4700]  }
0x22c: {  	v0 =	vadd.f32 v3, v0  }
0x22d: {  	v3 =	vld [tilespmem:s23+$0x4780]  }
0x22e: {  	v0 =	vadd.f32 v1, v0  }
0x22f: {  	v1 =	vld [tilespmem:s23+$0x4800]  }
0x230: {  	v0 =	vadd.f32 v2, v0;
	_ =	sdelay $0x1  }
0x231: {  	v0 =	vadd.f32 v3, v0;
	_ =	sdelay $0x1  }
0x232: {  	v0 =	vadd.f32 v1, v0;
	_ =	sdelay $0x1  }
0x233: {  	v0 =	vmul.f32 $5.000000070e-02, v0;
	_ =	sdelay $0x1  }
0x234: {  	[tilespmem:s20+$0xFFFFFFD0] =	vst v0  }
0x235: {  	v0 =	vld [tilespmem:s23+$0x3E90]  }
0x236: {  	v1 =	vld [tilespmem:s23+$0x3F10];
	_ =	sdelay $0x1  }
0x237: {  	v2 =	vld [tilespmem:s23+$0x3F90];
	_ =	sdelay $0x1  }
0x238: {  	v3 =	vld [tilespmem:s23+$0x4010]  }
0x239: {  	v0 =	vadd.f32 v1, v0  }
0x23a: {  	v1 =	vld [tilespmem:s23+$0x4090]  }
0x23b: {  	v0 =	vadd.f32 v2, v0  }
0x23c: {  	v2 =	vld [tilespmem:s23+$0x4110]  }
0x23d: {  	v0 =	vadd.f32 v3, v0  }
0x23e: {  	v3 =	vld [tilespmem:s23+$0x4190]  }
0x23f: {  	v0 =	vadd.f32 v1, v0  }
0x240: {  	v1 =	vld [tilespmem:s23+$0x4210]  }
0x241: {  	v0 =	vadd.f32 v2, v0  }
0x242: {  	v2 =	vld [tilespmem:s23+$0x4290]  }
0x243: {  	v0 =	vadd.f32 v3, v0  }
0x244: {  	v3 =	vld [tilespmem:s23+$0x4310]  }
0x245: {  	v0 =	vadd.f32 v1, v0  }
0x246: {  	v1 =	vld [tilespmem:s23+$0x4390]  }
0x247: {  	v0 =	vadd.f32 v2, v0  }
0x248: {  	v2 =	vld [tilespmem:s23+$0x4410]  }
0x249: {  	v0 =	vadd.f32 v3, v0  }
0x24a: {  	v3 =	vld [tilespmem:s23+$0x4490]  }
0x24b: {  	v0 =	vadd.f32 v1, v0  }
0x24c: {  	v1 =	vld [tilespmem:s23+$0x4510]  }
0x24d: {  	v0 =	vadd.f32 v2, v0  }
0x24e: {  	v2 =	vld [tilespmem:s23+$0x4590]  }
0x24f: {  	v0 =	vadd.f32 v3, v0  }
0x250: {  	v3 =	vld [tilespmem:s23+$0x4610]  }
0x251: {  	v0 =	vadd.f32 v1, v0  }
0x252: {  	v1 =	vld [tilespmem:s23+$0x4690]  }
0x253: {  	v0 =	vadd.f32 v2, v0  }
0x254: {  	v2 =	vld [tilespmem:s23+$0x4710]  }
0x255: {  	v0 =	vadd.f32 v3, v0  }
0x256: {  	v3 =	vld [tilespmem:s23+$0x4790]  }
0x257: {  	v0 =	vadd.f32 v1, v0  }
0x258: {  	v1 =	vld [tilespmem:s23+$0x4810]  }
0x259: {  	v0 =	vadd.f32 v2, v0;
	_ =	sdelay $0x1  }
0x25a: {  	v0 =	vadd.f32 v3, v0;
	_ =	sdelay $0x1  }
0x25b: {  	v0 =	vadd.f32 v1, v0;
	_ =	sdelay $0x1  }
0x25c: {  	v0 =	vmul.f32 $5.000000070e-02, v0;
	_ =	sdelay $0x1  }
0x25d: {  	[tilespmem:s20+$0xFFFFFFE0] =	vst v0  }
0x25e: {  	v0 =	vld [tilespmem:s23+$0x3EA0]  }
0x25f: {  	v1 =	vld [tilespmem:s23+$0x3F20];
	_ =	sdelay $0x1  }
0x260: {  	v2 =	vld [tilespmem:s23+$0x3FA0];
	_ =	sdelay $0x1  }
0x261: {  	v3 =	vld [tilespmem:s23+$0x4020]  }
0x262: {  	v0 =	vadd.f32 v1, v0  }
0x263: {  	v1 =	vld [tilespmem:s23+$0x40A0]  }
0x264: {  	v0 =	vadd.f32 v2, v0  }
0x265: {  	v2 =	vld [tilespmem:s23+$0x4120]  }
0x266: {  	v0 =	vadd.f32 v3, v0  }
0x267: {  	v3 =	vld [tilespmem:s23+$0x41A0]  }
0x268: {  	v0 =	vadd.f32 v1, v0  }
0x269: {  	v1 =	vld [tilespmem:s23+$0x4220]  }
0x26a: {  	v0 =	vadd.f32 v2, v0  }
0x26b: {  	v2 =	vld [tilespmem:s23+$0x42A0]  }
0x26c: {  	v0 =	vadd.f32 v3, v0  }
0x26d: {  	v3 =	vld [tilespmem:s23+$0x4320]  }
0x26e: {  	v0 =	vadd.f32 v1, v0  }
0x26f: {  	v1 =	vld [tilespmem:s23+$0x43A0]  }
0x270: {  	v0 =	vadd.f32 v2, v0  }
0x271: {  	v2 =	vld [tilespmem:s23+$0x4420]  }
0x272: {  	v0 =	vadd.f32 v3, v0  }
0x273: {  	v3 =	vld [tilespmem:s23+$0x44A0]  }
0x274: {  	v0 =	vadd.f32 v1, v0  }
0x275: {  	v1 =	vld [tilespmem:s23+$0x4520]  }
0x276: {  	v0 =	vadd.f32 v2, v0  }
0x277: {  	v2 =	vld [tilespmem:s23+$0x45A0]  }
0x278: {  	v0 =	vadd.f32 v3, v0  }
0x279: {  	v3 =	vld [tilespmem:s23+$0x4620]  }
0x27a: {  	v0 =	vadd.f32 v1, v0  }
0x27b: {  	v1 =	vld [tilespmem:s23+$0x46A0]  }
0x27c: {  	v0 =	vadd.f32 v2, v0  }
0x27d: {  	v2 =	vld [tilespmem:s23+$0x4720]  }
0x27e: {  	v0 =	vadd.f32 v3, v0  }
0x27f: {  	v3 =	vld [tilespmem:s23+$0x47A0]  }
0x280: {  	v0 =	vadd.f32 v1, v0  }
0x281: {  	v1 =	vld [tilespmem:s23+$0x4820]  }
0x282: {  	v0 =	vadd.f32 v2, v0;
	_ =	sdelay $0x1  }
0x283: {  	v0 =	vadd.f32 v3, v0;
	_ =	sdelay $0x1  }
0x284: {  	v0 =	vadd.f32 v1, v0;
	_ =	sdelay $0x1  }
0x285: {  	v0 =	vmul.f32 $5.000000070e-02, v0;
	_ =	sdelay $0x1  }
0x286: {  	[tilespmem:s20+$0xFFFFFFF0] =	vst v0  }
0x287: {  	v0 =	vld [tilespmem:s23+$0x3EB0]  }
0x288: {  	v1 =	vld [tilespmem:s23+$0x3F30]  }
0x289: {  	v2 =	vld [tilespmem:s23+$0x3FB0]  }
0x28a: {  	v3 =	vld [tilespmem:s23+$0x4030]  }
0x28b: {  	v4 =	vld [tilespmem:s23+$0x40B0]  }
0x28c: {  	v5 =	vld [tilespmem:s23+$0x4130]  }
0x28d: {  	v0 =	vadd.f32 v1, v0;
	v1 =	vld [tilespmem:s23+$0x41B0]  }
0x28e: {  	v6 =	vld [tilespmem:s23+$0x4230]  }
0x28f: {  	v0 =	vadd.f32 v2, v0;
	v2 =	vld [tilespmem:s23+$0x42B0]  }
0x290: {  	v7 =	vld [tilespmem:s23+$0x4330]  }
0x291: {  	v0 =	vadd.f32 v3, v0;
	v3 =	vld [tilespmem:s23+$0x43B0]  }
0x292: {  	v8 =	vld [tilespmem:s23+$0x4430]  }
0x293: {  	v0 =	vadd.f32 v4, v0;
	v4 =	vld [tilespmem:s23+$0x44B0]  }
0x294: {  	v9 =	vld [tilespmem:s23+$0x4530]  }
0x295: {  	v0 =	vadd.f32 v5, v0;
	v5 =	vld [tilespmem:s23+$0x45B0]  }
0x296: {  	v10 =	vld [tilespmem:s23+$0x4630]  }
0x297: {  	v0 =	vadd.f32 v1, v0;
	v1 =	vld [tilespmem:s23+$0x46B0]  }
0x298: {  	v11 =	vld [tilespmem:s23+$0x4730]  }
0x299: {  	v6 =	vadd.f32 v6, v0;
	v12 =	vld [tilespmem:s23+$0x47B0]  }
0x29a: {  	v0 =	vld [tilespmem:s23+$0x4830]  }
0x29b: {  	v2 =	vadd.f32 v2, v6;
	_ =	sdelay $0x1  }
0x29c: {  	v2 =	vadd.f32 v7, v2;
	_ =	sdelay $0x1  }
0x29d: {  	v2 =	vadd.f32 v3, v2;
	_ =	sdelay $0x1  }
0x29e: {  	v2 =	vadd.f32 v8, v2;
	_ =	sdelay $0x1  }
0x29f: {  	v2 =	vadd.f32 v4, v2;
	_ =	sdelay $0x1  }
0x2a0: {  	v2 =	vadd.f32 v9, v2;
	_ =	sdelay $0x1  }
0x2a1: {  	v2 =	vadd.f32 v5, v2;
	_ =	sdelay $0x1  }
0x2a2: {  	v2 =	vadd.f32 v10, v2;
	_ =	sdelay $0x1  }
.Ltmp1:
0x2a3: {  	v1 =	vadd.f32 v1, v2;
	(pc) =	sbr.rel @p0 .LBB2_4-.Ltmp1, $3  }
0x2a4: {  	_ = 	snop  }
0x2a5: {  	v1 =	vadd.f32 v11, v1;
	_ =	sdelay $0x1  }
0x2a6: {  	v1 =	vadd.f32 v12, v1  }
0x2a7: {  	_ = 	snop  }
0x2a8: {  	v0 =	vadd.f32 v0, v1;
	_ =	sdelay $0x1  }
0x2a9: {  	v0 =	vmul.f32 $5.000000070e-02, v0;
	_ =	sdelay $0x1  }
0x2aa: {  	[tilespmem:s22+$0x0] =	vst v0  }
0x2ab: {  	_ =	swait.ge [sflag:s17], $0x4000  }
0x2ac: {  	[sflag:s17] =	ssyncset.done $0x0  }
0x2ad: {  	s31 =	simm.s32 $0x0;
	[sflag:s17] =	ssyncadd.s32 $0xFFFFC000  }
0x2ae: {  	v0 =	vld [tilespmem:s31+$0x7A80]  }
0x2af: {  	v1 =	vld [tilespmem:s31+$0x7B00];
	_ =	sdelay $0x1  }
0x2b0: {  	v2 =	vld [tilespmem:s31+$0x7B80];
	_ =	sdelay $0x1  }
0x2b1: {  	v3 =	vld [tilespmem:s31+$0x7C00]  }
0x2b2: {  	v0 =	vadd.f32 v1, v0  }
0x2b3: {  	v1 =	vld [tilespmem:s31+$0x7C80]  }
0x2b4: {  	v0 =	vadd.f32 v2, v0  }
0x2b5: {  	v2 =	vld [tilespmem:s31+$0x7D00]  }
0x2b6: {  	v0 =	vadd.f32 v3, v0  }
0x2b7: {  	v3 =	vld [tilespmem:s31+$0x7D80]  }
0x2b8: {  	v0 =	vadd.f32 v1, v0  }
0x2b9: {  	v1 =	vld [tilespmem:s31+$0x7E00]  }
0x2ba: {  	v0 =	vadd.f32 v2, v0  }
0x2bb: {  	v2 =	vld [tilespmem:s31+$0x7E80]  }
0x2bc: {  	v0 =	vadd.f32 v3, v0  }
0x2bd: {  	v3 =	vld [tilespmem:s31+$0x7F00]  }
0x2be: {  	v0 =	vadd.f32 v1, v0  }
0x2bf: {  	v1 =	vld [tilespmem:s31+$0x7F80]  }
0x2c0: {  	v0 =	vadd.f32 v2, v0  }
0x2c1: {  	v2 =	vld [tilespmem:s31+$0x8000]  }
0x2c2: {  	v0 =	vadd.f32 v3, v0  }
0x2c3: {  	v3 =	vld [tilespmem:s31+$0x8080]  }
0x2c4: {  	v0 =	vadd.f32 v1, v0  }
0x2c5: {  	v1 =	vld [tilespmem:s31+$0x8100]  }
0x2c6: {  	v0 =	vadd.f32 v2, v0  }
0x2c7: {  	v2 =	vld [tilespmem:s31+$0x8180]  }
0x2c8: {  	v0 =	vadd.f32 v3, v0  }
0x2c9: {  	v3 =	vld [tilespmem:s31+$0x8200]  }
0x2ca: {  	v0 =	vadd.f32 v1, v0  }
0x2cb: {  	v1 =	vld [tilespmem:s31+$0x8280]  }
0x2cc: {  	v0 =	vadd.f32 v2, v0  }
0x2cd: {  	v2 =	vld [tilespmem:s31+$0x8300]  }
0x2ce: {  	v0 =	vadd.f32 v3, v0  }
0x2cf: {  	v3 =	vld [tilespmem:s31+$0x8380]  }
0x2d0: {  	v0 =	vadd.f32 v1, v0  }
0x2d1: {  	v1 =	vld [tilespmem:s31+$0x8400]  }
0x2d2: {  	v0 =	vadd.f32 v2, v0;
	_ =	sdelay $0x1  }
0x2d3: {  	v0 =	vadd.f32 v3, v0;
	_ =	sdelay $0x1  }
0x2d4: {  	v0 =	vadd.f32 v1, v0;
	_ =	sdelay $0x1  }
0x2d5: {  	v0 =	vmul.f32 $5.000000070e-02, v0  }
0x2d6: {  	s20 =	simm.s32 $0x148B0  }
0x2d7: {  	[tilespmem:s20+$0xFFFFFFD0] =	vst v0  }
0x2d8: {  	v0 =	vld [tilespmem:s31+$0x7A90]  }
0x2d9: {  	v1 =	vld [tilespmem:s31+$0x7B10];
	_ =	sdelay $0x1  }
0x2da: {  	v2 =	vld [tilespmem:s31+$0x7B90];
	_ =	sdelay $0x1  }
0x2db: {  	v3 =	vld [tilespmem:s31+$0x7C10]  }
0x2dc: {  	v0 =	vadd.f32 v1, v0  }
0x2dd: {  	v1 =	vld [tilespmem:s31+$0x7C90]  }
0x2de: {  	v0 =	vadd.f32 v2, v0  }
0x2df: {  	v2 =	vld [tilespmem:s31+$0x7D10]  }
0x2e0: {  	v0 =	vadd.f32 v3, v0  }
0x2e1: {  	v3 =	vld [tilespmem:s31+$0x7D90]  }
0x2e2: {  	v0 =	vadd.f32 v1, v0  }
0x2e3: {  	v1 =	vld [tilespmem:s31+$0x7E10]  }
0x2e4: {  	v0 =	vadd.f32 v2, v0  }
0x2e5: {  	v2 =	vld [tilespmem:s31+$0x7E90]  }
0x2e6: {  	v0 =	vadd.f32 v3, v0  }
0x2e7: {  	v3 =	vld [tilespmem:s31+$0x7F10]  }
0x2e8: {  	v0 =	vadd.f32 v1, v0  }
0x2e9: {  	v1 =	vld [tilespmem:s31+$0x7F90]  }
0x2ea: {  	v0 =	vadd.f32 v2, v0  }
0x2eb: {  	v2 =	vld [tilespmem:s31+$0x8010]  }
0x2ec: {  	v0 =	vadd.f32 v3, v0  }
0x2ed: {  	v3 =	vld [tilespmem:s31+$0x8090]  }
0x2ee: {  	v0 =	vadd.f32 v1, v0  }
0x2ef: {  	v1 =	vld [tilespmem:s31+$0x8110]  }
0x2f0: {  	v0 =	vadd.f32 v2, v0  }
0x2f1: {  	v2 =	vld [tilespmem:s31+$0x8190]  }
0x2f2: {  	v0 =	vadd.f32 v3, v0  }
0x2f3: {  	v3 =	vld [tilespmem:s31+$0x8210]  }
0x2f4: {  	v0 =	vadd.f32 v1, v0  }
0x2f5: {  	v1 =	vld [tilespmem:s31+$0x8290]  }
0x2f6: {  	v0 =	vadd.f32 v2, v0  }
0x2f7: {  	v2 =	vld [tilespmem:s31+$0x8310]  }
0x2f8: {  	v0 =	vadd.f32 v3, v0  }
0x2f9: {  	v3 =	vld [tilespmem:s31+$0x8390]  }
0x2fa: {  	v0 =	vadd.f32 v1, v0  }
0x2fb: {  	v1 =	vld [tilespmem:s31+$0x8410]  }
0x2fc: {  	v0 =	vadd.f32 v2, v0;
	_ =	sdelay $0x1  }
0x2fd: {  	v0 =	vadd.f32 v3, v0;
	_ =	sdelay $0x1  }
0x2fe: {  	v0 =	vadd.f32 v1, v0;
	_ =	sdelay $0x1  }
0x2ff: {  	v0 =	vmul.f32 $5.000000070e-02, v0;
	_ =	sdelay $0x1  }
0x300: {  	[tilespmem:s20+$0xFFFFFFE0] =	vst v0  }
0x301: {  	v0 =	vld [tilespmem:s31+$0x7AA0]  }
0x302: {  	v1 =	vld [tilespmem:s31+$0x7B20];
	_ =	sdelay $0x1  }
0x303: {  	v2 =	vld [tilespmem:s31+$0x7BA0];
	_ =	sdelay $0x1  }
0x304: {  	v3 =	vld [tilespmem:s31+$0x7C20]  }
0x305: {  	v0 =	vadd.f32 v1, v0  }
0x306: {  	v1 =	vld [tilespmem:s31+$0x7CA0]  }
0x307: {  	v0 =	vadd.f32 v2, v0  }
0x308: {  	v2 =	vld [tilespmem:s31+$0x7D20]  }
0x309: {  	v0 =	vadd.f32 v3, v0  }
0x30a: {  	v3 =	vld [tilespmem:s31+$0x7DA0]  }
0x30b: {  	v0 =	vadd.f32 v1, v0  }
0x30c: {  	v1 =	vld [tilespmem:s31+$0x7E20]  }
0x30d: {  	v0 =	vadd.f32 v2, v0  }
0x30e: {  	v2 =	vld [tilespmem:s31+$0x7EA0]  }
0x30f: {  	v0 =	vadd.f32 v3, v0  }
0x310: {  	v3 =	vld [tilespmem:s31+$0x7F20]  }
0x311: {  	v0 =	vadd.f32 v1, v0  }
0x312: {  	v1 =	vld [tilespmem:s31+$0x7FA0]  }
0x313: {  	v0 =	vadd.f32 v2, v0  }
0x314: {  	v2 =	vld [tilespmem:s31+$0x8020]  }
0x315: {  	v0 =	vadd.f32 v3, v0  }
0x316: {  	v3 =	vld [tilespmem:s31+$0x80A0]  }
0x317: {  	v0 =	vadd.f32 v1, v0  }
0x318: {  	v1 =	vld [tilespmem:s31+$0x8120]  }
0x319: {  	v0 =	vadd.f32 v2, v0  }
0x31a: {  	v2 =	vld [tilespmem:s31+$0x81A0]  }
0x31b: {  	v0 =	vadd.f32 v3, v0  }
0x31c: {  	v3 =	vld [tilespmem:s31+$0x8220]  }
0x31d: {  	v0 =	vadd.f32 v1, v0  }
0x31e: {  	v1 =	vld [tilespmem:s31+$0x82A0]  }
0x31f: {  	v0 =	vadd.f32 v2, v0  }
0x320: {  	v2 =	vld [tilespmem:s31+$0x8320]  }
0x321: {  	v0 =	vadd.f32 v3, v0  }
0x322: {  	v3 =	vld [tilespmem:s31+$0x83A0]  }
0x323: {  	v0 =	vadd.f32 v1, v0  }
0x324: {  	v1 =	vld [tilespmem:s31+$0x8420]  }
0x325: {  	v0 =	vadd.f32 v2, v0;
	_ =	sdelay $0x1  }
0x326: {  	v0 =	vadd.f32 v3, v0;
	_ =	sdelay $0x1  }
0x327: {  	v0 =	vadd.f32 v1, v0;
	_ =	sdelay $0x1  }
0x328: {  	v0 =	vmul.f32 $5.000000070e-02, v0;
	_ =	sdelay $0x1  }
0x329: {  	[tilespmem:s20+$0xFFFFFFF0] =	vst v0  }
0x32a: {  	v0 =	vld [tilespmem:s31+$0x7AB0]  }
0x32b: {  	v1 =	vld [tilespmem:s31+$0x7B30];
	_ =	sdelay $0x1  }
0x32c: {  	v2 =	vld [tilespmem:s31+$0x7BB0];
	_ =	sdelay $0x1  }
0x32d: {  	v3 =	vld [tilespmem:s31+$0x7C30]  }
0x32e: {  	v0 =	vadd.f32 v1, v0  }
0x32f: {  	v1 =	vld [tilespmem:s31+$0x7CB0]  }
0x330: {  	v0 =	vadd.f32 v2, v0  }
0x331: {  	v2 =	vld [tilespmem:s31+$0x7D30]  }
0x332: {  	v0 =	vadd.f32 v3, v0  }
0x333: {  	v3 =	vld [tilespmem:s31+$0x7DB0]  }
0x334: {  	v0 =	vadd.f32 v1, v0  }
0x335: {  	v1 =	vld [tilespmem:s31+$0x7E30]  }
0x336: {  	v0 =	vadd.f32 v2, v0  }
0x337: {  	v2 =	vld [tilespmem:s31+$0x7EB0]  }
0x338: {  	v0 =	vadd.f32 v3, v0  }
0x339: {  	v3 =	vld [tilespmem:s31+$0x7F30]  }
0x33a: {  	v0 =	vadd.f32 v1, v0  }
0x33b: {  	v1 =	vld [tilespmem:s31+$0x7FB0]  }
0x33c: {  	v0 =	vadd.f32 v2, v0  }
0x33d: {  	v2 =	vld [tilespmem:s31+$0x8030]  }
0x33e: {  	v0 =	vadd.f32 v3, v0  }
0x33f: {  	v3 =	vld [tilespmem:s31+$0x80B0]  }
0x340: {  	v0 =	vadd.f32 v1, v0  }
0x341: {  	v1 =	vld [tilespmem:s31+$0x8130]  }
0x342: {  	v0 =	vadd.f32 v2, v0  }
0x343: {  	v2 =	vld [tilespmem:s31+$0x81B0]  }
0x344: {  	v0 =	vadd.f32 v3, v0  }
0x345: {  	v3 =	vld [tilespmem:s31+$0x8230]  }
0x346: {  	v0 =	vadd.f32 v1, v0  }
0x347: {  	v1 =	vld [tilespmem:s31+$0x82B0]  }
0x348: {  	v0 =	vadd.f32 v2, v0  }
0x349: {  	v2 =	vld [tilespmem:s31+$0x8330]  }
0x34a: {  	v0 =	vadd.f32 v3, v0  }
0x34b: {  	v3 =	vld [tilespmem:s31+$0x83B0]  }
0x34c: {  	v0 =	vadd.f32 v1, v0;
	_ =	sdelay $0x1  }
0x34d: {  	v1 =	vadd.f32 v2, v0;
	v0 =	vld [tilespmem:s31+$0x8430];
	_ =	sdelay $0x1  }
0x34e: {  	s21 =	simm.s32 $0x2800;
	s22 =	simm.s32 $0x148B0;
	v1 =	vadd.f32 v3, v1  }
.LBB2_6:
0x34f: {  	p0 =	sne.s32 s21, $0xF000  }
0x350: {  	s20 =	sadd.s32 $0x80, s20;
	s23 =	smov.u32 s21;
	s21 =	sadd.s32 $0x2800, s21  }
0x351: {  	v0 =	vadd.f32 v0, v1;
	_ =	sdelay $0x1  }
0x352: {  	v0 =	vmul.f32 $5.000000070e-02, v0  }
0x353: {  	s23 =	sshra.s32 s23, $0x2  }
0x354: {  	[tilespmem:s22+$0x0] =	vst v0;
	s22 =	smov.u32 s20  }
0x355: {  	v0 =	vld [tilespmem:s23+$0x7A80]  }
0x356: {  	v1 =	vld [tilespmem:s23+$0x7B00];
	_ =	sdelay $0x1  }
0x357: {  	v2 =	vld [tilespmem:s23+$0x7B80];
	_ =	sdelay $0x1  }
0x358: {  	v3 =	vld [tilespmem:s23+$0x7C00]  }
0x359: {  	v0 =	vadd.f32 v1, v0  }
0x35a: {  	v1 =	vld [tilespmem:s23+$0x7C80]  }
0x35b: {  	v0 =	vadd.f32 v2, v0  }
0x35c: {  	v2 =	vld [tilespmem:s23+$0x7D00]  }
0x35d: {  	v0 =	vadd.f32 v3, v0  }
0x35e: {  	v3 =	vld [tilespmem:s23+$0x7D80]  }
0x35f: {  	v0 =	vadd.f32 v1, v0  }
0x360: {  	v1 =	vld [tilespmem:s23+$0x7E00]  }
0x361: {  	v0 =	vadd.f32 v2, v0  }
0x362: {  	v2 =	vld [tilespmem:s23+$0x7E80]  }
0x363: {  	v0 =	vadd.f32 v3, v0  }
0x364: {  	v3 =	vld [tilespmem:s23+$0x7F00]  }
0x365: {  	v0 =	vadd.f32 v1, v0  }
0x366: {  	v1 =	vld [tilespmem:s23+$0x7F80]  }
0x367: {  	v0 =	vadd.f32 v2, v0  }
0x368: {  	v2 =	vld [tilespmem:s23+$0x8000]  }
0x369: {  	v0 =	vadd.f32 v3, v0  }
0x36a: {  	v3 =	vld [tilespmem:s23+$0x8080]  }
0x36b: {  	v0 =	vadd.f32 v1, v0  }
0x36c: {  	v1 =	vld [tilespmem:s23+$0x8100]  }
0x36d: {  	v0 =	vadd.f32 v2, v0  }
0x36e: {  	v2 =	vld [tilespmem:s23+$0x8180]  }
0x36f: {  	v0 =	vadd.f32 v3, v0  }
0x370: {  	v3 =	vld [tilespmem:s23+$0x8200]  }
0x371: {  	v0 =	vadd.f32 v1, v0  }
0x372: {  	v1 =	vld [tilespmem:s23+$0x8280]  }
0x373: {  	v0 =	vadd.f32 v2, v0  }
0x374: {  	v2 =	vld [tilespmem:s23+$0x8300]  }
0x375: {  	v0 =	vadd.f32 v3, v0  }
0x376: {  	v3 =	vld [tilespmem:s23+$0x8380]  }
0x377: {  	v0 =	vadd.f32 v1, v0  }
0x378: {  	v1 =	vld [tilespmem:s23+$0x8400]  }
0x379: {  	v0 =	vadd.f32 v2, v0;
	_ =	sdelay $0x1  }
0x37a: {  	v0 =	vadd.f32 v3, v0;
	_ =	sdelay $0x1  }
0x37b: {  	v0 =	vadd.f32 v1, v0;
	_ =	sdelay $0x1  }
0x37c: {  	v0 =	vmul.f32 $5.000000070e-02, v0;
	_ =	sdelay $0x1  }
0x37d: {  	[tilespmem:s20+$0xFFFFFFD0] =	vst v0  }
0x37e: {  	v0 =	vld [tilespmem:s23+$0x7A90]  }
0x37f: {  	v1 =	vld [tilespmem:s23+$0x7B10];
	_ =	sdelay $0x1  }
0x380: {  	v2 =	vld [tilespmem:s23+$0x7B90];
	_ =	sdelay $0x1  }
0x381: {  	v3 =	vld [tilespmem:s23+$0x7C10]  }
0x382: {  	v0 =	vadd.f32 v1, v0  }
0x383: {  	v1 =	vld [tilespmem:s23+$0x7C90]  }
0x384: {  	v0 =	vadd.f32 v2, v0  }
0x385: {  	v2 =	vld [tilespmem:s23+$0x7D10]  }
0x386: {  	v0 =	vadd.f32 v3, v0  }
0x387: {  	v3 =	vld [tilespmem:s23+$0x7D90]  }
0x388: {  	v0 =	vadd.f32 v1, v0  }
0x389: {  	v1 =	vld [tilespmem:s23+$0x7E10]  }
0x38a: {  	v0 =	vadd.f32 v2, v0  }
0x38b: {  	v2 =	vld [tilespmem:s23+$0x7E90]  }
0x38c: {  	v0 =	vadd.f32 v3, v0  }
0x38d: {  	v3 =	vld [tilespmem:s23+$0x7F10]  }
0x38e: {  	v0 =	vadd.f32 v1, v0  }
0x38f: {  	v1 =	vld [tilespmem:s23+$0x7F90]  }
0x390: {  	v0 =	vadd.f32 v2, v0  }
0x391: {  	v2 =	vld [tilespmem:s23+$0x8010]  }
0x392: {  	v0 =	vadd.f32 v3, v0  }
0x393: {  	v3 =	vld [tilespmem:s23+$0x8090]  }
0x394: {  	v0 =	vadd.f32 v1, v0  }
0x395: {  	v1 =	vld [tilespmem:s23+$0x8110]  }
0x396: {  	v0 =	vadd.f32 v2, v0  }
0x397: {  	v2 =	vld [tilespmem:s23+$0x8190]  }
0x398: {  	v0 =	vadd.f32 v3, v0  }
0x399: {  	v3 =	vld [tilespmem:s23+$0x8210]  }
0x39a: {  	v0 =	vadd.f32 v1, v0  }
0x39b: {  	v1 =	vld [tilespmem:s23+$0x8290]  }
0x39c: {  	v0 =	vadd.f32 v2, v0  }
0x39d: {  	v2 =	vld [tilespmem:s23+$0x8310]  }
0x39e: {  	v0 =	vadd.f32 v3, v0  }
0x39f: {  	v3 =	vld [tilespmem:s23+$0x8390]  }
0x3a0: {  	v0 =	vadd.f32 v1, v0  }
0x3a1: {  	v1 =	vld [tilespmem:s23+$0x8410]  }
0x3a2: {  	v0 =	vadd.f32 v2, v0;
	_ =	sdelay $0x1  }
0x3a3: {  	v0 =	vadd.f32 v3, v0;
	_ =	sdelay $0x1  }
0x3a4: {  	v0 =	vadd.f32 v1, v0;
	_ =	sdelay $0x1  }
0x3a5: {  	v0 =	vmul.f32 $5.000000070e-02, v0;
	_ =	sdelay $0x1  }
0x3a6: {  	[tilespmem:s20+$0xFFFFFFE0] =	vst v0  }
0x3a7: {  	v0 =	vld [tilespmem:s23+$0x7AA0]  }
0x3a8: {  	v1 =	vld [tilespmem:s23+$0x7B20];
	_ =	sdelay $0x1  }
0x3a9: {  	v2 =	vld [tilespmem:s23+$0x7BA0];
	_ =	sdelay $0x1  }
0x3aa: {  	v3 =	vld [tilespmem:s23+$0x7C20]  }
0x3ab: {  	v0 =	vadd.f32 v1, v0  }
0x3ac: {  	v1 =	vld [tilespmem:s23+$0x7CA0]  }
0x3ad: {  	v0 =	vadd.f32 v2, v0  }
0x3ae: {  	v2 =	vld [tilespmem:s23+$0x7D20]  }
0x3af: {  	v0 =	vadd.f32 v3, v0  }
0x3b0: {  	v3 =	vld [tilespmem:s23+$0x7DA0]  }
0x3b1: {  	v0 =	vadd.f32 v1, v0  }
0x3b2: {  	v1 =	vld [tilespmem:s23+$0x7E20]  }
0x3b3: {  	v0 =	vadd.f32 v2, v0  }
0x3b4: {  	v2 =	vld [tilespmem:s23+$0x7EA0]  }
0x3b5: {  	v0 =	vadd.f32 v3, v0  }
0x3b6: {  	v3 =	vld [tilespmem:s23+$0x7F20]  }
0x3b7: {  	v0 =	vadd.f32 v1, v0  }
0x3b8: {  	v1 =	vld [tilespmem:s23+$0x7FA0]  }
0x3b9: {  	v0 =	vadd.f32 v2, v0  }
0x3ba: {  	v2 =	vld [tilespmem:s23+$0x8020]  }
0x3bb: {  	v0 =	vadd.f32 v3, v0  }
0x3bc: {  	v3 =	vld [tilespmem:s23+$0x80A0]  }
0x3bd: {  	v0 =	vadd.f32 v1, v0  }
0x3be: {  	v1 =	vld [tilespmem:s23+$0x8120]  }
0x3bf: {  	v0 =	vadd.f32 v2, v0  }
0x3c0: {  	v2 =	vld [tilespmem:s23+$0x81A0]  }
0x3c1: {  	v0 =	vadd.f32 v3, v0  }
0x3c2: {  	v3 =	vld [tilespmem:s23+$0x8220]  }
0x3c3: {  	v0 =	vadd.f32 v1, v0  }
0x3c4: {  	v1 =	vld [tilespmem:s23+$0x82A0]  }
0x3c5: {  	v0 =	vadd.f32 v2, v0  }
0x3c6: {  	v2 =	vld [tilespmem:s23+$0x8320]  }
0x3c7: {  	v0 =	vadd.f32 v3, v0  }
0x3c8: {  	v3 =	vld [tilespmem:s23+$0x83A0]  }
0x3c9: {  	v0 =	vadd.f32 v1, v0  }
0x3ca: {  	v1 =	vld [tilespmem:s23+$0x8420]  }
0x3cb: {  	v0 =	vadd.f32 v2, v0;
	_ =	sdelay $0x1  }
0x3cc: {  	v0 =	vadd.f32 v3, v0;
	_ =	sdelay $0x1  }
0x3cd: {  	v0 =	vadd.f32 v1, v0;
	_ =	sdelay $0x1  }
0x3ce: {  	v0 =	vmul.f32 $5.000000070e-02, v0;
	_ =	sdelay $0x1  }
0x3cf: {  	[tilespmem:s20+$0xFFFFFFF0] =	vst v0  }
0x3d0: {  	v0 =	vld [tilespmem:s23+$0x7AB0]  }
0x3d1: {  	v1 =	vld [tilespmem:s23+$0x7B30]  }
0x3d2: {  	v2 =	vld [tilespmem:s23+$0x7BB0]  }
0x3d3: {  	v3 =	vld [tilespmem:s23+$0x7C30]  }
0x3d4: {  	v4 =	vld [tilespmem:s23+$0x7CB0]  }
0x3d5: {  	v5 =	vld [tilespmem:s23+$0x7D30]  }
0x3d6: {  	v0 =	vadd.f32 v1, v0;
	v1 =	vld [tilespmem:s23+$0x7DB0]  }
0x3d7: {  	v6 =	vld [tilespmem:s23+$0x7E30]  }
0x3d8: {  	v0 =	vadd.f32 v2, v0;
	v2 =	vld [tilespmem:s23+$0x7EB0]  }
0x3d9: {  	v7 =	vld [tilespmem:s23+$0x7F30]  }
0x3da: {  	v0 =	vadd.f32 v3, v0;
	v3 =	vld [tilespmem:s23+$0x7FB0]  }
0x3db: {  	v8 =	vld [tilespmem:s23+$0x8030]  }
0x3dc: {  	v0 =	vadd.f32 v4, v0;
	v4 =	vld [tilespmem:s23+$0x80B0]  }
0x3dd: {  	v9 =	vld [tilespmem:s23+$0x8130]  }
0x3de: {  	v0 =	vadd.f32 v5, v0;
	v5 =	vld [tilespmem:s23+$0x81B0]  }
0x3df: {  	v10 =	vld [tilespmem:s23+$0x8230]  }
0x3e0: {  	v0 =	vadd.f32 v1, v0;
	v1 =	vld [tilespmem:s23+$0x82B0]  }
0x3e1: {  	v11 =	vld [tilespmem:s23+$0x8330]  }
0x3e2: {  	v6 =	vadd.f32 v6, v0;
	v12 =	vld [tilespmem:s23+$0x83B0]  }
0x3e3: {  	v0 =	vld [tilespmem:s23+$0x8430]  }
0x3e4: {  	v2 =	vadd.f32 v2, v6;
	_ =	sdelay $0x1  }
0x3e5: {  	v2 =	vadd.f32 v7, v2;
	_ =	sdelay $0x1  }
0x3e6: {  	v2 =	vadd.f32 v3, v2;
	_ =	sdelay $0x1  }
0x3e7: {  	v2 =	vadd.f32 v8, v2;
	_ =	sdelay $0x1  }
0x3e8: {  	v2 =	vadd.f32 v4, v2;
	_ =	sdelay $0x1  }
0x3e9: {  	v2 =	vadd.f32 v9, v2;
	_ =	sdelay $0x1  }
0x3ea: {  	v2 =	vadd.f32 v5, v2;
	_ =	sdelay $0x1  }
0x3eb: {  	v2 =	vadd.f32 v10, v2;
	_ =	sdelay $0x1  }
.Ltmp2:
0x3ec: {  	v1 =	vadd.f32 v1, v2;
	(pc) =	sbr.rel @p0 .LBB2_6-.Ltmp2, $3  }
0x3ed: {  	_ = 	snop  }
0x3ee: {  	v1 =	vadd.f32 v11, v1;
	_ =	sdelay $0x1  }
0x3ef: {  	v1 =	vadd.f32 v12, v1  }
0x3f0: {  	_ = 	snop  }
0x3f1: {  	v0 =	vadd.f32 v0, v1;
	_ =	sdelay $0x1  }
0x3f2: {  	v0 =	vmul.f32 $5.000000070e-02, v0;
	_ =	sdelay $0x1  }
0x3f3: {  	[tilespmem:s22+$0x0] =	vst v0  }
0x3f4: {  	_ =	swait.ge [sflag:s17], $0x4000  }
0x3f5: {  	[sflag:s17] =	ssyncset.done $0x0  }
0x3f6: {  	s31 =	simm.s32 $0x0;
	[sflag:s17] =	ssyncadd.s32 $0xFFFFC000  }
0x3f7: {  	v0 =	vld [tilespmem:s31+$0xC080]  }
0x3f8: {  	v1 =	vld [tilespmem:s31+$0xC100];
	_ =	sdelay $0x1  }
0x3f9: {  	v2 =	vld [tilespmem:s31+$0xC180];
	_ =	sdelay $0x1  }
0x3fa: {  	v3 =	vld [tilespmem:s31+$0xC200]  }
0x3fb: {  	v0 =	vadd.f32 v1, v0  }
0x3fc: {  	v1 =	vld [tilespmem:s31+$0xC280]  }
0x3fd: {  	v0 =	vadd.f32 v2, v0  }
0x3fe: {  	v2 =	vld [tilespmem:s31+$0xC300]  }
0x3ff: {  	v0 =	vadd.f32 v3, v0  }
0x400: {  	v3 =	vld [tilespmem:s31+$0xC380]  }
0x401: {  	v0 =	vadd.f32 v1, v0  }
0x402: {  	v1 =	vld [tilespmem:s31+$0xC400]  }
0x403: {  	v0 =	vadd.f32 v2, v0  }
0x404: {  	v2 =	vld [tilespmem:s31+$0xC480]  }
0x405: {  	v0 =	vadd.f32 v3, v0  }
0x406: {  	v3 =	vld [tilespmem:s31+$0xC500]  }
0x407: {  	v0 =	vadd.f32 v1, v0  }
0x408: {  	v1 =	vld [tilespmem:s31+$0xC580]  }
0x409: {  	v0 =	vadd.f32 v2, v0  }
0x40a: {  	v2 =	vld [tilespmem:s31+$0xC600]  }
0x40b: {  	v0 =	vadd.f32 v3, v0  }
0x40c: {  	v3 =	vld [tilespmem:s31+$0xC680]  }
0x40d: {  	v0 =	vadd.f32 v1, v0  }
0x40e: {  	v1 =	vld [tilespmem:s31+$0xC700]  }
0x40f: {  	v0 =	vadd.f32 v2, v0  }
0x410: {  	v2 =	vld [tilespmem:s31+$0xC780]  }
0x411: {  	v0 =	vadd.f32 v3, v0  }
0x412: {  	v3 =	vld [tilespmem:s31+$0xC800]  }
0x413: {  	v0 =	vadd.f32 v1, v0  }
0x414: {  	v1 =	vld [tilespmem:s31+$0xC880]  }
0x415: {  	v0 =	vadd.f32 v2, v0  }
0x416: {  	v2 =	vld [tilespmem:s31+$0xC900]  }
0x417: {  	v0 =	vadd.f32 v3, v0  }
0x418: {  	v3 =	vld [tilespmem:s31+$0xC980]  }
0x419: {  	v0 =	vadd.f32 v1, v0  }
0x41a: {  	v1 =	vld [tilespmem:s31+$0xCA00]  }
0x41b: {  	v0 =	vadd.f32 v2, v0;
	_ =	sdelay $0x1  }
0x41c: {  	v0 =	vadd.f32 v3, v0;
	_ =	sdelay $0x1  }
0x41d: {  	v0 =	vadd.f32 v1, v0;
	_ =	sdelay $0x1  }
0x41e: {  	v0 =	vmul.f32 $5.000000070e-02, v0  }
0x41f: {  	s20 =	simm.s32 $0x14C30  }
0x420: {  	[tilespmem:s20+$0xFFFFFFD0] =	vst v0  }
0x421: {  	v0 =	vld [tilespmem:s31+$0xC090]  }
0x422: {  	v1 =	vld [tilespmem:s31+$0xC110];
	_ =	sdelay $0x1  }
0x423: {  	v2 =	vld [tilespmem:s31+$0xC190];
	_ =	sdelay $0x1  }
0x424: {  	v3 =	vld [tilespmem:s31+$0xC210]  }
0x425: {  	v0 =	vadd.f32 v1, v0  }
0x426: {  	v1 =	vld [tilespmem:s31+$0xC290]  }
0x427: {  	v0 =	vadd.f32 v2, v0  }
0x428: {  	v2 =	vld [tilespmem:s31+$0xC310]  }
0x429: {  	v0 =	vadd.f32 v3, v0  }
0x42a: {  	v3 =	vld [tilespmem:s31+$0xC390]  }
0x42b: {  	v0 =	vadd.f32 v1, v0  }
0x42c: {  	v1 =	vld [tilespmem:s31+$0xC410]  }
0x42d: {  	v0 =	vadd.f32 v2, v0  }
0x42e: {  	v2 =	vld [tilespmem:s31+$0xC490]  }
0x42f: {  	v0 =	vadd.f32 v3, v0  }
0x430: {  	v3 =	vld [tilespmem:s31+$0xC510]  }
0x431: {  	v0 =	vadd.f32 v1, v0  }
0x432: {  	v1 =	vld [tilespmem:s31+$0xC590]  }
0x433: {  	v0 =	vadd.f32 v2, v0  }
0x434: {  	v2 =	vld [tilespmem:s31+$0xC610]  }
0x435: {  	v0 =	vadd.f32 v3, v0  }
0x436: {  	v3 =	vld [tilespmem:s31+$0xC690]  }
0x437: {  	v0 =	vadd.f32 v1, v0  }
0x438: {  	v1 =	vld [tilespmem:s31+$0xC710]  }
0x439: {  	v0 =	vadd.f32 v2, v0  }
0x43a: {  	v2 =	vld [tilespmem:s31+$0xC790]  }
0x43b: {  	v0 =	vadd.f32 v3, v0  }
0x43c: {  	v3 =	vld [tilespmem:s31+$0xC810]  }
0x43d: {  	v0 =	vadd.f32 v1, v0  }
0x43e: {  	v1 =	vld [tilespmem:s31+$0xC890]  }
0x43f: {  	v0 =	vadd.f32 v2, v0  }
0x440: {  	v2 =	vld [tilespmem:s31+$0xC910]  }
0x441: {  	v0 =	vadd.f32 v3, v0  }
0x442: {  	v3 =	vld [tilespmem:s31+$0xC990]  }
0x443: {  	v0 =	vadd.f32 v1, v0  }
0x444: {  	v1 =	vld [tilespmem:s31+$0xCA10]  }
0x445: {  	v0 =	vadd.f32 v2, v0;
	_ =	sdelay $0x1  }
0x446: {  	v0 =	vadd.f32 v3, v0;
	_ =	sdelay $0x1  }
0x447: {  	v0 =	vadd.f32 v1, v0;
	_ =	sdelay $0x1  }
0x448: {  	v0 =	vmul.f32 $5.000000070e-02, v0;
	_ =	sdelay $0x1  }
0x449: {  	[tilespmem:s20+$0xFFFFFFE0] =	vst v0  }
0x44a: {  	v0 =	vld [tilespmem:s31+$0xC0A0]  }
0x44b: {  	v1 =	vld [tilespmem:s31+$0xC120];
	_ =	sdelay $0x1  }
0x44c: {  	v2 =	vld [tilespmem:s31+$0xC1A0];
	_ =	sdelay $0x1  }
0x44d: {  	v3 =	vld [tilespmem:s31+$0xC220]  }
0x44e: {  	v0 =	vadd.f32 v1, v0  }
0x44f: {  	v1 =	vld [tilespmem:s31+$0xC2A0]  }
0x450: {  	v0 =	vadd.f32 v2, v0  }
0x451: {  	v2 =	vld [tilespmem:s31+$0xC320]  }
0x452: {  	v0 =	vadd.f32 v3, v0  }
0x453: {  	v3 =	vld [tilespmem:s31+$0xC3A0]  }
0x454: {  	v0 =	vadd.f32 v1, v0  }
0x455: {  	v1 =	vld [tilespmem:s31+$0xC420]  }
0x456: {  	v0 =	vadd.f32 v2, v0  }
0x457: {  	v2 =	vld [tilespmem:s31+$0xC4A0]  }
0x458: {  	v0 =	vadd.f32 v3, v0  }
0x459: {  	v3 =	vld [tilespmem:s31+$0xC520]  }
0x45a: {  	v0 =	vadd.f32 v1, v0  }
0x45b: {  	v1 =	vld [tilespmem:s31+$0xC5A0]  }
0x45c: {  	v0 =	vadd.f32 v2, v0  }
0x45d: {  	v2 =	vld [tilespmem:s31+$0xC620]  }
0x45e: {  	v0 =	vadd.f32 v3, v0  }
0x45f: {  	v3 =	vld [tilespmem:s31+$0xC6A0]  }
0x460: {  	v0 =	vadd.f32 v1, v0  }
0x461: {  	v1 =	vld [tilespmem:s31+$0xC720]  }
0x462: {  	v0 =	vadd.f32 v2, v0  }
0x463: {  	v2 =	vld [tilespmem:s31+$0xC7A0]  }
0x464: {  	v0 =	vadd.f32 v3, v0  }
0x465: {  	v3 =	vld [tilespmem:s31+$0xC820]  }
0x466: {  	v0 =	vadd.f32 v1, v0  }
0x467: {  	v1 =	vld [tilespmem:s31+$0xC8A0]  }
0x468: {  	v0 =	vadd.f32 v2, v0  }
0x469: {  	v2 =	vld [tilespmem:s31+$0xC920]  }
0x46a: {  	v0 =	vadd.f32 v3, v0  }
0x46b: {  	v3 =	vld [tilespmem:s31+$0xC9A0]  }
0x46c: {  	v0 =	vadd.f32 v1, v0  }
0x46d: {  	v1 =	vld [tilespmem:s31+$0xCA20]  }
0x46e: {  	v0 =	vadd.f32 v2, v0;
	_ =	sdelay $0x1  }
0x46f: {  	v0 =	vadd.f32 v3, v0;
	_ =	sdelay $0x1  }
0x470: {  	v0 =	vadd.f32 v1, v0;
	_ =	sdelay $0x1  }
0x471: {  	v0 =	vmul.f32 $5.000000070e-02, v0;
	_ =	sdelay $0x1  }
0x472: {  	[tilespmem:s20+$0xFFFFFFF0] =	vst v0  }
0x473: {  	v0 =	vld [tilespmem:s31+$0xC0B0]  }
0x474: {  	v1 =	vld [tilespmem:s31+$0xC130];
	_ =	sdelay $0x1  }
0x475: {  	v2 =	vld [tilespmem:s31+$0xC1B0];
	_ =	sdelay $0x1  }
0x476: {  	v3 =	vld [tilespmem:s31+$0xC230]  }
0x477: {  	v0 =	vadd.f32 v1, v0  }
0x478: {  	v1 =	vld [tilespmem:s31+$0xC2B0]  }
0x479: {  	v0 =	vadd.f32 v2, v0  }
0x47a: {  	v2 =	vld [tilespmem:s31+$0xC330]  }
0x47b: {  	v0 =	vadd.f32 v3, v0  }
0x47c: {  	v3 =	vld [tilespmem:s31+$0xC3B0]  }
0x47d: {  	v0 =	vadd.f32 v1, v0  }
0x47e: {  	v1 =	vld [tilespmem:s31+$0xC430]  }
0x47f: {  	v0 =	vadd.f32 v2, v0  }
0x480: {  	v2 =	vld [tilespmem:s31+$0xC4B0]  }
0x481: {  	v0 =	vadd.f32 v3, v0  }
0x482: {  	v3 =	vld [tilespmem:s31+$0xC530]  }
0x483: {  	v0 =	vadd.f32 v1, v0  }
0x484: {  	v1 =	vld [tilespmem:s31+$0xC5B0]  }
0x485: {  	v0 =	vadd.f32 v2, v0  }
0x486: {  	v2 =	vld [tilespmem:s31+$0xC630]  }
0x487: {  	v0 =	vadd.f32 v3, v0  }
0x488: {  	v3 =	vld [tilespmem:s31+$0xC6B0]  }
0x489: {  	v0 =	vadd.f32 v1, v0  }
0x48a: {  	v1 =	vld [tilespmem:s31+$0xC730]  }
0x48b: {  	v0 =	vadd.f32 v2, v0  }
0x48c: {  	v2 =	vld [tilespmem:s31+$0xC7B0]  }
0x48d: {  	v0 =	vadd.f32 v3, v0  }
0x48e: {  	v3 =	vld [tilespmem:s31+$0xC830]  }
0x48f: {  	v0 =	vadd.f32 v1, v0  }
0x490: {  	v1 =	vld [tilespmem:s31+$0xC8B0]  }
0x491: {  	v0 =	vadd.f32 v2, v0  }
0x492: {  	v2 =	vld [tilespmem:s31+$0xC930]  }
0x493: {  	v0 =	vadd.f32 v3, v0  }
0x494: {  	v3 =	vld [tilespmem:s31+$0xC9B0]  }
0x495: {  	v0 =	vadd.f32 v1, v0;
	_ =	sdelay $0x1  }
0x496: {  	v1 =	vadd.f32 v2, v0;
	v0 =	vld [tilespmem:s31+$0xCA30];
	_ =	sdelay $0x1  }
0x497: {  	s21 =	simm.s32 $0x2800;
	s22 =	simm.s32 $0x14C30;
	v1 =	vadd.f32 v3, v1  }
.LBB2_8:
0x498: {  	p0 =	sne.s32 s21, $0xC800  }
0x499: {  	s20 =	sadd.s32 $0x80, s20;
	s23 =	smov.u32 s21;
	s21 =	sadd.s32 $0x2800, s21  }
0x49a: {  	v0 =	vadd.f32 v0, v1;
	_ =	sdelay $0x1  }
0x49b: {  	v0 =	vmul.f32 $5.000000070e-02, v0  }
0x49c: {  	s23 =	sshra.s32 s23, $0x2  }
0x49d: {  	[tilespmem:s22+$0x0] =	vst v0;
	s22 =	smov.u32 s20  }
0x49e: {  	v0 =	vld [tilespmem:s23+$0xC080]  }
0x49f: {  	v1 =	vld [tilespmem:s23+$0xC100];
	_ =	sdelay $0x1  }
0x4a0: {  	v2 =	vld [tilespmem:s23+$0xC180];
	_ =	sdelay $0x1  }
0x4a1: {  	v3 =	vld [tilespmem:s23+$0xC200]  }
0x4a2: {  	v0 =	vadd.f32 v1, v0  }
0x4a3: {  	v1 =	vld [tilespmem:s23+$0xC280]  }
0x4a4: {  	v0 =	vadd.f32 v2, v0  }
0x4a5: {  	v2 =	vld [tilespmem:s23+$0xC300]  }
0x4a6: {  	v0 =	vadd.f32 v3, v0  }
0x4a7: {  	v3 =	vld [tilespmem:s23+$0xC380]  }
0x4a8: {  	v0 =	vadd.f32 v1, v0  }
0x4a9: {  	v1 =	vld [tilespmem:s23+$0xC400]  }
0x4aa: {  	v0 =	vadd.f32 v2, v0  }
0x4ab: {  	v2 =	vld [tilespmem:s23+$0xC480]  }
0x4ac: {  	v0 =	vadd.f32 v3, v0  }
0x4ad: {  	v3 =	vld [tilespmem:s23+$0xC500]  }
0x4ae: {  	v0 =	vadd.f32 v1, v0  }
0x4af: {  	v1 =	vld [tilespmem:s23+$0xC580]  }
0x4b0: {  	v0 =	vadd.f32 v2, v0  }
0x4b1: {  	v2 =	vld [tilespmem:s23+$0xC600]  }
0x4b2: {  	v0 =	vadd.f32 v3, v0  }
0x4b3: {  	v3 =	vld [tilespmem:s23+$0xC680]  }
0x4b4: {  	v0 =	vadd.f32 v1, v0  }
0x4b5: {  	v1 =	vld [tilespmem:s23+$0xC700]  }
0x4b6: {  	v0 =	vadd.f32 v2, v0  }
0x4b7: {  	v2 =	vld [tilespmem:s23+$0xC780]  }
0x4b8: {  	v0 =	vadd.f32 v3, v0  }
0x4b9: {  	v3 =	vld [tilespmem:s23+$0xC800]  }
0x4ba: {  	v0 =	vadd.f32 v1, v0  }
0x4bb: {  	v1 =	vld [tilespmem:s23+$0xC880]  }
0x4bc: {  	v0 =	vadd.f32 v2, v0  }
0x4bd: {  	v2 =	vld [tilespmem:s23+$0xC900]  }
0x4be: {  	v0 =	vadd.f32 v3, v0  }
0x4bf: {  	v3 =	vld [tilespmem:s23+$0xC980]  }
0x4c0: {  	v0 =	vadd.f32 v1, v0  }
0x4c1: {  	v1 =	vld [tilespmem:s23+$0xCA00]  }
0x4c2: {  	v0 =	vadd.f32 v2, v0;
	_ =	sdelay $0x1  }
0x4c3: {  	v0 =	vadd.f32 v3, v0;
	_ =	sdelay $0x1  }
0x4c4: {  	v0 =	vadd.f32 v1, v0;
	_ =	sdelay $0x1  }
0x4c5: {  	v0 =	vmul.f32 $5.000000070e-02, v0;
	_ =	sdelay $0x1  }
0x4c6: {  	[tilespmem:s20+$0xFFFFFFD0] =	vst v0  }
0x4c7: {  	v0 =	vld [tilespmem:s23+$0xC090]  }
0x4c8: {  	v1 =	vld [tilespmem:s23+$0xC110];
	_ =	sdelay $0x1  }
0x4c9: {  	v2 =	vld [tilespmem:s23+$0xC190];
	_ =	sdelay $0x1  }
0x4ca: {  	v3 =	vld [tilespmem:s23+$0xC210]  }
0x4cb: {  	v0 =	vadd.f32 v1, v0  }
0x4cc: {  	v1 =	vld [tilespmem:s23+$0xC290]  }
0x4cd: {  	v0 =	vadd.f32 v2, v0  }
0x4ce: {  	v2 =	vld [tilespmem:s23+$0xC310]  }
0x4cf: {  	v0 =	vadd.f32 v3, v0  }
0x4d0: {  	v3 =	vld [tilespmem:s23+$0xC390]  }
0x4d1: {  	v0 =	vadd.f32 v1, v0  }
0x4d2: {  	v1 =	vld [tilespmem:s23+$0xC410]  }
0x4d3: {  	v0 =	vadd.f32 v2, v0  }
0x4d4: {  	v2 =	vld [tilespmem:s23+$0xC490]  }
0x4d5: {  	v0 =	vadd.f32 v3, v0  }
0x4d6: {  	v3 =	vld [tilespmem:s23+$0xC510]  }
0x4d7: {  	v0 =	vadd.f32 v1, v0  }
0x4d8: {  	v1 =	vld [tilespmem:s23+$0xC590]  }
0x4d9: {  	v0 =	vadd.f32 v2, v0  }
0x4da: {  	v2 =	vld [tilespmem:s23+$0xC610]  }
0x4db: {  	v0 =	vadd.f32 v3, v0  }
0x4dc: {  	v3 =	vld [tilespmem:s23+$0xC690]  }
0x4dd: {  	v0 =	vadd.f32 v1, v0  }
0x4de: {  	v1 =	vld [tilespmem:s23+$0xC710]  }
0x4df: {  	v0 =	vadd.f32 v2, v0  }
0x4e0: {  	v2 =	vld [tilespmem:s23+$0xC790]  }
0x4e1: {  	v0 =	vadd.f32 v3, v0  }
0x4e2: {  	v3 =	vld [tilespmem:s23+$0xC810]  }
0x4e3: {  	v0 =	vadd.f32 v1, v0  }
0x4e4: {  	v1 =	vld [tilespmem:s23+$0xC890]  }
0x4e5: {  	v0 =	vadd.f32 v2, v0  }
0x4e6: {  	v2 =	vld [tilespmem:s23+$0xC910]  }
0x4e7: {  	v0 =	vadd.f32 v3, v0  }
0x4e8: {  	v3 =	vld [tilespmem:s23+$0xC990]  }
0x4e9: {  	v0 =	vadd.f32 v1, v0  }
0x4ea: {  	v1 =	vld [tilespmem:s23+$0xCA10]  }
0x4eb: {  	v0 =	vadd.f32 v2, v0;
	_ =	sdelay $0x1  }
0x4ec: {  	v0 =	vadd.f32 v3, v0;
	_ =	sdelay $0x1  }
0x4ed: {  	v0 =	vadd.f32 v1, v0;
	_ =	sdelay $0x1  }
0x4ee: {  	v0 =	vmul.f32 $5.000000070e-02, v0;
	_ =	sdelay $0x1  }
0x4ef: {  	[tilespmem:s20+$0xFFFFFFE0] =	vst v0  }
0x4f0: {  	v0 =	vld [tilespmem:s23+$0xC0A0]  }
0x4f1: {  	v1 =	vld [tilespmem:s23+$0xC120];
	_ =	sdelay $0x1  }
0x4f2: {  	v2 =	vld [tilespmem:s23+$0xC1A0];
	_ =	sdelay $0x1  }
0x4f3: {  	v3 =	vld [tilespmem:s23+$0xC220]  }
0x4f4: {  	v0 =	vadd.f32 v1, v0  }
0x4f5: {  	v1 =	vld [tilespmem:s23+$0xC2A0]  }
0x4f6: {  	v0 =	vadd.f32 v2, v0  }
0x4f7: {  	v2 =	vld [tilespmem:s23+$0xC320]  }
0x4f8: {  	v0 =	vadd.f32 v3, v0  }
0x4f9: {  	v3 =	vld [tilespmem:s23+$0xC3A0]  }
0x4fa: {  	v0 =	vadd.f32 v1, v0  }
0x4fb: {  	v1 =	vld [tilespmem:s23+$0xC420]  }
0x4fc: {  	v0 =	vadd.f32 v2, v0  }
0x4fd: {  	v2 =	vld [tilespmem:s23+$0xC4A0]  }
0x4fe: {  	v0 =	vadd.f32 v3, v0  }
0x4ff: {  	v3 =	vld [tilespmem:s23+$0xC520]  }
0x500: {  	v0 =	vadd.f32 v1, v0  }
0x501: {  	v1 =	vld [tilespmem:s23+$0xC5A0]  }
0x502: {  	v0 =	vadd.f32 v2, v0  }
0x503: {  	v2 =	vld [tilespmem:s23+$0xC620]  }
0x504: {  	v0 =	vadd.f32 v3, v0  }
0x505: {  	v3 =	vld [tilespmem:s23+$0xC6A0]  }
0x506: {  	v0 =	vadd.f32 v1, v0  }
0x507: {  	v1 =	vld [tilespmem:s23+$0xC720]  }
0x508: {  	v0 =	vadd.f32 v2, v0  }
0x509: {  	v2 =	vld [tilespmem:s23+$0xC7A0]  }
0x50a: {  	v0 =	vadd.f32 v3, v0  }
0x50b: {  	v3 =	vld [tilespmem:s23+$0xC820]  }
0x50c: {  	v0 =	vadd.f32 v1, v0  }
0x50d: {  	v1 =	vld [tilespmem:s23+$0xC8A0]  }
0x50e: {  	v0 =	vadd.f32 v2, v0  }
0x50f: {  	v2 =	vld [tilespmem:s23+$0xC920]  }
0x510: {  	v0 =	vadd.f32 v3, v0  }
0x511: {  	v3 =	vld [tilespmem:s23+$0xC9A0]  }
0x512: {  	v0 =	vadd.f32 v1, v0  }
0x513: {  	v1 =	vld [tilespmem:s23+$0xCA20]  }
0x514: {  	v0 =	vadd.f32 v2, v0;
	_ =	sdelay $0x1  }
0x515: {  	v0 =	vadd.f32 v3, v0;
	_ =	sdelay $0x1  }
0x516: {  	v0 =	vadd.f32 v1, v0;
	_ =	sdelay $0x1  }
0x517: {  	v0 =	vmul.f32 $5.000000070e-02, v0;
	_ =	sdelay $0x1  }
0x518: {  	[tilespmem:s20+$0xFFFFFFF0] =	vst v0  }
0x519: {  	v0 =	vld [tilespmem:s23+$0xC0B0]  }
0x51a: {  	v1 =	vld [tilespmem:s23+$0xC130]  }
0x51b: {  	v2 =	vld [tilespmem:s23+$0xC1B0]  }
0x51c: {  	v3 =	vld [tilespmem:s23+$0xC230]  }
0x51d: {  	v4 =	vld [tilespmem:s23+$0xC2B0]  }
0x51e: {  	v5 =	vld [tilespmem:s23+$0xC330]  }
0x51f: {  	v0 =	vadd.f32 v1, v0;
	v1 =	vld [tilespmem:s23+$0xC3B0]  }
0x520: {  	v6 =	vld [tilespmem:s23+$0xC430]  }
0x521: {  	v0 =	vadd.f32 v2, v0;
	v2 =	vld [tilespmem:s23+$0xC4B0]  }
0x522: {  	v7 =	vld [tilespmem:s23+$0xC530]  }
0x523: {  	v0 =	vadd.f32 v3, v0;
	v3 =	vld [tilespmem:s23+$0xC5B0]  }
0x524: {  	v8 =	vld [tilespmem:s23+$0xC630]  }
0x525: {  	v0 =	vadd.f32 v4, v0;
	v4 =	vld [tilespmem:s23+$0xC6B0]  }
0x526: {  	v9 =	vld [tilespmem:s23+$0xC730]  }
0x527: {  	v0 =	vadd.f32 v5, v0;
	v5 =	vld [tilespmem:s23+$0xC7B0]  }
0x528: {  	v10 =	vld [tilespmem:s23+$0xC830]  }
0x529: {  	v0 =	vadd.f32 v1, v0;
	v1 =	vld [tilespmem:s23+$0xC8B0]  }
0x52a: {  	v11 =	vld [tilespmem:s23+$0xC930]  }
0x52b: {  	v6 =	vadd.f32 v6, v0;
	v12 =	vld [tilespmem:s23+$0xC9B0]  }
0x52c: {  	v0 =	vld [tilespmem:s23+$0xCA30]  }
0x52d: {  	v2 =	vadd.f32 v2, v6;
	_ =	sdelay $0x1  }
0x52e: {  	v2 =	vadd.f32 v7, v2;
	_ =	sdelay $0x1  }
0x52f: {  	v2 =	vadd.f32 v3, v2;
	_ =	sdelay $0x1  }
0x530: {  	v2 =	vadd.f32 v8, v2;
	_ =	sdelay $0x1  }
0x531: {  	v2 =	vadd.f32 v4, v2;
	_ =	sdelay $0x1  }
0x532: {  	v2 =	vadd.f32 v9, v2;
	_ =	sdelay $0x1  }
0x533: {  	v2 =	vadd.f32 v5, v2;
	_ =	sdelay $0x1  }
0x534: {  	v2 =	vadd.f32 v10, v2;
	_ =	sdelay $0x1  }
.Ltmp3:
0x535: {  	v1 =	vadd.f32 v1, v2;
	(pc) =	sbr.rel @p0 .LBB2_8-.Ltmp3, $3  }
0x536: {  	_ = 	snop  }
0x537: {  	v1 =	vadd.f32 v11, v1;
	_ =	sdelay $0x1  }
0x538: {  	v1 =	vadd.f32 v12, v1  }
0x539: {  	_ = 	snop  }
0x53a: {  	v0 =	vadd.f32 v0, v1;
	_ =	sdelay $0x1  }
0x53b: {  	v0 =	vmul.f32 $5.000000070e-02, v0;
	_ =	sdelay $0x1  }
0x53c: {  	[tilespmem:s22+$0x0] =	vst v0  }
0x53d: {  	_ =	swait.ge [sflag:s17], $0x4000  }
0x53e: {  	[sflag:s17] =	ssyncset.done $0x0  }
0x53f: {  	s31 =	simm.s32 $0x0;
	[sflag:s17] =	ssyncadd.s32 $0xFFFFC000  }
0x540: {  	v0 =	vld [tilespmem:s31+$0xFC80]  }
0x541: {  	v1 =	vld [tilespmem:s31+$0xFD00];
	_ =	sdelay $0x1  }
0x542: {  	v2 =	vld [tilespmem:s31+$0xFD80];
	_ =	sdelay $0x1  }
0x543: {  	v3 =	vld [tilespmem:s31+$0xFE00]  }
0x544: {  	v0 =	vadd.f32 v1, v0  }
0x545: {  	v1 =	vld [tilespmem:s31+$0xFE80]  }
0x546: {  	v0 =	vadd.f32 v2, v0  }
0x547: {  	v2 =	vld [tilespmem:s31+$0xFF00]  }
0x548: {  	v0 =	vadd.f32 v3, v0  }
0x549: {  	v3 =	vld [tilespmem:s31+$0xFF80]  }
0x54a: {  	v0 =	vadd.f32 v1, v0  }
0x54b: {  	v1 =	vld [tilespmem:s31+$0x10000]  }
0x54c: {  	v0 =	vadd.f32 v2, v0  }
0x54d: {  	v2 =	vld [tilespmem:s31+$0x10080]  }
0x54e: {  	v0 =	vadd.f32 v3, v0  }
0x54f: {  	v3 =	vld [tilespmem:s31+$0x10100]  }
0x550: {  	v0 =	vadd.f32 v1, v0  }
0x551: {  	v1 =	vld [tilespmem:s31+$0x10180]  }
0x552: {  	v0 =	vadd.f32 v2, v0  }
0x553: {  	v2 =	vld [tilespmem:s31+$0x10200]  }
0x554: {  	v0 =	vadd.f32 v3, v0  }
0x555: {  	v3 =	vld [tilespmem:s31+$0x10280]  }
0x556: {  	v0 =	vadd.f32 v1, v0  }
0x557: {  	v1 =	vld [tilespmem:s31+$0x10300]  }
0x558: {  	v0 =	vadd.f32 v2, v0  }
0x559: {  	v2 =	vld [tilespmem:s31+$0x10380]  }
0x55a: {  	v0 =	vadd.f32 v3, v0  }
0x55b: {  	v3 =	vld [tilespmem:s31+$0x10400]  }
0x55c: {  	v0 =	vadd.f32 v1, v0  }
0x55d: {  	v1 =	vld [tilespmem:s31+$0x10480]  }
0x55e: {  	v0 =	vadd.f32 v2, v0  }
0x55f: {  	v2 =	vld [tilespmem:s31+$0x10500]  }
0x560: {  	v0 =	vadd.f32 v3, v0  }
0x561: {  	v3 =	vld [tilespmem:s31+$0x10580]  }
0x562: {  	v0 =	vadd.f32 v1, v0  }
0x563: {  	v1 =	vld [tilespmem:s31+$0x10600]  }
0x564: {  	v0 =	vadd.f32 v2, v0;
	_ =	sdelay $0x1  }
0x565: {  	v0 =	vadd.f32 v3, v0;
	_ =	sdelay $0x1  }
0x566: {  	v0 =	vadd.f32 v1, v0;
	_ =	sdelay $0x1  }
0x567: {  	v0 =	vmul.f32 $5.000000070e-02, v0  }
0x568: {  	s20 =	simm.s32 $0x14F30  }
0x569: {  	[tilespmem:s20+$0xFFFFFFD0] =	vst v0  }
0x56a: {  	v0 =	vld [tilespmem:s31+$0xFC90]  }
0x56b: {  	v1 =	vld [tilespmem:s31+$0xFD10];
	_ =	sdelay $0x1  }
0x56c: {  	v2 =	vld [tilespmem:s31+$0xFD90];
	_ =	sdelay $0x1  }
0x56d: {  	v3 =	vld [tilespmem:s31+$0xFE10]  }
0x56e: {  	v0 =	vadd.f32 v1, v0  }
0x56f: {  	v1 =	vld [tilespmem:s31+$0xFE90]  }
0x570: {  	v0 =	vadd.f32 v2, v0  }
0x571: {  	v2 =	vld [tilespmem:s31+$0xFF10]  }
0x572: {  	v0 =	vadd.f32 v3, v0  }
0x573: {  	v3 =	vld [tilespmem:s31+$0xFF90]  }
0x574: {  	v0 =	vadd.f32 v1, v0  }
0x575: {  	v1 =	vld [tilespmem:s31+$0x10010]  }
0x576: {  	v0 =	vadd.f32 v2, v0  }
0x577: {  	v2 =	vld [tilespmem:s31+$0x10090]  }
0x578: {  	v0 =	vadd.f32 v3, v0  }
0x579: {  	v3 =	vld [tilespmem:s31+$0x10110]  }
0x57a: {  	v0 =	vadd.f32 v1, v0  }
0x57b: {  	v1 =	vld [tilespmem:s31+$0x10190]  }
0x57c: {  	v0 =	vadd.f32 v2, v0  }
0x57d: {  	v2 =	vld [tilespmem:s31+$0x10210]  }
0x57e: {  	v0 =	vadd.f32 v3, v0  }
0x57f: {  	v3 =	vld [tilespmem:s31+$0x10290]  }
0x580: {  	v0 =	vadd.f32 v1, v0  }
0x581: {  	v1 =	vld [tilespmem:s31+$0x10310]  }
0x582: {  	v0 =	vadd.f32 v2, v0  }
0x583: {  	v2 =	vld [tilespmem:s31+$0x10390]  }
0x584: {  	v0 =	vadd.f32 v3, v0  }
0x585: {  	v3 =	vld [tilespmem:s31+$0x10410]  }
0x586: {  	v0 =	vadd.f32 v1, v0  }
0x587: {  	v1 =	vld [tilespmem:s31+$0x10490]  }
0x588: {  	v0 =	vadd.f32 v2, v0  }
0x589: {  	v2 =	vld [tilespmem:s31+$0x10510]  }
0x58a: {  	v0 =	vadd.f32 v3, v0  }
0x58b: {  	v3 =	vld [tilespmem:s31+$0x10590]  }
0x58c: {  	v0 =	vadd.f32 v1, v0  }
0x58d: {  	v1 =	vld [tilespmem:s31+$0x10610]  }
0x58e: {  	v0 =	vadd.f32 v2, v0;
	_ =	sdelay $0x1  }
0x58f: {  	v0 =	vadd.f32 v3, v0;
	_ =	sdelay $0x1  }
0x590: {  	v0 =	vadd.f32 v1, v0;
	_ =	sdelay $0x1  }
0x591: {  	v0 =	vmul.f32 $5.000000070e-02, v0;
	_ =	sdelay $0x1  }
0x592: {  	[tilespmem:s20+$0xFFFFFFE0] =	vst v0  }
0x593: {  	v0 =	vld [tilespmem:s31+$0xFCA0]  }
0x594: {  	v1 =	vld [tilespmem:s31+$0xFD20];
	_ =	sdelay $0x1  }
0x595: {  	v2 =	vld [tilespmem:s31+$0xFDA0];
	_ =	sdelay $0x1  }
0x596: {  	v3 =	vld [tilespmem:s31+$0xFE20]  }
0x597: {  	v0 =	vadd.f32 v1, v0  }
0x598: {  	v1 =	vld [tilespmem:s31+$0xFEA0]  }
0x599: {  	v0 =	vadd.f32 v2, v0  }
0x59a: {  	v2 =	vld [tilespmem:s31+$0xFF20]  }
0x59b: {  	v0 =	vadd.f32 v3, v0  }
0x59c: {  	v3 =	vld [tilespmem:s31+$0xFFA0]  }
0x59d: {  	v0 =	vadd.f32 v1, v0  }
0x59e: {  	v1 =	vld [tilespmem:s31+$0x10020]  }
0x59f: {  	v0 =	vadd.f32 v2, v0  }
0x5a0: {  	v2 =	vld [tilespmem:s31+$0x100A0]  }
0x5a1: {  	v0 =	vadd.f32 v3, v0  }
0x5a2: {  	v3 =	vld [tilespmem:s31+$0x10120]  }
0x5a3: {  	v0 =	vadd.f32 v1, v0  }
0x5a4: {  	v1 =	vld [tilespmem:s31+$0x101A0]  }
0x5a5: {  	v0 =	vadd.f32 v2, v0  }
0x5a6: {  	v2 =	vld [tilespmem:s31+$0x10220]  }
0x5a7: {  	v0 =	vadd.f32 v3, v0  }
0x5a8: {  	v3 =	vld [tilespmem:s31+$0x102A0]  }
0x5a9: {  	v0 =	vadd.f32 v1, v0  }
0x5aa: {  	v1 =	vld [tilespmem:s31+$0x10320]  }
0x5ab: {  	v0 =	vadd.f32 v2, v0  }
0x5ac: {  	v2 =	vld [tilespmem:s31+$0x103A0]  }
0x5ad: {  	v0 =	vadd.f32 v3, v0  }
0x5ae: {  	v3 =	vld [tilespmem:s31+$0x10420]  }
0x5af: {  	v0 =	vadd.f32 v1, v0  }
0x5b0: {  	v1 =	vld [tilespmem:s31+$0x104A0]  }
0x5b1: {  	v0 =	vadd.f32 v2, v0  }
0x5b2: {  	v2 =	vld [tilespmem:s31+$0x10520]  }
0x5b3: {  	v0 =	vadd.f32 v3, v0  }
0x5b4: {  	v3 =	vld [tilespmem:s31+$0x105A0]  }
0x5b5: {  	v0 =	vadd.f32 v1, v0  }
0x5b6: {  	v1 =	vld [tilespmem:s31+$0x10620]  }
0x5b7: {  	v0 =	vadd.f32 v2, v0;
	_ =	sdelay $0x1  }
0x5b8: {  	v0 =	vadd.f32 v3, v0;
	_ =	sdelay $0x1  }
0x5b9: {  	v0 =	vadd.f32 v1, v0;
	_ =	sdelay $0x1  }
0x5ba: {  	v0 =	vmul.f32 $5.000000070e-02, v0;
	_ =	sdelay $0x1  }
0x5bb: {  	[tilespmem:s20+$0xFFFFFFF0] =	vst v0  }
0x5bc: {  	v0 =	vld [tilespmem:s31+$0xFCB0]  }
0x5bd: {  	v1 =	vld [tilespmem:s31+$0xFD30];
	_ =	sdelay $0x1  }
0x5be: {  	v2 =	vld [tilespmem:s31+$0xFDB0];
	_ =	sdelay $0x1  }
0x5bf: {  	v3 =	vld [tilespmem:s31+$0xFE30]  }
0x5c0: {  	v0 =	vadd.f32 v1, v0  }
0x5c1: {  	v1 =	vld [tilespmem:s31+$0xFEB0]  }
0x5c2: {  	v0 =	vadd.f32 v2, v0  }
0x5c3: {  	v2 =	vld [tilespmem:s31+$0xFF30]  }
0x5c4: {  	v0 =	vadd.f32 v3, v0  }
0x5c5: {  	v3 =	vld [tilespmem:s31+$0xFFB0]  }
0x5c6: {  	v0 =	vadd.f32 v1, v0  }
0x5c7: {  	v1 =	vld [tilespmem:s31+$0x10030]  }
0x5c8: {  	v0 =	vadd.f32 v2, v0  }
0x5c9: {  	v2 =	vld [tilespmem:s31+$0x100B0]  }
0x5ca: {  	v0 =	vadd.f32 v3, v0  }
0x5cb: {  	v3 =	vld [tilespmem:s31+$0x10130]  }
0x5cc: {  	v0 =	vadd.f32 v1, v0  }
0x5cd: {  	v1 =	vld [tilespmem:s31+$0x101B0]  }
0x5ce: {  	v0 =	vadd.f32 v2, v0  }
0x5cf: {  	v2 =	vld [tilespmem:s31+$0x10230]  }
0x5d0: {  	v0 =	vadd.f32 v3, v0  }
0x5d1: {  	v3 =	vld [tilespmem:s31+$0x102B0]  }
0x5d2: {  	v0 =	vadd.f32 v1, v0  }
0x5d3: {  	v1 =	vld [tilespmem:s31+$0x10330]  }
0x5d4: {  	v0 =	vadd.f32 v2, v0  }
0x5d5: {  	v2 =	vld [tilespmem:s31+$0x103B0]  }
0x5d6: {  	v0 =	vadd.f32 v3, v0  }
0x5d7: {  	v3 =	vld [tilespmem:s31+$0x10430]  }
0x5d8: {  	v0 =	vadd.f32 v1, v0  }
0x5d9: {  	v1 =	vld [tilespmem:s31+$0x104B0]  }
0x5da: {  	v0 =	vadd.f32 v2, v0  }
0x5db: {  	v2 =	vld [tilespmem:s31+$0x10530]  }
0x5dc: {  	v0 =	vadd.f32 v3, v0  }
0x5dd: {  	v3 =	vld [tilespmem:s31+$0x105B0]  }
0x5de: {  	v0 =	vadd.f32 v1, v0;
	_ =	sdelay $0x1  }
0x5df: {  	v1 =	vadd.f32 v2, v0;
	v0 =	vld [tilespmem:s31+$0x10630];
	_ =	sdelay $0x1  }
0x5e0: {  	s21 =	simm.s32 $0x2800;
	s22 =	simm.s32 $0x14F30;
	v1 =	vadd.f32 v3, v1  }
.LBB2_10:
0x5e1: {  	p0 =	sne.s32 s21, $0xF000  }
0x5e2: {  	s20 =	sadd.s32 $0x80, s20;
	s23 =	smov.u32 s21;
	s21 =	sadd.s32 $0x2800, s21  }
0x5e3: {  	v0 =	vadd.f32 v0, v1;
	_ =	sdelay $0x1  }
0x5e4: {  	v0 =	vmul.f32 $5.000000070e-02, v0  }
0x5e5: {  	s23 =	sshra.s32 s23, $0x2  }
0x5e6: {  	[tilespmem:s22+$0x0] =	vst v0;
	s22 =	smov.u32 s20  }
0x5e7: {  	v0 =	vld [tilespmem:s23+$0xFC80]  }
0x5e8: {  	v1 =	vld [tilespmem:s23+$0xFD00];
	_ =	sdelay $0x1  }
0x5e9: {  	v2 =	vld [tilespmem:s23+$0xFD80];
	_ =	sdelay $0x1  }
0x5ea: {  	v3 =	vld [tilespmem:s23+$0xFE00]  }
0x5eb: {  	v0 =	vadd.f32 v1, v0  }
0x5ec: {  	v1 =	vld [tilespmem:s23+$0xFE80]  }
0x5ed: {  	v0 =	vadd.f32 v2, v0  }
0x5ee: {  	v2 =	vld [tilespmem:s23+$0xFF00]  }
0x5ef: {  	v0 =	vadd.f32 v3, v0  }
0x5f0: {  	v3 =	vld [tilespmem:s23+$0xFF80]  }
0x5f1: {  	v0 =	vadd.f32 v1, v0  }
0x5f2: {  	v1 =	vld [tilespmem:s23+$0x10000]  }
0x5f3: {  	v0 =	vadd.f32 v2, v0  }
0x5f4: {  	v2 =	vld [tilespmem:s23+$0x10080]  }
0x5f5: {  	v0 =	vadd.f32 v3, v0  }
0x5f6: {  	v3 =	vld [tilespmem:s23+$0x10100]  }
0x5f7: {  	v0 =	vadd.f32 v1, v0  }
0x5f8: {  	v1 =	vld [tilespmem:s23+$0x10180]  }
0x5f9: {  	v0 =	vadd.f32 v2, v0  }
0x5fa: {  	v2 =	vld [tilespmem:s23+$0x10200]  }
0x5fb: {  	v0 =	vadd.f32 v3, v0  }
0x5fc: {  	v3 =	vld [tilespmem:s23+$0x10280]  }
0x5fd: {  	v0 =	vadd.f32 v1, v0  }
0x5fe: {  	v1 =	vld [tilespmem:s23+$0x10300]  }
0x5ff: {  	v0 =	vadd.f32 v2, v0  }
0x600: {  	v2 =	vld [tilespmem:s23+$0x10380]  }
0x601: {  	v0 =	vadd.f32 v3, v0  }
0x602: {  	v3 =	vld [tilespmem:s23+$0x10400]  }
0x603: {  	v0 =	vadd.f32 v1, v0  }
0x604: {  	v1 =	vld [tilespmem:s23+$0x10480]  }
0x605: {  	v0 =	vadd.f32 v2, v0  }
0x606: {  	v2 =	vld [tilespmem:s23+$0x10500]  }
0x607: {  	v0 =	vadd.f32 v3, v0  }
0x608: {  	v3 =	vld [tilespmem:s23+$0x10580]  }
0x609: {  	v0 =	vadd.f32 v1, v0  }
0x60a: {  	v1 =	vld [tilespmem:s23+$0x10600]  }
0x60b: {  	v0 =	vadd.f32 v2, v0;
	_ =	sdelay $0x1  }
0x60c: {  	v0 =	vadd.f32 v3, v0;
	_ =	sdelay $0x1  }
0x60d: {  	v0 =	vadd.f32 v1, v0;
	_ =	sdelay $0x1  }
0x60e: {  	v0 =	vmul.f32 $5.000000070e-02, v0;
	_ =	sdelay $0x1  }
0x60f: {  	[tilespmem:s20+$0xFFFFFFD0] =	vst v0  }
0x610: {  	v0 =	vld [tilespmem:s23+$0xFC90]  }
0x611: {  	v1 =	vld [tilespmem:s23+$0xFD10];
	_ =	sdelay $0x1  }
0x612: {  	v2 =	vld [tilespmem:s23+$0xFD90];
	_ =	sdelay $0x1  }
0x613: {  	v3 =	vld [tilespmem:s23+$0xFE10]  }
0x614: {  	v0 =	vadd.f32 v1, v0  }
0x615: {  	v1 =	vld [tilespmem:s23+$0xFE90]  }
0x616: {  	v0 =	vadd.f32 v2, v0  }
0x617: {  	v2 =	vld [tilespmem:s23+$0xFF10]  }
0x618: {  	v0 =	vadd.f32 v3, v0  }
0x619: {  	v3 =	vld [tilespmem:s23+$0xFF90]  }
0x61a: {  	v0 =	vadd.f32 v1, v0  }
0x61b: {  	v1 =	vld [tilespmem:s23+$0x10010]  }
0x61c: {  	v0 =	vadd.f32 v2, v0  }
0x61d: {  	v2 =	vld [tilespmem:s23+$0x10090]  }
0x61e: {  	v0 =	vadd.f32 v3, v0  }
0x61f: {  	v3 =	vld [tilespmem:s23+$0x10110]  }
0x620: {  	v0 =	vadd.f32 v1, v0  }
0x621: {  	v1 =	vld [tilespmem:s23+$0x10190]  }
0x622: {  	v0 =	vadd.f32 v2, v0  }
0x623: {  	v2 =	vld [tilespmem:s23+$0x10210]  }
0x624: {  	v0 =	vadd.f32 v3, v0  }
0x625: {  	v3 =	vld [tilespmem:s23+$0x10290]  }
0x626: {  	v0 =	vadd.f32 v1, v0  }
0x627: {  	v1 =	vld [tilespmem:s23+$0x10310]  }
0x628: {  	v0 =	vadd.f32 v2, v0  }
0x629: {  	v2 =	vld [tilespmem:s23+$0x10390]  }
0x62a: {  	v0 =	vadd.f32 v3, v0  }
0x62b: {  	v3 =	vld [tilespmem:s23+$0x10410]  }
0x62c: {  	v0 =	vadd.f32 v1, v0  }
0x62d: {  	v1 =	vld [tilespmem:s23+$0x10490]  }
0x62e: {  	v0 =	vadd.f32 v2, v0  }
0x62f: {  	v2 =	vld [tilespmem:s23+$0x10510]  }
0x630: {  	v0 =	vadd.f32 v3, v0  }
0x631: {  	v3 =	vld [tilespmem:s23+$0x10590]  }
0x632: {  	v0 =	vadd.f32 v1, v0  }
0x633: {  	v1 =	vld [tilespmem:s23+$0x10610]  }
0x634: {  	v0 =	vadd.f32 v2, v0;
	_ =	sdelay $0x1  }
0x635: {  	v0 =	vadd.f32 v3, v0;
	_ =	sdelay $0x1  }
0x636: {  	v0 =	vadd.f32 v1, v0;
	_ =	sdelay $0x1  }
0x637: {  	v0 =	vmul.f32 $5.000000070e-02, v0;
	_ =	sdelay $0x1  }
0x638: {  	[tilespmem:s20+$0xFFFFFFE0] =	vst v0  }
0x639: {  	v0 =	vld [tilespmem:s23+$0xFCA0]  }
0x63a: {  	v1 =	vld [tilespmem:s23+$0xFD20];
	_ =	sdelay $0x1  }
0x63b: {  	v2 =	vld [tilespmem:s23+$0xFDA0];
	_ =	sdelay $0x1  }
0x63c: {  	v3 =	vld [tilespmem:s23+$0xFE20]  }
0x63d: {  	v0 =	vadd.f32 v1, v0  }
0x63e: {  	v1 =	vld [tilespmem:s23+$0xFEA0]  }
0x63f: {  	v0 =	vadd.f32 v2, v0  }
0x640: {  	v2 =	vld [tilespmem:s23+$0xFF20]  }
0x641: {  	v0 =	vadd.f32 v3, v0  }
0x642: {  	v3 =	vld [tilespmem:s23+$0xFFA0]  }
0x643: {  	v0 =	vadd.f32 v1, v0  }
0x644: {  	v1 =	vld [tilespmem:s23+$0x10020]  }
0x645: {  	v0 =	vadd.f32 v2, v0  }
0x646: {  	v2 =	vld [tilespmem:s23+$0x100A0]  }
0x647: {  	v0 =	vadd.f32 v3, v0  }
0x648: {  	v3 =	vld [tilespmem:s23+$0x10120]  }
0x649: {  	v0 =	vadd.f32 v1, v0  }
0x64a: {  	v1 =	vld [tilespmem:s23+$0x101A0]  }
0x64b: {  	v0 =	vadd.f32 v2, v0  }
0x64c: {  	v2 =	vld [tilespmem:s23+$0x10220]  }
0x64d: {  	v0 =	vadd.f32 v3, v0  }
0x64e: {  	v3 =	vld [tilespmem:s23+$0x102A0]  }
0x64f: {  	v0 =	vadd.f32 v1, v0  }
0x650: {  	v1 =	vld [tilespmem:s23+$0x10320]  }
0x651: {  	v0 =	vadd.f32 v2, v0  }
0x652: {  	v2 =	vld [tilespmem:s23+$0x103A0]  }
0x653: {  	v0 =	vadd.f32 v3, v0  }
0x654: {  	v3 =	vld [tilespmem:s23+$0x10420]  }
0x655: {  	v0 =	vadd.f32 v1, v0  }
0x656: {  	v1 =	vld [tilespmem:s23+$0x104A0]  }
0x657: {  	v0 =	vadd.f32 v2, v0  }
0x658: {  	v2 =	vld [tilespmem:s23+$0x10520]  }
0x659: {  	v0 =	vadd.f32 v3, v0  }
0x65a: {  	v3 =	vld [tilespmem:s23+$0x105A0]  }
0x65b: {  	v0 =	vadd.f32 v1, v0  }
0x65c: {  	v1 =	vld [tilespmem:s23+$0x10620]  }
0x65d: {  	v0 =	vadd.f32 v2, v0;
	_ =	sdelay $0x1  }
0x65e: {  	v0 =	vadd.f32 v3, v0;
	_ =	sdelay $0x1  }
0x65f: {  	v0 =	vadd.f32 v1, v0;
	_ =	sdelay $0x1  }
0x660: {  	v0 =	vmul.f32 $5.000000070e-02, v0;
	_ =	sdelay $0x1  }
0x661: {  	[tilespmem:s20+$0xFFFFFFF0] =	vst v0  }
0x662: {  	v0 =	vld [tilespmem:s23+$0xFCB0]  }
0x663: {  	v1 =	vld [tilespmem:s23+$0xFD30]  }
0x664: {  	v2 =	vld [tilespmem:s23+$0xFDB0]  }
0x665: {  	v3 =	vld [tilespmem:s23+$0xFE30]  }
0x666: {  	v4 =	vld [tilespmem:s23+$0xFEB0]  }
0x667: {  	v5 =	vld [tilespmem:s23+$0xFF30]  }
0x668: {  	v0 =	vadd.f32 v1, v0;
	v1 =	vld [tilespmem:s23+$0xFFB0]  }
0x669: {  	v6 =	vld [tilespmem:s23+$0x10030]  }
0x66a: {  	v0 =	vadd.f32 v2, v0;
	v2 =	vld [tilespmem:s23+$0x100B0]  }
0x66b: {  	v7 =	vld [tilespmem:s23+$0x10130]  }
0x66c: {  	v0 =	vadd.f32 v3, v0;
	v3 =	vld [tilespmem:s23+$0x101B0]  }
0x66d: {  	v8 =	vld [tilespmem:s23+$0x10230]  }
0x66e: {  	v0 =	vadd.f32 v4, v0;
	v4 =	vld [tilespmem:s23+$0x102B0]  }
0x66f: {  	v9 =	vld [tilespmem:s23+$0x10330]  }
0x670: {  	v0 =	vadd.f32 v5, v0;
	v5 =	vld [tilespmem:s23+$0x103B0]  }
0x671: {  	v10 =	vld [tilespmem:s23+$0x10430]  }
0x672: {  	v0 =	vadd.f32 v1, v0;
	v1 =	vld [tilespmem:s23+$0x104B0]  }
0x673: {  	v11 =	vld [tilespmem:s23+$0x10530]  }
0x674: {  	v6 =	vadd.f32 v6, v0;
	v12 =	vld [tilespmem:s23+$0x105B0]  }
0x675: {  	v0 =	vld [tilespmem:s23+$0x10630]  }
0x676: {  	v2 =	vadd.f32 v2, v6;
	_ =	sdelay $0x1  }
0x677: {  	v2 =	vadd.f32 v7, v2;
	_ =	sdelay $0x1  }
0x678: {  	v2 =	vadd.f32 v3, v2;
	_ =	sdelay $0x1  }
0x679: {  	v2 =	vadd.f32 v8, v2;
	_ =	sdelay $0x1  }
0x67a: {  	v2 =	vadd.f32 v4, v2;
	_ =	sdelay $0x1  }
0x67b: {  	v2 =	vadd.f32 v9, v2;
	_ =	sdelay $0x1  }
0x67c: {  	v2 =	vadd.f32 v5, v2;
	_ =	sdelay $0x1  }
0x67d: {  	v2 =	vadd.f32 v10, v2;
	_ =	sdelay $0x1  }
.Ltmp4:
0x67e: {  	v1 =	vadd.f32 v1, v2;
	(pc) =	sbr.rel @p0 .LBB2_10-.Ltmp4, $3  }
0x67f: {  	_ = 	snop  }
0x680: {  	v1 =	vadd.f32 v11, v1;
	_ =	sdelay $0x1  }
0x681: {  	v1 =	vadd.f32 v12, v1  }
0x682: {  	_ = 	snop  }
0x683: {  	v0 =	vadd.f32 v0, v1;
	_ =	sdelay $0x1  }
0x684: {  	s19 =	sadd.s32 $0x1, s19;
	v0 =	vmul.f32 $5.000000070e-02, v0  }
0x685: {  	p0 =	sne.s32 s19, s6  }
.Ltmp5:
0x686: {  	[tilespmem:s22+$0x0] =	vst v0;
	(pc) =	sbr.rel @p0 .LBB2_1-.Ltmp5, $4  }
0x687: {  	[hbm4b:s5+s3] =	stream.linear.scatter [tilespmem:s18], [sflag:$0x2], $0x1000, $0x38;
	[tilespmem:$0x15280] =	vst v63  }
0x688: {  	_ =	swait.ge [sflag:s7], $0x1000  }
0x689: {  	[sflag:s7] =	ssyncset.done $0x0  }
0x68a: {  	[sflag:s7] =	ssyncadd.s32 $0xFFFFF000  }
0x68b: {  	_ =	sfence.sel $0x180000  }
0x68c: {  	[bflag:$0x0] =	sbarrier.arrive $0xFFFF  }
0x68d: {  	p0 =	sne.s32 s0, $0x0;
	_ =	strace $0x90000047  }
0x68e: {  	s0 =	sadd.s32 @!p0 $0x100000, s1;
	[bflag:$0x2] =	sbarrier.arrive $0xFFFF  }
0x68f: {  	[sflag:s0] =	ssyncadd.tile.s32 @!p0 $0x1;
	_ =	shalt  }
.Lfunc_end2:
_tile_overlayer_lowered:
.L_overlay_start_2:
0x690: {  	(tag) =	ssettag $0x2  }
0x691: {  	s0 =	rddreg [dreg:$0x0];
	s2 =	stileid.u32  }
0x692: {  	s1 =	rddreg [dreg:$0x1];
	p0 =	sne.s32 s2, $0x0  }
0x693: {  	s3 =	rddreg [dreg:$0x2];
	[bflag:$0x3] =	sbarrier.arrive $0xFFFF;
	s2 =	simm.s32 @!p0 $0x1C02  }
0x694: {  	[timem:s3], [sflag:s2] =	dma.local @!p0 [hbm:s0], s1  }
0x695: {  	s0 =	simm.s32 @!p0 $0x2  }
0x696: {  	_ =	swait.ge @!p0 [sflag:s0], s1  }
0x697: {  	s1 =	ssub.s32 @!p0 $0x0, s1;
	[sflag:s0] =	ssyncset.done @!p0 $0x0  }
0x698: {  	[sflag:s0] =	ssyncadd.s32 @!p0 s1  }
0x699: {  	[bflag:$0x3] =	sbarrier.arrive $0xFFFF  }
0x69a: {  	_ =	shalt  }

</sc_bundles>
